<compile_context>
chip_gen: v7x
topology: tpu7x:2x2x1
jax: 0.10.2.dev20260603
libtpu: 0.0.44.dev20260713+nightly
codegen_flags: <defaults>
</compile_context>

<pallas_src>
import dataclasses

import jax
import jax.numpy as jnp
from jax import lax
from jax.experimental import pallas as pl
from jax.experimental.pallas import tpu as pltpu
from jax.experimental.pallas import tpu_sc as plsc

N = 100000
D = 128
H = 128
B = 1024

NC = 2
NS = 16
NW = NC * NS
SEG_PER_W = B // NW
LANES = 16
DG = D // LANES
CHUNK = 256
BND_WIN = 48
SUB = 128
N_PAD = 100352
PAD_ID = 2047
NSUB = N_PAD // SUB
NSUB_PAD = 896
SLAB_STEP = 48
SLAB_ROWS = 64
ITERS_A = 10
ITERS_B = 7


def _sread(ref, i):
    base = (i // LANES) * LANES
    win = ref[pl.ds(base, LANES)]
    lane = lax.iota(jnp.int32, LANES)
    return jnp.sum(jnp.where(lane == (i - base), win, 0))


def _pool_body(x_hbm, batch_hbm, batch2_hbm, sum_hbm, max_hbm,
               bnd_v, slab_v, stage_v, sub_v, sub_sh, rowi_v, win_v,
               xbuf0, xbuf1, outs_v, outm_v, sem0, sem1):
    sid = lax.axis_index("s")
    wid = lax.axis_index("c") * NS + sid
    seg0 = wid * SEG_PER_W

    lane = lax.iota(jnp.int32, LANES)
    QG = BND_WIN // LANES
    tgts = [seg0 + q * LANES + lane for q in range(QG)]

    pltpu.sync_copy(batch2_hbm.at[pl.ds(sid * SLAB_STEP, SLAB_ROWS)], slab_v)
    for g in range(4):
        ridx = g * LANES + lane
        stage_v[pl.ds(g * LANES, LANES)] = plsc.load_gather(
            slab_v, [ridx, jnp.zeros((LANES,), jnp.int32)])
    pltpu.sync_copy(stage_v.at[pl.ds(0, SLAB_STEP)],
                    sub_sh.at[pl.ds(sid * SLAB_STEP, SLAB_STEP)])

    @pl.when(sid == NS - 1)
    def _():
        pltpu.sync_copy(
            stage_v.at[pl.ds(SLAB_STEP, LANES)],
            sub_sh.at[pl.ds(NS * SLAB_STEP, LANES)])

    plsc.subcore_barrier()
    pltpu.sync_copy(sub_sh, sub_v)

    r_lo = [jnp.zeros((LANES,), jnp.int32) for _ in range(QG)]
    r_hi = [jnp.full((LANES,), NSUB, jnp.int32) for _ in range(QG)]
    for _ in range(ITERS_A):
        for q in range(QG):
            active = r_lo[q] < r_hi[q]
            mid = r_lo[q] + ((r_hi[q] - r_lo[q]) >> 1)
            sval = plsc.load_gather(sub_v, [jnp.minimum(mid, NSUB - 1)])
            go = active & (sval < tgts[q])
            r_lo[q] = jnp.where(go, mid + 1, r_lo[q])
            r_hi[q] = jnp.where(active & jnp.logical_not(go), mid, r_hi[q])

    for q in range(QG):
        rowi_v[pl.ds(q * LANES, LANES)] = jnp.maximum(r_lo[q] - 1, 0)
    pltpu.async_copy(batch2_hbm.at[rowi_v], win_v, sem0).wait()

    for q in range(QG):
        r_star = r_lo[q]
        at0 = r_star == 0
        lo = jnp.where(at0, 0, 1)
        hi = jnp.where(at0, 0, SUB)
        qrow = q * LANES + lane
        for _ in range(ITERS_B):
            active = lo < hi
            mid = lo + ((hi - lo) >> 1)
            wval = plsc.load_gather(win_v, [qrow, jnp.minimum(mid, SUB - 1)])
            go = active & (wval < tgts[q])
            lo = jnp.where(go, mid + 1, lo)
            hi = jnp.where(active & jnp.logical_not(go), mid, hi)
        bnd_v[pl.ds(q * LANES, LANES)] = jnp.where(
            at0, 0, (r_star - 1) * SUB + lo)

    rs_w = _sread(bnd_v, 0)
    re_w = _sread(bnd_v, SEG_PER_W)
    nch = (re_w - rs_w + (CHUNK - 1)) // CHUNK

    bufs = (xbuf0, xbuf1)
    sems = (sem0, sem1)

    def issue(k, buf, sem):
        c0 = rs_w + k * CHUNK
        base = jnp.minimum(c0, N - CHUNK)
        pltpu.async_copy(x_hbm.at[pl.ds(base * D, CHUNK * D)], buf, sem)

    @pl.when(nch >= 1)
    def _():
        issue(0, xbuf0, sem0)

    @pl.when(nch >= 2)
    def _():
        issue(1, xbuf1, sem1)

    zeros = tuple(jnp.zeros((LANES,), jnp.float32) for _ in range(DG))
    ninf = tuple(jnp.full((LANES,), -jnp.inf, jnp.float32) for _ in range(DG))

    def flush(seg, sums, maxs):
        for t in range(DG):
            outs_v[pl.ds(seg * D + t * LANES, LANES)] = sums[t]
            outm_v[pl.ds(seg * D + t * LANES, LANES)] = maxs[t]

    def rows(lo, hi, base, buf, sums, maxs):
        def body(r, c):
            cs, cm = c
            off = (r - base) * D
            ns, nm = [], []
            for t in range(DG):
                xv = buf[pl.ds(off + t * LANES, LANES)]
                ns.append(cs[t] + xv)
                nm.append(jnp.maximum(cm[t], xv))
            return (tuple(ns), tuple(nm))
        return plsc.parallel_loop(lo, hi, carry=(sums, maxs), unroll=4)(body)

    def process_chunk(k, buf, sem, carry):
        seg, sums, maxs = carry
        pltpu.make_async_copy(x_hbm.at[pl.ds(0, CHUNK * D)], buf, sem).wait()

        @pl.when(k + 2 < nch)
        def _():
            issue(k + 2, buf, sem)

        c0 = rs_w + k * CHUNK
        base = jnp.minimum(c0, N - CHUNK)
        c1 = jnp.minimum(c0 + CHUNK, re_w)

        def wcond(st):
            wseg = st[0]
            return (wseg < SEG_PER_W) & (_sread(bnd_v, wseg + 1) <= c1)

        def wbody(st):
            wseg, cur, ws, wm = st
            e = _sread(bnd_v, wseg + 1)
            ws, wm = rows(cur, e, base, buf, ws, wm)
            flush(wseg, ws, wm)
            return (wseg + 1, e, zeros, ninf)

        seg, cur, sums, maxs = lax.while_loop(
            wcond, wbody, (seg, c0, sums, maxs))
        sums, maxs = rows(cur, c1, base, buf, sums, maxs)
        return (seg, sums, maxs)

    def pair_body(kk, carry):
        for b in range(2):
            k = 2 * kk + b
            carry = lax.cond(
                k < nch,
                lambda c, k=k, b=b: process_chunk(k, bufs[b], sems[b], c),
                lambda c: c,
                carry)
        return carry

    carry0 = (jnp.int32(0), zeros, ninf)
    seg, _, _ = lax.fori_loop(0, (nch + 1) // 2, pair_body, carry0)

    def tail_cond(st):
        return st[0] < SEG_PER_W

    def tail_body(st):
        flush(st[0], zeros, ninf)
        return (st[0] + 1,)

    lax.while_loop(tail_cond, tail_body, (seg,))

    pltpu.sync_copy(outs_v, sum_hbm.at[pl.ds(seg0 * D, SEG_PER_W * D)])
    pltpu.sync_copy(outm_v, max_hbm.at[pl.ds(seg0 * D, SEG_PER_W * D)])


def _mlp_body(alpha_ref, ps_ref, pm_ref, w1, b1, w2, b2, w3, b3, w4, b4,
              out_ref):
    a = jax.nn.sigmoid(alpha_ref[0, 0])
    pooled = a * ps_ref[...] + (1.0 - a) * pm_ref[...]
    z = jnp.dot(pooled, w1[...], preferred_element_type=jnp.float32) + b1[...]
    h = jnp.where(z > 0, z, jnp.exp(z) - 1.0)
    z = jnp.dot(h, w2[...], preferred_element_type=jnp.float32) + b2[...]
    h = jnp.where(z > 0, z, jnp.exp(z) - 1.0)
    z = jnp.dot(h, w3[...], preferred_element_type=jnp.float32) + b3[...]
    h = jnp.where(z > 0, z, jnp.exp(z) - 1.0)
    out_ref[...] = (
        jnp.dot(h, w4[...], preferred_element_type=jnp.float32) + b4[...])


def kernel(x, batch, alpha, W1, b1, W2, b2, W3, b3, W4, b4):
    mesh = plsc.VectorSubcoreMesh(core_axis_name="c", subcore_axis_name="s")
    cp = pltpu.CompilerParams()
    if "needs_layout_passes" in pltpu.CompilerParams.__dataclass_fields__:
        cp = dataclasses.replace(cp, needs_layout_passes=False)
    pool = pl.kernel(
        _pool_body,
        out_type=[jax.ShapeDtypeStruct((B * D,), jnp.float32),
                  jax.ShapeDtypeStruct((B * D,), jnp.float32)],
        mesh=mesh,
        compiler_params=cp,
        scratch_types=[
            pltpu.VMEM((BND_WIN,), jnp.int32),
            pltpu.VMEM((SLAB_ROWS, SUB), jnp.int32),
            pltpu.VMEM((4 * LANES,), jnp.int32),
            pltpu.VMEM((NSUB_PAD,), jnp.int32),
            pltpu.VMEM_SHARED((NSUB_PAD,), jnp.int32),
            pltpu.VMEM((BND_WIN,), jnp.int32),
            pltpu.VMEM((BND_WIN, SUB), jnp.int32),
            pltpu.VMEM((CHUNK * D,), jnp.float32),
            pltpu.VMEM((CHUNK * D,), jnp.float32),
            pltpu.VMEM((SEG_PER_W * D,), jnp.float32),
            pltpu.VMEM((SEG_PER_W * D,), jnp.float32),
            pltpu.SemaphoreType.DMA,
            pltpu.SemaphoreType.DMA,
        ],
    )
    batch_pad = jnp.concatenate(
        [batch, jnp.full((N_PAD - N,), PAD_ID, jnp.int32)])
    ps, pm = pool(x.reshape(N * D), batch_pad, batch_pad.reshape(NSUB, SUB))

    out = pl.pallas_call(
        _mlp_body,
        out_shape=jax.ShapeDtypeStruct((B, D), jnp.float32),
    )(alpha.reshape(1, 1), ps.reshape(B, D), pm.reshape(B, D),
      W1, b1.reshape(1, H), W2, b2.reshape(1, H), W3, b3.reshape(1, H),
      W4, b4.reshape(1, D))
    return out

# --- scband reference (transcript-rebuilt; emitter-appended) ---
"""Pipeline reference for scband-deep-set-46815143526537 (READ-ONLY COPY).

The authoritative reference and input builder live on the scoring server;
editing this copy changes nothing except your own understanding.
"""

import jax, jax.numpy as jnp
import numpy as np

N = 100000
D = 128
H = 128
B = 1024


def setup_inputs(seed: int = 0) -> dict:
    key = jax.random.key(seed)
    ks = jax.random.split(key, 12)
    x = jax.random.normal(ks[0], (N, D), dtype=jnp.float32)
    batch = jnp.sort(jax.random.randint(ks[1], (N,), 0, B, dtype=jnp.int32))
    alpha = jax.random.normal(ks[2], (1,), dtype=jnp.float32)
    s = 1.0 / np.sqrt(D)
    sh = 1.0 / np.sqrt(H)
    W1 = jax.random.uniform(ks[3], (D, H), dtype=jnp.float32, minval=-s, maxval=s)
    b1 = jax.random.uniform(ks[4], (H,), dtype=jnp.float32, minval=-s, maxval=s)
    W2 = jax.random.uniform(ks[5], (H, H), dtype=jnp.float32, minval=-sh, maxval=sh)
    b2 = jax.random.uniform(ks[6], (H,), dtype=jnp.float32, minval=-sh, maxval=sh)
    W3 = jax.random.uniform(ks[7], (H, H), dtype=jnp.float32, minval=-sh, maxval=sh)
    b3 = jax.random.uniform(ks[8], (H,), dtype=jnp.float32, minval=-sh, maxval=sh)
    W4 = jax.random.uniform(ks[9], (H, D), dtype=jnp.float32, minval=-sh, maxval=sh)
    b4 = jax.random.uniform(ks[10], (D,), dtype=jnp.float32, minval=-sh, maxval=sh)
    return {"x": x, "batch": batch, "alpha": alpha, "W1": W1, "b1": b1, "W2": W2, "b2": b2, "W3": W3, "b3": b3, "W4": W4, "b4": b4}


def reference(x, batch, alpha, W1, b1, W2, b2, W3, b3, W4, b4):
    a = jax.nn.sigmoid(alpha)
    pooled_sum = jax.ops.segment_sum(x, batch, num_segments=B)
    pooled_max = jax.ops.segment_max(x, batch, num_segments=B)
    pooled = a * pooled_sum + (1.0 - a) * pooled_max
    h1 = jax.nn.elu(pooled @ W1 + b1)
    h2 = jax.nn.elu(h1 @ W2 + b2)
    h3 = jax.nn.elu(h2 @ W3 + b3)
    out = h3 @ W4 + b4
    return out

if __name__ == "__main__":
    import jax
    _d = setup_inputs()
    print(jax.jit(kernel)(*tuple(_d.values())))

</pallas_src>

<mosaic_0001>
#map = affine_map<(d0, d1) -> (0)>
#map1 = affine_map<(d0, d1) -> (0, 0)>
module attributes {stable_mosaic.version = 14 : i64} {
  func.func @_pool_body(%arg0: i32, %arg1: i32, %arg2: memref<12800000xf32, #tpu.memory_space<hbm>>, %arg3: memref<100352xi32, #tpu.memory_space<hbm>>, %arg4: memref<784x128xi32, #tpu.memory_space<hbm>>, %arg5: memref<131072xf32, #tpu.memory_space<hbm>>, %arg6: memref<131072xf32, #tpu.memory_space<hbm>>, %arg7: memref<48xi32, #tpu.memory_space<vmem>>, %arg8: memref<64x128xi32, #tpu.memory_space<vmem>>, %arg9: memref<64xi32, #tpu.memory_space<vmem>>, %arg10: memref<896xi32, #tpu.memory_space<vmem>>, %arg11: memref<896xi32, #tpu.memory_space<vmem_shared>>, %arg12: memref<48xi32, #tpu.memory_space<vmem>>, %arg13: memref<48x128xi32, #tpu.memory_space<vmem>>, %arg14: memref<32768xf32, #tpu.memory_space<vmem>>, %arg15: memref<32768xf32, #tpu.memory_space<vmem>>, %arg16: memref<4096xf32, #tpu.memory_space<vmem>>, %arg17: memref<4096xf32, #tpu.memory_space<vmem>>, %arg18: memref<!tpu.dma_semaphore, #tpu.memory_space<semaphore_mem>>, %arg19: memref<!tpu.dma_semaphore, #tpu.memory_space<semaphore_mem>>) attributes {dimension_semantics = [#tpu.dimension_semantics<core_parallel>, #tpu.dimension_semantics<subcore_parallel>], iteration_bounds = array<i64: 2, 16>, scalar_prefetch = 0 : i64, scratch_operands = 13 : i64, tpu.core_type = #tpu.core_type<sc_vector_subcore>, window_params = [{transform_indices = #map}, {transform_indices = #map}, {transform_indices = #map1}, {transform_indices = #map}, {transform_indices = #map}]} {
    %mul3A = arith.constant 16 : i32
    %mul3A_0 = arith.muli %arg0, %mul3A : i32
    %add3A = arith.addi %mul3A_0, %arg1 : i32
    %mul3A_1 = arith.constant 32 : i32
    %mul3A_2 = arith.muli %add3A, %mul3A_1 : i32
    %iota3A = tpu.iota {dimensions = array<i32: 0>} : vector<16xi32>
    %add3A_3 = arith.constant 0 : i32
    %add3A_4 = arith.addi %mul3A_2, %add3A_3 : i32
    %add3A_5 = vector.broadcast %add3A_4 : i32 to vector<16xi32>
    %add3A_6 = arith.addi %add3A_5, %iota3A : vector<16xi32>
    %add3A_7 = arith.constant 16 : i32
    %add3A_8 = arith.addi %mul3A_2, %add3A_7 : i32
    %add3A_9 = vector.broadcast %add3A_8 : i32 to vector<16xi32>
    %add3A_10 = arith.addi %add3A_9, %iota3A : vector<16xi32>
    %add3A_11 = arith.constant 32 : i32
    %add3A_12 = arith.addi %mul3A_2, %add3A_11 : i32
    %add3A_13 = vector.broadcast %add3A_12 : i32 to vector<16xi32>
    %add3A_14 = arith.addi %add3A_13, %iota3A : vector<16xi32>
    %mul3A_15 = arith.constant 48 : i32
    %mul3A_16 = arith.muli %arg1, %mul3A_15 : i32
    "tpu.region"() ({
      %run_scoped3A = tpu.sem_alloc : memref<!tpu.dma_semaphore, #tpu.memory_space<semaphore_mem>>
      %dma_start3A_1315 = arith.constant 0 : i32
      %dma_start3A_1316 = tpu.memref_slice %arg4[%mul3A_16, %dma_start3A_1315] : memref<784x128xi32, #tpu.memory_space<hbm>> -> memref<64x128xi32, #tpu.memory_space<hbm>>
      %dma_start3A_1317 = arith.constant 0 : i32
      %dma_start3A_1318 = tpu.memref_slice %arg4[%mul3A_16, %dma_start3A_1317] : memref<784x128xi32, #tpu.memory_space<hbm>> -> memref<64x128xi32, #tpu.memory_space<hbm>>
      tpu.enqueue_dma source(%dma_start3A_1318 : memref<64x128xi32, #tpu.memory_space<hbm>>) target(%arg8 : memref<64x128xi32, #tpu.memory_space<vmem>>) target_semaphore(%run_scoped3A : memref<!tpu.dma_semaphore, #tpu.memory_space<semaphore_mem>>)
      %dma_wait3A_1319 = arith.constant 0 : i32
      %dma_wait3A_1320 = tpu.memref_slice %arg4[%mul3A_16, %dma_wait3A_1319] : memref<784x128xi32, #tpu.memory_space<hbm>> -> memref<64x128xi32, #tpu.memory_space<hbm>>
      %dma_wait3A_1321 = arith.constant 0 : i32
      %dma_wait3A_1322 = tpu.memref_slice %arg4[%mul3A_16, %dma_wait3A_1321] : memref<784x128xi32, #tpu.memory_space<hbm>> -> memref<64x128xi32, #tpu.memory_space<hbm>>
      tpu.wait_dma2 semaphore(%run_scoped3A : memref<!tpu.dma_semaphore, #tpu.memory_space<semaphore_mem>>) src(%dma_wait3A_1322 : memref<64x128xi32, #tpu.memory_space<hbm>>) dst(%arg8 : memref<64x128xi32, #tpu.memory_space<vmem>>)
      tpu.yield
    }) : () -> ()
    %add3A_17 = arith.constant 0 : i32
    %add3A_18 = vector.broadcast %add3A_17 : i32 to vector<16xi32>
    %add3A_19 = arith.addi %add3A_18, %iota3A : vector<16xi32>
    %broadcast_in_dim3A = arith.constant 0 : i32
    %broadcast_in_dim3A_20 = vector.broadcast %broadcast_in_dim3A : i32 to vector<16xi32>
    %gather3A = tpu.vector_load_idx %arg8[%add3A_19, %broadcast_in_dim3A_20] : memref<64x128xi32, #tpu.memory_space<vmem>>[vector<16xi32>, vector<16xi32>], vector<16xi32>,
    %swap3A = arith.constant 0 : index
    %swap3A_21 = tpu.vector_load %arg9[%swap3A] {strides = array<i32>} : memref<64xi32, #tpu.memory_space<vmem>>, vector<16xi32>,
    tpu.vector_store %arg9[%swap3A], %gather3A {strides = array<i32>} : memref<64xi32, #tpu.memory_space<vmem>>, vector<16xi32>,
    %add3A_22 = arith.constant 16 : i32
    %add3A_23 = vector.broadcast %add3A_22 : i32 to vector<16xi32>
    %add3A_24 = arith.addi %add3A_23, %iota3A : vector<16xi32>
    %broadcast_in_dim3A_25 = arith.constant 0 : i32
    %broadcast_in_dim3A_26 = vector.broadcast %broadcast_in_dim3A_25 : i32 to vector<16xi32>
    %gather3A_27 = tpu.vector_load_idx %arg8[%add3A_24, %broadcast_in_dim3A_26] : memref<64x128xi32, #tpu.memory_space<vmem>>[vector<16xi32>, vector<16xi32>], vector<16xi32>,
    %swap3A_28 = arith.constant 16 : index
    %swap3A_29 = tpu.vector_load %arg9[%swap3A_28] {strides = array<i32>} : memref<64xi32, #tpu.memory_space<vmem>>, vector<16xi32>,
    tpu.vector_store %arg9[%swap3A_28], %gather3A_27 {strides = array<i32>} : memref<64xi32, #tpu.memory_space<vmem>>, vector<16xi32>,
    %add3A_30 = arith.constant 32 : i32
    %add3A_31 = vector.broadcast %add3A_30 : i32 to vector<16xi32>
    %add3A_32 = arith.addi %add3A_31, %iota3A : vector<16xi32>
    %broadcast_in_dim3A_33 = arith.constant 0 : i32
    %broadcast_in_dim3A_34 = vector.broadcast %broadcast_in_dim3A_33 : i32 to vector<16xi32>
    %gather3A_35 = tpu.vector_load_idx %arg8[%add3A_32, %broadcast_in_dim3A_34] : memref<64x128xi32, #tpu.memory_space<vmem>>[vector<16xi32>, vector<16xi32>], vector<16xi32>,
    %swap3A_36 = arith.constant 32 : index
    %swap3A_37 = tpu.vector_load %arg9[%swap3A_36] {strides = array<i32>} : memref<64xi32, #tpu.memory_space<vmem>>, vector<16xi32>,
    tpu.vector_store %arg9[%swap3A_36], %gather3A_35 {strides = array<i32>} : memref<64xi32, #tpu.memory_space<vmem>>, vector<16xi32>,
    %add3A_38 = arith.constant 48 : i32
    %add3A_39 = vector.broadcast %add3A_38 : i32 to vector<16xi32>
    %add3A_40 = arith.addi %add3A_39, %iota3A : vector<16xi32>
    %broadcast_in_dim3A_41 = arith.constant 0 : i32
    %broadcast_in_dim3A_42 = vector.broadcast %broadcast_in_dim3A_41 : i32 to vector<16xi32>
    %gather3A_43 = tpu.vector_load_idx %arg8[%add3A_40, %broadcast_in_dim3A_42] : memref<64x128xi32, #tpu.memory_space<vmem>>[vector<16xi32>, vector<16xi32>], vector<16xi32>,
    %swap3A_44 = arith.constant 48 : index
    %swap3A_45 = tpu.vector_load %arg9[%swap3A_44] {strides = array<i32>} : memref<64xi32, #tpu.memory_space<vmem>>, vector<16xi32>,
    tpu.vector_store %arg9[%swap3A_44], %gather3A_43 {strides = array<i32>} : memref<64xi32, #tpu.memory_space<vmem>>, vector<16xi32>,
    %mul3A_46 = arith.constant 48 : i32
    %mul3A_47 = arith.muli %arg1, %mul3A_46 : i32
    "tpu.region"() ({
      %run_scoped3A = tpu.sem_alloc : memref<!tpu.dma_semaphore, #tpu.memory_space<semaphore_mem>>
      %dma_start3A_1315 = arith.constant 0 : i32
      %dma_start3A_1316 = tpu.memref_slice %arg9[%dma_start3A_1315] : memref<64xi32, #tpu.memory_space<vmem>> -> memref<48xi32, #tpu.memory_space<vmem>>
      %dma_start3A_1317 = tpu.memref_slice %arg11[%mul3A_47] : memref<896xi32, #tpu.memory_space<vmem_shared>> -> memref<48xi32, #tpu.memory_space<vmem_shared>>
      %dma_start3A_1318 = tpu.memref_slice %arg11[%mul3A_47] : memref<896xi32, #tpu.memory_space<vmem_shared>> -> memref<48xi32, #tpu.memory_space<vmem_shared>>
      %dma_start3A_1319 = arith.constant 0 : i32
      %dma_start3A_1320 = tpu.memref_slice %arg9[%dma_start3A_1319] : memref<64xi32, #tpu.memory_space<vmem>> -> memref<48xi32, #tpu.memory_space<vmem>>
      tpu.enqueue_dma source(%dma_start3A_1320 : memref<48xi32, #tpu.memory_space<vmem>>) target(%dma_start3A_1318 : memref<48xi32, #tpu.memory_space<vmem_shared>>) target_semaphore(%run_scoped3A : memref<!tpu.dma_semaphore, #tpu.memory_space<semaphore_mem>>)
      %dma_wait3A_1321 = arith.constant 0 : i32
      %dma_wait3A_1322 = tpu.memref_slice %arg9[%dma_wait3A_1321] : memref<64xi32, #tpu.memory_space<vmem>> -> memref<48xi32, #tpu.memory_space<vmem>>
      %dma_wait3A_1323 = tpu.memref_slice %arg11[%mul3A_47] : memref<896xi32, #tpu.memory_space<vmem_shared>> -> memref<48xi32, #tpu.memory_space<vmem_shared>>
      %dma_wait3A_1324 = tpu.memref_slice %arg11[%mul3A_47] : memref<896xi32, #tpu.memory_space<vmem_shared>> -> memref<48xi32, #tpu.memory_space<vmem_shared>>
      %dma_wait3A_1325 = arith.constant 0 : i32
      %dma_wait3A_1326 = tpu.memref_slice %arg9[%dma_wait3A_1325] : memref<64xi32, #tpu.memory_space<vmem>> -> memref<48xi32, #tpu.memory_space<vmem>>
      tpu.wait_dma2 semaphore(%run_scoped3A : memref<!tpu.dma_semaphore, #tpu.memory_space<semaphore_mem>>) src(%dma_wait3A_1326 : memref<48xi32, #tpu.memory_space<vmem>>) dst(%dma_wait3A_1324 : memref<48xi32, #tpu.memory_space<vmem_shared>>)
      tpu.yield
    }) : () -> ()
    %eq3A = arith.constant 15 : i32
    %eq3A_48 = arith.cmpi eq, %arg1, %eq3A : i32
    %convert_element_type3A = arith.extui %eq3A_48 : i1 to i32
    %cond3A = arith.constant 0 : i32
    %cond3A_49 = arith.cmpi ne, %convert_element_type3A, %cond3A : i32
    scf.if %cond3A_49 {
      "tpu.region"() ({
        %run_scoped3A = tpu.sem_alloc : memref<!tpu.dma_semaphore, #tpu.memory_space<semaphore_mem>>
        %dma_start3A_1315 = arith.constant 48 : i32
        %dma_start3A_1316 = tpu.memref_slice %arg9[%dma_start3A_1315] : memref<64xi32, #tpu.memory_space<vmem>> -> memref<16xi32, #tpu.memory_space<vmem>>
        %dma_start3A_1317 = arith.constant 768 : i32
        %dma_start3A_1318 = tpu.memref_slice %arg11[%dma_start3A_1317] : memref<896xi32, #tpu.memory_space<vmem_shared>> -> memref<16xi32, #tpu.memory_space<vmem_shared>>
        %dma_start3A_1319 = arith.constant 768 : i32
        %dma_start3A_1320 = tpu.memref_slice %arg11[%dma_start3A_1319] : memref<896xi32, #tpu.memory_space<vmem_shared>> -> memref<16xi32, #tpu.memory_space<vmem_shared>>
        %dma_start3A_1321 = arith.constant 48 : i32
        %dma_start3A_1322 = tpu.memref_slice %arg9[%dma_start3A_1321] : memref<64xi32, #tpu.memory_space<vmem>> -> memref<16xi32, #tpu.memory_space<vmem>>
        tpu.enqueue_dma source(%dma_start3A_1322 : memref<16xi32, #tpu.memory_space<vmem>>) target(%dma_start3A_1320 : memref<16xi32, #tpu.memory_space<vmem_shared>>) target_semaphore(%run_scoped3A : memref<!tpu.dma_semaphore, #tpu.memory_space<semaphore_mem>>)
        %dma_wait3A_1323 = arith.constant 48 : i32
        %dma_wait3A_1324 = tpu.memref_slice %arg9[%dma_wait3A_1323] : memref<64xi32, #tpu.memory_space<vmem>> -> memref<16xi32, #tpu.memory_space<vmem>>
        %dma_wait3A_1325 = arith.constant 768 : i32
        %dma_wait3A_1326 = tpu.memref_slice %arg11[%dma_wait3A_1325] : memref<896xi32, #tpu.memory_space<vmem_shared>> -> memref<16xi32, #tpu.memory_space<vmem_shared>>
        %dma_wait3A_1327 = arith.constant 768 : i32
        %dma_wait3A_1328 = tpu.memref_slice %arg11[%dma_wait3A_1327] : memref<896xi32, #tpu.memory_space<vmem_shared>> -> memref<16xi32, #tpu.memory_space<vmem_shared>>
        %dma_wait3A_1329 = arith.constant 48 : i32
        %dma_wait3A_1330 = tpu.memref_slice %arg9[%dma_wait3A_1329] : memref<64xi32, #tpu.memory_space<vmem>> -> memref<16xi32, #tpu.memory_space<vmem>>
        tpu.wait_dma2 semaphore(%run_scoped3A : memref<!tpu.dma_semaphore, #tpu.memory_space<semaphore_mem>>) src(%dma_wait3A_1330 : memref<16xi32, #tpu.memory_space<vmem>>) dst(%dma_wait3A_1328 : memref<16xi32, #tpu.memory_space<vmem_shared>>)
        tpu.yield
      }) : () -> ()
    } else {
    }
    %barrier3A = arith.constant 0 : index
    tpu.barrier barrier_id(%barrier3A)
    "tpu.region"() ({
      %run_scoped3A = tpu.sem_alloc : memref<!tpu.dma_semaphore, #tpu.memory_space<semaphore_mem>>
      tpu.enqueue_dma source(%arg11 : memref<896xi32, #tpu.memory_space<vmem_shared>>) target(%arg10 : memref<896xi32, #tpu.memory_space<vmem>>) target_semaphore(%run_scoped3A : memref<!tpu.dma_semaphore, #tpu.memory_space<semaphore_mem>>)
      tpu.wait_dma2 semaphore(%run_scoped3A : memref<!tpu.dma_semaphore, #tpu.memory_space<semaphore_mem>>) src(%arg11 : memref<896xi32, #tpu.memory_space<vmem_shared>>) dst(%arg10 : memref<896xi32, #tpu.memory_space<vmem>>)
      tpu.yield
    }) : () -> ()
    %broadcast_in_dim3A_50 = arith.constant 0 : i32
    %broadcast_in_dim3A_51 = vector.broadcast %broadcast_in_dim3A_50 : i32 to vector<16xi32>
    %broadcast_in_dim3A_52 = arith.constant 0 : i32
    %broadcast_in_dim3A_53 = vector.broadcast %broadcast_in_dim3A_52 : i32 to vector<16xi32>
    %broadcast_in_dim3A_54 = arith.constant 0 : i32
    %broadcast_in_dim3A_55 = vector.broadcast %broadcast_in_dim3A_54 : i32 to vector<16xi32>
    %broadcast_in_dim3A_56 = arith.constant 784 : i32
    %broadcast_in_dim3A_57 = vector.broadcast %broadcast_in_dim3A_56 : i32 to vector<16xi32>
    %broadcast_in_dim3A_58 = arith.constant 784 : i32
    %broadcast_in_dim3A_59 = vector.broadcast %broadcast_in_dim3A_58 : i32 to vector<16xi32>
    %broadcast_in_dim3A_60 = arith.constant 784 : i32
    %broadcast_in_dim3A_61 = vector.broadcast %broadcast_in_dim3A_60 : i32 to vector<16xi32>
    %lt3A = arith.cmpi slt, %broadcast_in_dim3A_51, %broadcast_in_dim3A_57 : vector<16xi32>
    %sub3A = arith.subi %broadcast_in_dim3A_57, %broadcast_in_dim3A_51 : vector<16xi32>
    %shift_right_arithmetic3A = arith.constant 1 : i32
    %shift_right_arithmetic3A_62 = vector.broadcast %shift_right_arithmetic3A : i32 to vector<16xi32>
    %shift_right_arithmetic3A_63 = arith.shrsi %sub3A, %shift_right_arithmetic3A_62 : vector<16xi32>
    %add3A_64 = arith.addi %broadcast_in_dim3A_51, %shift_right_arithmetic3A_63 : vector<16xi32>
    %min3A = arith.constant 783 : i32
    %min3A_65 = vector.broadcast %min3A : i32 to vector<16xi32>
    %min3A_66 = arith.minsi %add3A_64, %min3A_65 : vector<16xi32>
    %gather3A_67 = tpu.vector_load_idx %arg10[%min3A_66] : memref<896xi32, #tpu.memory_space<vmem>>[vector<16xi32>], vector<16xi32>,
    %lt3A_68 = arith.cmpi slt, %gather3A_67, %add3A_6 : vector<16xi32>
    %and3A = arith.andi %lt3A, %lt3A_68 : vector<16xi1>
    %add3A_69 = arith.constant 1 : i32
    %add3A_70 = vector.broadcast %add3A_69 : i32 to vector<16xi32>
    %add3A_71 = arith.addi %add3A_64, %add3A_70 : vector<16xi32>
    %select_n3A = arith.select %and3A, %add3A_71, %broadcast_in_dim3A_51 : vector<16xi1>, vector<16xi32>
    %not3A = arith.constant dense<true> : vector<16xi1>
    %not3A_72 = arith.xori %and3A, %not3A : vector<16xi1>
    %and3A_73 = arith.andi %lt3A, %not3A_72 : vector<16xi1>
    %select_n3A_74 = arith.select %and3A_73, %add3A_64, %broadcast_in_dim3A_57 : vector<16xi1>, vector<16xi32>
    %lt3A_75 = arith.cmpi slt, %broadcast_in_dim3A_53, %broadcast_in_dim3A_59 : vector<16xi32>
    %sub3A_76 = arith.subi %broadcast_in_dim3A_59, %broadcast_in_dim3A_53 : vector<16xi32>
    %shift_right_arithmetic3A_77 = arith.constant 1 : i32
    %shift_right_arithmetic3A_78 = vector.broadcast %shift_right_arithmetic3A_77 : i32 to vector<16xi32>
    %shift_right_arithmetic3A_79 = arith.shrsi %sub3A_76, %shift_right_arithmetic3A_78 : vector<16xi32>
    %add3A_80 = arith.addi %broadcast_in_dim3A_53, %shift_right_arithmetic3A_79 : vector<16xi32>
    %min3A_81 = arith.constant 783 : i32
    %min3A_82 = vector.broadcast %min3A_81 : i32 to vector<16xi32>
    %min3A_83 = arith.minsi %add3A_80, %min3A_82 : vector<16xi32>
    %gather3A_84 = tpu.vector_load_idx %arg10[%min3A_83] : memref<896xi32, #tpu.memory_space<vmem>>[vector<16xi32>], vector<16xi32>,
    %lt3A_85 = arith.cmpi slt, %gather3A_84, %add3A_10 : vector<16xi32>
    %and3A_86 = arith.andi %lt3A_75, %lt3A_85 : vector<16xi1>
    %add3A_87 = arith.constant 1 : i32
    %add3A_88 = vector.broadcast %add3A_87 : i32 to vector<16xi32>
    %add3A_89 = arith.addi %add3A_80, %add3A_88 : vector<16xi32>
    %select_n3A_90 = arith.select %and3A_86, %add3A_89, %broadcast_in_dim3A_53 : vector<16xi1>, vector<16xi32>
    %not3A_91 = arith.constant dense<true> : vector<16xi1>
    %not3A_92 = arith.xori %and3A_86, %not3A_91 : vector<16xi1>
    %and3A_93 = arith.andi %lt3A_75, %not3A_92 : vector<16xi1>
    %select_n3A_94 = arith.select %and3A_93, %add3A_80, %broadcast_in_dim3A_59 : vector<16xi1>, vector<16xi32>
    %lt3A_95 = arith.cmpi slt, %broadcast_in_dim3A_55, %broadcast_in_dim3A_61 : vector<16xi32>
    %sub3A_96 = arith.subi %broadcast_in_dim3A_61, %broadcast_in_dim3A_55 : vector<16xi32>
    %shift_right_arithmetic3A_97 = arith.constant 1 : i32
    %shift_right_arithmetic3A_98 = vector.broadcast %shift_right_arithmetic3A_97 : i32 to vector<16xi32>
    %shift_right_arithmetic3A_99 = arith.shrsi %sub3A_96, %shift_right_arithmetic3A_98 : vector<16xi32>
    %add3A_100 = arith.addi %broadcast_in_dim3A_55, %shift_right_arithmetic3A_99 : vector<16xi32>
    %min3A_101 = arith.constant 783 : i32
    %min3A_102 = vector.broadcast %min3A_101 : i32 to vector<16xi32>
    %min3A_103 = arith.minsi %add3A_100, %min3A_102 : vector<16xi32>
    %gather3A_104 = tpu.vector_load_idx %arg10[%min3A_103] : memref<896xi32, #tpu.memory_space<vmem>>[vector<16xi32>], vector<16xi32>,
    %lt3A_105 = arith.cmpi slt, %gather3A_104, %add3A_14 : vector<16xi32>
    %and3A_106 = arith.andi %lt3A_95, %lt3A_105 : vector<16xi1>
    %add3A_107 = arith.constant 1 : i32
    %add3A_108 = vector.broadcast %add3A_107 : i32 to vector<16xi32>
    %add3A_109 = arith.addi %add3A_100, %add3A_108 : vector<16xi32>
    %select_n3A_110 = arith.select %and3A_106, %add3A_109, %broadcast_in_dim3A_55 : vector<16xi1>, vector<16xi32>
    %not3A_111 = arith.constant dense<true> : vector<16xi1>
    %not3A_112 = arith.xori %and3A_106, %not3A_111 : vector<16xi1>
    %and3A_113 = arith.andi %lt3A_95, %not3A_112 : vector<16xi1>
    %select_n3A_114 = arith.select %and3A_113, %add3A_100, %broadcast_in_dim3A_61 : vector<16xi1>, vector<16xi32>
    %lt3A_115 = arith.cmpi slt, %select_n3A, %select_n3A_74 : vector<16xi32>
    %sub3A_116 = arith.subi %select_n3A_74, %select_n3A : vector<16xi32>
    %shift_right_arithmetic3A_117 = arith.constant 1 : i32
    %shift_right_arithmetic3A_118 = vector.broadcast %shift_right_arithmetic3A_117 : i32 to vector<16xi32>
    %shift_right_arithmetic3A_119 = arith.shrsi %sub3A_116, %shift_right_arithmetic3A_118 : vector<16xi32>
    %add3A_120 = arith.addi %select_n3A, %shift_right_arithmetic3A_119 : vector<16xi32>
    %min3A_121 = arith.constant 783 : i32
    %min3A_122 = vector.broadcast %min3A_121 : i32 to vector<16xi32>
    %min3A_123 = arith.minsi %add3A_120, %min3A_122 : vector<16xi32>
    %gather3A_124 = tpu.vector_load_idx %arg10[%min3A_123] : memref<896xi32, #tpu.memory_space<vmem>>[vector<16xi32>], vector<16xi32>,
    %lt3A_125 = arith.cmpi slt, %gather3A_124, %add3A_6 : vector<16xi32>
    %and3A_126 = arith.andi %lt3A_115, %lt3A_125 : vector<16xi1>
    %add3A_127 = arith.constant 1 : i32
    %add3A_128 = vector.broadcast %add3A_127 : i32 to vector<16xi32>
    %add3A_129 = arith.addi %add3A_120, %add3A_128 : vector<16xi32>
    %select_n3A_130 = arith.select %and3A_126, %add3A_129, %select_n3A : vector<16xi1>, vector<16xi32>
    %not3A_131 = arith.constant dense<true> : vector<16xi1>
    %not3A_132 = arith.xori %and3A_126, %not3A_131 : vector<16xi1>
    %and3A_133 = arith.andi %lt3A_115, %not3A_132 : vector<16xi1>
    %select_n3A_134 = arith.select %and3A_133, %add3A_120, %select_n3A_74 : vector<16xi1>, vector<16xi32>
    %lt3A_135 = arith.cmpi slt, %select_n3A_90, %select_n3A_94 : vector<16xi32>
    %sub3A_136 = arith.subi %select_n3A_94, %select_n3A_90 : vector<16xi32>
    %shift_right_arithmetic3A_137 = arith.constant 1 : i32
    %shift_right_arithmetic3A_138 = vector.broadcast %shift_right_arithmetic3A_137 : i32 to vector<16xi32>
    %shift_right_arithmetic3A_139 = arith.shrsi %sub3A_136, %shift_right_arithmetic3A_138 : vector<16xi32>
    %add3A_140 = arith.addi %select_n3A_90, %shift_right_arithmetic3A_139 : vector<16xi32>
    %min3A_141 = arith.constant 783 : i32
    %min3A_142 = vector.broadcast %min3A_141 : i32 to vector<16xi32>
    %min3A_143 = arith.minsi %add3A_140, %min3A_142 : vector<16xi32>
    %gather3A_144 = tpu.vector_load_idx %arg10[%min3A_143] : memref<896xi32, #tpu.memory_space<vmem>>[vector<16xi32>], vector<16xi32>,
    %lt3A_145 = arith.cmpi slt, %gather3A_144, %add3A_10 : vector<16xi32>
    %and3A_146 = arith.andi %lt3A_135, %lt3A_145 : vector<16xi1>
    %add3A_147 = arith.constant 1 : i32
    %add3A_148 = vector.broadcast %add3A_147 : i32 to vector<16xi32>
    %add3A_149 = arith.addi %add3A_140, %add3A_148 : vector<16xi32>
    %select_n3A_150 = arith.select %and3A_146, %add3A_149, %select_n3A_90 : vector<16xi1>, vector<16xi32>
    %not3A_151 = arith.constant dense<true> : vector<16xi1>
    %not3A_152 = arith.xori %and3A_146, %not3A_151 : vector<16xi1>
    %and3A_153 = arith.andi %lt3A_135, %not3A_152 : vector<16xi1>
    %select_n3A_154 = arith.select %and3A_153, %add3A_140, %select_n3A_94 : vector<16xi1>, vector<16xi32>
    %lt3A_155 = arith.cmpi slt, %select_n3A_110, %select_n3A_114 : vector<16xi32>
    %sub3A_156 = arith.subi %select_n3A_114, %select_n3A_110 : vector<16xi32>
    %shift_right_arithmetic3A_157 = arith.constant 1 : i32
    %shift_right_arithmetic3A_158 = vector.broadcast %shift_right_arithmetic3A_157 : i32 to vector<16xi32>
    %shift_right_arithmetic3A_159 = arith.shrsi %sub3A_156, %shift_right_arithmetic3A_158 : vector<16xi32>
    %add3A_160 = arith.addi %select_n3A_110, %shift_right_arithmetic3A_159 : vector<16xi32>
    %min3A_161 = arith.constant 783 : i32
    %min3A_162 = vector.broadcast %min3A_161 : i32 to vector<16xi32>
    %min3A_163 = arith.minsi %add3A_160, %min3A_162 : vector<16xi32>
    %gather3A_164 = tpu.vector_load_idx %arg10[%min3A_163] : memref<896xi32, #tpu.memory_space<vmem>>[vector<16xi32>], vector<16xi32>,
    %lt3A_165 = arith.cmpi slt, %gather3A_164, %add3A_14 : vector<16xi32>
    %and3A_166 = arith.andi %lt3A_155, %lt3A_165 : vector<16xi1>
    %add3A_167 = arith.constant 1 : i32
    %add3A_168 = vector.broadcast %add3A_167 : i32 to vector<16xi32>
    %add3A_169 = arith.addi %add3A_160, %add3A_168 : vector<16xi32>
    %select_n3A_170 = arith.select %and3A_166, %add3A_169, %select_n3A_110 : vector<16xi1>, vector<16xi32>
    %not3A_171 = arith.constant dense<true> : vector<16xi1>
    %not3A_172 = arith.xori %and3A_166, %not3A_171 : vector<16xi1>
    %and3A_173 = arith.andi %lt3A_155, %not3A_172 : vector<16xi1>
    %select_n3A_174 = arith.select %and3A_173, %add3A_160, %select_n3A_114 : vector<16xi1>, vector<16xi32>
    %lt3A_175 = arith.cmpi slt, %select_n3A_130, %select_n3A_134 : vector<16xi32>
    %sub3A_176 = arith.subi %select_n3A_134, %select_n3A_130 : vector<16xi32>
    %shift_right_arithmetic3A_177 = arith.constant 1 : i32
    %shift_right_arithmetic3A_178 = vector.broadcast %shift_right_arithmetic3A_177 : i32 to vector<16xi32>
    %shift_right_arithmetic3A_179 = arith.shrsi %sub3A_176, %shift_right_arithmetic3A_178 : vector<16xi32>
    %add3A_180 = arith.addi %select_n3A_130, %shift_right_arithmetic3A_179 : vector<16xi32>
    %min3A_181 = arith.constant 783 : i32
    %min3A_182 = vector.broadcast %min3A_181 : i32 to vector<16xi32>
    %min3A_183 = arith.minsi %add3A_180, %min3A_182 : vector<16xi32>
    %gather3A_184 = tpu.vector_load_idx %arg10[%min3A_183] : memref<896xi32, #tpu.memory_space<vmem>>[vector<16xi32>], vector<16xi32>,
    %lt3A_185 = arith.cmpi slt, %gather3A_184, %add3A_6 : vector<16xi32>
    %and3A_186 = arith.andi %lt3A_175, %lt3A_185 : vector<16xi1>
    %add3A_187 = arith.constant 1 : i32
    %add3A_188 = vector.broadcast %add3A_187 : i32 to vector<16xi32>
    %add3A_189 = arith.addi %add3A_180, %add3A_188 : vector<16xi32>
    %select_n3A_190 = arith.select %and3A_186, %add3A_189, %select_n3A_130 : vector<16xi1>, vector<16xi32>
    %not3A_191 = arith.constant dense<true> : vector<16xi1>
    %not3A_192 = arith.xori %and3A_186, %not3A_191 : vector<16xi1>
    %and3A_193 = arith.andi %lt3A_175, %not3A_192 : vector<16xi1>
    %select_n3A_194 = arith.select %and3A_193, %add3A_180, %select_n3A_134 : vector<16xi1>, vector<16xi32>
    %lt3A_195 = arith.cmpi slt, %select_n3A_150, %select_n3A_154 : vector<16xi32>
    %sub3A_196 = arith.subi %select_n3A_154, %select_n3A_150 : vector<16xi32>
    %shift_right_arithmetic3A_197 = arith.constant 1 : i32
    %shift_right_arithmetic3A_198 = vector.broadcast %shift_right_arithmetic3A_197 : i32 to vector<16xi32>
    %shift_right_arithmetic3A_199 = arith.shrsi %sub3A_196, %shift_right_arithmetic3A_198 : vector<16xi32>
    %add3A_200 = arith.addi %select_n3A_150, %shift_right_arithmetic3A_199 : vector<16xi32>
    %min3A_201 = arith.constant 783 : i32
    %min3A_202 = vector.broadcast %min3A_201 : i32 to vector<16xi32>
    %min3A_203 = arith.minsi %add3A_200, %min3A_202 : vector<16xi32>
    %gather3A_204 = tpu.vector_load_idx %arg10[%min3A_203] : memref<896xi32, #tpu.memory_space<vmem>>[vector<16xi32>], vector<16xi32>,
    %lt3A_205 = arith.cmpi slt, %gather3A_204, %add3A_10 : vector<16xi32>
    %and3A_206 = arith.andi %lt3A_195, %lt3A_205 : vector<16xi1>
    %add3A_207 = arith.constant 1 : i32
    %add3A_208 = vector.broadcast %add3A_207 : i32 to vector<16xi32>
    %add3A_209 = arith.addi %add3A_200, %add3A_208 : vector<16xi32>
    %select_n3A_210 = arith.select %and3A_206, %add3A_209, %select_n3A_150 : vector<16xi1>, vector<16xi32>
    %not3A_211 = arith.constant dense<true> : vector<16xi1>
    %not3A_212 = arith.xori %and3A_206, %not3A_211 : vector<16xi1>
    %and3A_213 = arith.andi %lt3A_195, %not3A_212 : vector<16xi1>
    %select_n3A_214 = arith.select %and3A_213, %add3A_200, %select_n3A_154 : vector<16xi1>, vector<16xi32>
    %lt3A_215 = arith.cmpi slt, %select_n3A_170, %select_n3A_174 : vector<16xi32>
    %sub3A_216 = arith.subi %select_n3A_174, %select_n3A_170 : vector<16xi32>
    %shift_right_arithmetic3A_217 = arith.constant 1 : i32
    %shift_right_arithmetic3A_218 = vector.broadcast %shift_right_arithmetic3A_217 : i32 to vector<16xi32>
    %shift_right_arithmetic3A_219 = arith.shrsi %sub3A_216, %shift_right_arithmetic3A_218 : vector<16xi32>
    %add3A_220 = arith.addi %select_n3A_170, %shift_right_arithmetic3A_219 : vector<16xi32>
    %min3A_221 = arith.constant 783 : i32
    %min3A_222 = vector.broadcast %min3A_221 : i32 to vector<16xi32>
    %min3A_223 = arith.minsi %add3A_220, %min3A_222 : vector<16xi32>
    %gather3A_224 = tpu.vector_load_idx %arg10[%min3A_223] : memref<896xi32, #tpu.memory_space<vmem>>[vector<16xi32>], vector<16xi32>,
    %lt3A_225 = arith.cmpi slt, %gather3A_224, %add3A_14 : vector<16xi32>
    %and3A_226 = arith.andi %lt3A_215, %lt3A_225 : vector<16xi1>
    %add3A_227 = arith.constant 1 : i32
    %add3A_228 = vector.broadcast %add3A_227 : i32 to vector<16xi32>
    %add3A_229 = arith.addi %add3A_220, %add3A_228 : vector<16xi32>
    %select_n3A_230 = arith.select %and3A_226, %add3A_229, %select_n3A_170 : vector<16xi1>, vector<16xi32>
    %not3A_231 = arith.constant dense<true> : vector<16xi1>
    %not3A_232 = arith.xori %and3A_226, %not3A_231 : vector<16xi1>
    %and3A_233 = arith.andi %lt3A_215, %not3A_232 : vector<16xi1>
    %select_n3A_234 = arith.select %and3A_233, %add3A_220, %select_n3A_174 : vector<16xi1>, vector<16xi32>
    %lt3A_235 = arith.cmpi slt, %select_n3A_190, %select_n3A_194 : vector<16xi32>
    %sub3A_236 = arith.subi %select_n3A_194, %select_n3A_190 : vector<16xi32>
    %shift_right_arithmetic3A_237 = arith.constant 1 : i32
    %shift_right_arithmetic3A_238 = vector.broadcast %shift_right_arithmetic3A_237 : i32 to vector<16xi32>
    %shift_right_arithmetic3A_239 = arith.shrsi %sub3A_236, %shift_right_arithmetic3A_238 : vector<16xi32>
    %add3A_240 = arith.addi %select_n3A_190, %shift_right_arithmetic3A_239 : vector<16xi32>
    %min3A_241 = arith.constant 783 : i32
    %min3A_242 = vector.broadcast %min3A_241 : i32 to vector<16xi32>
    %min3A_243 = arith.minsi %add3A_240, %min3A_242 : vector<16xi32>
    %gather3A_244 = tpu.vector_load_idx %arg10[%min3A_243] : memref<896xi32, #tpu.memory_space<vmem>>[vector<16xi32>], vector<16xi32>,
    %lt3A_245 = arith.cmpi slt, %gather3A_244, %add3A_6 : vector<16xi32>
    %and3A_246 = arith.andi %lt3A_235, %lt3A_245 : vector<16xi1>
    %add3A_247 = arith.constant 1 : i32
    %add3A_248 = vector.broadcast %add3A_247 : i32 to vector<16xi32>
    %add3A_249 = arith.addi %add3A_240, %add3A_248 : vector<16xi32>
    %select_n3A_250 = arith.select %and3A_246, %add3A_249, %select_n3A_190 : vector<16xi1>, vector<16xi32>
    %not3A_251 = arith.constant dense<true> : vector<16xi1>
    %not3A_252 = arith.xori %and3A_246, %not3A_251 : vector<16xi1>
    %and3A_253 = arith.andi %lt3A_235, %not3A_252 : vector<16xi1>
    %select_n3A_254 = arith.select %and3A_253, %add3A_240, %select_n3A_194 : vector<16xi1>, vector<16xi32>
    %lt3A_255 = arith.cmpi slt, %select_n3A_210, %select_n3A_214 : vector<16xi32>
    %sub3A_256 = arith.subi %select_n3A_214, %select_n3A_210 : vector<16xi32>
    %shift_right_arithmetic3A_257 = arith.constant 1 : i32
    %shift_right_arithmetic3A_258 = vector.broadcast %shift_right_arithmetic3A_257 : i32 to vector<16xi32>
    %shift_right_arithmetic3A_259 = arith.shrsi %sub3A_256, %shift_right_arithmetic3A_258 : vector<16xi32>
    %add3A_260 = arith.addi %select_n3A_210, %shift_right_arithmetic3A_259 : vector<16xi32>
    %min3A_261 = arith.constant 783 : i32
    %min3A_262 = vector.broadcast %min3A_261 : i32 to vector<16xi32>
    %min3A_263 = arith.minsi %add3A_260, %min3A_262 : vector<16xi32>
    %gather3A_264 = tpu.vector_load_idx %arg10[%min3A_263] : memref<896xi32, #tpu.memory_space<vmem>>[vector<16xi32>], vector<16xi32>,
    %lt3A_265 = arith.cmpi slt, %gather3A_264, %add3A_10 : vector<16xi32>
    %and3A_266 = arith.andi %lt3A_255, %lt3A_265 : vector<16xi1>
    %add3A_267 = arith.constant 1 : i32
    %add3A_268 = vector.broadcast %add3A_267 : i32 to vector<16xi32>
    %add3A_269 = arith.addi %add3A_260, %add3A_268 : vector<16xi32>
    %select_n3A_270 = arith.select %and3A_266, %add3A_269, %select_n3A_210 : vector<16xi1>, vector<16xi32>
    %not3A_271 = arith.constant dense<true> : vector<16xi1>
    %not3A_272 = arith.xori %and3A_266, %not3A_271 : vector<16xi1>
    %and3A_273 = arith.andi %lt3A_255, %not3A_272 : vector<16xi1>
    %select_n3A_274 = arith.select %and3A_273, %add3A_260, %select_n3A_214 : vector<16xi1>, vector<16xi32>
    %lt3A_275 = arith.cmpi slt, %select_n3A_230, %select_n3A_234 : vector<16xi32>
    %sub3A_276 = arith.subi %select_n3A_234, %select_n3A_230 : vector<16xi32>
    %shift_right_arithmetic3A_277 = arith.constant 1 : i32
    %shift_right_arithmetic3A_278 = vector.broadcast %shift_right_arithmetic3A_277 : i32 to vector<16xi32>
    %shift_right_arithmetic3A_279 = arith.shrsi %sub3A_276, %shift_right_arithmetic3A_278 : vector<16xi32>
    %add3A_280 = arith.addi %select_n3A_230, %shift_right_arithmetic3A_279 : vector<16xi32>
    %min3A_281 = arith.constant 783 : i32
    %min3A_282 = vector.broadcast %min3A_281 : i32 to vector<16xi32>
    %min3A_283 = arith.minsi %add3A_280, %min3A_282 : vector<16xi32>
    %gather3A_284 = tpu.vector_load_idx %arg10[%min3A_283] : memref<896xi32, #tpu.memory_space<vmem>>[vector<16xi32>], vector<16xi32>,
    %lt3A_285 = arith.cmpi slt, %gather3A_284, %add3A_14 : vector<16xi32>
    %and3A_286 = arith.andi %lt3A_275, %lt3A_285 : vector<16xi1>
    %add3A_287 = arith.constant 1 : i32
    %add3A_288 = vector.broadcast %add3A_287 : i32 to vector<16xi32>
    %add3A_289 = arith.addi %add3A_280, %add3A_288 : vector<16xi32>
    %select_n3A_290 = arith.select %and3A_286, %add3A_289, %select_n3A_230 : vector<16xi1>, vector<16xi32>
    %not3A_291 = arith.constant dense<true> : vector<16xi1>
    %not3A_292 = arith.xori %and3A_286, %not3A_291 : vector<16xi1>
    %and3A_293 = arith.andi %lt3A_275, %not3A_292 : vector<16xi1>
    %select_n3A_294 = arith.select %and3A_293, %add3A_280, %select_n3A_234 : vector<16xi1>, vector<16xi32>
    %lt3A_295 = arith.cmpi slt, %select_n3A_250, %select_n3A_254 : vector<16xi32>
    %sub3A_296 = arith.subi %select_n3A_254, %select_n3A_250 : vector<16xi32>
    %shift_right_arithmetic3A_297 = arith.constant 1 : i32
    %shift_right_arithmetic3A_298 = vector.broadcast %shift_right_arithmetic3A_297 : i32 to vector<16xi32>
    %shift_right_arithmetic3A_299 = arith.shrsi %sub3A_296, %shift_right_arithmetic3A_298 : vector<16xi32>
    %add3A_300 = arith.addi %select_n3A_250, %shift_right_arithmetic3A_299 : vector<16xi32>
    %min3A_301 = arith.constant 783 : i32
    %min3A_302 = vector.broadcast %min3A_301 : i32 to vector<16xi32>
    %min3A_303 = arith.minsi %add3A_300, %min3A_302 : vector<16xi32>
    %gather3A_304 = tpu.vector_load_idx %arg10[%min3A_303] : memref<896xi32, #tpu.memory_space<vmem>>[vector<16xi32>], vector<16xi32>,
    %lt3A_305 = arith.cmpi slt, %gather3A_304, %add3A_6 : vector<16xi32>
    %and3A_306 = arith.andi %lt3A_295, %lt3A_305 : vector<16xi1>
    %add3A_307 = arith.constant 1 : i32
    %add3A_308 = vector.broadcast %add3A_307 : i32 to vector<16xi32>
    %add3A_309 = arith.addi %add3A_300, %add3A_308 : vector<16xi32>
    %select_n3A_310 = arith.select %and3A_306, %add3A_309, %select_n3A_250 : vector<16xi1>, vector<16xi32>
    %not3A_311 = arith.constant dense<true> : vector<16xi1>
    %not3A_312 = arith.xori %and3A_306, %not3A_311 : vector<16xi1>
    %and3A_313 = arith.andi %lt3A_295, %not3A_312 : vector<16xi1>
    %select_n3A_314 = arith.select %and3A_313, %add3A_300, %select_n3A_254 : vector<16xi1>, vector<16xi32>
    %lt3A_315 = arith.cmpi slt, %select_n3A_270, %select_n3A_274 : vector<16xi32>
    %sub3A_316 = arith.subi %select_n3A_274, %select_n3A_270 : vector<16xi32>
    %shift_right_arithmetic3A_317 = arith.constant 1 : i32
    %shift_right_arithmetic3A_318 = vector.broadcast %shift_right_arithmetic3A_317 : i32 to vector<16xi32>
    %shift_right_arithmetic3A_319 = arith.shrsi %sub3A_316, %shift_right_arithmetic3A_318 : vector<16xi32>
    %add3A_320 = arith.addi %select_n3A_270, %shift_right_arithmetic3A_319 : vector<16xi32>
    %min3A_321 = arith.constant 783 : i32
    %min3A_322 = vector.broadcast %min3A_321 : i32 to vector<16xi32>
    %min3A_323 = arith.minsi %add3A_320, %min3A_322 : vector<16xi32>
    %gather3A_324 = tpu.vector_load_idx %arg10[%min3A_323] : memref<896xi32, #tpu.memory_space<vmem>>[vector<16xi32>], vector<16xi32>,
    %lt3A_325 = arith.cmpi slt, %gather3A_324, %add3A_10 : vector<16xi32>
    %and3A_326 = arith.andi %lt3A_315, %lt3A_325 : vector<16xi1>
    %add3A_327 = arith.constant 1 : i32
    %add3A_328 = vector.broadcast %add3A_327 : i32 to vector<16xi32>
    %add3A_329 = arith.addi %add3A_320, %add3A_328 : vector<16xi32>
    %select_n3A_330 = arith.select %and3A_326, %add3A_329, %select_n3A_270 : vector<16xi1>, vector<16xi32>
    %not3A_331 = arith.constant dense<true> : vector<16xi1>
    %not3A_332 = arith.xori %and3A_326, %not3A_331 : vector<16xi1>
    %and3A_333 = arith.andi %lt3A_315, %not3A_332 : vector<16xi1>
    %select_n3A_334 = arith.select %and3A_333, %add3A_320, %select_n3A_274 : vector<16xi1>, vector<16xi32>
    %lt3A_335 = arith.cmpi slt, %select_n3A_290, %select_n3A_294 : vector<16xi32>
    %sub3A_336 = arith.subi %select_n3A_294, %select_n3A_290 : vector<16xi32>
    %shift_right_arithmetic3A_337 = arith.constant 1 : i32
    %shift_right_arithmetic3A_338 = vector.broadcast %shift_right_arithmetic3A_337 : i32 to vector<16xi32>
    %shift_right_arithmetic3A_339 = arith.shrsi %sub3A_336, %shift_right_arithmetic3A_338 : vector<16xi32>
    %add3A_340 = arith.addi %select_n3A_290, %shift_right_arithmetic3A_339 : vector<16xi32>
    %min3A_341 = arith.constant 783 : i32
    %min3A_342 = vector.broadcast %min3A_341 : i32 to vector<16xi32>
    %min3A_343 = arith.minsi %add3A_340, %min3A_342 : vector<16xi32>
    %gather3A_344 = tpu.vector_load_idx %arg10[%min3A_343] : memref<896xi32, #tpu.memory_space<vmem>>[vector<16xi32>], vector<16xi32>,
    %lt3A_345 = arith.cmpi slt, %gather3A_344, %add3A_14 : vector<16xi32>
    %and3A_346 = arith.andi %lt3A_335, %lt3A_345 : vector<16xi1>
    %add3A_347 = arith.constant 1 : i32
    %add3A_348 = vector.broadcast %add3A_347 : i32 to vector<16xi32>
    %add3A_349 = arith.addi %add3A_340, %add3A_348 : vector<16xi32>
    %select_n3A_350 = arith.select %and3A_346, %add3A_349, %select_n3A_290 : vector<16xi1>, vector<16xi32>
    %not3A_351 = arith.constant dense<true> : vector<16xi1>
    %not3A_352 = arith.xori %and3A_346, %not3A_351 : vector<16xi1>
    %and3A_353 = arith.andi %lt3A_335, %not3A_352 : vector<16xi1>
    %select_n3A_354 = arith.select %and3A_353, %add3A_340, %select_n3A_294 : vector<16xi1>, vector<16xi32>
    %lt3A_355 = arith.cmpi slt, %select_n3A_310, %select_n3A_314 : vector<16xi32>
    %sub3A_356 = arith.subi %select_n3A_314, %select_n3A_310 : vector<16xi32>
    %shift_right_arithmetic3A_357 = arith.constant 1 : i32
    %shift_right_arithmetic3A_358 = vector.broadcast %shift_right_arithmetic3A_357 : i32 to vector<16xi32>
    %shift_right_arithmetic3A_359 = arith.shrsi %sub3A_356, %shift_right_arithmetic3A_358 : vector<16xi32>
    %add3A_360 = arith.addi %select_n3A_310, %shift_right_arithmetic3A_359 : vector<16xi32>
    %min3A_361 = arith.constant 783 : i32
    %min3A_362 = vector.broadcast %min3A_361 : i32 to vector<16xi32>
    %min3A_363 = arith.minsi %add3A_360, %min3A_362 : vector<16xi32>
    %gather3A_364 = tpu.vector_load_idx %arg10[%min3A_363] : memref<896xi32, #tpu.memory_space<vmem>>[vector<16xi32>], vector<16xi32>,
    %lt3A_365 = arith.cmpi slt, %gather3A_364, %add3A_6 : vector<16xi32>
    %and3A_366 = arith.andi %lt3A_355, %lt3A_365 : vector<16xi1>
    %add3A_367 = arith.constant 1 : i32
    %add3A_368 = vector.broadcast %add3A_367 : i32 to vector<16xi32>
    %add3A_369 = arith.addi %add3A_360, %add3A_368 : vector<16xi32>
    %select_n3A_370 = arith.select %and3A_366, %add3A_369, %select_n3A_310 : vector<16xi1>, vector<16xi32>
    %not3A_371 = arith.constant dense<true> : vector<16xi1>
    %not3A_372 = arith.xori %and3A_366, %not3A_371 : vector<16xi1>
    %and3A_373 = arith.andi %lt3A_355, %not3A_372 : vector<16xi1>
    %select_n3A_374 = arith.select %and3A_373, %add3A_360, %select_n3A_314 : vector<16xi1>, vector<16xi32>
    %lt3A_375 = arith.cmpi slt, %select_n3A_330, %select_n3A_334 : vector<16xi32>
    %sub3A_376 = arith.subi %select_n3A_334, %select_n3A_330 : vector<16xi32>
    %shift_right_arithmetic3A_377 = arith.constant 1 : i32
    %shift_right_arithmetic3A_378 = vector.broadcast %shift_right_arithmetic3A_377 : i32 to vector<16xi32>
    %shift_right_arithmetic3A_379 = arith.shrsi %sub3A_376, %shift_right_arithmetic3A_378 : vector<16xi32>
    %add3A_380 = arith.addi %select_n3A_330, %shift_right_arithmetic3A_379 : vector<16xi32>
    %min3A_381 = arith.constant 783 : i32
    %min3A_382 = vector.broadcast %min3A_381 : i32 to vector<16xi32>
    %min3A_383 = arith.minsi %add3A_380, %min3A_382 : vector<16xi32>
    %gather3A_384 = tpu.vector_load_idx %arg10[%min3A_383] : memref<896xi32, #tpu.memory_space<vmem>>[vector<16xi32>], vector<16xi32>,
    %lt3A_385 = arith.cmpi slt, %gather3A_384, %add3A_10 : vector<16xi32>
    %and3A_386 = arith.andi %lt3A_375, %lt3A_385 : vector<16xi1>
    %add3A_387 = arith.constant 1 : i32
    %add3A_388 = vector.broadcast %add3A_387 : i32 to vector<16xi32>
    %add3A_389 = arith.addi %add3A_380, %add3A_388 : vector<16xi32>
    %select_n3A_390 = arith.select %and3A_386, %add3A_389, %select_n3A_330 : vector<16xi1>, vector<16xi32>
    %not3A_391 = arith.constant dense<true> : vector<16xi1>
    %not3A_392 = arith.xori %and3A_386, %not3A_391 : vector<16xi1>
    %and3A_393 = arith.andi %lt3A_375, %not3A_392 : vector<16xi1>
    %select_n3A_394 = arith.select %and3A_393, %add3A_380, %select_n3A_334 : vector<16xi1>, vector<16xi32>
    %lt3A_395 = arith.cmpi slt, %select_n3A_350, %select_n3A_354 : vector<16xi32>
    %sub3A_396 = arith.subi %select_n3A_354, %select_n3A_350 : vector<16xi32>
    %shift_right_arithmetic3A_397 = arith.constant 1 : i32
    %shift_right_arithmetic3A_398 = vector.broadcast %shift_right_arithmetic3A_397 : i32 to vector<16xi32>
    %shift_right_arithmetic3A_399 = arith.shrsi %sub3A_396, %shift_right_arithmetic3A_398 : vector<16xi32>
    %add3A_400 = arith.addi %select_n3A_350, %shift_right_arithmetic3A_399 : vector<16xi32>
    %min3A_401 = arith.constant 783 : i32
    %min3A_402 = vector.broadcast %min3A_401 : i32 to vector<16xi32>
    %min3A_403 = arith.minsi %add3A_400, %min3A_402 : vector<16xi32>
    %gather3A_404 = tpu.vector_load_idx %arg10[%min3A_403] : memref<896xi32, #tpu.memory_space<vmem>>[vector<16xi32>], vector<16xi32>,
    %lt3A_405 = arith.cmpi slt, %gather3A_404, %add3A_14 : vector<16xi32>
    %and3A_406 = arith.andi %lt3A_395, %lt3A_405 : vector<16xi1>
    %add3A_407 = arith.constant 1 : i32
    %add3A_408 = vector.broadcast %add3A_407 : i32 to vector<16xi32>
    %add3A_409 = arith.addi %add3A_400, %add3A_408 : vector<16xi32>
    %select_n3A_410 = arith.select %and3A_406, %add3A_409, %select_n3A_350 : vector<16xi1>, vector<16xi32>
    %not3A_411 = arith.constant dense<true> : vector<16xi1>
    %not3A_412 = arith.xori %and3A_406, %not3A_411 : vector<16xi1>
    %and3A_413 = arith.andi %lt3A_395, %not3A_412 : vector<16xi1>
    %select_n3A_414 = arith.select %and3A_413, %add3A_400, %select_n3A_354 : vector<16xi1>, vector<16xi32>
    %lt3A_415 = arith.cmpi slt, %select_n3A_370, %select_n3A_374 : vector<16xi32>
    %sub3A_416 = arith.subi %select_n3A_374, %select_n3A_370 : vector<16xi32>
    %shift_right_arithmetic3A_417 = arith.constant 1 : i32
    %shift_right_arithmetic3A_418 = vector.broadcast %shift_right_arithmetic3A_417 : i32 to vector<16xi32>
    %shift_right_arithmetic3A_419 = arith.shrsi %sub3A_416, %shift_right_arithmetic3A_418 : vector<16xi32>
    %add3A_420 = arith.addi %select_n3A_370, %shift_right_arithmetic3A_419 : vector<16xi32>
    %min3A_421 = arith.constant 783 : i32
    %min3A_422 = vector.broadcast %min3A_421 : i32 to vector<16xi32>
    %min3A_423 = arith.minsi %add3A_420, %min3A_422 : vector<16xi32>
    %gather3A_424 = tpu.vector_load_idx %arg10[%min3A_423] : memref<896xi32, #tpu.memory_space<vmem>>[vector<16xi32>], vector<16xi32>,
    %lt3A_425 = arith.cmpi slt, %gather3A_424, %add3A_6 : vector<16xi32>
    %and3A_426 = arith.andi %lt3A_415, %lt3A_425 : vector<16xi1>
    %add3A_427 = arith.constant 1 : i32
    %add3A_428 = vector.broadcast %add3A_427 : i32 to vector<16xi32>
    %add3A_429 = arith.addi %add3A_420, %add3A_428 : vector<16xi32>
    %select_n3A_430 = arith.select %and3A_426, %add3A_429, %select_n3A_370 : vector<16xi1>, vector<16xi32>
    %not3A_431 = arith.constant dense<true> : vector<16xi1>
    %not3A_432 = arith.xori %and3A_426, %not3A_431 : vector<16xi1>
    %and3A_433 = arith.andi %lt3A_415, %not3A_432 : vector<16xi1>
    %select_n3A_434 = arith.select %and3A_433, %add3A_420, %select_n3A_374 : vector<16xi1>, vector<16xi32>
    %lt3A_435 = arith.cmpi slt, %select_n3A_390, %select_n3A_394 : vector<16xi32>
    %sub3A_436 = arith.subi %select_n3A_394, %select_n3A_390 : vector<16xi32>
    %shift_right_arithmetic3A_437 = arith.constant 1 : i32
    %shift_right_arithmetic3A_438 = vector.broadcast %shift_right_arithmetic3A_437 : i32 to vector<16xi32>
    %shift_right_arithmetic3A_439 = arith.shrsi %sub3A_436, %shift_right_arithmetic3A_438 : vector<16xi32>
    %add3A_440 = arith.addi %select_n3A_390, %shift_right_arithmetic3A_439 : vector<16xi32>
    %min3A_441 = arith.constant 783 : i32
    %min3A_442 = vector.broadcast %min3A_441 : i32 to vector<16xi32>
    %min3A_443 = arith.minsi %add3A_440, %min3A_442 : vector<16xi32>
    %gather3A_444 = tpu.vector_load_idx %arg10[%min3A_443] : memref<896xi32, #tpu.memory_space<vmem>>[vector<16xi32>], vector<16xi32>,
    %lt3A_445 = arith.cmpi slt, %gather3A_444, %add3A_10 : vector<16xi32>
    %and3A_446 = arith.andi %lt3A_435, %lt3A_445 : vector<16xi1>
    %add3A_447 = arith.constant 1 : i32
    %add3A_448 = vector.broadcast %add3A_447 : i32 to vector<16xi32>
    %add3A_449 = arith.addi %add3A_440, %add3A_448 : vector<16xi32>
    %select_n3A_450 = arith.select %and3A_446, %add3A_449, %select_n3A_390 : vector<16xi1>, vector<16xi32>
    %not3A_451 = arith.constant dense<true> : vector<16xi1>
    %not3A_452 = arith.xori %and3A_446, %not3A_451 : vector<16xi1>
    %and3A_453 = arith.andi %lt3A_435, %not3A_452 : vector<16xi1>
    %select_n3A_454 = arith.select %and3A_453, %add3A_440, %select_n3A_394 : vector<16xi1>, vector<16xi32>
    %lt3A_455 = arith.cmpi slt, %select_n3A_410, %select_n3A_414 : vector<16xi32>
    %sub3A_456 = arith.subi %select_n3A_414, %select_n3A_410 : vector<16xi32>
    %shift_right_arithmetic3A_457 = arith.constant 1 : i32
    %shift_right_arithmetic3A_458 = vector.broadcast %shift_right_arithmetic3A_457 : i32 to vector<16xi32>
    %shift_right_arithmetic3A_459 = arith.shrsi %sub3A_456, %shift_right_arithmetic3A_458 : vector<16xi32>
    %add3A_460 = arith.addi %select_n3A_410, %shift_right_arithmetic3A_459 : vector<16xi32>
    %min3A_461 = arith.constant 783 : i32
    %min3A_462 = vector.broadcast %min3A_461 : i32 to vector<16xi32>
    %min3A_463 = arith.minsi %add3A_460, %min3A_462 : vector<16xi32>
    %gather3A_464 = tpu.vector_load_idx %arg10[%min3A_463] : memref<896xi32, #tpu.memory_space<vmem>>[vector<16xi32>], vector<16xi32>,
    %lt3A_465 = arith.cmpi slt, %gather3A_464, %add3A_14 : vector<16xi32>
    %and3A_466 = arith.andi %lt3A_455, %lt3A_465 : vector<16xi1>
    %add3A_467 = arith.constant 1 : i32
    %add3A_468 = vector.broadcast %add3A_467 : i32 to vector<16xi32>
    %add3A_469 = arith.addi %add3A_460, %add3A_468 : vector<16xi32>
    %select_n3A_470 = arith.select %and3A_466, %add3A_469, %select_n3A_410 : vector<16xi1>, vector<16xi32>
    %not3A_471 = arith.constant dense<true> : vector<16xi1>
    %not3A_472 = arith.xori %and3A_466, %not3A_471 : vector<16xi1>
    %and3A_473 = arith.andi %lt3A_455, %not3A_472 : vector<16xi1>
    %select_n3A_474 = arith.select %and3A_473, %add3A_460, %select_n3A_414 : vector<16xi1>, vector<16xi32>
    %lt3A_475 = arith.cmpi slt, %select_n3A_430, %select_n3A_434 : vector<16xi32>
    %sub3A_476 = arith.subi %select_n3A_434, %select_n3A_430 : vector<16xi32>
    %shift_right_arithmetic3A_477 = arith.constant 1 : i32
    %shift_right_arithmetic3A_478 = vector.broadcast %shift_right_arithmetic3A_477 : i32 to vector<16xi32>
    %shift_right_arithmetic3A_479 = arith.shrsi %sub3A_476, %shift_right_arithmetic3A_478 : vector<16xi32>
    %add3A_480 = arith.addi %select_n3A_430, %shift_right_arithmetic3A_479 : vector<16xi32>
    %min3A_481 = arith.constant 783 : i32
    %min3A_482 = vector.broadcast %min3A_481 : i32 to vector<16xi32>
    %min3A_483 = arith.minsi %add3A_480, %min3A_482 : vector<16xi32>
    %gather3A_484 = tpu.vector_load_idx %arg10[%min3A_483] : memref<896xi32, #tpu.memory_space<vmem>>[vector<16xi32>], vector<16xi32>,
    %lt3A_485 = arith.cmpi slt, %gather3A_484, %add3A_6 : vector<16xi32>
    %and3A_486 = arith.andi %lt3A_475, %lt3A_485 : vector<16xi1>
    %add3A_487 = arith.constant 1 : i32
    %add3A_488 = vector.broadcast %add3A_487 : i32 to vector<16xi32>
    %add3A_489 = arith.addi %add3A_480, %add3A_488 : vector<16xi32>
    %select_n3A_490 = arith.select %and3A_486, %add3A_489, %select_n3A_430 : vector<16xi1>, vector<16xi32>
    %not3A_491 = arith.constant dense<true> : vector<16xi1>
    %not3A_492 = arith.xori %and3A_486, %not3A_491 : vector<16xi1>
    %and3A_493 = arith.andi %lt3A_475, %not3A_492 : vector<16xi1>
    %select_n3A_494 = arith.select %and3A_493, %add3A_480, %select_n3A_434 : vector<16xi1>, vector<16xi32>
    %lt3A_495 = arith.cmpi slt, %select_n3A_450, %select_n3A_454 : vector<16xi32>
    %sub3A_496 = arith.subi %select_n3A_454, %select_n3A_450 : vector<16xi32>
    %shift_right_arithmetic3A_497 = arith.constant 1 : i32
    %shift_right_arithmetic3A_498 = vector.broadcast %shift_right_arithmetic3A_497 : i32 to vector<16xi32>
    %shift_right_arithmetic3A_499 = arith.shrsi %sub3A_496, %shift_right_arithmetic3A_498 : vector<16xi32>
    %add3A_500 = arith.addi %select_n3A_450, %shift_right_arithmetic3A_499 : vector<16xi32>
    %min3A_501 = arith.constant 783 : i32
    %min3A_502 = vector.broadcast %min3A_501 : i32 to vector<16xi32>
    %min3A_503 = arith.minsi %add3A_500, %min3A_502 : vector<16xi32>
    %gather3A_504 = tpu.vector_load_idx %arg10[%min3A_503] : memref<896xi32, #tpu.memory_space<vmem>>[vector<16xi32>], vector<16xi32>,
    %lt3A_505 = arith.cmpi slt, %gather3A_504, %add3A_10 : vector<16xi32>
    %and3A_506 = arith.andi %lt3A_495, %lt3A_505 : vector<16xi1>
    %add3A_507 = arith.constant 1 : i32
    %add3A_508 = vector.broadcast %add3A_507 : i32 to vector<16xi32>
    %add3A_509 = arith.addi %add3A_500, %add3A_508 : vector<16xi32>
    %select_n3A_510 = arith.select %and3A_506, %add3A_509, %select_n3A_450 : vector<16xi1>, vector<16xi32>
    %not3A_511 = arith.constant dense<true> : vector<16xi1>
    %not3A_512 = arith.xori %and3A_506, %not3A_511 : vector<16xi1>
    %and3A_513 = arith.andi %lt3A_495, %not3A_512 : vector<16xi1>
    %select_n3A_514 = arith.select %and3A_513, %add3A_500, %select_n3A_454 : vector<16xi1>, vector<16xi32>
    %lt3A_515 = arith.cmpi slt, %select_n3A_470, %select_n3A_474 : vector<16xi32>
    %sub3A_516 = arith.subi %select_n3A_474, %select_n3A_470 : vector<16xi32>
    %shift_right_arithmetic3A_517 = arith.constant 1 : i32
    %shift_right_arithmetic3A_518 = vector.broadcast %shift_right_arithmetic3A_517 : i32 to vector<16xi32>
    %shift_right_arithmetic3A_519 = arith.shrsi %sub3A_516, %shift_right_arithmetic3A_518 : vector<16xi32>
    %add3A_520 = arith.addi %select_n3A_470, %shift_right_arithmetic3A_519 : vector<16xi32>
    %min3A_521 = arith.constant 783 : i32
    %min3A_522 = vector.broadcast %min3A_521 : i32 to vector<16xi32>
    %min3A_523 = arith.minsi %add3A_520, %min3A_522 : vector<16xi32>
    %gather3A_524 = tpu.vector_load_idx %arg10[%min3A_523] : memref<896xi32, #tpu.memory_space<vmem>>[vector<16xi32>], vector<16xi32>,
    %lt3A_525 = arith.cmpi slt, %gather3A_524, %add3A_14 : vector<16xi32>
    %and3A_526 = arith.andi %lt3A_515, %lt3A_525 : vector<16xi1>
    %add3A_527 = arith.constant 1 : i32
    %add3A_528 = vector.broadcast %add3A_527 : i32 to vector<16xi32>
    %add3A_529 = arith.addi %add3A_520, %add3A_528 : vector<16xi32>
    %select_n3A_530 = arith.select %and3A_526, %add3A_529, %select_n3A_470 : vector<16xi1>, vector<16xi32>
    %not3A_531 = arith.constant dense<true> : vector<16xi1>
    %not3A_532 = arith.xori %and3A_526, %not3A_531 : vector<16xi1>
    %and3A_533 = arith.andi %lt3A_515, %not3A_532 : vector<16xi1>
    %select_n3A_534 = arith.select %and3A_533, %add3A_520, %select_n3A_474 : vector<16xi1>, vector<16xi32>
    %lt3A_535 = arith.cmpi slt, %select_n3A_490, %select_n3A_494 : vector<16xi32>
    %sub3A_536 = arith.subi %select_n3A_494, %select_n3A_490 : vector<16xi32>
    %shift_right_arithmetic3A_537 = arith.constant 1 : i32
    %shift_right_arithmetic3A_538 = vector.broadcast %shift_right_arithmetic3A_537 : i32 to vector<16xi32>
    %shift_right_arithmetic3A_539 = arith.shrsi %sub3A_536, %shift_right_arithmetic3A_538 : vector<16xi32>
    %add3A_540 = arith.addi %select_n3A_490, %shift_right_arithmetic3A_539 : vector<16xi32>
    %min3A_541 = arith.constant 783 : i32
    %min3A_542 = vector.broadcast %min3A_541 : i32 to vector<16xi32>
    %min3A_543 = arith.minsi %add3A_540, %min3A_542 : vector<16xi32>
    %gather3A_544 = tpu.vector_load_idx %arg10[%min3A_543] : memref<896xi32, #tpu.memory_space<vmem>>[vector<16xi32>], vector<16xi32>,
    %lt3A_545 = arith.cmpi slt, %gather3A_544, %add3A_6 : vector<16xi32>
    %and3A_546 = arith.andi %lt3A_535, %lt3A_545 : vector<16xi1>
    %add3A_547 = arith.constant 1 : i32
    %add3A_548 = vector.broadcast %add3A_547 : i32 to vector<16xi32>
    %add3A_549 = arith.addi %add3A_540, %add3A_548 : vector<16xi32>
    %select_n3A_550 = arith.select %and3A_546, %add3A_549, %select_n3A_490 : vector<16xi1>, vector<16xi32>
    %not3A_551 = arith.constant dense<true> : vector<16xi1>
    %not3A_552 = arith.xori %and3A_546, %not3A_551 : vector<16xi1>
    %and3A_553 = arith.andi %lt3A_535, %not3A_552 : vector<16xi1>
    %select_n3A_554 = arith.select %and3A_553, %add3A_540, %select_n3A_494 : vector<16xi1>, vector<16xi32>
    %lt3A_555 = arith.cmpi slt, %select_n3A_510, %select_n3A_514 : vector<16xi32>
    %sub3A_556 = arith.subi %select_n3A_514, %select_n3A_510 : vector<16xi32>
    %shift_right_arithmetic3A_557 = arith.constant 1 : i32
    %shift_right_arithmetic3A_558 = vector.broadcast %shift_right_arithmetic3A_557 : i32 to vector<16xi32>
    %shift_right_arithmetic3A_559 = arith.shrsi %sub3A_556, %shift_right_arithmetic3A_558 : vector<16xi32>
    %add3A_560 = arith.addi %select_n3A_510, %shift_right_arithmetic3A_559 : vector<16xi32>
    %min3A_561 = arith.constant 783 : i32
    %min3A_562 = vector.broadcast %min3A_561 : i32 to vector<16xi32>
    %min3A_563 = arith.minsi %add3A_560, %min3A_562 : vector<16xi32>
    %gather3A_564 = tpu.vector_load_idx %arg10[%min3A_563] : memref<896xi32, #tpu.memory_space<vmem>>[vector<16xi32>], vector<16xi32>,
    %lt3A_565 = arith.cmpi slt, %gather3A_564, %add3A_10 : vector<16xi32>
    %and3A_566 = arith.andi %lt3A_555, %lt3A_565 : vector<16xi1>
    %add3A_567 = arith.constant 1 : i32
    %add3A_568 = vector.broadcast %add3A_567 : i32 to vector<16xi32>
    %add3A_569 = arith.addi %add3A_560, %add3A_568 : vector<16xi32>
    %select_n3A_570 = arith.select %and3A_566, %add3A_569, %select_n3A_510 : vector<16xi1>, vector<16xi32>
    %not3A_571 = arith.constant dense<true> : vector<16xi1>
    %not3A_572 = arith.xori %and3A_566, %not3A_571 : vector<16xi1>
    %and3A_573 = arith.andi %lt3A_555, %not3A_572 : vector<16xi1>
    %select_n3A_574 = arith.select %and3A_573, %add3A_560, %select_n3A_514 : vector<16xi1>, vector<16xi32>
    %lt3A_575 = arith.cmpi slt, %select_n3A_530, %select_n3A_534 : vector<16xi32>
    %sub3A_576 = arith.subi %select_n3A_534, %select_n3A_530 : vector<16xi32>
    %shift_right_arithmetic3A_577 = arith.constant 1 : i32
    %shift_right_arithmetic3A_578 = vector.broadcast %shift_right_arithmetic3A_577 : i32 to vector<16xi32>
    %shift_right_arithmetic3A_579 = arith.shrsi %sub3A_576, %shift_right_arithmetic3A_578 : vector<16xi32>
    %add3A_580 = arith.addi %select_n3A_530, %shift_right_arithmetic3A_579 : vector<16xi32>
    %min3A_581 = arith.constant 783 : i32
    %min3A_582 = vector.broadcast %min3A_581 : i32 to vector<16xi32>
    %min3A_583 = arith.minsi %add3A_580, %min3A_582 : vector<16xi32>
    %gather3A_584 = tpu.vector_load_idx %arg10[%min3A_583] : memref<896xi32, #tpu.memory_space<vmem>>[vector<16xi32>], vector<16xi32>,
    %lt3A_585 = arith.cmpi slt, %gather3A_584, %add3A_14 : vector<16xi32>
    %and3A_586 = arith.andi %lt3A_575, %lt3A_585 : vector<16xi1>
    %add3A_587 = arith.constant 1 : i32
    %add3A_588 = vector.broadcast %add3A_587 : i32 to vector<16xi32>
    %add3A_589 = arith.addi %add3A_580, %add3A_588 : vector<16xi32>
    %select_n3A_590 = arith.select %and3A_586, %add3A_589, %select_n3A_530 : vector<16xi1>, vector<16xi32>
    %not3A_591 = arith.constant dense<true> : vector<16xi1>
    %not3A_592 = arith.xori %and3A_586, %not3A_591 : vector<16xi1>
    %and3A_593 = arith.andi %lt3A_575, %not3A_592 : vector<16xi1>
    %select_n3A_594 = arith.select %and3A_593, %add3A_580, %select_n3A_534 : vector<16xi1>, vector<16xi32>
    %lt3A_595 = arith.cmpi slt, %select_n3A_550, %select_n3A_554 : vector<16xi32>
    %sub3A_596 = arith.subi %select_n3A_554, %select_n3A_550 : vector<16xi32>
    %shift_right_arithmetic3A_597 = arith.constant 1 : i32
    %shift_right_arithmetic3A_598 = vector.broadcast %shift_right_arithmetic3A_597 : i32 to vector<16xi32>
    %shift_right_arithmetic3A_599 = arith.shrsi %sub3A_596, %shift_right_arithmetic3A_598 : vector<16xi32>
    %add3A_600 = arith.addi %select_n3A_550, %shift_right_arithmetic3A_599 : vector<16xi32>
    %min3A_601 = arith.constant 783 : i32
    %min3A_602 = vector.broadcast %min3A_601 : i32 to vector<16xi32>
    %min3A_603 = arith.minsi %add3A_600, %min3A_602 : vector<16xi32>
    %gather3A_604 = tpu.vector_load_idx %arg10[%min3A_603] : memref<896xi32, #tpu.memory_space<vmem>>[vector<16xi32>], vector<16xi32>,
    %lt3A_605 = arith.cmpi slt, %gather3A_604, %add3A_6 : vector<16xi32>
    %and3A_606 = arith.andi %lt3A_595, %lt3A_605 : vector<16xi1>
    %add3A_607 = arith.constant 1 : i32
    %add3A_608 = vector.broadcast %add3A_607 : i32 to vector<16xi32>
    %add3A_609 = arith.addi %add3A_600, %add3A_608 : vector<16xi32>
    %select_n3A_610 = arith.select %and3A_606, %add3A_609, %select_n3A_550 : vector<16xi1>, vector<16xi32>
    %not3A_611 = arith.constant dense<true> : vector<16xi1>
    %not3A_612 = arith.xori %and3A_606, %not3A_611 : vector<16xi1>
    %and3A_613 = arith.andi %lt3A_595, %not3A_612 : vector<16xi1>
    %select_n3A_614 = arith.select %and3A_613, %add3A_600, %select_n3A_554 : vector<16xi1>, vector<16xi32>
    %lt3A_615 = arith.cmpi slt, %select_n3A_570, %select_n3A_574 : vector<16xi32>
    %sub3A_616 = arith.subi %select_n3A_574, %select_n3A_570 : vector<16xi32>
    %shift_right_arithmetic3A_617 = arith.constant 1 : i32
    %shift_right_arithmetic3A_618 = vector.broadcast %shift_right_arithmetic3A_617 : i32 to vector<16xi32>
    %shift_right_arithmetic3A_619 = arith.shrsi %sub3A_616, %shift_right_arithmetic3A_618 : vector<16xi32>
    %add3A_620 = arith.addi %select_n3A_570, %shift_right_arithmetic3A_619 : vector<16xi32>
    %min3A_621 = arith.constant 783 : i32
    %min3A_622 = vector.broadcast %min3A_621 : i32 to vector<16xi32>
    %min3A_623 = arith.minsi %add3A_620, %min3A_622 : vector<16xi32>
    %gather3A_624 = tpu.vector_load_idx %arg10[%min3A_623] : memref<896xi32, #tpu.memory_space<vmem>>[vector<16xi32>], vector<16xi32>,
    %lt3A_625 = arith.cmpi slt, %gather3A_624, %add3A_10 : vector<16xi32>
    %and3A_626 = arith.andi %lt3A_615, %lt3A_625 : vector<16xi1>
    %add3A_627 = arith.constant 1 : i32
    %add3A_628 = vector.broadcast %add3A_627 : i32 to vector<16xi32>
    %add3A_629 = arith.addi %add3A_620, %add3A_628 : vector<16xi32>
    %select_n3A_630 = arith.select %and3A_626, %add3A_629, %select_n3A_570 : vector<16xi1>, vector<16xi32>
    %not3A_631 = arith.constant dense<true> : vector<16xi1>
    %not3A_632 = arith.xori %and3A_626, %not3A_631 : vector<16xi1>
    %and3A_633 = arith.andi %lt3A_615, %not3A_632 : vector<16xi1>
    %select_n3A_634 = arith.select %and3A_633, %add3A_620, %select_n3A_574 : vector<16xi1>, vector<16xi32>
    %lt3A_635 = arith.cmpi slt, %select_n3A_590, %select_n3A_594 : vector<16xi32>
    %sub3A_636 = arith.subi %select_n3A_594, %select_n3A_590 : vector<16xi32>
    %shift_right_arithmetic3A_637 = arith.constant 1 : i32
    %shift_right_arithmetic3A_638 = vector.broadcast %shift_right_arithmetic3A_637 : i32 to vector<16xi32>
    %shift_right_arithmetic3A_639 = arith.shrsi %sub3A_636, %shift_right_arithmetic3A_638 : vector<16xi32>
    %add3A_640 = arith.addi %select_n3A_590, %shift_right_arithmetic3A_639 : vector<16xi32>
    %min3A_641 = arith.constant 783 : i32
    %min3A_642 = vector.broadcast %min3A_641 : i32 to vector<16xi32>
    %min3A_643 = arith.minsi %add3A_640, %min3A_642 : vector<16xi32>
    %gather3A_644 = tpu.vector_load_idx %arg10[%min3A_643] : memref<896xi32, #tpu.memory_space<vmem>>[vector<16xi32>], vector<16xi32>,
    %lt3A_645 = arith.cmpi slt, %gather3A_644, %add3A_14 : vector<16xi32>
    %and3A_646 = arith.andi %lt3A_635, %lt3A_645 : vector<16xi1>
    %add3A_647 = arith.constant 1 : i32
    %add3A_648 = vector.broadcast %add3A_647 : i32 to vector<16xi32>
    %add3A_649 = arith.addi %add3A_640, %add3A_648 : vector<16xi32>
    %select_n3A_650 = arith.select %and3A_646, %add3A_649, %select_n3A_590 : vector<16xi1>, vector<16xi32>
    %not3A_651 = arith.constant dense<true> : vector<16xi1>
    %not3A_652 = arith.xori %and3A_646, %not3A_651 : vector<16xi1>
    %and3A_653 = arith.andi %lt3A_635, %not3A_652 : vector<16xi1>
    %select_n3A_654 = arith.select %and3A_653, %add3A_640, %select_n3A_594 : vector<16xi1>, vector<16xi32>
    %sub3A_655 = arith.constant 1 : i32
    %sub3A_656 = vector.broadcast %sub3A_655 : i32 to vector<16xi32>
    %sub3A_657 = arith.subi %select_n3A_610, %sub3A_656 : vector<16xi32>
    %max3A = arith.constant 0 : i32
    %max3A_658 = vector.broadcast %max3A : i32 to vector<16xi32>
    %max3A_659 = arith.maxsi %sub3A_657, %max3A_658 : vector<16xi32>
    %swap3A_660 = arith.constant 0 : index
    %swap3A_661 = tpu.vector_load %arg12[%swap3A_660] {strides = array<i32>} : memref<48xi32, #tpu.memory_space<vmem>>, vector<16xi32>,
    tpu.vector_store %arg12[%swap3A_660], %max3A_659 {strides = array<i32>} : memref<48xi32, #tpu.memory_space<vmem>>, vector<16xi32>,
    %sub3A_662 = arith.constant 1 : i32
    %sub3A_663 = vector.broadcast %sub3A_662 : i32 to vector<16xi32>
    %sub3A_664 = arith.subi %select_n3A_630, %sub3A_663 : vector<16xi32>
    %max3A_665 = arith.constant 0 : i32
    %max3A_666 = vector.broadcast %max3A_665 : i32 to vector<16xi32>
    %max3A_667 = arith.maxsi %sub3A_664, %max3A_666 : vector<16xi32>
    %swap3A_668 = arith.constant 16 : index
    %swap3A_669 = tpu.vector_load %arg12[%swap3A_668] {strides = array<i32>} : memref<48xi32, #tpu.memory_space<vmem>>, vector<16xi32>,
    tpu.vector_store %arg12[%swap3A_668], %max3A_667 {strides = array<i32>} : memref<48xi32, #tpu.memory_space<vmem>>, vector<16xi32>,
    %sub3A_670 = arith.constant 1 : i32
    %sub3A_671 = vector.broadcast %sub3A_670 : i32 to vector<16xi32>
    %sub3A_672 = arith.subi %select_n3A_650, %sub3A_671 : vector<16xi32>
    %max3A_673 = arith.constant 0 : i32
    %max3A_674 = vector.broadcast %max3A_673 : i32 to vector<16xi32>
    %max3A_675 = arith.maxsi %sub3A_672, %max3A_674 : vector<16xi32>
    %swap3A_676 = arith.constant 32 : index
    %swap3A_677 = tpu.vector_load %arg12[%swap3A_676] {strides = array<i32>} : memref<48xi32, #tpu.memory_space<vmem>>, vector<16xi32>,
    tpu.vector_store %arg12[%swap3A_676], %max3A_675 {strides = array<i32>} : memref<48xi32, #tpu.memory_space<vmem>>, vector<16xi32>,
    %dma_start3A = arith.constant 0 : i32
    %dma_start3A_678 = arith.constant 0 : i32
    %dma_start3A_679 = tpu.memref_slice %arg4[%dma_start3A, %dma_start3A_678] : memref<784x128xi32, #tpu.memory_space<hbm>> -> memref<784x128xi32, #tpu.memory_space<hbm>>
    tpu.enqueue_indirect_dma source(%dma_start3A_679 : memref<784x128xi32, #tpu.memory_space<hbm>>) target(%arg13 : memref<48x128xi32, #tpu.memory_space<vmem>>) offsets(%arg12 : memref<48xi32, #tpu.memory_space<vmem>>) semaphore(%arg18 : memref<!tpu.dma_semaphore, #tpu.memory_space<semaphore_mem>>)
    %dma_wait3A = arith.constant 0 : i32
    %dma_wait3A_680 = arith.constant 0 : i32
    %dma_wait3A_681 = tpu.memref_slice %arg4[%dma_wait3A, %dma_wait3A_680] : memref<784x128xi32, #tpu.memory_space<hbm>> -> memref<784x128xi32, #tpu.memory_space<hbm>>
    tpu.wait_indirect_dma semaphore(%arg18 : memref<!tpu.dma_semaphore, #tpu.memory_space<semaphore_mem>>) src(%dma_wait3A_681 : memref<784x128xi32, #tpu.memory_space<hbm>>) dst(%arg13 : memref<48x128xi32, #tpu.memory_space<vmem>>)
    %eq3A_682 = arith.constant 0 : i32
    %eq3A_683 = vector.broadcast %eq3A_682 : i32 to vector<16xi32>
    %eq3A_684 = arith.cmpi eq, %select_n3A_610, %eq3A_683 : vector<16xi32>
    %jit3A = arith.constant 0 : i32
    %jit3A_685 = arith.constant 1 : i32
    %broadcast_in_dim3A_686 = vector.broadcast %jit3A : i32 to vector<16xi32>
    %broadcast_in_dim3A_687 = vector.broadcast %jit3A_685 : i32 to vector<16xi32>
    %select_n3A_688 = arith.select %eq3A_684, %broadcast_in_dim3A_686, %broadcast_in_dim3A_687 : vector<16xi1>, vector<16xi32>
    %jit3A_689 = arith.constant 0 : i32
    %jit3A_690 = arith.constant 128 : i32
    %broadcast_in_dim3A_691 = vector.broadcast %jit3A_689 : i32 to vector<16xi32>
    %broadcast_in_dim3A_692 = vector.broadcast %jit3A_690 : i32 to vector<16xi32>
    %select_n3A_693 = arith.select %eq3A_684, %broadcast_in_dim3A_691, %broadcast_in_dim3A_692 : vector<16xi1>, vector<16xi32>
    %add3A_694 = arith.constant 0 : i32
    %add3A_695 = vector.broadcast %add3A_694 : i32 to vector<16xi32>
    %add3A_696 = arith.addi %add3A_695, %iota3A : vector<16xi32>
    %lt3A_697 = arith.cmpi slt, %select_n3A_688, %select_n3A_693 : vector<16xi32>
    %sub3A_698 = arith.subi %select_n3A_693, %select_n3A_688 : vector<16xi32>
    %shift_right_arithmetic3A_699 = arith.constant 1 : i32
    %shift_right_arithmetic3A_700 = vector.broadcast %shift_right_arithmetic3A_699 : i32 to vector<16xi32>
    %shift_right_arithmetic3A_701 = arith.shrsi %sub3A_698, %shift_right_arithmetic3A_700 : vector<16xi32>
    %add3A_702 = arith.addi %select_n3A_688, %shift_right_arithmetic3A_701 : vector<16xi32>
    %min3A_703 = arith.constant 127 : i32
    %min3A_704 = vector.broadcast %min3A_703 : i32 to vector<16xi32>
    %min3A_705 = arith.minsi %add3A_702, %min3A_704 : vector<16xi32>
    %gather3A_706 = tpu.vector_load_idx %arg13[%add3A_696, %min3A_705] : memref<48x128xi32, #tpu.memory_space<vmem>>[vector<16xi32>, vector<16xi32>], vector<16xi32>,
    %lt3A_707 = arith.cmpi slt, %gather3A_706, %add3A_6 : vector<16xi32>
    %and3A_708 = arith.andi %lt3A_697, %lt3A_707 : vector<16xi1>
    %add3A_709 = arith.constant 1 : i32
    %add3A_710 = vector.broadcast %add3A_709 : i32 to vector<16xi32>
    %add3A_711 = arith.addi %add3A_702, %add3A_710 : vector<16xi32>
    %select_n3A_712 = arith.select %and3A_708, %add3A_711, %select_n3A_688 : vector<16xi1>, vector<16xi32>
    %not3A_713 = arith.constant dense<true> : vector<16xi1>
    %not3A_714 = arith.xori %and3A_708, %not3A_713 : vector<16xi1>
    %and3A_715 = arith.andi %lt3A_697, %not3A_714 : vector<16xi1>
    %select_n3A_716 = arith.select %and3A_715, %add3A_702, %select_n3A_693 : vector<16xi1>, vector<16xi32>
    %lt3A_717 = arith.cmpi slt, %select_n3A_712, %select_n3A_716 : vector<16xi32>
    %sub3A_718 = arith.subi %select_n3A_716, %select_n3A_712 : vector<16xi32>
    %shift_right_arithmetic3A_719 = arith.constant 1 : i32
    %shift_right_arithmetic3A_720 = vector.broadcast %shift_right_arithmetic3A_719 : i32 to vector<16xi32>
    %shift_right_arithmetic3A_721 = arith.shrsi %sub3A_718, %shift_right_arithmetic3A_720 : vector<16xi32>
    %add3A_722 = arith.addi %select_n3A_712, %shift_right_arithmetic3A_721 : vector<16xi32>
    %min3A_723 = arith.constant 127 : i32
    %min3A_724 = vector.broadcast %min3A_723 : i32 to vector<16xi32>
    %min3A_725 = arith.minsi %add3A_722, %min3A_724 : vector<16xi32>
    %gather3A_726 = tpu.vector_load_idx %arg13[%add3A_696, %min3A_725] : memref<48x128xi32, #tpu.memory_space<vmem>>[vector<16xi32>, vector<16xi32>], vector<16xi32>,
    %lt3A_727 = arith.cmpi slt, %gather3A_726, %add3A_6 : vector<16xi32>
    %and3A_728 = arith.andi %lt3A_717, %lt3A_727 : vector<16xi1>
    %add3A_729 = arith.constant 1 : i32
    %add3A_730 = vector.broadcast %add3A_729 : i32 to vector<16xi32>
    %add3A_731 = arith.addi %add3A_722, %add3A_730 : vector<16xi32>
    %select_n3A_732 = arith.select %and3A_728, %add3A_731, %select_n3A_712 : vector<16xi1>, vector<16xi32>
    %not3A_733 = arith.constant dense<true> : vector<16xi1>
    %not3A_734 = arith.xori %and3A_728, %not3A_733 : vector<16xi1>
    %and3A_735 = arith.andi %lt3A_717, %not3A_734 : vector<16xi1>
    %select_n3A_736 = arith.select %and3A_735, %add3A_722, %select_n3A_716 : vector<16xi1>, vector<16xi32>
    %lt3A_737 = arith.cmpi slt, %select_n3A_732, %select_n3A_736 : vector<16xi32>
    %sub3A_738 = arith.subi %select_n3A_736, %select_n3A_732 : vector<16xi32>
    %shift_right_arithmetic3A_739 = arith.constant 1 : i32
    %shift_right_arithmetic3A_740 = vector.broadcast %shift_right_arithmetic3A_739 : i32 to vector<16xi32>
    %shift_right_arithmetic3A_741 = arith.shrsi %sub3A_738, %shift_right_arithmetic3A_740 : vector<16xi32>
    %add3A_742 = arith.addi %select_n3A_732, %shift_right_arithmetic3A_741 : vector<16xi32>
    %min3A_743 = arith.constant 127 : i32
    %min3A_744 = vector.broadcast %min3A_743 : i32 to vector<16xi32>
    %min3A_745 = arith.minsi %add3A_742, %min3A_744 : vector<16xi32>
    %gather3A_746 = tpu.vector_load_idx %arg13[%add3A_696, %min3A_745] : memref<48x128xi32, #tpu.memory_space<vmem>>[vector<16xi32>, vector<16xi32>], vector<16xi32>,
    %lt3A_747 = arith.cmpi slt, %gather3A_746, %add3A_6 : vector<16xi32>
    %and3A_748 = arith.andi %lt3A_737, %lt3A_747 : vector<16xi1>
    %add3A_749 = arith.constant 1 : i32
    %add3A_750 = vector.broadcast %add3A_749 : i32 to vector<16xi32>
    %add3A_751 = arith.addi %add3A_742, %add3A_750 : vector<16xi32>
    %select_n3A_752 = arith.select %and3A_748, %add3A_751, %select_n3A_732 : vector<16xi1>, vector<16xi32>
    %not3A_753 = arith.constant dense<true> : vector<16xi1>
    %not3A_754 = arith.xori %and3A_748, %not3A_753 : vector<16xi1>
    %and3A_755 = arith.andi %lt3A_737, %not3A_754 : vector<16xi1>
    %select_n3A_756 = arith.select %and3A_755, %add3A_742, %select_n3A_736 : vector<16xi1>, vector<16xi32>
    %lt3A_757 = arith.cmpi slt, %select_n3A_752, %select_n3A_756 : vector<16xi32>
    %sub3A_758 = arith.subi %select_n3A_756, %select_n3A_752 : vector<16xi32>
    %shift_right_arithmetic3A_759 = arith.constant 1 : i32
    %shift_right_arithmetic3A_760 = vector.broadcast %shift_right_arithmetic3A_759 : i32 to vector<16xi32>
    %shift_right_arithmetic3A_761 = arith.shrsi %sub3A_758, %shift_right_arithmetic3A_760 : vector<16xi32>
    %add3A_762 = arith.addi %select_n3A_752, %shift_right_arithmetic3A_761 : vector<16xi32>
    %min3A_763 = arith.constant 127 : i32
    %min3A_764 = vector.broadcast %min3A_763 : i32 to vector<16xi32>
    %min3A_765 = arith.minsi %add3A_762, %min3A_764 : vector<16xi32>
    %gather3A_766 = tpu.vector_load_idx %arg13[%add3A_696, %min3A_765] : memref<48x128xi32, #tpu.memory_space<vmem>>[vector<16xi32>, vector<16xi32>], vector<16xi32>,
    %lt3A_767 = arith.cmpi slt, %gather3A_766, %add3A_6 : vector<16xi32>
    %and3A_768 = arith.andi %lt3A_757, %lt3A_767 : vector<16xi1>
    %add3A_769 = arith.constant 1 : i32
    %add3A_770 = vector.broadcast %add3A_769 : i32 to vector<16xi32>
    %add3A_771 = arith.addi %add3A_762, %add3A_770 : vector<16xi32>
    %select_n3A_772 = arith.select %and3A_768, %add3A_771, %select_n3A_752 : vector<16xi1>, vector<16xi32>
    %not3A_773 = arith.constant dense<true> : vector<16xi1>
    %not3A_774 = arith.xori %and3A_768, %not3A_773 : vector<16xi1>
    %and3A_775 = arith.andi %lt3A_757, %not3A_774 : vector<16xi1>
    %select_n3A_776 = arith.select %and3A_775, %add3A_762, %select_n3A_756 : vector<16xi1>, vector<16xi32>
    %lt3A_777 = arith.cmpi slt, %select_n3A_772, %select_n3A_776 : vector<16xi32>
    %sub3A_778 = arith.subi %select_n3A_776, %select_n3A_772 : vector<16xi32>
    %shift_right_arithmetic3A_779 = arith.constant 1 : i32
    %shift_right_arithmetic3A_780 = vector.broadcast %shift_right_arithmetic3A_779 : i32 to vector<16xi32>
    %shift_right_arithmetic3A_781 = arith.shrsi %sub3A_778, %shift_right_arithmetic3A_780 : vector<16xi32>
    %add3A_782 = arith.addi %select_n3A_772, %shift_right_arithmetic3A_781 : vector<16xi32>
    %min3A_783 = arith.constant 127 : i32
    %min3A_784 = vector.broadcast %min3A_783 : i32 to vector<16xi32>
    %min3A_785 = arith.minsi %add3A_782, %min3A_784 : vector<16xi32>
    %gather3A_786 = tpu.vector_load_idx %arg13[%add3A_696, %min3A_785] : memref<48x128xi32, #tpu.memory_space<vmem>>[vector<16xi32>, vector<16xi32>], vector<16xi32>,
    %lt3A_787 = arith.cmpi slt, %gather3A_786, %add3A_6 : vector<16xi32>
    %and3A_788 = arith.andi %lt3A_777, %lt3A_787 : vector<16xi1>
    %add3A_789 = arith.constant 1 : i32
    %add3A_790 = vector.broadcast %add3A_789 : i32 to vector<16xi32>
    %add3A_791 = arith.addi %add3A_782, %add3A_790 : vector<16xi32>
    %select_n3A_792 = arith.select %and3A_788, %add3A_791, %select_n3A_772 : vector<16xi1>, vector<16xi32>
    %not3A_793 = arith.constant dense<true> : vector<16xi1>
    %not3A_794 = arith.xori %and3A_788, %not3A_793 : vector<16xi1>
    %and3A_795 = arith.andi %lt3A_777, %not3A_794 : vector<16xi1>
    %select_n3A_796 = arith.select %and3A_795, %add3A_782, %select_n3A_776 : vector<16xi1>, vector<16xi32>
    %lt3A_797 = arith.cmpi slt, %select_n3A_792, %select_n3A_796 : vector<16xi32>
    %sub3A_798 = arith.subi %select_n3A_796, %select_n3A_792 : vector<16xi32>
    %shift_right_arithmetic3A_799 = arith.constant 1 : i32
    %shift_right_arithmetic3A_800 = vector.broadcast %shift_right_arithmetic3A_799 : i32 to vector<16xi32>
    %shift_right_arithmetic3A_801 = arith.shrsi %sub3A_798, %shift_right_arithmetic3A_800 : vector<16xi32>
    %add3A_802 = arith.addi %select_n3A_792, %shift_right_arithmetic3A_801 : vector<16xi32>
    %min3A_803 = arith.constant 127 : i32
    %min3A_804 = vector.broadcast %min3A_803 : i32 to vector<16xi32>
    %min3A_805 = arith.minsi %add3A_802, %min3A_804 : vector<16xi32>
    %gather3A_806 = tpu.vector_load_idx %arg13[%add3A_696, %min3A_805] : memref<48x128xi32, #tpu.memory_space<vmem>>[vector<16xi32>, vector<16xi32>], vector<16xi32>,
    %lt3A_807 = arith.cmpi slt, %gather3A_806, %add3A_6 : vector<16xi32>
    %and3A_808 = arith.andi %lt3A_797, %lt3A_807 : vector<16xi1>
    %add3A_809 = arith.constant 1 : i32
    %add3A_810 = vector.broadcast %add3A_809 : i32 to vector<16xi32>
    %add3A_811 = arith.addi %add3A_802, %add3A_810 : vector<16xi32>
    %select_n3A_812 = arith.select %and3A_808, %add3A_811, %select_n3A_792 : vector<16xi1>, vector<16xi32>
    %not3A_813 = arith.constant dense<true> : vector<16xi1>
    %not3A_814 = arith.xori %and3A_808, %not3A_813 : vector<16xi1>
    %and3A_815 = arith.andi %lt3A_797, %not3A_814 : vector<16xi1>
    %select_n3A_816 = arith.select %and3A_815, %add3A_802, %select_n3A_796 : vector<16xi1>, vector<16xi32>
    %lt3A_817 = arith.cmpi slt, %select_n3A_812, %select_n3A_816 : vector<16xi32>
    %sub3A_818 = arith.subi %select_n3A_816, %select_n3A_812 : vector<16xi32>
    %shift_right_arithmetic3A_819 = arith.constant 1 : i32
    %shift_right_arithmetic3A_820 = vector.broadcast %shift_right_arithmetic3A_819 : i32 to vector<16xi32>
    %shift_right_arithmetic3A_821 = arith.shrsi %sub3A_818, %shift_right_arithmetic3A_820 : vector<16xi32>
    %add3A_822 = arith.addi %select_n3A_812, %shift_right_arithmetic3A_821 : vector<16xi32>
    %min3A_823 = arith.constant 127 : i32
    %min3A_824 = vector.broadcast %min3A_823 : i32 to vector<16xi32>
    %min3A_825 = arith.minsi %add3A_822, %min3A_824 : vector<16xi32>
    %gather3A_826 = tpu.vector_load_idx %arg13[%add3A_696, %min3A_825] : memref<48x128xi32, #tpu.memory_space<vmem>>[vector<16xi32>, vector<16xi32>], vector<16xi32>,
    %lt3A_827 = arith.cmpi slt, %gather3A_826, %add3A_6 : vector<16xi32>
    %and3A_828 = arith.andi %lt3A_817, %lt3A_827 : vector<16xi1>
    %add3A_829 = arith.constant 1 : i32
    %add3A_830 = vector.broadcast %add3A_829 : i32 to vector<16xi32>
    %add3A_831 = arith.addi %add3A_822, %add3A_830 : vector<16xi32>
    %select_n3A_832 = arith.select %and3A_828, %add3A_831, %select_n3A_812 : vector<16xi1>, vector<16xi32>
    %not3A_833 = arith.constant dense<true> : vector<16xi1>
    %not3A_834 = arith.xori %and3A_828, %not3A_833 : vector<16xi1>
    %and3A_835 = arith.andi %lt3A_817, %not3A_834 : vector<16xi1>
    %select_n3A_836 = arith.select %and3A_835, %add3A_822, %select_n3A_816 : vector<16xi1>, vector<16xi32>
    %sub3A_837 = arith.constant 1 : i32
    %sub3A_838 = vector.broadcast %sub3A_837 : i32 to vector<16xi32>
    %sub3A_839 = arith.subi %select_n3A_610, %sub3A_838 : vector<16xi32>
    %mul3A_840 = arith.constant 128 : i32
    %mul3A_841 = vector.broadcast %mul3A_840 : i32 to vector<16xi32>
    %mul3A_842 = arith.muli %sub3A_839, %mul3A_841 : vector<16xi32>
    %add3A_843 = arith.addi %mul3A_842, %select_n3A_832 : vector<16xi32>
    %jit3A_844 = arith.constant 0 : i32
    %broadcast_in_dim3A_845 = vector.broadcast %jit3A_844 : i32 to vector<16xi32>
    %select_n3A_846 = arith.select %eq3A_684, %broadcast_in_dim3A_845, %add3A_843 : vector<16xi1>, vector<16xi32>
    %swap3A_847 = arith.constant 0 : index
    %swap3A_848 = tpu.vector_load %arg7[%swap3A_847] {strides = array<i32>} : memref<48xi32, #tpu.memory_space<vmem>>, vector<16xi32>,
    tpu.vector_store %arg7[%swap3A_847], %select_n3A_846 {strides = array<i32>} : memref<48xi32, #tpu.memory_space<vmem>>, vector<16xi32>,
    %eq3A_849 = arith.constant 0 : i32
    %eq3A_850 = vector.broadcast %eq3A_849 : i32 to vector<16xi32>
    %eq3A_851 = arith.cmpi eq, %select_n3A_630, %eq3A_850 : vector<16xi32>
    %jit3A_852 = arith.constant 0 : i32
    %jit3A_853 = arith.constant 1 : i32
    %broadcast_in_dim3A_854 = vector.broadcast %jit3A_852 : i32 to vector<16xi32>
    %broadcast_in_dim3A_855 = vector.broadcast %jit3A_853 : i32 to vector<16xi32>
    %select_n3A_856 = arith.select %eq3A_851, %broadcast_in_dim3A_854, %broadcast_in_dim3A_855 : vector<16xi1>, vector<16xi32>
    %jit3A_857 = arith.constant 0 : i32
    %jit3A_858 = arith.constant 128 : i32
    %broadcast_in_dim3A_859 = vector.broadcast %jit3A_857 : i32 to vector<16xi32>
    %broadcast_in_dim3A_860 = vector.broadcast %jit3A_858 : i32 to vector<16xi32>
    %select_n3A_861 = arith.select %eq3A_851, %broadcast_in_dim3A_859, %broadcast_in_dim3A_860 : vector<16xi1>, vector<16xi32>
    %add3A_862 = arith.constant 16 : i32
    %add3A_863 = vector.broadcast %add3A_862 : i32 to vector<16xi32>
    %add3A_864 = arith.addi %add3A_863, %iota3A : vector<16xi32>
    %lt3A_865 = arith.cmpi slt, %select_n3A_856, %select_n3A_861 : vector<16xi32>
    %sub3A_866 = arith.subi %select_n3A_861, %select_n3A_856 : vector<16xi32>
    %shift_right_arithmetic3A_867 = arith.constant 1 : i32
    %shift_right_arithmetic3A_868 = vector.broadcast %shift_right_arithmetic3A_867 : i32 to vector<16xi32>
    %shift_right_arithmetic3A_869 = arith.shrsi %sub3A_866, %shift_right_arithmetic3A_868 : vector<16xi32>
    %add3A_870 = arith.addi %select_n3A_856, %shift_right_arithmetic3A_869 : vector<16xi32>
    %min3A_871 = arith.constant 127 : i32
    %min3A_872 = vector.broadcast %min3A_871 : i32 to vector<16xi32>
    %min3A_873 = arith.minsi %add3A_870, %min3A_872 : vector<16xi32>
    %gather3A_874 = tpu.vector_load_idx %arg13[%add3A_864, %min3A_873] : memref<48x128xi32, #tpu.memory_space<vmem>>[vector<16xi32>, vector<16xi32>], vector<16xi32>,
    %lt3A_875 = arith.cmpi slt, %gather3A_874, %add3A_10 : vector<16xi32>
    %and3A_876 = arith.andi %lt3A_865, %lt3A_875 : vector<16xi1>
    %add3A_877 = arith.constant 1 : i32
    %add3A_878 = vector.broadcast %add3A_877 : i32 to vector<16xi32>
    %add3A_879 = arith.addi %add3A_870, %add3A_878 : vector<16xi32>
    %select_n3A_880 = arith.select %and3A_876, %add3A_879, %select_n3A_856 : vector<16xi1>, vector<16xi32>
    %not3A_881 = arith.constant dense<true> : vector<16xi1>
    %not3A_882 = arith.xori %and3A_876, %not3A_881 : vector<16xi1>
    %and3A_883 = arith.andi %lt3A_865, %not3A_882 : vector<16xi1>
    %select_n3A_884 = arith.select %and3A_883, %add3A_870, %select_n3A_861 : vector<16xi1>, vector<16xi32>
    %lt3A_885 = arith.cmpi slt, %select_n3A_880, %select_n3A_884 : vector<16xi32>
    %sub3A_886 = arith.subi %select_n3A_884, %select_n3A_880 : vector<16xi32>
    %shift_right_arithmetic3A_887 = arith.constant 1 : i32
    %shift_right_arithmetic3A_888 = vector.broadcast %shift_right_arithmetic3A_887 : i32 to vector<16xi32>
    %shift_right_arithmetic3A_889 = arith.shrsi %sub3A_886, %shift_right_arithmetic3A_888 : vector<16xi32>
    %add3A_890 = arith.addi %select_n3A_880, %shift_right_arithmetic3A_889 : vector<16xi32>
    %min3A_891 = arith.constant 127 : i32
    %min3A_892 = vector.broadcast %min3A_891 : i32 to vector<16xi32>
    %min3A_893 = arith.minsi %add3A_890, %min3A_892 : vector<16xi32>
    %gather3A_894 = tpu.vector_load_idx %arg13[%add3A_864, %min3A_893] : memref<48x128xi32, #tpu.memory_space<vmem>>[vector<16xi32>, vector<16xi32>], vector<16xi32>,
    %lt3A_895 = arith.cmpi slt, %gather3A_894, %add3A_10 : vector<16xi32>
    %and3A_896 = arith.andi %lt3A_885, %lt3A_895 : vector<16xi1>
    %add3A_897 = arith.constant 1 : i32
    %add3A_898 = vector.broadcast %add3A_897 : i32 to vector<16xi32>
    %add3A_899 = arith.addi %add3A_890, %add3A_898 : vector<16xi32>
    %select_n3A_900 = arith.select %and3A_896, %add3A_899, %select_n3A_880 : vector<16xi1>, vector<16xi32>
    %not3A_901 = arith.constant dense<true> : vector<16xi1>
    %not3A_902 = arith.xori %and3A_896, %not3A_901 : vector<16xi1>
    %and3A_903 = arith.andi %lt3A_885, %not3A_902 : vector<16xi1>
    %select_n3A_904 = arith.select %and3A_903, %add3A_890, %select_n3A_884 : vector<16xi1>, vector<16xi32>
    %lt3A_905 = arith.cmpi slt, %select_n3A_900, %select_n3A_904 : vector<16xi32>
    %sub3A_906 = arith.subi %select_n3A_904, %select_n3A_900 : vector<16xi32>
    %shift_right_arithmetic3A_907 = arith.constant 1 : i32
    %shift_right_arithmetic3A_908 = vector.broadcast %shift_right_arithmetic3A_907 : i32 to vector<16xi32>
    %shift_right_arithmetic3A_909 = arith.shrsi %sub3A_906, %shift_right_arithmetic3A_908 : vector<16xi32>
    %add3A_910 = arith.addi %select_n3A_900, %shift_right_arithmetic3A_909 : vector<16xi32>
    %min3A_911 = arith.constant 127 : i32
    %min3A_912 = vector.broadcast %min3A_911 : i32 to vector<16xi32>
    %min3A_913 = arith.minsi %add3A_910, %min3A_912 : vector<16xi32>
    %gather3A_914 = tpu.vector_load_idx %arg13[%add3A_864, %min3A_913] : memref<48x128xi32, #tpu.memory_space<vmem>>[vector<16xi32>, vector<16xi32>], vector<16xi32>,
    %lt3A_915 = arith.cmpi slt, %gather3A_914, %add3A_10 : vector<16xi32>
    %and3A_916 = arith.andi %lt3A_905, %lt3A_915 : vector<16xi1>
    %add3A_917 = arith.constant 1 : i32
    %add3A_918 = vector.broadcast %add3A_917 : i32 to vector<16xi32>
    %add3A_919 = arith.addi %add3A_910, %add3A_918 : vector<16xi32>
    %select_n3A_920 = arith.select %and3A_916, %add3A_919, %select_n3A_900 : vector<16xi1>, vector<16xi32>
    %not3A_921 = arith.constant dense<true> : vector<16xi1>
    %not3A_922 = arith.xori %and3A_916, %not3A_921 : vector<16xi1>
    %and3A_923 = arith.andi %lt3A_905, %not3A_922 : vector<16xi1>
    %select_n3A_924 = arith.select %and3A_923, %add3A_910, %select_n3A_904 : vector<16xi1>, vector<16xi32>
    %lt3A_925 = arith.cmpi slt, %select_n3A_920, %select_n3A_924 : vector<16xi32>
    %sub3A_926 = arith.subi %select_n3A_924, %select_n3A_920 : vector<16xi32>
    %shift_right_arithmetic3A_927 = arith.constant 1 : i32
    %shift_right_arithmetic3A_928 = vector.broadcast %shift_right_arithmetic3A_927 : i32 to vector<16xi32>
    %shift_right_arithmetic3A_929 = arith.shrsi %sub3A_926, %shift_right_arithmetic3A_928 : vector<16xi32>
    %add3A_930 = arith.addi %select_n3A_920, %shift_right_arithmetic3A_929 : vector<16xi32>
    %min3A_931 = arith.constant 127 : i32
    %min3A_932 = vector.broadcast %min3A_931 : i32 to vector<16xi32>
    %min3A_933 = arith.minsi %add3A_930, %min3A_932 : vector<16xi32>
    %gather3A_934 = tpu.vector_load_idx %arg13[%add3A_864, %min3A_933] : memref<48x128xi32, #tpu.memory_space<vmem>>[vector<16xi32>, vector<16xi32>], vector<16xi32>,
    %lt3A_935 = arith.cmpi slt, %gather3A_934, %add3A_10 : vector<16xi32>
    %and3A_936 = arith.andi %lt3A_925, %lt3A_935 : vector<16xi1>
    %add3A_937 = arith.constant 1 : i32
    %add3A_938 = vector.broadcast %add3A_937 : i32 to vector<16xi32>
    %add3A_939 = arith.addi %add3A_930, %add3A_938 : vector<16xi32>
    %select_n3A_940 = arith.select %and3A_936, %add3A_939, %select_n3A_920 : vector<16xi1>, vector<16xi32>
    %not3A_941 = arith.constant dense<true> : vector<16xi1>
    %not3A_942 = arith.xori %and3A_936, %not3A_941 : vector<16xi1>
    %and3A_943 = arith.andi %lt3A_925, %not3A_942 : vector<16xi1>
    %select_n3A_944 = arith.select %and3A_943, %add3A_930, %select_n3A_924 : vector<16xi1>, vector<16xi32>
    %lt3A_945 = arith.cmpi slt, %select_n3A_940, %select_n3A_944 : vector<16xi32>
    %sub3A_946 = arith.subi %select_n3A_944, %select_n3A_940 : vector<16xi32>
    %shift_right_arithmetic3A_947 = arith.constant 1 : i32
    %shift_right_arithmetic3A_948 = vector.broadcast %shift_right_arithmetic3A_947 : i32 to vector<16xi32>
    %shift_right_arithmetic3A_949 = arith.shrsi %sub3A_946, %shift_right_arithmetic3A_948 : vector<16xi32>
    %add3A_950 = arith.addi %select_n3A_940, %shift_right_arithmetic3A_949 : vector<16xi32>
    %min3A_951 = arith.constant 127 : i32
    %min3A_952 = vector.broadcast %min3A_951 : i32 to vector<16xi32>
    %min3A_953 = arith.minsi %add3A_950, %min3A_952 : vector<16xi32>
    %gather3A_954 = tpu.vector_load_idx %arg13[%add3A_864, %min3A_953] : memref<48x128xi32, #tpu.memory_space<vmem>>[vector<16xi32>, vector<16xi32>], vector<16xi32>,
    %lt3A_955 = arith.cmpi slt, %gather3A_954, %add3A_10 : vector<16xi32>
    %and3A_956 = arith.andi %lt3A_945, %lt3A_955 : vector<16xi1>
    %add3A_957 = arith.constant 1 : i32
    %add3A_958 = vector.broadcast %add3A_957 : i32 to vector<16xi32>
    %add3A_959 = arith.addi %add3A_950, %add3A_958 : vector<16xi32>
    %select_n3A_960 = arith.select %and3A_956, %add3A_959, %select_n3A_940 : vector<16xi1>, vector<16xi32>
    %not3A_961 = arith.constant dense<true> : vector<16xi1>
    %not3A_962 = arith.xori %and3A_956, %not3A_961 : vector<16xi1>
    %and3A_963 = arith.andi %lt3A_945, %not3A_962 : vector<16xi1>
    %select_n3A_964 = arith.select %and3A_963, %add3A_950, %select_n3A_944 : vector<16xi1>, vector<16xi32>
    %lt3A_965 = arith.cmpi slt, %select_n3A_960, %select_n3A_964 : vector<16xi32>
    %sub3A_966 = arith.subi %select_n3A_964, %select_n3A_960 : vector<16xi32>
    %shift_right_arithmetic3A_967 = arith.constant 1 : i32
    %shift_right_arithmetic3A_968 = vector.broadcast %shift_right_arithmetic3A_967 : i32 to vector<16xi32>
    %shift_right_arithmetic3A_969 = arith.shrsi %sub3A_966, %shift_right_arithmetic3A_968 : vector<16xi32>
    %add3A_970 = arith.addi %select_n3A_960, %shift_right_arithmetic3A_969 : vector<16xi32>
    %min3A_971 = arith.constant 127 : i32
    %min3A_972 = vector.broadcast %min3A_971 : i32 to vector<16xi32>
    %min3A_973 = arith.minsi %add3A_970, %min3A_972 : vector<16xi32>
    %gather3A_974 = tpu.vector_load_idx %arg13[%add3A_864, %min3A_973] : memref<48x128xi32, #tpu.memory_space<vmem>>[vector<16xi32>, vector<16xi32>], vector<16xi32>,
    %lt3A_975 = arith.cmpi slt, %gather3A_974, %add3A_10 : vector<16xi32>
    %and3A_976 = arith.andi %lt3A_965, %lt3A_975 : vector<16xi1>
    %add3A_977 = arith.constant 1 : i32
    %add3A_978 = vector.broadcast %add3A_977 : i32 to vector<16xi32>
    %add3A_979 = arith.addi %add3A_970, %add3A_978 : vector<16xi32>
    %select_n3A_980 = arith.select %and3A_976, %add3A_979, %select_n3A_960 : vector<16xi1>, vector<16xi32>
    %not3A_981 = arith.constant dense<true> : vector<16xi1>
    %not3A_982 = arith.xori %and3A_976, %not3A_981 : vector<16xi1>
    %and3A_983 = arith.andi %lt3A_965, %not3A_982 : vector<16xi1>
    %select_n3A_984 = arith.select %and3A_983, %add3A_970, %select_n3A_964 : vector<16xi1>, vector<16xi32>
    %lt3A_985 = arith.cmpi slt, %select_n3A_980, %select_n3A_984 : vector<16xi32>
    %sub3A_986 = arith.subi %select_n3A_984, %select_n3A_980 : vector<16xi32>
    %shift_right_arithmetic3A_987 = arith.constant 1 : i32
    %shift_right_arithmetic3A_988 = vector.broadcast %shift_right_arithmetic3A_987 : i32 to vector<16xi32>
    %shift_right_arithmetic3A_989 = arith.shrsi %sub3A_986, %shift_right_arithmetic3A_988 : vector<16xi32>
    %add3A_990 = arith.addi %select_n3A_980, %shift_right_arithmetic3A_989 : vector<16xi32>
    %min3A_991 = arith.constant 127 : i32
    %min3A_992 = vector.broadcast %min3A_991 : i32 to vector<16xi32>
    %min3A_993 = arith.minsi %add3A_990, %min3A_992 : vector<16xi32>
    %gather3A_994 = tpu.vector_load_idx %arg13[%add3A_864, %min3A_993] : memref<48x128xi32, #tpu.memory_space<vmem>>[vector<16xi32>, vector<16xi32>], vector<16xi32>,
    %lt3A_995 = arith.cmpi slt, %gather3A_994, %add3A_10 : vector<16xi32>
    %and3A_996 = arith.andi %lt3A_985, %lt3A_995 : vector<16xi1>
    %add3A_997 = arith.constant 1 : i32
    %add3A_998 = vector.broadcast %add3A_997 : i32 to vector<16xi32>
    %add3A_999 = arith.addi %add3A_990, %add3A_998 : vector<16xi32>
    %select_n3A_1000 = arith.select %and3A_996, %add3A_999, %select_n3A_980 : vector<16xi1>, vector<16xi32>
    %not3A_1001 = arith.constant dense<true> : vector<16xi1>
    %not3A_1002 = arith.xori %and3A_996, %not3A_1001 : vector<16xi1>
    %and3A_1003 = arith.andi %lt3A_985, %not3A_1002 : vector<16xi1>
    %select_n3A_1004 = arith.select %and3A_1003, %add3A_990, %select_n3A_984 : vector<16xi1>, vector<16xi32>
    %sub3A_1005 = arith.constant 1 : i32
    %sub3A_1006 = vector.broadcast %sub3A_1005 : i32 to vector<16xi32>
    %sub3A_1007 = arith.subi %select_n3A_630, %sub3A_1006 : vector<16xi32>
    %mul3A_1008 = arith.constant 128 : i32
    %mul3A_1009 = vector.broadcast %mul3A_1008 : i32 to vector<16xi32>
    %mul3A_1010 = arith.muli %sub3A_1007, %mul3A_1009 : vector<16xi32>
    %add3A_1011 = arith.addi %mul3A_1010, %select_n3A_1000 : vector<16xi32>
    %jit3A_1012 = arith.constant 0 : i32
    %broadcast_in_dim3A_1013 = vector.broadcast %jit3A_1012 : i32 to vector<16xi32>
    %select_n3A_1014 = arith.select %eq3A_851, %broadcast_in_dim3A_1013, %add3A_1011 : vector<16xi1>, vector<16xi32>
    %swap3A_1015 = arith.constant 16 : index
    %swap3A_1016 = tpu.vector_load %arg7[%swap3A_1015] {strides = array<i32>} : memref<48xi32, #tpu.memory_space<vmem>>, vector<16xi32>,
    tpu.vector_store %arg7[%swap3A_1015], %select_n3A_1014 {strides = array<i32>} : memref<48xi32, #tpu.memory_space<vmem>>, vector<16xi32>,
    %eq3A_1017 = arith.constant 0 : i32
    %eq3A_1018 = vector.broadcast %eq3A_1017 : i32 to vector<16xi32>
    %eq3A_1019 = arith.cmpi eq, %select_n3A_650, %eq3A_1018 : vector<16xi32>
    %jit3A_1020 = arith.constant 0 : i32
    %jit3A_1021 = arith.constant 1 : i32
    %broadcast_in_dim3A_1022 = vector.broadcast %jit3A_1020 : i32 to vector<16xi32>
    %broadcast_in_dim3A_1023 = vector.broadcast %jit3A_1021 : i32 to vector<16xi32>
    %select_n3A_1024 = arith.select %eq3A_1019, %broadcast_in_dim3A_1022, %broadcast_in_dim3A_1023 : vector<16xi1>, vector<16xi32>
    %jit3A_1025 = arith.constant 0 : i32
    %jit3A_1026 = arith.constant 128 : i32
    %broadcast_in_dim3A_1027 = vector.broadcast %jit3A_1025 : i32 to vector<16xi32>
    %broadcast_in_dim3A_1028 = vector.broadcast %jit3A_1026 : i32 to vector<16xi32>
    %select_n3A_1029 = arith.select %eq3A_1019, %broadcast_in_dim3A_1027, %broadcast_in_dim3A_1028 : vector<16xi1>, vector<16xi32>
    %add3A_1030 = arith.constant 32 : i32
    %add3A_1031 = vector.broadcast %add3A_1030 : i32 to vector<16xi32>
    %add3A_1032 = arith.addi %add3A_1031, %iota3A : vector<16xi32>
    %lt3A_1033 = arith.cmpi slt, %select_n3A_1024, %select_n3A_1029 : vector<16xi32>
    %sub3A_1034 = arith.subi %select_n3A_1029, %select_n3A_1024 : vector<16xi32>
    %shift_right_arithmetic3A_1035 = arith.constant 1 : i32
    %shift_right_arithmetic3A_1036 = vector.broadcast %shift_right_arithmetic3A_1035 : i32 to vector<16xi32>
    %shift_right_arithmetic3A_1037 = arith.shrsi %sub3A_1034, %shift_right_arithmetic3A_1036 : vector<16xi32>
    %add3A_1038 = arith.addi %select_n3A_1024, %shift_right_arithmetic3A_1037 : vector<16xi32>
    %min3A_1039 = arith.constant 127 : i32
    %min3A_1040 = vector.broadcast %min3A_1039 : i32 to vector<16xi32>
    %min3A_1041 = arith.minsi %add3A_1038, %min3A_1040 : vector<16xi32>
    %gather3A_1042 = tpu.vector_load_idx %arg13[%add3A_1032, %min3A_1041] : memref<48x128xi32, #tpu.memory_space<vmem>>[vector<16xi32>, vector<16xi32>], vector<16xi32>,
    %lt3A_1043 = arith.cmpi slt, %gather3A_1042, %add3A_14 : vector<16xi32>
    %and3A_1044 = arith.andi %lt3A_1033, %lt3A_1043 : vector<16xi1>
    %add3A_1045 = arith.constant 1 : i32
    %add3A_1046 = vector.broadcast %add3A_1045 : i32 to vector<16xi32>
    %add3A_1047 = arith.addi %add3A_1038, %add3A_1046 : vector<16xi32>
    %select_n3A_1048 = arith.select %and3A_1044, %add3A_1047, %select_n3A_1024 : vector<16xi1>, vector<16xi32>
    %not3A_1049 = arith.constant dense<true> : vector<16xi1>
    %not3A_1050 = arith.xori %and3A_1044, %not3A_1049 : vector<16xi1>
    %and3A_1051 = arith.andi %lt3A_1033, %not3A_1050 : vector<16xi1>
    %select_n3A_1052 = arith.select %and3A_1051, %add3A_1038, %select_n3A_1029 : vector<16xi1>, vector<16xi32>
    %lt3A_1053 = arith.cmpi slt, %select_n3A_1048, %select_n3A_1052 : vector<16xi32>
    %sub3A_1054 = arith.subi %select_n3A_1052, %select_n3A_1048 : vector<16xi32>
    %shift_right_arithmetic3A_1055 = arith.constant 1 : i32
    %shift_right_arithmetic3A_1056 = vector.broadcast %shift_right_arithmetic3A_1055 : i32 to vector<16xi32>
    %shift_right_arithmetic3A_1057 = arith.shrsi %sub3A_1054, %shift_right_arithmetic3A_1056 : vector<16xi32>
    %add3A_1058 = arith.addi %select_n3A_1048, %shift_right_arithmetic3A_1057 : vector<16xi32>
    %min3A_1059 = arith.constant 127 : i32
    %min3A_1060 = vector.broadcast %min3A_1059 : i32 to vector<16xi32>
    %min3A_1061 = arith.minsi %add3A_1058, %min3A_1060 : vector<16xi32>
    %gather3A_1062 = tpu.vector_load_idx %arg13[%add3A_1032, %min3A_1061] : memref<48x128xi32, #tpu.memory_space<vmem>>[vector<16xi32>, vector<16xi32>], vector<16xi32>,
    %lt3A_1063 = arith.cmpi slt, %gather3A_1062, %add3A_14 : vector<16xi32>
    %and3A_1064 = arith.andi %lt3A_1053, %lt3A_1063 : vector<16xi1>
    %add3A_1065 = arith.constant 1 : i32
    %add3A_1066 = vector.broadcast %add3A_1065 : i32 to vector<16xi32>
    %add3A_1067 = arith.addi %add3A_1058, %add3A_1066 : vector<16xi32>
    %select_n3A_1068 = arith.select %and3A_1064, %add3A_1067, %select_n3A_1048 : vector<16xi1>, vector<16xi32>
    %not3A_1069 = arith.constant dense<true> : vector<16xi1>
    %not3A_1070 = arith.xori %and3A_1064, %not3A_1069 : vector<16xi1>
    %and3A_1071 = arith.andi %lt3A_1053, %not3A_1070 : vector<16xi1>
    %select_n3A_1072 = arith.select %and3A_1071, %add3A_1058, %select_n3A_1052 : vector<16xi1>, vector<16xi32>
    %lt3A_1073 = arith.cmpi slt, %select_n3A_1068, %select_n3A_1072 : vector<16xi32>
    %sub3A_1074 = arith.subi %select_n3A_1072, %select_n3A_1068 : vector<16xi32>
    %shift_right_arithmetic3A_1075 = arith.constant 1 : i32
    %shift_right_arithmetic3A_1076 = vector.broadcast %shift_right_arithmetic3A_1075 : i32 to vector<16xi32>
    %shift_right_arithmetic3A_1077 = arith.shrsi %sub3A_1074, %shift_right_arithmetic3A_1076 : vector<16xi32>
    %add3A_1078 = arith.addi %select_n3A_1068, %shift_right_arithmetic3A_1077 : vector<16xi32>
    %min3A_1079 = arith.constant 127 : i32
    %min3A_1080 = vector.broadcast %min3A_1079 : i32 to vector<16xi32>
    %min3A_1081 = arith.minsi %add3A_1078, %min3A_1080 : vector<16xi32>
    %gather3A_1082 = tpu.vector_load_idx %arg13[%add3A_1032, %min3A_1081] : memref<48x128xi32, #tpu.memory_space<vmem>>[vector<16xi32>, vector<16xi32>], vector<16xi32>,
    %lt3A_1083 = arith.cmpi slt, %gather3A_1082, %add3A_14 : vector<16xi32>
    %and3A_1084 = arith.andi %lt3A_1073, %lt3A_1083 : vector<16xi1>
    %add3A_1085 = arith.constant 1 : i32
    %add3A_1086 = vector.broadcast %add3A_1085 : i32 to vector<16xi32>
    %add3A_1087 = arith.addi %add3A_1078, %add3A_1086 : vector<16xi32>
    %select_n3A_1088 = arith.select %and3A_1084, %add3A_1087, %select_n3A_1068 : vector<16xi1>, vector<16xi32>
    %not3A_1089 = arith.constant dense<true> : vector<16xi1>
    %not3A_1090 = arith.xori %and3A_1084, %not3A_1089 : vector<16xi1>
    %and3A_1091 = arith.andi %lt3A_1073, %not3A_1090 : vector<16xi1>
    %select_n3A_1092 = arith.select %and3A_1091, %add3A_1078, %select_n3A_1072 : vector<16xi1>, vector<16xi32>
    %lt3A_1093 = arith.cmpi slt, %select_n3A_1088, %select_n3A_1092 : vector<16xi32>
    %sub3A_1094 = arith.subi %select_n3A_1092, %select_n3A_1088 : vector<16xi32>
    %shift_right_arithmetic3A_1095 = arith.constant 1 : i32
    %shift_right_arithmetic3A_1096 = vector.broadcast %shift_right_arithmetic3A_1095 : i32 to vector<16xi32>
    %shift_right_arithmetic3A_1097 = arith.shrsi %sub3A_1094, %shift_right_arithmetic3A_1096 : vector<16xi32>
    %add3A_1098 = arith.addi %select_n3A_1088, %shift_right_arithmetic3A_1097 : vector<16xi32>
    %min3A_1099 = arith.constant 127 : i32
    %min3A_1100 = vector.broadcast %min3A_1099 : i32 to vector<16xi32>
    %min3A_1101 = arith.minsi %add3A_1098, %min3A_1100 : vector<16xi32>
    %gather3A_1102 = tpu.vector_load_idx %arg13[%add3A_1032, %min3A_1101] : memref<48x128xi32, #tpu.memory_space<vmem>>[vector<16xi32>, vector<16xi32>], vector<16xi32>,
    %lt3A_1103 = arith.cmpi slt, %gather3A_1102, %add3A_14 : vector<16xi32>
    %and3A_1104 = arith.andi %lt3A_1093, %lt3A_1103 : vector<16xi1>
    %add3A_1105 = arith.constant 1 : i32
    %add3A_1106 = vector.broadcast %add3A_1105 : i32 to vector<16xi32>
    %add3A_1107 = arith.addi %add3A_1098, %add3A_1106 : vector<16xi32>
    %select_n3A_1108 = arith.select %and3A_1104, %add3A_1107, %select_n3A_1088 : vector<16xi1>, vector<16xi32>
    %not3A_1109 = arith.constant dense<true> : vector<16xi1>
    %not3A_1110 = arith.xori %and3A_1104, %not3A_1109 : vector<16xi1>
    %and3A_1111 = arith.andi %lt3A_1093, %not3A_1110 : vector<16xi1>
    %select_n3A_1112 = arith.select %and3A_1111, %add3A_1098, %select_n3A_1092 : vector<16xi1>, vector<16xi32>
    %lt3A_1113 = arith.cmpi slt, %select_n3A_1108, %select_n3A_1112 : vector<16xi32>
    %sub3A_1114 = arith.subi %select_n3A_1112, %select_n3A_1108 : vector<16xi32>
    %shift_right_arithmetic3A_1115 = arith.constant 1 : i32
    %shift_right_arithmetic3A_1116 = vector.broadcast %shift_right_arithmetic3A_1115 : i32 to vector<16xi32>
    %shift_right_arithmetic3A_1117 = arith.shrsi %sub3A_1114, %shift_right_arithmetic3A_1116 : vector<16xi32>
    %add3A_1118 = arith.addi %select_n3A_1108, %shift_right_arithmetic3A_1117 : vector<16xi32>
    %min3A_1119 = arith.constant 127 : i32
    %min3A_1120 = vector.broadcast %min3A_1119 : i32 to vector<16xi32>
    %min3A_1121 = arith.minsi %add3A_1118, %min3A_1120 : vector<16xi32>
    %gather3A_1122 = tpu.vector_load_idx %arg13[%add3A_1032, %min3A_1121] : memref<48x128xi32, #tpu.memory_space<vmem>>[vector<16xi32>, vector<16xi32>], vector<16xi32>,
    %lt3A_1123 = arith.cmpi slt, %gather3A_1122, %add3A_14 : vector<16xi32>
    %and3A_1124 = arith.andi %lt3A_1113, %lt3A_1123 : vector<16xi1>
    %add3A_1125 = arith.constant 1 : i32
    %add3A_1126 = vector.broadcast %add3A_1125 : i32 to vector<16xi32>
    %add3A_1127 = arith.addi %add3A_1118, %add3A_1126 : vector<16xi32>
    %select_n3A_1128 = arith.select %and3A_1124, %add3A_1127, %select_n3A_1108 : vector<16xi1>, vector<16xi32>
    %not3A_1129 = arith.constant dense<true> : vector<16xi1>
    %not3A_1130 = arith.xori %and3A_1124, %not3A_1129 : vector<16xi1>
    %and3A_1131 = arith.andi %lt3A_1113, %not3A_1130 : vector<16xi1>
    %select_n3A_1132 = arith.select %and3A_1131, %add3A_1118, %select_n3A_1112 : vector<16xi1>, vector<16xi32>
    %lt3A_1133 = arith.cmpi slt, %select_n3A_1128, %select_n3A_1132 : vector<16xi32>
    %sub3A_1134 = arith.subi %select_n3A_1132, %select_n3A_1128 : vector<16xi32>
    %shift_right_arithmetic3A_1135 = arith.constant 1 : i32
    %shift_right_arithmetic3A_1136 = vector.broadcast %shift_right_arithmetic3A_1135 : i32 to vector<16xi32>
    %shift_right_arithmetic3A_1137 = arith.shrsi %sub3A_1134, %shift_right_arithmetic3A_1136 : vector<16xi32>
    %add3A_1138 = arith.addi %select_n3A_1128, %shift_right_arithmetic3A_1137 : vector<16xi32>
    %min3A_1139 = arith.constant 127 : i32
    %min3A_1140 = vector.broadcast %min3A_1139 : i32 to vector<16xi32>
    %min3A_1141 = arith.minsi %add3A_1138, %min3A_1140 : vector<16xi32>
    %gather3A_1142 = tpu.vector_load_idx %arg13[%add3A_1032, %min3A_1141] : memref<48x128xi32, #tpu.memory_space<vmem>>[vector<16xi32>, vector<16xi32>], vector<16xi32>,
    %lt3A_1143 = arith.cmpi slt, %gather3A_1142, %add3A_14 : vector<16xi32>
    %and3A_1144 = arith.andi %lt3A_1133, %lt3A_1143 : vector<16xi1>
    %add3A_1145 = arith.constant 1 : i32
    %add3A_1146 = vector.broadcast %add3A_1145 : i32 to vector<16xi32>
    %add3A_1147 = arith.addi %add3A_1138, %add3A_1146 : vector<16xi32>
    %select_n3A_1148 = arith.select %and3A_1144, %add3A_1147, %select_n3A_1128 : vector<16xi1>, vector<16xi32>
    %not3A_1149 = arith.constant dense<true> : vector<16xi1>
    %not3A_1150 = arith.xori %and3A_1144, %not3A_1149 : vector<16xi1>
    %and3A_1151 = arith.andi %lt3A_1133, %not3A_1150 : vector<16xi1>
    %select_n3A_1152 = arith.select %and3A_1151, %add3A_1138, %select_n3A_1132 : vector<16xi1>, vector<16xi32>
    %lt3A_1153 = arith.cmpi slt, %select_n3A_1148, %select_n3A_1152 : vector<16xi32>
    %sub3A_1154 = arith.subi %select_n3A_1152, %select_n3A_1148 : vector<16xi32>
    %shift_right_arithmetic3A_1155 = arith.constant 1 : i32
    %shift_right_arithmetic3A_1156 = vector.broadcast %shift_right_arithmetic3A_1155 : i32 to vector<16xi32>
    %shift_right_arithmetic3A_1157 = arith.shrsi %sub3A_1154, %shift_right_arithmetic3A_1156 : vector<16xi32>
    %add3A_1158 = arith.addi %select_n3A_1148, %shift_right_arithmetic3A_1157 : vector<16xi32>
    %min3A_1159 = arith.constant 127 : i32
    %min3A_1160 = vector.broadcast %min3A_1159 : i32 to vector<16xi32>
    %min3A_1161 = arith.minsi %add3A_1158, %min3A_1160 : vector<16xi32>
    %gather3A_1162 = tpu.vector_load_idx %arg13[%add3A_1032, %min3A_1161] : memref<48x128xi32, #tpu.memory_space<vmem>>[vector<16xi32>, vector<16xi32>], vector<16xi32>,
    %lt3A_1163 = arith.cmpi slt, %gather3A_1162, %add3A_14 : vector<16xi32>
    %and3A_1164 = arith.andi %lt3A_1153, %lt3A_1163 : vector<16xi1>
    %add3A_1165 = arith.constant 1 : i32
    %add3A_1166 = vector.broadcast %add3A_1165 : i32 to vector<16xi32>
    %add3A_1167 = arith.addi %add3A_1158, %add3A_1166 : vector<16xi32>
    %select_n3A_1168 = arith.select %and3A_1164, %add3A_1167, %select_n3A_1148 : vector<16xi1>, vector<16xi32>
    %not3A_1169 = arith.constant dense<true> : vector<16xi1>
    %not3A_1170 = arith.xori %and3A_1164, %not3A_1169 : vector<16xi1>
    %and3A_1171 = arith.andi %lt3A_1153, %not3A_1170 : vector<16xi1>
    %select_n3A_1172 = arith.select %and3A_1171, %add3A_1158, %select_n3A_1152 : vector<16xi1>, vector<16xi32>
    %sub3A_1173 = arith.constant 1 : i32
    %sub3A_1174 = vector.broadcast %sub3A_1173 : i32 to vector<16xi32>
    %sub3A_1175 = arith.subi %select_n3A_650, %sub3A_1174 : vector<16xi32>
    %mul3A_1176 = arith.constant 128 : i32
    %mul3A_1177 = vector.broadcast %mul3A_1176 : i32 to vector<16xi32>
    %mul3A_1178 = arith.muli %sub3A_1175, %mul3A_1177 : vector<16xi32>
    %add3A_1179 = arith.addi %mul3A_1178, %select_n3A_1168 : vector<16xi32>
    %jit3A_1180 = arith.constant 0 : i32
    %broadcast_in_dim3A_1181 = vector.broadcast %jit3A_1180 : i32 to vector<16xi32>
    %select_n3A_1182 = arith.select %eq3A_1019, %broadcast_in_dim3A_1181, %add3A_1179 : vector<16xi1>, vector<16xi32>
    %swap3A_1183 = arith.constant 32 : index
    %swap3A_1184 = tpu.vector_load %arg7[%swap3A_1183] {strides = array<i32>} : memref<48xi32, #tpu.memory_space<vmem>>, vector<16xi32>,
    tpu.vector_store %arg7[%swap3A_1183], %select_n3A_1182 {strides = array<i32>} : memref<48xi32, #tpu.memory_space<vmem>>, vector<16xi32>,
    %get3A = arith.constant 0 : index
    %get3A_1185 = tpu.vector_load %arg7[%get3A] {strides = array<i32>} : memref<48xi32, #tpu.memory_space<vmem>>, vector<16xi32>,
    %iota3A_1186 = tpu.iota {dimensions = array<i32: 0>} : vector<16xi32>
    %eq3A_1187 = arith.constant 0 : i32
    %eq3A_1188 = vector.broadcast %eq3A_1187 : i32 to vector<16xi32>
    %eq3A_1189 = arith.cmpi eq, %iota3A_1186, %eq3A_1188 : vector<16xi32>
    %jit3A_1190 = arith.constant 0 : i32
    %broadcast_in_dim3A_1191 = vector.broadcast %jit3A_1190 : i32 to vector<16xi32>
    %select_n3A_1192 = arith.select %eq3A_1189, %get3A_1185, %broadcast_in_dim3A_1191 : vector<16xi1>, vector<16xi32>
    %reduce_sum3A = arith.constant true
    %reduce_sum3A_1193 = vector.broadcast %reduce_sum3A : i1 to vector<16xi1>
    %reduce_sum3A_1194 = tpu.scan <sum>, %select_n3A_1192 masked %reduce_sum3A_1193 : vector<16xi32>, vector<16xi1> -> vector<16xi32>
    %reduce_sum3A_1195 = vector.extract %reduce_sum3A_1194[15] : i32 from vector<16xi32>
    %get3A_1196 = arith.constant 32 : index
    %get3A_1197 = tpu.vector_load %arg7[%get3A_1196] {strides = array<i32>} : memref<48xi32, #tpu.memory_space<vmem>>, vector<16xi32>,
    %iota3A_1198 = tpu.iota {dimensions = array<i32: 0>} : vector<16xi32>
    %eq3A_1199 = arith.constant 0 : i32
    %eq3A_1200 = vector.broadcast %eq3A_1199 : i32 to vector<16xi32>
    %eq3A_1201 = arith.cmpi eq, %iota3A_1198, %eq3A_1200 : vector<16xi32>
    %jit3A_1202 = arith.constant 0 : i32
    %broadcast_in_dim3A_1203 = vector.broadcast %jit3A_1202 : i32 to vector<16xi32>
    %select_n3A_1204 = arith.select %eq3A_1201, %get3A_1197, %broadcast_in_dim3A_1203 : vector<16xi1>, vector<16xi32>
    %reduce_sum3A_1205 = arith.constant true
    %reduce_sum3A_1206 = vector.broadcast %reduce_sum3A_1205 : i1 to vector<16xi1>
    %reduce_sum3A_1207 = tpu.scan <sum>, %select_n3A_1204 masked %reduce_sum3A_1206 : vector<16xi32>, vector<16xi1> -> vector<16xi32>
    %reduce_sum3A_1208 = vector.extract %reduce_sum3A_1207[15] : i32 from vector<16xi32>
    %sub3A_1209 = arith.subi %reduce_sum3A_1208, %reduce_sum3A_1195 : i32
    %add3A_1210 = arith.constant 255 : i32
    %add3A_1211 = arith.addi %sub3A_1209, %add3A_1210 : i32
    %jit3A_1212 = arith.constant 256 : i32
    %div3A = arith.divsi %add3A_1211, %jit3A_1212 : i32
    %sign3A = arith.constant 0 : i32
    %sign3A_1213 = arith.cmpi sgt, %add3A_1211, %sign3A : i32
    %sign3A_1214 = arith.extui %sign3A_1213 : i1 to i32
    %sign3A_1215 = arith.constant 0 : i32
    %sign3A_1216 = arith.cmpi slt, %add3A_1211, %sign3A_1215 : i32
    %sign3A_1217 = arith.extui %sign3A_1216 : i1 to i32
    %sign3A_1218 = arith.subi %sign3A_1214, %sign3A_1217 : i32
    %sign3A_1219 = arith.constant 0 : i32
    %sign3A_1220 = arith.cmpi sgt, %jit3A_1212, %sign3A_1219 : i32
    %sign3A_1221 = arith.extui %sign3A_1220 : i1 to i32
    %sign3A_1222 = arith.constant 0 : i32
    %sign3A_1223 = arith.cmpi slt, %jit3A_1212, %sign3A_1222 : i32
    %sign3A_1224 = arith.extui %sign3A_1223 : i1 to i32
    %sign3A_1225 = arith.subi %sign3A_1221, %sign3A_1224 : i32
    %ne3A = arith.cmpi ne, %sign3A_1218, %sign3A_1225 : i32
    %rem3A = arith.remsi %add3A_1211, %jit3A_1212 : i32
    %ne3A_1226 = arith.constant 0 : i32
    %ne3A_1227 = arith.cmpi ne, %rem3A, %ne3A_1226 : i32
    %and3A_1228 = arith.andi %ne3A, %ne3A_1227 : i1
    %sub3A_1229 = arith.constant 1 : i32
    %sub3A_1230 = arith.subi %div3A, %sub3A_1229 : i32
    %select_n3A_1231 = arith.select %and3A_1228, %sub3A_1230, %div3A : i32
    %ge3A = arith.constant 1 : i32
    %ge3A_1232 = arith.cmpi sge, %select_n3A_1231, %ge3A : i32
    %convert_element_type3A_1233 = arith.extui %ge3A_1232 : i1 to i32
    %cond3A_1234 = arith.constant 0 : i32
    %cond3A_1235 = arith.cmpi ne, %convert_element_type3A_1233, %cond3A_1234 : i32
    scf.if %cond3A_1235 {
      %add3A_1315 = arith.constant 0 : i32
      %add3A_1316 = arith.addi %reduce_sum3A_1195, %add3A_1315 : i32
      %min3A_1317 = arith.constant 99744 : i32
      %min3A_1318 = arith.minsi %add3A_1316, %min3A_1317 : i32
      %mul3A_1319 = arith.constant 128 : i32
      %mul3A_1320 = arith.muli %min3A_1318, %mul3A_1319 : i32
      %dma_start3A_1321 = tpu.memref_slice %arg2[%mul3A_1320] : memref<12800000xf32, #tpu.memory_space<hbm>> -> memref<32768xf32, #tpu.memory_space<hbm>>
      %dma_start3A_1322 = tpu.memref_slice %arg2[%mul3A_1320] : memref<12800000xf32, #tpu.memory_space<hbm>> -> memref<32768xf32, #tpu.memory_space<hbm>>
      tpu.enqueue_dma source(%dma_start3A_1322 : memref<32768xf32, #tpu.memory_space<hbm>>) target(%arg14 : memref<32768xf32, #tpu.memory_space<vmem>>) target_semaphore(%arg18 : memref<!tpu.dma_semaphore, #tpu.memory_space<semaphore_mem>>)
    } else {
    }
    %ge3A_1236 = arith.constant 2 : i32
    %ge3A_1237 = arith.cmpi sge, %select_n3A_1231, %ge3A_1236 : i32
    %convert_element_type3A_1238 = arith.extui %ge3A_1237 : i1 to i32
    %cond3A_1239 = arith.constant 0 : i32
    %cond3A_1240 = arith.cmpi ne, %convert_element_type3A_1238, %cond3A_1239 : i32
    scf.if %cond3A_1240 {
      %add3A_1315 = arith.constant 256 : i32
      %add3A_1316 = arith.addi %reduce_sum3A_1195, %add3A_1315 : i32
      %min3A_1317 = arith.constant 99744 : i32
      %min3A_1318 = arith.minsi %add3A_1316, %min3A_1317 : i32
      %mul3A_1319 = arith.constant 128 : i32
      %mul3A_1320 = arith.muli %min3A_1318, %mul3A_1319 : i32
      %dma_start3A_1321 = tpu.memref_slice %arg2[%mul3A_1320] : memref<12800000xf32, #tpu.memory_space<hbm>> -> memref<32768xf32, #tpu.memory_space<hbm>>
      %dma_start3A_1322 = tpu.memref_slice %arg2[%mul3A_1320] : memref<12800000xf32, #tpu.memory_space<hbm>> -> memref<32768xf32, #tpu.memory_space<hbm>>
      tpu.enqueue_dma source(%dma_start3A_1322 : memref<32768xf32, #tpu.memory_space<hbm>>) target(%arg15 : memref<32768xf32, #tpu.memory_space<vmem>>) target_semaphore(%arg19 : memref<!tpu.dma_semaphore, #tpu.memory_space<semaphore_mem>>)
    } else {
    }
    %broadcast_in_dim3A_1241 = arith.constant 0.000000e+00 : f32
    %broadcast_in_dim3A_1242 = vector.broadcast %broadcast_in_dim3A_1241 : f32 to vector<16xf32>
    %broadcast_in_dim3A_1243 = arith.constant 0.000000e+00 : f32
    %broadcast_in_dim3A_1244 = vector.broadcast %broadcast_in_dim3A_1243 : f32 to vector<16xf32>
    %broadcast_in_dim3A_1245 = arith.constant 0.000000e+00 : f32
    %broadcast_in_dim3A_1246 = vector.broadcast %broadcast_in_dim3A_1245 : f32 to vector<16xf32>
    %broadcast_in_dim3A_1247 = arith.constant 0.000000e+00 : f32
    %broadcast_in_dim3A_1248 = vector.broadcast %broadcast_in_dim3A_1247 : f32 to vector<16xf32>
    %broadcast_in_dim3A_1249 = arith.constant 0.000000e+00 : f32
    %broadcast_in_dim3A_1250 = vector.broadcast %broadcast_in_dim3A_1249 : f32 to vector<16xf32>
    %broadcast_in_dim3A_1251 = arith.constant 0.000000e+00 : f32
    %broadcast_in_dim3A_1252 = vector.broadcast %broadcast_in_dim3A_1251 : f32 to vector<16xf32>
    %broadcast_in_dim3A_1253 = arith.constant 0.000000e+00 : f32
    %broadcast_in_dim3A_1254 = vector.broadcast %broadcast_in_dim3A_1253 : f32 to vector<16xf32>
    %broadcast_in_dim3A_1255 = arith.constant 0.000000e+00 : f32
    %broadcast_in_dim3A_1256 = vector.broadcast %broadcast_in_dim3A_1255 : f32 to vector<16xf32>
    %broadcast_in_dim3A_1257 = arith.constant 0xFF800000 : f32
    %broadcast_in_dim3A_1258 = vector.broadcast %broadcast_in_dim3A_1257 : f32 to vector<16xf32>
    %broadcast_in_dim3A_1259 = arith.constant 0xFF800000 : f32
    %broadcast_in_dim3A_1260 = vector.broadcast %broadcast_in_dim3A_1259 : f32 to vector<16xf32>
    %broadcast_in_dim3A_1261 = arith.constant 0xFF800000 : f32
    %broadcast_in_dim3A_1262 = vector.broadcast %broadcast_in_dim3A_1261 : f32 to vector<16xf32>
    %broadcast_in_dim3A_1263 = arith.constant 0xFF800000 : f32
    %broadcast_in_dim3A_1264 = vector.broadcast %broadcast_in_dim3A_1263 : f32 to vector<16xf32>
    %broadcast_in_dim3A_1265 = arith.constant 0xFF800000 : f32
    %broadcast_in_dim3A_1266 = vector.broadcast %broadcast_in_dim3A_1265 : f32 to vector<16xf32>
    %broadcast_in_dim3A_1267 = arith.constant 0xFF800000 : f32
    %broadcast_in_dim3A_1268 = vector.broadcast %broadcast_in_dim3A_1267 : f32 to vector<16xf32>
    %broadcast_in_dim3A_1269 = arith.constant 0xFF800000 : f32
    %broadcast_in_dim3A_1270 = vector.broadcast %broadcast_in_dim3A_1269 : f32 to vector<16xf32>
    %broadcast_in_dim3A_1271 = arith.constant 0xFF800000 : f32
    %broadcast_in_dim3A_1272 = vector.broadcast %broadcast_in_dim3A_1271 : f32 to vector<16xf32>
    %add3A_1273 = arith.constant 1 : i32
    %add3A_1274 = arith.addi %select_n3A_1231, %add3A_1273 : i32
    %jit3A_1275 = arith.constant 2 : i32
    %div3A_1276 = arith.divsi %add3A_1274, %jit3A_1275 : i32
    %sign3A_1277 = arith.constant 0 : i32
    %sign3A_1278 = arith.cmpi sgt, %add3A_1274, %sign3A_1277 : i32
    %sign3A_1279 = arith.extui %sign3A_1278 : i1 to i32
    %sign3A_1280 = arith.constant 0 : i32
    %sign3A_1281 = arith.cmpi slt, %add3A_1274, %sign3A_1280 : i32
    %sign3A_1282 = arith.extui %sign3A_1281 : i1 to i32
    %sign3A_1283 = arith.subi %sign3A_1279, %sign3A_1282 : i32
    %sign3A_1284 = arith.constant 0 : i32
    %sign3A_1285 = arith.cmpi sgt, %jit3A_1275, %sign3A_1284 : i32
    %sign3A_1286 = arith.extui %sign3A_1285 : i1 to i32
    %sign3A_1287 = arith.constant 0 : i32
    %sign3A_1288 = arith.cmpi slt, %jit3A_1275, %sign3A_1287 : i32
    %sign3A_1289 = arith.extui %sign3A_1288 : i1 to i32
    %sign3A_1290 = arith.subi %sign3A_1286, %sign3A_1289 : i32
    %ne3A_1291 = arith.cmpi ne, %sign3A_1283, %sign3A_1290 : i32
    %rem3A_1292 = arith.remsi %add3A_1274, %jit3A_1275 : i32
    %ne3A_1293 = arith.constant 0 : i32
    %ne3A_1294 = arith.cmpi ne, %rem3A_1292, %ne3A_1293 : i32
    %and3A_1295 = arith.andi %ne3A_1291, %ne3A_1294 : i1
    %sub3A_1296 = arith.constant 1 : i32
    %sub3A_1297 = arith.subi %div3A_1276, %sub3A_1296 : i32
    %select_n3A_1298 = arith.select %and3A_1295, %sub3A_1297, %div3A_1276 : i32
    %while3A = arith.constant 0 : i32
    %while3A_1299 = arith.constant 0 : i32
    %while3A_1300 = arith.subi %select_n3A_1298, %while3A : i32
    %while3A_1301 = arith.addi %while3A, %while3A_1300 : i32
    %while3A_1302 = arith.constant 1 : i32
    %while3A_1303 = arith.divsi %while3A_1300, %while3A_1302 : i32
    %while3A_1304 = arith.muli %while3A_1303, %while3A_1302 : i32
    %while3A_1305 = arith.addi %while3A, %while3A_1304 : i32
    %while3A_1306 = arith.constant 1 : i32
    %while3A_1307:17 = scf.for %while3A_1315 = %while3A to %while3A_1305 step %while3A_1306 iter_args(%while3A_1316 = %while3A_1299, %while3A_1317 = %broadcast_in_dim3A_1242, %while3A_1318 = %broadcast_in_dim3A_1244, %while3A_1319 = %broadcast_in_dim3A_1246, %while3A_1320 = %broadcast_in_dim3A_1248, %while3A_1321 = %broadcast_in_dim3A_1250, %while3A_1322 = %broadcast_in_dim3A_1252, %while3A_1323 = %broadcast_in_dim3A_1254, %while3A_1324 = %broadcast_in_dim3A_1256, %while3A_1325 = %broadcast_in_dim3A_1258, %while3A_1326 = %broadcast_in_dim3A_1260, %while3A_1327 = %broadcast_in_dim3A_1262, %while3A_1328 = %broadcast_in_dim3A_1264, %while3A_1329 = %broadcast_in_dim3A_1266, %while3A_1330 = %broadcast_in_dim3A_1268, %while3A_1331 = %broadcast_in_dim3A_1270, %while3A_1332 = %broadcast_in_dim3A_1272) -> (i32, vector<16xf32>, vector<16xf32>, vector<16xf32>, vector<16xf32>, vector<16xf32>, vector<16xf32>, vector<16xf32>, vector<16xf32>, vector<16xf32>, vector<16xf32>, vector<16xf32>, vector<16xf32>, vector<16xf32>, vector<16xf32>, vector<16xf32>, vector<16xf32>)  : i32 {
      %mul3A_1333 = arith.constant 2 : i32
      %mul3A_1334 = arith.muli %mul3A_1333, %while3A_1315 : i32
      %add3A_1335 = arith.constant 0 : i32
      %add3A_1336 = arith.addi %mul3A_1334, %add3A_1335 : i32
      %lt3A_1337 = arith.cmpi slt, %add3A_1336, %select_n3A_1231 : i32
      %convert_element_type3A_1338 = arith.extui %lt3A_1337 : i1 to i32
      %cond3A_1339 = arith.constant 0 : i32
      %cond3A_1340 = arith.cmpi ne, %convert_element_type3A_1338, %cond3A_1339 : i32
      %cond3A_1341:17 = scf.if %cond3A_1340 -> (i32, vector<16xf32>, vector<16xf32>, vector<16xf32>, vector<16xf32>, vector<16xf32>, vector<16xf32>, vector<16xf32>, vector<16xf32>, vector<16xf32>, vector<16xf32>, vector<16xf32>, vector<16xf32>, vector<16xf32>, vector<16xf32>, vector<16xf32>, vector<16xf32>) {
        %dma_wait3A_1351 = arith.constant 0 : i32
        %dma_wait3A_1352 = tpu.memref_slice %arg2[%dma_wait3A_1351] : memref<12800000xf32, #tpu.memory_space<hbm>> -> memref<32768xf32, #tpu.memory_space<hbm>>
        %dma_wait3A_1353 = arith.constant 0 : i32
        %dma_wait3A_1354 = tpu.memref_slice %arg2[%dma_wait3A_1353] : memref<12800000xf32, #tpu.memory_space<hbm>> -> memref<32768xf32, #tpu.memory_space<hbm>>
        tpu.wait_dma2 semaphore(%arg18 : memref<!tpu.dma_semaphore, #tpu.memory_space<semaphore_mem>>) src(%dma_wait3A_1354 : memref<32768xf32, #tpu.memory_space<hbm>>) dst(%arg14 : memref<32768xf32, #tpu.memory_space<vmem>>)
        %add3A_1355 = arith.constant 2 : i32
        %add3A_1356 = arith.addi %add3A_1336, %add3A_1355 : i32
        %lt3A_1357 = arith.cmpi slt, %add3A_1356, %select_n3A_1231 : i32
        %convert_element_type3A_1358 = arith.extui %lt3A_1357 : i1 to i32
        %cond3A_1359 = arith.constant 0 : i32
        %cond3A_1360 = arith.cmpi ne, %convert_element_type3A_1358, %cond3A_1359 : i32
        scf.if %cond3A_1360 {
          %add3A_1371 = arith.constant 2 : i32
          %add3A_1372 = arith.addi %add3A_1336, %add3A_1371 : i32
          %mul3A_1373 = arith.constant 256 : i32
          %mul3A_1374 = arith.muli %add3A_1372, %mul3A_1373 : i32
          %add3A_1375 = arith.addi %reduce_sum3A_1195, %mul3A_1374 : i32
          %min3A_1376 = arith.constant 99744 : i32
          %min3A_1377 = arith.minsi %add3A_1375, %min3A_1376 : i32
          %mul3A_1378 = arith.constant 128 : i32
          %mul3A_1379 = arith.muli %min3A_1377, %mul3A_1378 : i32
          %dma_start3A_1380 = tpu.memref_slice %arg2[%mul3A_1379] : memref<12800000xf32, #tpu.memory_space<hbm>> -> memref<32768xf32, #tpu.memory_space<hbm>>
          %dma_start3A_1381 = tpu.memref_slice %arg2[%mul3A_1379] : memref<12800000xf32, #tpu.memory_space<hbm>> -> memref<32768xf32, #tpu.memory_space<hbm>>
          tpu.enqueue_dma source(%dma_start3A_1381 : memref<32768xf32, #tpu.memory_space<hbm>>) target(%arg14 : memref<32768xf32, #tpu.memory_space<vmem>>) target_semaphore(%arg18 : memref<!tpu.dma_semaphore, #tpu.memory_space<semaphore_mem>>)
        } else {
        }
        %mul3A_1361 = arith.constant 256 : i32
        %mul3A_1362 = arith.muli %add3A_1336, %mul3A_1361 : i32
        %add3A_1363 = arith.addi %reduce_sum3A_1195, %mul3A_1362 : i32
        %min3A_1364 = arith.constant 99744 : i32
        %min3A_1365 = arith.minsi %add3A_1363, %min3A_1364 : i32
        %add3A_1366 = arith.constant 256 : i32
        %add3A_1367 = arith.addi %add3A_1363, %add3A_1366 : i32
        %min3A_1368 = arith.minsi %add3A_1367, %reduce_sum3A_1208 : i32
        %while3A_1369:18 = scf.while (%while3A_1371 = %while3A_1316, %while3A_1372 = %add3A_1363, %while3A_1373 = %while3A_1317, %while3A_1374 = %while3A_1318, %while3A_1375 = %while3A_1319, %while3A_1376 = %while3A_1320, %while3A_1377 = %while3A_1321, %while3A_1378 = %while3A_1322, %while3A_1379 = %while3A_1323, %while3A_1380 = %while3A_1324, %while3A_1381 = %while3A_1325, %while3A_1382 = %while3A_1326, %while3A_1383 = %while3A_1327, %while3A_1384 = %while3A_1328, %while3A_1385 = %while3A_1329, %while3A_1386 = %while3A_1330, %while3A_1387 = %while3A_1331, %while3A_1388 = %while3A_1332) : (i32, i32, vector<16xf32>, vector<16xf32>, vector<16xf32>, vector<16xf32>, vector<16xf32>, vector<16xf32>, vector<16xf32>, vector<16xf32>, vector<16xf32>, vector<16xf32>, vector<16xf32>, vector<16xf32>, vector<16xf32>, vector<16xf32>, vector<16xf32>, vector<16xf32>) -> (i32, i32, vector<16xf32>, vector<16xf32>, vector<16xf32>, vector<16xf32>, vector<16xf32>, vector<16xf32>, vector<16xf32>, vector<16xf32>, vector<16xf32>, vector<16xf32>, vector<16xf32>, vector<16xf32>, vector<16xf32>, vector<16xf32>, vector<16xf32>, vector<16xf32>) {
          %lt3A_1389 = arith.constant 32 : i32
          %lt3A_1390 = arith.cmpi slt, %while3A_1371, %lt3A_1389 : i32
          %add3A_1391 = arith.constant 1 : i32
          %add3A_1392 = arith.addi %while3A_1371, %add3A_1391 : i32
          %jit3A_1393 = arith.constant 16 : i32
          %div3A_1394 = arith.divsi %add3A_1392, %jit3A_1393 : i32
          %sign3A_1395 = arith.constant 0 : i32
          %sign3A_1396 = arith.cmpi sgt, %add3A_1392, %sign3A_1395 : i32
          %sign3A_1397 = arith.extui %sign3A_1396 : i1 to i32
          %sign3A_1398 = arith.constant 0 : i32
          %sign3A_1399 = arith.cmpi slt, %add3A_1392, %sign3A_1398 : i32
          %sign3A_1400 = arith.extui %sign3A_1399 : i1 to i32
          %sign3A_1401 = arith.subi %sign3A_1397, %sign3A_1400 : i32
          %sign3A_1402 = arith.constant 0 : i32
          %sign3A_1403 = arith.cmpi sgt, %jit3A_1393, %sign3A_1402 : i32
          %sign3A_1404 = arith.extui %sign3A_1403 : i1 to i32
          %sign3A_1405 = arith.constant 0 : i32
          %sign3A_1406 = arith.cmpi slt, %jit3A_1393, %sign3A_1405 : i32
          %sign3A_1407 = arith.extui %sign3A_1406 : i1 to i32
          %sign3A_1408 = arith.subi %sign3A_1404, %sign3A_1407 : i32
          %ne3A_1409 = arith.cmpi ne, %sign3A_1401, %sign3A_1408 : i32
          %rem3A_1410 = arith.remsi %add3A_1392, %jit3A_1393 : i32
          %ne3A_1411 = arith.constant 0 : i32
          %ne3A_1412 = arith.cmpi ne, %rem3A_1410, %ne3A_1411 : i32
          %and3A_1413 = arith.andi %ne3A_1409, %ne3A_1412 : i1
          %sub3A_1414 = arith.constant 1 : i32
          %sub3A_1415 = arith.subi %div3A_1394, %sub3A_1414 : i32
          %select_n3A_1416 = arith.select %and3A_1413, %sub3A_1415, %div3A_1394 : i32
          %mul3A_1417 = arith.constant 16 : i32
          %mul3A_1418 = arith.muli %select_n3A_1416, %mul3A_1417 : i32
          %get3A_1419 = arith.index_cast %mul3A_1418 : i32 to index
          %get3A_1420 = tpu.vector_load %arg7[%get3A_1419] {strides = array<i32>} : memref<48xi32, #tpu.memory_space<vmem>>, vector<16xi32>,
          %iota3A_1421 = tpu.iota {dimensions = array<i32: 0>} : vector<16xi32>
          %sub3A_1422 = arith.subi %add3A_1392, %mul3A_1418 : i32
          %eq3A_1423 = vector.broadcast %sub3A_1422 : i32 to vector<16xi32>
          %eq3A_1424 = arith.cmpi eq, %iota3A_1421, %eq3A_1423 : vector<16xi32>
          %jit3A_1425 = arith.constant 0 : i32
          %broadcast_in_dim3A_1426 = vector.broadcast %jit3A_1425 : i32 to vector<16xi32>
          %select_n3A_1427 = arith.select %eq3A_1424, %get3A_1420, %broadcast_in_dim3A_1426 : vector<16xi1>, vector<16xi32>
          %reduce_sum3A_1428 = arith.constant true
          %reduce_sum3A_1429 = vector.broadcast %reduce_sum3A_1428 : i1 to vector<16xi1>
          %reduce_sum3A_1430 = tpu.scan <sum>, %select_n3A_1427 masked %reduce_sum3A_1429 : vector<16xi32>, vector<16xi1> -> vector<16xi32>
          %reduce_sum3A_1431 = vector.extract %reduce_sum3A_1430[15] : i32 from vector<16xi32>
          %le3A = arith.cmpi sle, %reduce_sum3A_1431, %min3A_1368 : i32
          %and3A_1432 = arith.andi %lt3A_1390, %le3A : i1
          scf.condition(%and3A_1432) %while3A_1371, %while3A_1372, %while3A_1373, %while3A_1374, %while3A_1375, %while3A_1376, %while3A_1377, %while3A_1378, %while3A_1379, %while3A_1380, %while3A_1381, %while3A_1382, %while3A_1383, %while3A_1384, %while3A_1385, %while3A_1386, %while3A_1387, %while3A_1388 : i32, i32, vector<16xf32>, vector<16xf32>, vector<16xf32>, vector<16xf32>, vector<16xf32>, vector<16xf32>, vector<16xf32>, vector<16xf32>, vector<16xf32>, vector<16xf32>, vector<16xf32>, vector<16xf32>, vector<16xf32>, vector<16xf32>, vector<16xf32>, vector<16xf32>
        } do {
        ^bb0(%while3A_1371: i32, %while3A_1372: i32, %while3A_1373: vector<16xf32>, %while3A_1374: vector<16xf32>, %while3A_1375: vector<16xf32>, %while3A_1376: vector<16xf32>, %while3A_1377: vector<16xf32>, %while3A_1378: vector<16xf32>, %while3A_1379: vector<16xf32>, %while3A_1380: vector<16xf32>, %while3A_1381: vector<16xf32>, %while3A_1382: vector<16xf32>, %while3A_1383: vector<16xf32>, %while3A_1384: vector<16xf32>, %while3A_1385: vector<16xf32>, %while3A_1386: vector<16xf32>, %while3A_1387: vector<16xf32>, %while3A_1388: vector<16xf32>):
          %add3A_1389 = arith.constant 1 : i32
          %add3A_1390 = arith.addi %while3A_1371, %add3A_1389 : i32
          %jit3A_1391 = arith.constant 16 : i32
          %div3A_1392 = arith.divsi %add3A_1390, %jit3A_1391 : i32
          %sign3A_1393 = arith.constant 0 : i32
          %sign3A_1394 = arith.cmpi sgt, %add3A_1390, %sign3A_1393 : i32
          %sign3A_1395 = arith.extui %sign3A_1394 : i1 to i32
          %sign3A_1396 = arith.constant 0 : i32
          %sign3A_1397 = arith.cmpi slt, %add3A_1390, %sign3A_1396 : i32
          %sign3A_1398 = arith.extui %sign3A_1397 : i1 to i32
          %sign3A_1399 = arith.subi %sign3A_1395, %sign3A_1398 : i32
          %sign3A_1400 = arith.constant 0 : i32
          %sign3A_1401 = arith.cmpi sgt, %jit3A_1391, %sign3A_1400 : i32
          %sign3A_1402 = arith.extui %sign3A_1401 : i1 to i32
          %sign3A_1403 = arith.constant 0 : i32
          %sign3A_1404 = arith.cmpi slt, %jit3A_1391, %sign3A_1403 : i32
          %sign3A_1405 = arith.extui %sign3A_1404 : i1 to i32
          %sign3A_1406 = arith.subi %sign3A_1402, %sign3A_1405 : i32
          %ne3A_1407 = arith.cmpi ne, %sign3A_1399, %sign3A_1406 : i32
          %rem3A_1408 = arith.remsi %add3A_1390, %jit3A_1391 : i32
          %ne3A_1409 = arith.constant 0 : i32
          %ne3A_1410 = arith.cmpi ne, %rem3A_1408, %ne3A_1409 : i32
          %and3A_1411 = arith.andi %ne3A_1407, %ne3A_1410 : i1
          %sub3A_1412 = arith.constant 1 : i32
          %sub3A_1413 = arith.subi %div3A_1392, %sub3A_1412 : i32
          %select_n3A_1414 = arith.select %and3A_1411, %sub3A_1413, %div3A_1392 : i32
          %mul3A_1415 = arith.constant 16 : i32
          %mul3A_1416 = arith.muli %select_n3A_1414, %mul3A_1415 : i32
          %get3A_1417 = arith.index_cast %mul3A_1416 : i32 to index
          %get3A_1418 = tpu.vector_load %arg7[%get3A_1417] {strides = array<i32>} : memref<48xi32, #tpu.memory_space<vmem>>, vector<16xi32>,
          %iota3A_1419 = tpu.iota {dimensions = array<i32: 0>} : vector<16xi32>
          %sub3A_1420 = arith.subi %add3A_1390, %mul3A_1416 : i32
          %eq3A_1421 = vector.broadcast %sub3A_1420 : i32 to vector<16xi32>
          %eq3A_1422 = arith.cmpi eq, %iota3A_1419, %eq3A_1421 : vector<16xi32>
          %jit3A_1423 = arith.constant 0 : i32
          %broadcast_in_dim3A_1424 = vector.broadcast %jit3A_1423 : i32 to vector<16xi32>
          %select_n3A_1425 = arith.select %eq3A_1422, %get3A_1418, %broadcast_in_dim3A_1424 : vector<16xi1>, vector<16xi32>
          %reduce_sum3A_1426 = arith.constant true
          %reduce_sum3A_1427 = vector.broadcast %reduce_sum3A_1426 : i1 to vector<16xi1>
          %reduce_sum3A_1428 = tpu.scan <sum>, %select_n3A_1425 masked %reduce_sum3A_1427 : vector<16xi32>, vector<16xi1> -> vector<16xi32>
          %reduce_sum3A_1429 = vector.extract %reduce_sum3A_1428[15] : i32 from vector<16xi32>
          %parallel_loop3A_1430 = arith.constant 1 : i32
          %parallel_loop3A_1431:16 = scf.for %parallel_loop3A_1530 = %while3A_1372 to %reduce_sum3A_1429 step %parallel_loop3A_1430 iter_args(%parallel_loop3A_1531 = %while3A_1373, %parallel_loop3A_1532 = %while3A_1374, %parallel_loop3A_1533 = %while3A_1375, %parallel_loop3A_1534 = %while3A_1376, %parallel_loop3A_1535 = %while3A_1377, %parallel_loop3A_1536 = %while3A_1378, %parallel_loop3A_1537 = %while3A_1379, %parallel_loop3A_1538 = %while3A_1380, %parallel_loop3A_1539 = %while3A_1381, %parallel_loop3A_1540 = %while3A_1382, %parallel_loop3A_1541 = %while3A_1383, %parallel_loop3A_1542 = %while3A_1384, %parallel_loop3A_1543 = %while3A_1385, %parallel_loop3A_1544 = %while3A_1386, %parallel_loop3A_1545 = %while3A_1387, %parallel_loop3A_1546 = %while3A_1388) -> (vector<16xf32>, vector<16xf32>, vector<16xf32>, vector<16xf32>, vector<16xf32>, vector<16xf32>, vector<16xf32>, vector<16xf32>, vector<16xf32>, vector<16xf32>, vector<16xf32>, vector<16xf32>, vector<16xf32>, vector<16xf32>, vector<16xf32>, vector<16xf32>)  : i32 {
            %parallel_loop3A_1547 = arith.subi %parallel_loop3A_1530, %min3A_1365 : i32
            %parallel_loop3A_1548 = arith.constant 128 : i32
            %parallel_loop3A_1549 = arith.muli %parallel_loop3A_1547, %parallel_loop3A_1548 : i32
            %parallel_loop3A_1550 = arith.constant 0 : i32
            %parallel_loop3A_1551 = arith.addi %parallel_loop3A_1549, %parallel_loop3A_1550 : i32
            %parallel_loop3A_1552 = arith.index_cast %parallel_loop3A_1551 : i32 to index
            %parallel_loop3A_1553 = tpu.vector_load %arg14[%parallel_loop3A_1552] {strides = array<i32>} : memref<32768xf32, #tpu.memory_space<vmem>>, vector<16xf32>,
            %parallel_loop3A_1554 = arith.addf %parallel_loop3A_1531, %parallel_loop3A_1553 : vector<16xf32>
            %parallel_loop3A_1555 = arith.maximumf %parallel_loop3A_1539, %parallel_loop3A_1553 : vector<16xf32>
            %parallel_loop3A_1556 = arith.constant 16 : i32
            %parallel_loop3A_1557 = arith.addi %parallel_loop3A_1549, %parallel_loop3A_1556 : i32
            %parallel_loop3A_1558 = arith.index_cast %parallel_loop3A_1557 : i32 to index
            %parallel_loop3A_1559 = tpu.vector_load %arg14[%parallel_loop3A_1558] {strides = array<i32>} : memref<32768xf32, #tpu.memory_space<vmem>>, vector<16xf32>,
            %parallel_loop3A_1560 = arith.addf %parallel_loop3A_1532, %parallel_loop3A_1559 : vector<16xf32>
            %parallel_loop3A_1561 = arith.maximumf %parallel_loop3A_1540, %parallel_loop3A_1559 : vector<16xf32>
            %parallel_loop3A_1562 = arith.constant 32 : i32
            %parallel_loop3A_1563 = arith.addi %parallel_loop3A_1549, %parallel_loop3A_1562 : i32
            %parallel_loop3A_1564 = arith.index_cast %parallel_loop3A_1563 : i32 to index
            %parallel_loop3A_1565 = tpu.vector_load %arg14[%parallel_loop3A_1564] {strides = array<i32>} : memref<32768xf32, #tpu.memory_space<vmem>>, vector<16xf32>,
            %parallel_loop3A_1566 = arith.addf %parallel_loop3A_1533, %parallel_loop3A_1565 : vector<16xf32>
            %parallel_loop3A_1567 = arith.maximumf %parallel_loop3A_1541, %parallel_loop3A_1565 : vector<16xf32>
            %parallel_loop3A_1568 = arith.constant 48 : i32
            %parallel_loop3A_1569 = arith.addi %parallel_loop3A_1549, %parallel_loop3A_1568 : i32
            %parallel_loop3A_1570 = arith.index_cast %parallel_loop3A_1569 : i32 to index
            %parallel_loop3A_1571 = tpu.vector_load %arg14[%parallel_loop3A_1570] {strides = array<i32>} : memref<32768xf32, #tpu.memory_space<vmem>>, vector<16xf32>,
            %parallel_loop3A_1572 = arith.addf %parallel_loop3A_1534, %parallel_loop3A_1571 : vector<16xf32>
            %parallel_loop3A_1573 = arith.maximumf %parallel_loop3A_1542, %parallel_loop3A_1571 : vector<16xf32>
            %parallel_loop3A_1574 = arith.constant 64 : i32
            %parallel_loop3A_1575 = arith.addi %parallel_loop3A_1549, %parallel_loop3A_1574 : i32
            %parallel_loop3A_1576 = arith.index_cast %parallel_loop3A_1575 : i32 to index
            %parallel_loop3A_1577 = tpu.vector_load %arg14[%parallel_loop3A_1576] {strides = array<i32>} : memref<32768xf32, #tpu.memory_space<vmem>>, vector<16xf32>,
            %parallel_loop3A_1578 = arith.addf %parallel_loop3A_1535, %parallel_loop3A_1577 : vector<16xf32>
            %parallel_loop3A_1579 = arith.maximumf %parallel_loop3A_1543, %parallel_loop3A_1577 : vector<16xf32>
            %parallel_loop3A_1580 = arith.constant 80 : i32
            %parallel_loop3A_1581 = arith.addi %parallel_loop3A_1549, %parallel_loop3A_1580 : i32
            %parallel_loop3A_1582 = arith.index_cast %parallel_loop3A_1581 : i32 to index
            %parallel_loop3A_1583 = tpu.vector_load %arg14[%parallel_loop3A_1582] {strides = array<i32>} : memref<32768xf32, #tpu.memory_space<vmem>>, vector<16xf32>,
            %parallel_loop3A_1584 = arith.addf %parallel_loop3A_1536, %parallel_loop3A_1583 : vector<16xf32>
            %parallel_loop3A_1585 = arith.maximumf %parallel_loop3A_1544, %parallel_loop3A_1583 : vector<16xf32>
            %parallel_loop3A_1586 = arith.constant 96 : i32
            %parallel_loop3A_1587 = arith.addi %parallel_loop3A_1549, %parallel_loop3A_1586 : i32
            %parallel_loop3A_1588 = arith.index_cast %parallel_loop3A_1587 : i32 to index
            %parallel_loop3A_1589 = tpu.vector_load %arg14[%parallel_loop3A_1588] {strides = array<i32>} : memref<32768xf32, #tpu.memory_space<vmem>>, vector<16xf32>,
            %parallel_loop3A_1590 = arith.addf %parallel_loop3A_1537, %parallel_loop3A_1589 : vector<16xf32>
            %parallel_loop3A_1591 = arith.maximumf %parallel_loop3A_1545, %parallel_loop3A_1589 : vector<16xf32>
            %parallel_loop3A_1592 = arith.constant 112 : i32
            %parallel_loop3A_1593 = arith.addi %parallel_loop3A_1549, %parallel_loop3A_1592 : i32
            %parallel_loop3A_1594 = arith.index_cast %parallel_loop3A_1593 : i32 to index
            %parallel_loop3A_1595 = tpu.vector_load %arg14[%parallel_loop3A_1594] {strides = array<i32>} : memref<32768xf32, #tpu.memory_space<vmem>>, vector<16xf32>,
            %parallel_loop3A_1596 = arith.addf %parallel_loop3A_1538, %parallel_loop3A_1595 : vector<16xf32>
            %parallel_loop3A_1597 = arith.maximumf %parallel_loop3A_1546, %parallel_loop3A_1595 : vector<16xf32>
            scf.yield %parallel_loop3A_1554, %parallel_loop3A_1560, %parallel_loop3A_1566, %parallel_loop3A_1572, %parallel_loop3A_1578, %parallel_loop3A_1584, %parallel_loop3A_1590, %parallel_loop3A_1596, %parallel_loop3A_1555, %parallel_loop3A_1561, %parallel_loop3A_1567, %parallel_loop3A_1573, %parallel_loop3A_1579, %parallel_loop3A_1585, %parallel_loop3A_1591, %parallel_loop3A_1597 : vector<16xf32>, vector<16xf32>, vector<16xf32>, vector<16xf32>, vector<16xf32>, vector<16xf32>, vector<16xf32>, vector<16xf32>, vector<16xf32>, vector<16xf32>, vector<16xf32>, vector<16xf32>, vector<16xf32>, vector<16xf32>, vector<16xf32>, vector<16xf32>
          } {sc.loop_unroll_factor = 4 : i64, sc.parallel_access}
          %mul3A_1432 = arith.constant 128 : i32
          %mul3A_1433 = arith.muli %while3A_1371, %mul3A_1432 : i32
          %add3A_1434 = arith.constant 0 : i32
          %add3A_1435 = arith.addi %mul3A_1433, %add3A_1434 : i32
          %swap3A_1436 = arith.index_cast %add3A_1435 : i32 to index
          %swap3A_1437 = tpu.vector_load %arg16[%swap3A_1436] {strides = array<i32>} : memref<4096xf32, #tpu.memory_space<vmem>>, vector<16xf32>,
          tpu.vector_store %arg16[%swap3A_1436], %parallel_loop3A_1431#0 {strides = array<i32>} : memref<4096xf32, #tpu.memory_space<vmem>>, vector<16xf32>,
          %mul3A_1438 = arith.constant 128 : i32
          %mul3A_1439 = arith.muli %while3A_1371, %mul3A_1438 : i32
          %add3A_1440 = arith.constant 0 : i32
          %add3A_1441 = arith.addi %mul3A_1439, %add3A_1440 : i32
          %swap3A_1442 = arith.index_cast %add3A_1441 : i32 to index
          %swap3A_1443 = tpu.vector_load %arg17[%swap3A_1442] {strides = array<i32>} : memref<4096xf32, #tpu.memory_space<vmem>>, vector<16xf32>,
          tpu.vector_store %arg17[%swap3A_1442], %parallel_loop3A_1431#8 {strides = array<i32>} : memref<4096xf32, #tpu.memory_space<vmem>>, vector<16xf32>,
          %mul3A_1444 = arith.constant 128 : i32
          %mul3A_1445 = arith.muli %while3A_1371, %mul3A_1444 : i32
          %add3A_1446 = arith.constant 16 : i32
          %add3A_1447 = arith.addi %mul3A_1445, %add3A_1446 : i32
          %swap3A_1448 = arith.index_cast %add3A_1447 : i32 to index
          %swap3A_1449 = tpu.vector_load %arg16[%swap3A_1448] {strides = array<i32>} : memref<4096xf32, #tpu.memory_space<vmem>>, vector<16xf32>,
          tpu.vector_store %arg16[%swap3A_1448], %parallel_loop3A_1431#1 {strides = array<i32>} : memref<4096xf32, #tpu.memory_space<vmem>>, vector<16xf32>,
          %mul3A_1450 = arith.constant 128 : i32
          %mul3A_1451 = arith.muli %while3A_1371, %mul3A_1450 : i32
          %add3A_1452 = arith.constant 16 : i32
          %add3A_1453 = arith.addi %mul3A_1451, %add3A_1452 : i32
          %swap3A_1454 = arith.index_cast %add3A_1453 : i32 to index
          %swap3A_1455 = tpu.vector_load %arg17[%swap3A_1454] {strides = array<i32>} : memref<4096xf32, #tpu.memory_space<vmem>>, vector<16xf32>,
          tpu.vector_store %arg17[%swap3A_1454], %parallel_loop3A_1431#9 {strides = array<i32>} : memref<4096xf32, #tpu.memory_space<vmem>>, vector<16xf32>,
          %mul3A_1456 = arith.constant 128 : i32
          %mul3A_1457 = arith.muli %while3A_1371, %mul3A_1456 : i32
          %add3A_1458 = arith.constant 32 : i32
          %add3A_1459 = arith.addi %mul3A_1457, %add3A_1458 : i32
          %swap3A_1460 = arith.index_cast %add3A_1459 : i32 to index
          %swap3A_1461 = tpu.vector_load %arg16[%swap3A_1460] {strides = array<i32>} : memref<4096xf32, #tpu.memory_space<vmem>>, vector<16xf32>,
          tpu.vector_store %arg16[%swap3A_1460], %parallel_loop3A_1431#2 {strides = array<i32>} : memref<4096xf32, #tpu.memory_space<vmem>>, vector<16xf32>,
          %mul3A_1462 = arith.constant 128 : i32
          %mul3A_1463 = arith.muli %while3A_1371, %mul3A_1462 : i32
          %add3A_1464 = arith.constant 32 : i32
          %add3A_1465 = arith.addi %mul3A_1463, %add3A_1464 : i32
          %swap3A_1466 = arith.index_cast %add3A_1465 : i32 to index
          %swap3A_1467 = tpu.vector_load %arg17[%swap3A_1466] {strides = array<i32>} : memref<4096xf32, #tpu.memory_space<vmem>>, vector<16xf32>,
          tpu.vector_store %arg17[%swap3A_1466], %parallel_loop3A_1431#10 {strides = array<i32>} : memref<4096xf32, #tpu.memory_space<vmem>>, vector<16xf32>,
          %mul3A_1468 = arith.constant 128 : i32
          %mul3A_1469 = arith.muli %while3A_1371, %mul3A_1468 : i32
          %add3A_1470 = arith.constant 48 : i32
          %add3A_1471 = arith.addi %mul3A_1469, %add3A_1470 : i32
          %swap3A_1472 = arith.index_cast %add3A_1471 : i32 to index
          %swap3A_1473 = tpu.vector_load %arg16[%swap3A_1472] {strides = array<i32>} : memref<4096xf32, #tpu.memory_space<vmem>>, vector<16xf32>,
          tpu.vector_store %arg16[%swap3A_1472], %parallel_loop3A_1431#3 {strides = array<i32>} : memref<4096xf32, #tpu.memory_space<vmem>>, vector<16xf32>,
          %mul3A_1474 = arith.constant 128 : i32
          %mul3A_1475 = arith.muli %while3A_1371, %mul3A_1474 : i32
          %add3A_1476 = arith.constant 48 : i32
          %add3A_1477 = arith.addi %mul3A_1475, %add3A_1476 : i32
          %swap3A_1478 = arith.index_cast %add3A_1477 : i32 to index
          %swap3A_1479 = tpu.vector_load %arg17[%swap3A_1478] {strides = array<i32>} : memref<4096xf32, #tpu.memory_space<vmem>>, vector<16xf32>,
          tpu.vector_store %arg17[%swap3A_1478], %parallel_loop3A_1431#11 {strides = array<i32>} : memref<4096xf32, #tpu.memory_space<vmem>>, vector<16xf32>,
          %mul3A_1480 = arith.constant 128 : i32
          %mul3A_1481 = arith.muli %while3A_1371, %mul3A_1480 : i32
          %add3A_1482 = arith.constant 64 : i32
          %add3A_1483 = arith.addi %mul3A_1481, %add3A_1482 : i32
          %swap3A_1484 = arith.index_cast %add3A_1483 : i32 to index
          %swap3A_1485 = tpu.vector_load %arg16[%swap3A_1484] {strides = array<i32>} : memref<4096xf32, #tpu.memory_space<vmem>>, vector<16xf32>,
          tpu.vector_store %arg16[%swap3A_1484], %parallel_loop3A_1431#4 {strides = array<i32>} : memref<4096xf32, #tpu.memory_space<vmem>>, vector<16xf32>,
          %mul3A_1486 = arith.constant 128 : i32
          %mul3A_1487 = arith.muli %while3A_1371, %mul3A_1486 : i32
          %add3A_1488 = arith.constant 64 : i32
          %add3A_1489 = arith.addi %mul3A_1487, %add3A_1488 : i32
          %swap3A_1490 = arith.index_cast %add3A_1489 : i32 to index
          %swap3A_1491 = tpu.vector_load %arg17[%swap3A_1490] {strides = array<i32>} : memref<4096xf32, #tpu.memory_space<vmem>>, vector<16xf32>,
          tpu.vector_store %arg17[%swap3A_1490], %parallel_loop3A_1431#12 {strides = array<i32>} : memref<4096xf32, #tpu.memory_space<vmem>>, vector<16xf32>,
          %mul3A_1492 = arith.constant 128 : i32
          %mul3A_1493 = arith.muli %while3A_1371, %mul3A_1492 : i32
          %add3A_1494 = arith.constant 80 : i32
          %add3A_1495 = arith.addi %mul3A_1493, %add3A_1494 : i32
          %swap3A_1496 = arith.index_cast %add3A_1495 : i32 to index
          %swap3A_1497 = tpu.vector_load %arg16[%swap3A_1496] {strides = array<i32>} : memref<4096xf32, #tpu.memory_space<vmem>>, vector<16xf32>,
          tpu.vector_store %arg16[%swap3A_1496], %parallel_loop3A_1431#5 {strides = array<i32>} : memref<4096xf32, #tpu.memory_space<vmem>>, vector<16xf32>,
          %mul3A_1498 = arith.constant 128 : i32
          %mul3A_1499 = arith.muli %while3A_1371, %mul3A_1498 : i32
          %add3A_1500 = arith.constant 80 : i32
          %add3A_1501 = arith.addi %mul3A_1499, %add3A_1500 : i32
          %swap3A_1502 = arith.index_cast %add3A_1501 : i32 to index
          %swap3A_1503 = tpu.vector_load %arg17[%swap3A_1502] {strides = array<i32>} : memref<4096xf32, #tpu.memory_space<vmem>>, vector<16xf32>,
          tpu.vector_store %arg17[%swap3A_1502], %parallel_loop3A_1431#13 {strides = array<i32>} : memref<4096xf32, #tpu.memory_space<vmem>>, vector<16xf32>,
          %mul3A_1504 = arith.constant 128 : i32
          %mul3A_1505 = arith.muli %while3A_1371, %mul3A_1504 : i32
          %add3A_1506 = arith.constant 96 : i32
          %add3A_1507 = arith.addi %mul3A_1505, %add3A_1506 : i32
          %swap3A_1508 = arith.index_cast %add3A_1507 : i32 to index
          %swap3A_1509 = tpu.vector_load %arg16[%swap3A_1508] {strides = array<i32>} : memref<4096xf32, #tpu.memory_space<vmem>>, vector<16xf32>,
          tpu.vector_store %arg16[%swap3A_1508], %parallel_loop3A_1431#6 {strides = array<i32>} : memref<4096xf32, #tpu.memory_space<vmem>>, vector<16xf32>,
          %mul3A_1510 = arith.constant 128 : i32
          %mul3A_1511 = arith.muli %while3A_1371, %mul3A_1510 : i32
          %add3A_1512 = arith.constant 96 : i32
          %add3A_1513 = arith.addi %mul3A_1511, %add3A_1512 : i32
          %swap3A_1514 = arith.index_cast %add3A_1513 : i32 to index
          %swap3A_1515 = tpu.vector_load %arg17[%swap3A_1514] {strides = array<i32>} : memref<4096xf32, #tpu.memory_space<vmem>>, vector<16xf32>,
          tpu.vector_store %arg17[%swap3A_1514], %parallel_loop3A_1431#14 {strides = array<i32>} : memref<4096xf32, #tpu.memory_space<vmem>>, vector<16xf32>,
          %mul3A_1516 = arith.constant 128 : i32
          %mul3A_1517 = arith.muli %while3A_1371, %mul3A_1516 : i32
          %add3A_1518 = arith.constant 112 : i32
          %add3A_1519 = arith.addi %mul3A_1517, %add3A_1518 : i32
          %swap3A_1520 = arith.index_cast %add3A_1519 : i32 to index
          %swap3A_1521 = tpu.vector_load %arg16[%swap3A_1520] {strides = array<i32>} : memref<4096xf32, #tpu.memory_space<vmem>>, vector<16xf32>,
          tpu.vector_store %arg16[%swap3A_1520], %parallel_loop3A_1431#7 {strides = array<i32>} : memref<4096xf32, #tpu.memory_space<vmem>>, vector<16xf32>,
          %mul3A_1522 = arith.constant 128 : i32
          %mul3A_1523 = arith.muli %while3A_1371, %mul3A_1522 : i32
          %add3A_1524 = arith.constant 112 : i32
          %add3A_1525 = arith.addi %mul3A_1523, %add3A_1524 : i32
          %swap3A_1526 = arith.index_cast %add3A_1525 : i32 to index
          %swap3A_1527 = tpu.vector_load %arg17[%swap3A_1526] {strides = array<i32>} : memref<4096xf32, #tpu.memory_space<vmem>>, vector<16xf32>,
          tpu.vector_store %arg17[%swap3A_1526], %parallel_loop3A_1431#15 {strides = array<i32>} : memref<4096xf32, #tpu.memory_space<vmem>>, vector<16xf32>,
          %add3A_1528 = arith.constant 1 : i32
          %add3A_1529 = arith.addi %while3A_1371, %add3A_1528 : i32
          scf.yield %add3A_1529, %reduce_sum3A_1429, %broadcast_in_dim3A_1242, %broadcast_in_dim3A_1244, %broadcast_in_dim3A_1246, %broadcast_in_dim3A_1248, %broadcast_in_dim3A_1250, %broadcast_in_dim3A_1252, %broadcast_in_dim3A_1254, %broadcast_in_dim3A_1256, %broadcast_in_dim3A_1258, %broadcast_in_dim3A_1260, %broadcast_in_dim3A_1262, %broadcast_in_dim3A_1264, %broadcast_in_dim3A_1266, %broadcast_in_dim3A_1268, %broadcast_in_dim3A_1270, %broadcast_in_dim3A_1272 : i32, i32, vector<16xf32>, vector<16xf32>, vector<16xf32>, vector<16xf32>, vector<16xf32>, vector<16xf32>, vector<16xf32>, vector<16xf32>, vector<16xf32>, vector<16xf32>, vector<16xf32>, vector<16xf32>, vector<16xf32>, vector<16xf32>, vector<16xf32>, vector<16xf32>
        }
        %parallel_loop3A = arith.constant 1 : i32
        %parallel_loop3A_1370:16 = scf.for %parallel_loop3A_1371 = %while3A_1369#1 to %min3A_1368 step %parallel_loop3A iter_args(%parallel_loop3A_1372 = %while3A_1369#2, %parallel_loop3A_1373 = %while3A_1369#3, %parallel_loop3A_1374 = %while3A_1369#4, %parallel_loop3A_1375 = %while3A_1369#5, %parallel_loop3A_1376 = %while3A_1369#6, %parallel_loop3A_1377 = %while3A_1369#7, %parallel_loop3A_1378 = %while3A_1369#8, %parallel_loop3A_1379 = %while3A_1369#9, %parallel_loop3A_1380 = %while3A_1369#10, %parallel_loop3A_1381 = %while3A_1369#11, %parallel_loop3A_1382 = %while3A_1369#12, %parallel_loop3A_1383 = %while3A_1369#13, %parallel_loop3A_1384 = %while3A_1369#14, %parallel_loop3A_1385 = %while3A_1369#15, %parallel_loop3A_1386 = %while3A_1369#16, %parallel_loop3A_1387 = %while3A_1369#17) -> (vector<16xf32>, vector<16xf32>, vector<16xf32>, vector<16xf32>, vector<16xf32>, vector<16xf32>, vector<16xf32>, vector<16xf32>, vector<16xf32>, vector<16xf32>, vector<16xf32>, vector<16xf32>, vector<16xf32>, vector<16xf32>, vector<16xf32>, vector<16xf32>)  : i32 {
          %parallel_loop3A_1388 = arith.subi %parallel_loop3A_1371, %min3A_1365 : i32
          %parallel_loop3A_1389 = arith.constant 128 : i32
          %parallel_loop3A_1390 = arith.muli %parallel_loop3A_1388, %parallel_loop3A_1389 : i32
          %parallel_loop3A_1391 = arith.constant 0 : i32
          %parallel_loop3A_1392 = arith.addi %parallel_loop3A_1390, %parallel_loop3A_1391 : i32
          %parallel_loop3A_1393 = arith.index_cast %parallel_loop3A_1392 : i32 to index
          %parallel_loop3A_1394 = tpu.vector_load %arg14[%parallel_loop3A_1393] {strides = array<i32>} : memref<32768xf32, #tpu.memory_space<vmem>>, vector<16xf32>,
          %parallel_loop3A_1395 = arith.addf %parallel_loop3A_1372, %parallel_loop3A_1394 : vector<16xf32>
          %parallel_loop3A_1396 = arith.maximumf %parallel_loop3A_1380, %parallel_loop3A_1394 : vector<16xf32>
          %parallel_loop3A_1397 = arith.constant 16 : i32
          %parallel_loop3A_1398 = arith.addi %parallel_loop3A_1390, %parallel_loop3A_1397 : i32
          %parallel_loop3A_1399 = arith.index_cast %parallel_loop3A_1398 : i32 to index
          %parallel_loop3A_1400 = tpu.vector_load %arg14[%parallel_loop3A_1399] {strides = array<i32>} : memref<32768xf32, #tpu.memory_space<vmem>>, vector<16xf32>,
          %parallel_loop3A_1401 = arith.addf %parallel_loop3A_1373, %parallel_loop3A_1400 : vector<16xf32>
          %parallel_loop3A_1402 = arith.maximumf %parallel_loop3A_1381, %parallel_loop3A_1400 : vector<16xf32>
          %parallel_loop3A_1403 = arith.constant 32 : i32
          %parallel_loop3A_1404 = arith.addi %parallel_loop3A_1390, %parallel_loop3A_1403 : i32
          %parallel_loop3A_1405 = arith.index_cast %parallel_loop3A_1404 : i32 to index
          %parallel_loop3A_1406 = tpu.vector_load %arg14[%parallel_loop3A_1405] {strides = array<i32>} : memref<32768xf32, #tpu.memory_space<vmem>>, vector<16xf32>,
          %parallel_loop3A_1407 = arith.addf %parallel_loop3A_1374, %parallel_loop3A_1406 : vector<16xf32>
          %parallel_loop3A_1408 = arith.maximumf %parallel_loop3A_1382, %parallel_loop3A_1406 : vector<16xf32>
          %parallel_loop3A_1409 = arith.constant 48 : i32
          %parallel_loop3A_1410 = arith.addi %parallel_loop3A_1390, %parallel_loop3A_1409 : i32
          %parallel_loop3A_1411 = arith.index_cast %parallel_loop3A_1410 : i32 to index
          %parallel_loop3A_1412 = tpu.vector_load %arg14[%parallel_loop3A_1411] {strides = array<i32>} : memref<32768xf32, #tpu.memory_space<vmem>>, vector<16xf32>,
          %parallel_loop3A_1413 = arith.addf %parallel_loop3A_1375, %parallel_loop3A_1412 : vector<16xf32>
          %parallel_loop3A_1414 = arith.maximumf %parallel_loop3A_1383, %parallel_loop3A_1412 : vector<16xf32>
          %parallel_loop3A_1415 = arith.constant 64 : i32
          %parallel_loop3A_1416 = arith.addi %parallel_loop3A_1390, %parallel_loop3A_1415 : i32
          %parallel_loop3A_1417 = arith.index_cast %parallel_loop3A_1416 : i32 to index
          %parallel_loop3A_1418 = tpu.vector_load %arg14[%parallel_loop3A_1417] {strides = array<i32>} : memref<32768xf32, #tpu.memory_space<vmem>>, vector<16xf32>,
          %parallel_loop3A_1419 = arith.addf %parallel_loop3A_1376, %parallel_loop3A_1418 : vector<16xf32>
          %parallel_loop3A_1420 = arith.maximumf %parallel_loop3A_1384, %parallel_loop3A_1418 : vector<16xf32>
          %parallel_loop3A_1421 = arith.constant 80 : i32
          %parallel_loop3A_1422 = arith.addi %parallel_loop3A_1390, %parallel_loop3A_1421 : i32
          %parallel_loop3A_1423 = arith.index_cast %parallel_loop3A_1422 : i32 to index
          %parallel_loop3A_1424 = tpu.vector_load %arg14[%parallel_loop3A_1423] {strides = array<i32>} : memref<32768xf32, #tpu.memory_space<vmem>>, vector<16xf32>,
          %parallel_loop3A_1425 = arith.addf %parallel_loop3A_1377, %parallel_loop3A_1424 : vector<16xf32>
          %parallel_loop3A_1426 = arith.maximumf %parallel_loop3A_1385, %parallel_loop3A_1424 : vector<16xf32>
          %parallel_loop3A_1427 = arith.constant 96 : i32
          %parallel_loop3A_1428 = arith.addi %parallel_loop3A_1390, %parallel_loop3A_1427 : i32
          %parallel_loop3A_1429 = arith.index_cast %parallel_loop3A_1428 : i32 to index
          %parallel_loop3A_1430 = tpu.vector_load %arg14[%parallel_loop3A_1429] {strides = array<i32>} : memref<32768xf32, #tpu.memory_space<vmem>>, vector<16xf32>,
          %parallel_loop3A_1431 = arith.addf %parallel_loop3A_1378, %parallel_loop3A_1430 : vector<16xf32>
          %parallel_loop3A_1432 = arith.maximumf %parallel_loop3A_1386, %parallel_loop3A_1430 : vector<16xf32>
          %parallel_loop3A_1433 = arith.constant 112 : i32
          %parallel_loop3A_1434 = arith.addi %parallel_loop3A_1390, %parallel_loop3A_1433 : i32
          %parallel_loop3A_1435 = arith.index_cast %parallel_loop3A_1434 : i32 to index
          %parallel_loop3A_1436 = tpu.vector_load %arg14[%parallel_loop3A_1435] {strides = array<i32>} : memref<32768xf32, #tpu.memory_space<vmem>>, vector<16xf32>,
          %parallel_loop3A_1437 = arith.addf %parallel_loop3A_1379, %parallel_loop3A_1436 : vector<16xf32>
          %parallel_loop3A_1438 = arith.maximumf %parallel_loop3A_1387, %parallel_loop3A_1436 : vector<16xf32>
          scf.yield %parallel_loop3A_1395, %parallel_loop3A_1401, %parallel_loop3A_1407, %parallel_loop3A_1413, %parallel_loop3A_1419, %parallel_loop3A_1425, %parallel_loop3A_1431, %parallel_loop3A_1437, %parallel_loop3A_1396, %parallel_loop3A_1402, %parallel_loop3A_1408, %parallel_loop3A_1414, %parallel_loop3A_1420, %parallel_loop3A_1426, %parallel_loop3A_1432, %parallel_loop3A_1438 : vector<16xf32>, vector<16xf32>, vector<16xf32>, vector<16xf32>, vector<16xf32>, vector<16xf32>, vector<16xf32>, vector<16xf32>, vector<16xf32>, vector<16xf32>, vector<16xf32>, vector<16xf32>, vector<16xf32>, vector<16xf32>, vector<16xf32>, vector<16xf32>
        } {sc.loop_unroll_factor = 4 : i64, sc.parallel_access}
        scf.yield %while3A_1369#0, %parallel_loop3A_1370#0, %parallel_loop3A_1370#1, %parallel_loop3A_1370#2, %parallel_loop3A_1370#3, %parallel_loop3A_1370#4, %parallel_loop3A_1370#5, %parallel_loop3A_1370#6, %parallel_loop3A_1370#7, %parallel_loop3A_1370#8, %parallel_loop3A_1370#9, %parallel_loop3A_1370#10, %parallel_loop3A_1370#11, %parallel_loop3A_1370#12, %parallel_loop3A_1370#13, %parallel_loop3A_1370#14, %parallel_loop3A_1370#15 : i32, vector<16xf32>, vector<16xf32>, vector<16xf32>, vector<16xf32>, vector<16xf32>, vector<16xf32>, vector<16xf32>, vector<16xf32>, vector<16xf32>, vector<16xf32>, vector<16xf32>, vector<16xf32>, vector<16xf32>, vector<16xf32>, vector<16xf32>, vector<16xf32>
      } else {
        scf.yield %while3A_1316, %while3A_1317, %while3A_1318, %while3A_1319, %while3A_1320, %while3A_1321, %while3A_1322, %while3A_1323, %while3A_1324, %while3A_1325, %while3A_1326, %while3A_1327, %while3A_1328, %while3A_1329, %while3A_1330, %while3A_1331, %while3A_1332 : i32, vector<16xf32>, vector<16xf32>, vector<16xf32>, vector<16xf32>, vector<16xf32>, vector<16xf32>, vector<16xf32>, vector<16xf32>, vector<16xf32>, vector<16xf32>, vector<16xf32>, vector<16xf32>, vector<16xf32>, vector<16xf32>, vector<16xf32>, vector<16xf32>
      }
      %mul3A_1342 = arith.constant 2 : i32
      %mul3A_1343 = arith.muli %mul3A_1342, %while3A_1315 : i32
      %add3A_1344 = arith.constant 1 : i32
      %add3A_1345 = arith.addi %mul3A_1343, %add3A_1344 : i32
      %lt3A_1346 = arith.cmpi slt, %add3A_1345, %select_n3A_1231 : i32
      %convert_element_type3A_1347 = arith.extui %lt3A_1346 : i1 to i32
      %cond3A_1348 = arith.constant 0 : i32
      %cond3A_1349 = arith.cmpi ne, %convert_element_type3A_1347, %cond3A_1348 : i32
      %cond3A_1350:17 = scf.if %cond3A_1349 -> (i32, vector<16xf32>, vector<16xf32>, vector<16xf32>, vector<16xf32>, vector<16xf32>, vector<16xf32>, vector<16xf32>, vector<16xf32>, vector<16xf32>, vector<16xf32>, vector<16xf32>, vector<16xf32>, vector<16xf32>, vector<16xf32>, vector<16xf32>, vector<16xf32>) {
        %dma_wait3A_1351 = arith.constant 0 : i32
        %dma_wait3A_1352 = tpu.memref_slice %arg2[%dma_wait3A_1351] : memref<12800000xf32, #tpu.memory_space<hbm>> -> memref<32768xf32, #tpu.memory_space<hbm>>
        %dma_wait3A_1353 = arith.constant 0 : i32
        %dma_wait3A_1354 = tpu.memref_slice %arg2[%dma_wait3A_1353] : memref<12800000xf32, #tpu.memory_space<hbm>> -> memref<32768xf32, #tpu.memory_space<hbm>>
        tpu.wait_dma2 semaphore(%arg19 : memref<!tpu.dma_semaphore, #tpu.memory_space<semaphore_mem>>) src(%dma_wait3A_1354 : memref<32768xf32, #tpu.memory_space<hbm>>) dst(%arg15 : memref<32768xf32, #tpu.memory_space<vmem>>)
        %add3A_1355 = arith.constant 2 : i32
        %add3A_1356 = arith.addi %add3A_1345, %add3A_1355 : i32
        %lt3A_1357 = arith.cmpi slt, %add3A_1356, %select_n3A_1231 : i32
        %convert_element_type3A_1358 = arith.extui %lt3A_1357 : i1 to i32
        %cond3A_1359 = arith.constant 0 : i32
        %cond3A_1360 = arith.cmpi ne, %convert_element_type3A_1358, %cond3A_1359 : i32
        scf.if %cond3A_1360 {
          %add3A_1371 = arith.constant 2 : i32
          %add3A_1372 = arith.addi %add3A_1345, %add3A_1371 : i32
          %mul3A_1373 = arith.constant 256 : i32
          %mul3A_1374 = arith.muli %add3A_1372, %mul3A_1373 : i32
          %add3A_1375 = arith.addi %reduce_sum3A_1195, %mul3A_1374 : i32
          %min3A_1376 = arith.constant 99744 : i32
          %min3A_1377 = arith.minsi %add3A_1375, %min3A_1376 : i32
          %mul3A_1378 = arith.constant 128 : i32
          %mul3A_1379 = arith.muli %min3A_1377, %mul3A_1378 : i32
          %dma_start3A_1380 = tpu.memref_slice %arg2[%mul3A_1379] : memref<12800000xf32, #tpu.memory_space<hbm>> -> memref<32768xf32, #tpu.memory_space<hbm>>
          %dma_start3A_1381 = tpu.memref_slice %arg2[%mul3A_1379] : memref<12800000xf32, #tpu.memory_space<hbm>> -> memref<32768xf32, #tpu.memory_space<hbm>>
          tpu.enqueue_dma source(%dma_start3A_1381 : memref<32768xf32, #tpu.memory_space<hbm>>) target(%arg15 : memref<32768xf32, #tpu.memory_space<vmem>>) target_semaphore(%arg19 : memref<!tpu.dma_semaphore, #tpu.memory_space<semaphore_mem>>)
        } else {
        }
        %mul3A_1361 = arith.constant 256 : i32
        %mul3A_1362 = arith.muli %add3A_1345, %mul3A_1361 : i32
        %add3A_1363 = arith.addi %reduce_sum3A_1195, %mul3A_1362 : i32
        %min3A_1364 = arith.constant 99744 : i32
        %min3A_1365 = arith.minsi %add3A_1363, %min3A_1364 : i32
        %add3A_1366 = arith.constant 256 : i32
        %add3A_1367 = arith.addi %add3A_1363, %add3A_1366 : i32
        %min3A_1368 = arith.minsi %add3A_1367, %reduce_sum3A_1208 : i32
        %while3A_1369:18 = scf.while (%while3A_1371 = %cond3A_1341#0, %while3A_1372 = %add3A_1363, %while3A_1373 = %cond3A_1341#1, %while3A_1374 = %cond3A_1341#2, %while3A_1375 = %cond3A_1341#3, %while3A_1376 = %cond3A_1341#4, %while3A_1377 = %cond3A_1341#5, %while3A_1378 = %cond3A_1341#6, %while3A_1379 = %cond3A_1341#7, %while3A_1380 = %cond3A_1341#8, %while3A_1381 = %cond3A_1341#9, %while3A_1382 = %cond3A_1341#10, %while3A_1383 = %cond3A_1341#11, %while3A_1384 = %cond3A_1341#12, %while3A_1385 = %cond3A_1341#13, %while3A_1386 = %cond3A_1341#14, %while3A_1387 = %cond3A_1341#15, %while3A_1388 = %cond3A_1341#16) : (i32, i32, vector<16xf32>, vector<16xf32>, vector<16xf32>, vector<16xf32>, vector<16xf32>, vector<16xf32>, vector<16xf32>, vector<16xf32>, vector<16xf32>, vector<16xf32>, vector<16xf32>, vector<16xf32>, vector<16xf32>, vector<16xf32>, vector<16xf32>, vector<16xf32>) -> (i32, i32, vector<16xf32>, vector<16xf32>, vector<16xf32>, vector<16xf32>, vector<16xf32>, vector<16xf32>, vector<16xf32>, vector<16xf32>, vector<16xf32>, vector<16xf32>, vector<16xf32>, vector<16xf32>, vector<16xf32>, vector<16xf32>, vector<16xf32>, vector<16xf32>) {
          %lt3A_1389 = arith.constant 32 : i32
          %lt3A_1390 = arith.cmpi slt, %while3A_1371, %lt3A_1389 : i32
          %add3A_1391 = arith.constant 1 : i32
          %add3A_1392 = arith.addi %while3A_1371, %add3A_1391 : i32
          %jit3A_1393 = arith.constant 16 : i32
          %div3A_1394 = arith.divsi %add3A_1392, %jit3A_1393 : i32
          %sign3A_1395 = arith.constant 0 : i32
          %sign3A_1396 = arith.cmpi sgt, %add3A_1392, %sign3A_1395 : i32
          %sign3A_1397 = arith.extui %sign3A_1396 : i1 to i32
          %sign3A_1398 = arith.constant 0 : i32
          %sign3A_1399 = arith.cmpi slt, %add3A_1392, %sign3A_1398 : i32
          %sign3A_1400 = arith.extui %sign3A_1399 : i1 to i32
          %sign3A_1401 = arith.subi %sign3A_1397, %sign3A_1400 : i32
          %sign3A_1402 = arith.constant 0 : i32
          %sign3A_1403 = arith.cmpi sgt, %jit3A_1393, %sign3A_1402 : i32
          %sign3A_1404 = arith.extui %sign3A_1403 : i1 to i32
          %sign3A_1405 = arith.constant 0 : i32
          %sign3A_1406 = arith.cmpi slt, %jit3A_1393, %sign3A_1405 : i32
          %sign3A_1407 = arith.extui %sign3A_1406 : i1 to i32
          %sign3A_1408 = arith.subi %sign3A_1404, %sign3A_1407 : i32
          %ne3A_1409 = arith.cmpi ne, %sign3A_1401, %sign3A_1408 : i32
          %rem3A_1410 = arith.remsi %add3A_1392, %jit3A_1393 : i32
          %ne3A_1411 = arith.constant 0 : i32
          %ne3A_1412 = arith.cmpi ne, %rem3A_1410, %ne3A_1411 : i32
          %and3A_1413 = arith.andi %ne3A_1409, %ne3A_1412 : i1
          %sub3A_1414 = arith.constant 1 : i32
          %sub3A_1415 = arith.subi %div3A_1394, %sub3A_1414 : i32
          %select_n3A_1416 = arith.select %and3A_1413, %sub3A_1415, %div3A_1394 : i32
          %mul3A_1417 = arith.constant 16 : i32
          %mul3A_1418 = arith.muli %select_n3A_1416, %mul3A_1417 : i32
          %get3A_1419 = arith.index_cast %mul3A_1418 : i32 to index
          %get3A_1420 = tpu.vector_load %arg7[%get3A_1419] {strides = array<i32>} : memref<48xi32, #tpu.memory_space<vmem>>, vector<16xi32>,
          %iota3A_1421 = tpu.iota {dimensions = array<i32: 0>} : vector<16xi32>
          %sub3A_1422 = arith.subi %add3A_1392, %mul3A_1418 : i32
          %eq3A_1423 = vector.broadcast %sub3A_1422 : i32 to vector<16xi32>
          %eq3A_1424 = arith.cmpi eq, %iota3A_1421, %eq3A_1423 : vector<16xi32>
          %jit3A_1425 = arith.constant 0 : i32
          %broadcast_in_dim3A_1426 = vector.broadcast %jit3A_1425 : i32 to vector<16xi32>
          %select_n3A_1427 = arith.select %eq3A_1424, %get3A_1420, %broadcast_in_dim3A_1426 : vector<16xi1>, vector<16xi32>
          %reduce_sum3A_1428 = arith.constant true
          %reduce_sum3A_1429 = vector.broadcast %reduce_sum3A_1428 : i1 to vector<16xi1>
          %reduce_sum3A_1430 = tpu.scan <sum>, %select_n3A_1427 masked %reduce_sum3A_1429 : vector<16xi32>, vector<16xi1> -> vector<16xi32>
          %reduce_sum3A_1431 = vector.extract %reduce_sum3A_1430[15] : i32 from vector<16xi32>
          %le3A = arith.cmpi sle, %reduce_sum3A_1431, %min3A_1368 : i32
          %and3A_1432 = arith.andi %lt3A_1390, %le3A : i1
          scf.condition(%and3A_1432) %while3A_1371, %while3A_1372, %while3A_1373, %while3A_1374, %while3A_1375, %while3A_1376, %while3A_1377, %while3A_1378, %while3A_1379, %while3A_1380, %while3A_1381, %while3A_1382, %while3A_1383, %while3A_1384, %while3A_1385, %while3A_1386, %while3A_1387, %while3A_1388 : i32, i32, vector<16xf32>, vector<16xf32>, vector<16xf32>, vector<16xf32>, vector<16xf32>, vector<16xf32>, vector<16xf32>, vector<16xf32>, vector<16xf32>, vector<16xf32>, vector<16xf32>, vector<16xf32>, vector<16xf32>, vector<16xf32>, vector<16xf32>, vector<16xf32>
        } do {
        ^bb0(%while3A_1371: i32, %while3A_1372: i32, %while3A_1373: vector<16xf32>, %while3A_1374: vector<16xf32>, %while3A_1375: vector<16xf32>, %while3A_1376: vector<16xf32>, %while3A_1377: vector<16xf32>, %while3A_1378: vector<16xf32>, %while3A_1379: vector<16xf32>, %while3A_1380: vector<16xf32>, %while3A_1381: vector<16xf32>, %while3A_1382: vector<16xf32>, %while3A_1383: vector<16xf32>, %while3A_1384: vector<16xf32>, %while3A_1385: vector<16xf32>, %while3A_1386: vector<16xf32>, %while3A_1387: vector<16xf32>, %while3A_1388: vector<16xf32>):
          %add3A_1389 = arith.constant 1 : i32
          %add3A_1390 = arith.addi %while3A_1371, %add3A_1389 : i32
          %jit3A_1391 = arith.constant 16 : i32
          %div3A_1392 = arith.divsi %add3A_1390, %jit3A_1391 : i32
          %sign3A_1393 = arith.constant 0 : i32
          %sign3A_1394 = arith.cmpi sgt, %add3A_1390, %sign3A_1393 : i32
          %sign3A_1395 = arith.extui %sign3A_1394 : i1 to i32
          %sign3A_1396 = arith.constant 0 : i32
          %sign3A_1397 = arith.cmpi slt, %add3A_1390, %sign3A_1396 : i32
          %sign3A_1398 = arith.extui %sign3A_1397 : i1 to i32
          %sign3A_1399 = arith.subi %sign3A_1395, %sign3A_1398 : i32
          %sign3A_1400 = arith.constant 0 : i32
          %sign3A_1401 = arith.cmpi sgt, %jit3A_1391, %sign3A_1400 : i32
          %sign3A_1402 = arith.extui %sign3A_1401 : i1 to i32
          %sign3A_1403 = arith.constant 0 : i32
          %sign3A_1404 = arith.cmpi slt, %jit3A_1391, %sign3A_1403 : i32
          %sign3A_1405 = arith.extui %sign3A_1404 : i1 to i32
          %sign3A_1406 = arith.subi %sign3A_1402, %sign3A_1405 : i32
          %ne3A_1407 = arith.cmpi ne, %sign3A_1399, %sign3A_1406 : i32
          %rem3A_1408 = arith.remsi %add3A_1390, %jit3A_1391 : i32
          %ne3A_1409 = arith.constant 0 : i32
          %ne3A_1410 = arith.cmpi ne, %rem3A_1408, %ne3A_1409 : i32
          %and3A_1411 = arith.andi %ne3A_1407, %ne3A_1410 : i1
          %sub3A_1412 = arith.constant 1 : i32
          %sub3A_1413 = arith.subi %div3A_1392, %sub3A_1412 : i32
          %select_n3A_1414 = arith.select %and3A_1411, %sub3A_1413, %div3A_1392 : i32
          %mul3A_1415 = arith.constant 16 : i32
          %mul3A_1416 = arith.muli %select_n3A_1414, %mul3A_1415 : i32
          %get3A_1417 = arith.index_cast %mul3A_1416 : i32 to index
          %get3A_1418 = tpu.vector_load %arg7[%get3A_1417] {strides = array<i32>} : memref<48xi32, #tpu.memory_space<vmem>>, vector<16xi32>,
          %iota3A_1419 = tpu.iota {dimensions = array<i32: 0>} : vector<16xi32>
          %sub3A_1420 = arith.subi %add3A_1390, %mul3A_1416 : i32
          %eq3A_1421 = vector.broadcast %sub3A_1420 : i32 to vector<16xi32>
          %eq3A_1422 = arith.cmpi eq, %iota3A_1419, %eq3A_1421 : vector<16xi32>
          %jit3A_1423 = arith.constant 0 : i32
          %broadcast_in_dim3A_1424 = vector.broadcast %jit3A_1423 : i32 to vector<16xi32>
          %select_n3A_1425 = arith.select %eq3A_1422, %get3A_1418, %broadcast_in_dim3A_1424 : vector<16xi1>, vector<16xi32>
          %reduce_sum3A_1426 = arith.constant true
          %reduce_sum3A_1427 = vector.broadcast %reduce_sum3A_1426 : i1 to vector<16xi1>
          %reduce_sum3A_1428 = tpu.scan <sum>, %select_n3A_1425 masked %reduce_sum3A_1427 : vector<16xi32>, vector<16xi1> -> vector<16xi32>
          %reduce_sum3A_1429 = vector.extract %reduce_sum3A_1428[15] : i32 from vector<16xi32>
          %parallel_loop3A_1430 = arith.constant 1 : i32
          %parallel_loop3A_1431:16 = scf.for %parallel_loop3A_1530 = %while3A_1372 to %reduce_sum3A_1429 step %parallel_loop3A_1430 iter_args(%parallel_loop3A_1531 = %while3A_1373, %parallel_loop3A_1532 = %while3A_1374, %parallel_loop3A_1533 = %while3A_1375, %parallel_loop3A_1534 = %while3A_1376, %parallel_loop3A_1535 = %while3A_1377, %parallel_loop3A_1536 = %while3A_1378, %parallel_loop3A_1537 = %while3A_1379, %parallel_loop3A_1538 = %while3A_1380, %parallel_loop3A_1539 = %while3A_1381, %parallel_loop3A_1540 = %while3A_1382, %parallel_loop3A_1541 = %while3A_1383, %parallel_loop3A_1542 = %while3A_1384, %parallel_loop3A_1543 = %while3A_1385, %parallel_loop3A_1544 = %while3A_1386, %parallel_loop3A_1545 = %while3A_1387, %parallel_loop3A_1546 = %while3A_1388) -> (vector<16xf32>, vector<16xf32>, vector<16xf32>, vector<16xf32>, vector<16xf32>, vector<16xf32>, vector<16xf32>, vector<16xf32>, vector<16xf32>, vector<16xf32>, vector<16xf32>, vector<16xf32>, vector<16xf32>, vector<16xf32>, vector<16xf32>, vector<16xf32>)  : i32 {
            %parallel_loop3A_1547 = arith.subi %parallel_loop3A_1530, %min3A_1365 : i32
            %parallel_loop3A_1548 = arith.constant 128 : i32
            %parallel_loop3A_1549 = arith.muli %parallel_loop3A_1547, %parallel_loop3A_1548 : i32
            %parallel_loop3A_1550 = arith.constant 0 : i32
            %parallel_loop3A_1551 = arith.addi %parallel_loop3A_1549, %parallel_loop3A_1550 : i32
            %parallel_loop3A_1552 = arith.index_cast %parallel_loop3A_1551 : i32 to index
            %parallel_loop3A_1553 = tpu.vector_load %arg15[%parallel_loop3A_1552] {strides = array<i32>} : memref<32768xf32, #tpu.memory_space<vmem>>, vector<16xf32>,
            %parallel_loop3A_1554 = arith.addf %parallel_loop3A_1531, %parallel_loop3A_1553 : vector<16xf32>
            %parallel_loop3A_1555 = arith.maximumf %parallel_loop3A_1539, %parallel_loop3A_1553 : vector<16xf32>
            %parallel_loop3A_1556 = arith.constant 16 : i32
            %parallel_loop3A_1557 = arith.addi %parallel_loop3A_1549, %parallel_loop3A_1556 : i32
            %parallel_loop3A_1558 = arith.index_cast %parallel_loop3A_1557 : i32 to index
            %parallel_loop3A_1559 = tpu.vector_load %arg15[%parallel_loop3A_1558] {strides = array<i32>} : memref<32768xf32, #tpu.memory_space<vmem>>, vector<16xf32>,
            %parallel_loop3A_1560 = arith.addf %parallel_loop3A_1532, %parallel_loop3A_1559 : vector<16xf32>
            %parallel_loop3A_1561 = arith.maximumf %parallel_loop3A_1540, %parallel_loop3A_1559 : vector<16xf32>
            %parallel_loop3A_1562 = arith.constant 32 : i32
            %parallel_loop3A_1563 = arith.addi %parallel_loop3A_1549, %parallel_loop3A_1562 : i32
            %parallel_loop3A_1564 = arith.index_cast %parallel_loop3A_1563 : i32 to index
            %parallel_loop3A_1565 = tpu.vector_load %arg15[%parallel_loop3A_1564] {strides = array<i32>} : memref<32768xf32, #tpu.memory_space<vmem>>, vector<16xf32>,
            %parallel_loop3A_1566 = arith.addf %parallel_loop3A_1533, %parallel_loop3A_1565 : vector<16xf32>
            %parallel_loop3A_1567 = arith.maximumf %parallel_loop3A_1541, %parallel_loop3A_1565 : vector<16xf32>
            %parallel_loop3A_1568 = arith.constant 48 : i32
            %parallel_loop3A_1569 = arith.addi %parallel_loop3A_1549, %parallel_loop3A_1568 : i32
            %parallel_loop3A_1570 = arith.index_cast %parallel_loop3A_1569 : i32 to index
            %parallel_loop3A_1571 = tpu.vector_load %arg15[%parallel_loop3A_1570] {strides = array<i32>} : memref<32768xf32, #tpu.memory_space<vmem>>, vector<16xf32>,
            %parallel_loop3A_1572 = arith.addf %parallel_loop3A_1534, %parallel_loop3A_1571 : vector<16xf32>
            %parallel_loop3A_1573 = arith.maximumf %parallel_loop3A_1542, %parallel_loop3A_1571 : vector<16xf32>
            %parallel_loop3A_1574 = arith.constant 64 : i32
            %parallel_loop3A_1575 = arith.addi %parallel_loop3A_1549, %parallel_loop3A_1574 : i32
            %parallel_loop3A_1576 = arith.index_cast %parallel_loop3A_1575 : i32 to index
            %parallel_loop3A_1577 = tpu.vector_load %arg15[%parallel_loop3A_1576] {strides = array<i32>} : memref<32768xf32, #tpu.memory_space<vmem>>, vector<16xf32>,
            %parallel_loop3A_1578 = arith.addf %parallel_loop3A_1535, %parallel_loop3A_1577 : vector<16xf32>
            %parallel_loop3A_1579 = arith.maximumf %parallel_loop3A_1543, %parallel_loop3A_1577 : vector<16xf32>
            %parallel_loop3A_1580 = arith.constant 80 : i32
            %parallel_loop3A_1581 = arith.addi %parallel_loop3A_1549, %parallel_loop3A_1580 : i32
            %parallel_loop3A_1582 = arith.index_cast %parallel_loop3A_1581 : i32 to index
            %parallel_loop3A_1583 = tpu.vector_load %arg15[%parallel_loop3A_1582] {strides = array<i32>} : memref<32768xf32, #tpu.memory_space<vmem>>, vector<16xf32>,
            %parallel_loop3A_1584 = arith.addf %parallel_loop3A_1536, %parallel_loop3A_1583 : vector<16xf32>
            %parallel_loop3A_1585 = arith.maximumf %parallel_loop3A_1544, %parallel_loop3A_1583 : vector<16xf32>
            %parallel_loop3A_1586 = arith.constant 96 : i32
            %parallel_loop3A_1587 = arith.addi %parallel_loop3A_1549, %parallel_loop3A_1586 : i32
            %parallel_loop3A_1588 = arith.index_cast %parallel_loop3A_1587 : i32 to index
            %parallel_loop3A_1589 = tpu.vector_load %arg15[%parallel_loop3A_1588] {strides = array<i32>} : memref<32768xf32, #tpu.memory_space<vmem>>, vector<16xf32>,
            %parallel_loop3A_1590 = arith.addf %parallel_loop3A_1537, %parallel_loop3A_1589 : vector<16xf32>
            %parallel_loop3A_1591 = arith.maximumf %parallel_loop3A_1545, %parallel_loop3A_1589 : vector<16xf32>
            %parallel_loop3A_1592 = arith.constant 112 : i32
            %parallel_loop3A_1593 = arith.addi %parallel_loop3A_1549, %parallel_loop3A_1592 : i32
            %parallel_loop3A_1594 = arith.index_cast %parallel_loop3A_1593 : i32 to index
            %parallel_loop3A_1595 = tpu.vector_load %arg15[%parallel_loop3A_1594] {strides = array<i32>} : memref<32768xf32, #tpu.memory_space<vmem>>, vector<16xf32>,
            %parallel_loop3A_1596 = arith.addf %parallel_loop3A_1538, %parallel_loop3A_1595 : vector<16xf32>
            %parallel_loop3A_1597 = arith.maximumf %parallel_loop3A_1546, %parallel_loop3A_1595 : vector<16xf32>
            scf.yield %parallel_loop3A_1554, %parallel_loop3A_1560, %parallel_loop3A_1566, %parallel_loop3A_1572, %parallel_loop3A_1578, %parallel_loop3A_1584, %parallel_loop3A_1590, %parallel_loop3A_1596, %parallel_loop3A_1555, %parallel_loop3A_1561, %parallel_loop3A_1567, %parallel_loop3A_1573, %parallel_loop3A_1579, %parallel_loop3A_1585, %parallel_loop3A_1591, %parallel_loop3A_1597 : vector<16xf32>, vector<16xf32>, vector<16xf32>, vector<16xf32>, vector<16xf32>, vector<16xf32>, vector<16xf32>, vector<16xf32>, vector<16xf32>, vector<16xf32>, vector<16xf32>, vector<16xf32>, vector<16xf32>, vector<16xf32>, vector<16xf32>, vector<16xf32>
          } {sc.loop_unroll_factor = 4 : i64, sc.parallel_access}
          %mul3A_1432 = arith.constant 128 : i32
          %mul3A_1433 = arith.muli %while3A_1371, %mul3A_1432 : i32
          %add3A_1434 = arith.constant 0 : i32
          %add3A_1435 = arith.addi %mul3A_1433, %add3A_1434 : i32
          %swap3A_1436 = arith.index_cast %add3A_1435 : i32 to index
          %swap3A_1437 = tpu.vector_load %arg16[%swap3A_1436] {strides = array<i32>} : memref<4096xf32, #tpu.memory_space<vmem>>, vector<16xf32>,
          tpu.vector_store %arg16[%swap3A_1436], %parallel_loop3A_1431#0 {strides = array<i32>} : memref<4096xf32, #tpu.memory_space<vmem>>, vector<16xf32>,
          %mul3A_1438 = arith.constant 128 : i32
          %mul3A_1439 = arith.muli %while3A_1371, %mul3A_1438 : i32
          %add3A_1440 = arith.constant 0 : i32
          %add3A_1441 = arith.addi %mul3A_1439, %add3A_1440 : i32
          %swap3A_1442 = arith.index_cast %add3A_1441 : i32 to index
          %swap3A_1443 = tpu.vector_load %arg17[%swap3A_1442] {strides = array<i32>} : memref<4096xf32, #tpu.memory_space<vmem>>, vector<16xf32>,
          tpu.vector_store %arg17[%swap3A_1442], %parallel_loop3A_1431#8 {strides = array<i32>} : memref<4096xf32, #tpu.memory_space<vmem>>, vector<16xf32>,
          %mul3A_1444 = arith.constant 128 : i32
          %mul3A_1445 = arith.muli %while3A_1371, %mul3A_1444 : i32
          %add3A_1446 = arith.constant 16 : i32
          %add3A_1447 = arith.addi %mul3A_1445, %add3A_1446 : i32
          %swap3A_1448 = arith.index_cast %add3A_1447 : i32 to index
          %swap3A_1449 = tpu.vector_load %arg16[%swap3A_1448] {strides = array<i32>} : memref<4096xf32, #tpu.memory_space<vmem>>, vector<16xf32>,
          tpu.vector_store %arg16[%swap3A_1448], %parallel_loop3A_1431#1 {strides = array<i32>} : memref<4096xf32, #tpu.memory_space<vmem>>, vector<16xf32>,
          %mul3A_1450 = arith.constant 128 : i32
          %mul3A_1451 = arith.muli %while3A_1371, %mul3A_1450 : i32
          %add3A_1452 = arith.constant 16 : i32
          %add3A_1453 = arith.addi %mul3A_1451, %add3A_1452 : i32
          %swap3A_1454 = arith.index_cast %add3A_1453 : i32 to index
          %swap3A_1455 = tpu.vector_load %arg17[%swap3A_1454] {strides = array<i32>} : memref<4096xf32, #tpu.memory_space<vmem>>, vector<16xf32>,
          tpu.vector_store %arg17[%swap3A_1454], %parallel_loop3A_1431#9 {strides = array<i32>} : memref<4096xf32, #tpu.memory_space<vmem>>, vector<16xf32>,
          %mul3A_1456 = arith.constant 128 : i32
          %mul3A_1457 = arith.muli %while3A_1371, %mul3A_1456 : i32
          %add3A_1458 = arith.constant 32 : i32
          %add3A_1459 = arith.addi %mul3A_1457, %add3A_1458 : i32
          %swap3A_1460 = arith.index_cast %add3A_1459 : i32 to index
          %swap3A_1461 = tpu.vector_load %arg16[%swap3A_1460] {strides = array<i32>} : memref<4096xf32, #tpu.memory_space<vmem>>, vector<16xf32>,
          tpu.vector_store %arg16[%swap3A_1460], %parallel_loop3A_1431#2 {strides = array<i32>} : memref<4096xf32, #tpu.memory_space<vmem>>, vector<16xf32>,
          %mul3A_1462 = arith.constant 128 : i32
          %mul3A_1463 = arith.muli %while3A_1371, %mul3A_1462 : i32
          %add3A_1464 = arith.constant 32 : i32
          %add3A_1465 = arith.addi %mul3A_1463, %add3A_1464 : i32
          %swap3A_1466 = arith.index_cast %add3A_1465 : i32 to index
          %swap3A_1467 = tpu.vector_load %arg17[%swap3A_1466] {strides = array<i32>} : memref<4096xf32, #tpu.memory_space<vmem>>, vector<16xf32>,
          tpu.vector_store %arg17[%swap3A_1466], %parallel_loop3A_1431#10 {strides = array<i32>} : memref<4096xf32, #tpu.memory_space<vmem>>, vector<16xf32>,
          %mul3A_1468 = arith.constant 128 : i32
          %mul3A_1469 = arith.muli %while3A_1371, %mul3A_1468 : i32
          %add3A_1470 = arith.constant 48 : i32
          %add3A_1471 = arith.addi %mul3A_1469, %add3A_1470 : i32
          %swap3A_1472 = arith.index_cast %add3A_1471 : i32 to index
          %swap3A_1473 = tpu.vector_load %arg16[%swap3A_1472] {strides = array<i32>} : memref<4096xf32, #tpu.memory_space<vmem>>, vector<16xf32>,
          tpu.vector_store %arg16[%swap3A_1472], %parallel_loop3A_1431#3 {strides = array<i32>} : memref<4096xf32, #tpu.memory_space<vmem>>, vector<16xf32>,
          %mul3A_1474 = arith.constant 128 : i32
          %mul3A_1475 = arith.muli %while3A_1371, %mul3A_1474 : i32
          %add3A_1476 = arith.constant 48 : i32
          %add3A_1477 = arith.addi %mul3A_1475, %add3A_1476 : i32
          %swap3A_1478 = arith.index_cast %add3A_1477 : i32 to index
          %swap3A_1479 = tpu.vector_load %arg17[%swap3A_1478] {strides = array<i32>} : memref<4096xf32, #tpu.memory_space<vmem>>, vector<16xf32>,
          tpu.vector_store %arg17[%swap3A_1478], %parallel_loop3A_1431#11 {strides = array<i32>} : memref<4096xf32, #tpu.memory_space<vmem>>, vector<16xf32>,
          %mul3A_1480 = arith.constant 128 : i32
          %mul3A_1481 = arith.muli %while3A_1371, %mul3A_1480 : i32
          %add3A_1482 = arith.constant 64 : i32
          %add3A_1483 = arith.addi %mul3A_1481, %add3A_1482 : i32
          %swap3A_1484 = arith.index_cast %add3A_1483 : i32 to index
          %swap3A_1485 = tpu.vector_load %arg16[%swap3A_1484] {strides = array<i32>} : memref<4096xf32, #tpu.memory_space<vmem>>, vector<16xf32>,
          tpu.vector_store %arg16[%swap3A_1484], %parallel_loop3A_1431#4 {strides = array<i32>} : memref<4096xf32, #tpu.memory_space<vmem>>, vector<16xf32>,
          %mul3A_1486 = arith.constant 128 : i32
          %mul3A_1487 = arith.muli %while3A_1371, %mul3A_1486 : i32
          %add3A_1488 = arith.constant 64 : i32
          %add3A_1489 = arith.addi %mul3A_1487, %add3A_1488 : i32
          %swap3A_1490 = arith.index_cast %add3A_1489 : i32 to index
          %swap3A_1491 = tpu.vector_load %arg17[%swap3A_1490] {strides = array<i32>} : memref<4096xf32, #tpu.memory_space<vmem>>, vector<16xf32>,
          tpu.vector_store %arg17[%swap3A_1490], %parallel_loop3A_1431#12 {strides = array<i32>} : memref<4096xf32, #tpu.memory_space<vmem>>, vector<16xf32>,
          %mul3A_1492 = arith.constant 128 : i32
          %mul3A_1493 = arith.muli %while3A_1371, %mul3A_1492 : i32
          %add3A_1494 = arith.constant 80 : i32
          %add3A_1495 = arith.addi %mul3A_1493, %add3A_1494 : i32
          %swap3A_1496 = arith.index_cast %add3A_1495 : i32 to index
          %swap3A_1497 = tpu.vector_load %arg16[%swap3A_1496] {strides = array<i32>} : memref<4096xf32, #tpu.memory_space<vmem>>, vector<16xf32>,
          tpu.vector_store %arg16[%swap3A_1496], %parallel_loop3A_1431#5 {strides = array<i32>} : memref<4096xf32, #tpu.memory_space<vmem>>, vector<16xf32>,
          %mul3A_1498 = arith.constant 128 : i32
          %mul3A_1499 = arith.muli %while3A_1371, %mul3A_1498 : i32
          %add3A_1500 = arith.constant 80 : i32
          %add3A_1501 = arith.addi %mul3A_1499, %add3A_1500 : i32
          %swap3A_1502 = arith.index_cast %add3A_1501 : i32 to index
          %swap3A_1503 = tpu.vector_load %arg17[%swap3A_1502] {strides = array<i32>} : memref<4096xf32, #tpu.memory_space<vmem>>, vector<16xf32>,
          tpu.vector_store %arg17[%swap3A_1502], %parallel_loop3A_1431#13 {strides = array<i32>} : memref<4096xf32, #tpu.memory_space<vmem>>, vector<16xf32>,
          %mul3A_1504 = arith.constant 128 : i32
          %mul3A_1505 = arith.muli %while3A_1371, %mul3A_1504 : i32
          %add3A_1506 = arith.constant 96 : i32
          %add3A_1507 = arith.addi %mul3A_1505, %add3A_1506 : i32
          %swap3A_1508 = arith.index_cast %add3A_1507 : i32 to index
          %swap3A_1509 = tpu.vector_load %arg16[%swap3A_1508] {strides = array<i32>} : memref<4096xf32, #tpu.memory_space<vmem>>, vector<16xf32>,
          tpu.vector_store %arg16[%swap3A_1508], %parallel_loop3A_1431#6 {strides = array<i32>} : memref<4096xf32, #tpu.memory_space<vmem>>, vector<16xf32>,
          %mul3A_1510 = arith.constant 128 : i32
          %mul3A_1511 = arith.muli %while3A_1371, %mul3A_1510 : i32
          %add3A_1512 = arith.constant 96 : i32
          %add3A_1513 = arith.addi %mul3A_1511, %add3A_1512 : i32
          %swap3A_1514 = arith.index_cast %add3A_1513 : i32 to index
          %swap3A_1515 = tpu.vector_load %arg17[%swap3A_1514] {strides = array<i32>} : memref<4096xf32, #tpu.memory_space<vmem>>, vector<16xf32>,
          tpu.vector_store %arg17[%swap3A_1514], %parallel_loop3A_1431#14 {strides = array<i32>} : memref<4096xf32, #tpu.memory_space<vmem>>, vector<16xf32>,
          %mul3A_1516 = arith.constant 128 : i32
          %mul3A_1517 = arith.muli %while3A_1371, %mul3A_1516 : i32
          %add3A_1518 = arith.constant 112 : i32
          %add3A_1519 = arith.addi %mul3A_1517, %add3A_1518 : i32
          %swap3A_1520 = arith.index_cast %add3A_1519 : i32 to index
          %swap3A_1521 = tpu.vector_load %arg16[%swap3A_1520] {strides = array<i32>} : memref<4096xf32, #tpu.memory_space<vmem>>, vector<16xf32>,
          tpu.vector_store %arg16[%swap3A_1520], %parallel_loop3A_1431#7 {strides = array<i32>} : memref<4096xf32, #tpu.memory_space<vmem>>, vector<16xf32>,
          %mul3A_1522 = arith.constant 128 : i32
          %mul3A_1523 = arith.muli %while3A_1371, %mul3A_1522 : i32
          %add3A_1524 = arith.constant 112 : i32
          %add3A_1525 = arith.addi %mul3A_1523, %add3A_1524 : i32
          %swap3A_1526 = arith.index_cast %add3A_1525 : i32 to index
          %swap3A_1527 = tpu.vector_load %arg17[%swap3A_1526] {strides = array<i32>} : memref<4096xf32, #tpu.memory_space<vmem>>, vector<16xf32>,
          tpu.vector_store %arg17[%swap3A_1526], %parallel_loop3A_1431#15 {strides = array<i32>} : memref<4096xf32, #tpu.memory_space<vmem>>, vector<16xf32>,
          %add3A_1528 = arith.constant 1 : i32
          %add3A_1529 = arith.addi %while3A_1371, %add3A_1528 : i32
          scf.yield %add3A_1529, %reduce_sum3A_1429, %broadcast_in_dim3A_1242, %broadcast_in_dim3A_1244, %broadcast_in_dim3A_1246, %broadcast_in_dim3A_1248, %broadcast_in_dim3A_1250, %broadcast_in_dim3A_1252, %broadcast_in_dim3A_1254, %broadcast_in_dim3A_1256, %broadcast_in_dim3A_1258, %broadcast_in_dim3A_1260, %broadcast_in_dim3A_1262, %broadcast_in_dim3A_1264, %broadcast_in_dim3A_1266, %broadcast_in_dim3A_1268, %broadcast_in_dim3A_1270, %broadcast_in_dim3A_1272 : i32, i32, vector<16xf32>, vector<16xf32>, vector<16xf32>, vector<16xf32>, vector<16xf32>, vector<16xf32>, vector<16xf32>, vector<16xf32>, vector<16xf32>, vector<16xf32>, vector<16xf32>, vector<16xf32>, vector<16xf32>, vector<16xf32>, vector<16xf32>, vector<16xf32>
        }
        %parallel_loop3A = arith.constant 1 : i32
        %parallel_loop3A_1370:16 = scf.for %parallel_loop3A_1371 = %while3A_1369#1 to %min3A_1368 step %parallel_loop3A iter_args(%parallel_loop3A_1372 = %while3A_1369#2, %parallel_loop3A_1373 = %while3A_1369#3, %parallel_loop3A_1374 = %while3A_1369#4, %parallel_loop3A_1375 = %while3A_1369#5, %parallel_loop3A_1376 = %while3A_1369#6, %parallel_loop3A_1377 = %while3A_1369#7, %parallel_loop3A_1378 = %while3A_1369#8, %parallel_loop3A_1379 = %while3A_1369#9, %parallel_loop3A_1380 = %while3A_1369#10, %parallel_loop3A_1381 = %while3A_1369#11, %parallel_loop3A_1382 = %while3A_1369#12, %parallel_loop3A_1383 = %while3A_1369#13, %parallel_loop3A_1384 = %while3A_1369#14, %parallel_loop3A_1385 = %while3A_1369#15, %parallel_loop3A_1386 = %while3A_1369#16, %parallel_loop3A_1387 = %while3A_1369#17) -> (vector<16xf32>, vector<16xf32>, vector<16xf32>, vector<16xf32>, vector<16xf32>, vector<16xf32>, vector<16xf32>, vector<16xf32>, vector<16xf32>, vector<16xf32>, vector<16xf32>, vector<16xf32>, vector<16xf32>, vector<16xf32>, vector<16xf32>, vector<16xf32>)  : i32 {
          %parallel_loop3A_1388 = arith.subi %parallel_loop3A_1371, %min3A_1365 : i32
          %parallel_loop3A_1389 = arith.constant 128 : i32
          %parallel_loop3A_1390 = arith.muli %parallel_loop3A_1388, %parallel_loop3A_1389 : i32
          %parallel_loop3A_1391 = arith.constant 0 : i32
          %parallel_loop3A_1392 = arith.addi %parallel_loop3A_1390, %parallel_loop3A_1391 : i32
          %parallel_loop3A_1393 = arith.index_cast %parallel_loop3A_1392 : i32 to index
          %parallel_loop3A_1394 = tpu.vector_load %arg15[%parallel_loop3A_1393] {strides = array<i32>} : memref<32768xf32, #tpu.memory_space<vmem>>, vector<16xf32>,
          %parallel_loop3A_1395 = arith.addf %parallel_loop3A_1372, %parallel_loop3A_1394 : vector<16xf32>
          %parallel_loop3A_1396 = arith.maximumf %parallel_loop3A_1380, %parallel_loop3A_1394 : vector<16xf32>
          %parallel_loop3A_1397 = arith.constant 16 : i32
          %parallel_loop3A_1398 = arith.addi %parallel_loop3A_1390, %parallel_loop3A_1397 : i32
          %parallel_loop3A_1399 = arith.index_cast %parallel_loop3A_1398 : i32 to index
          %parallel_loop3A_1400 = tpu.vector_load %arg15[%parallel_loop3A_1399] {strides = array<i32>} : memref<32768xf32, #tpu.memory_space<vmem>>, vector<16xf32>,
          %parallel_loop3A_1401 = arith.addf %parallel_loop3A_1373, %parallel_loop3A_1400 : vector<16xf32>
          %parallel_loop3A_1402 = arith.maximumf %parallel_loop3A_1381, %parallel_loop3A_1400 : vector<16xf32>
          %parallel_loop3A_1403 = arith.constant 32 : i32
          %parallel_loop3A_1404 = arith.addi %parallel_loop3A_1390, %parallel_loop3A_1403 : i32
          %parallel_loop3A_1405 = arith.index_cast %parallel_loop3A_1404 : i32 to index
          %parallel_loop3A_1406 = tpu.vector_load %arg15[%parallel_loop3A_1405] {strides = array<i32>} : memref<32768xf32, #tpu.memory_space<vmem>>, vector<16xf32>,
          %parallel_loop3A_1407 = arith.addf %parallel_loop3A_1374, %parallel_loop3A_1406 : vector<16xf32>
          %parallel_loop3A_1408 = arith.maximumf %parallel_loop3A_1382, %parallel_loop3A_1406 : vector<16xf32>
          %parallel_loop3A_1409 = arith.constant 48 : i32
          %parallel_loop3A_1410 = arith.addi %parallel_loop3A_1390, %parallel_loop3A_1409 : i32
          %parallel_loop3A_1411 = arith.index_cast %parallel_loop3A_1410 : i32 to index
          %parallel_loop3A_1412 = tpu.vector_load %arg15[%parallel_loop3A_1411] {strides = array<i32>} : memref<32768xf32, #tpu.memory_space<vmem>>, vector<16xf32>,
          %parallel_loop3A_1413 = arith.addf %parallel_loop3A_1375, %parallel_loop3A_1412 : vector<16xf32>
          %parallel_loop3A_1414 = arith.maximumf %parallel_loop3A_1383, %parallel_loop3A_1412 : vector<16xf32>
          %parallel_loop3A_1415 = arith.constant 64 : i32
          %parallel_loop3A_1416 = arith.addi %parallel_loop3A_1390, %parallel_loop3A_1415 : i32
          %parallel_loop3A_1417 = arith.index_cast %parallel_loop3A_1416 : i32 to index
          %parallel_loop3A_1418 = tpu.vector_load %arg15[%parallel_loop3A_1417] {strides = array<i32>} : memref<32768xf32, #tpu.memory_space<vmem>>, vector<16xf32>,
          %parallel_loop3A_1419 = arith.addf %parallel_loop3A_1376, %parallel_loop3A_1418 : vector<16xf32>
          %parallel_loop3A_1420 = arith.maximumf %parallel_loop3A_1384, %parallel_loop3A_1418 : vector<16xf32>
          %parallel_loop3A_1421 = arith.constant 80 : i32
          %parallel_loop3A_1422 = arith.addi %parallel_loop3A_1390, %parallel_loop3A_1421 : i32
          %parallel_loop3A_1423 = arith.index_cast %parallel_loop3A_1422 : i32 to index
          %parallel_loop3A_1424 = tpu.vector_load %arg15[%parallel_loop3A_1423] {strides = array<i32>} : memref<32768xf32, #tpu.memory_space<vmem>>, vector<16xf32>,
          %parallel_loop3A_1425 = arith.addf %parallel_loop3A_1377, %parallel_loop3A_1424 : vector<16xf32>
          %parallel_loop3A_1426 = arith.maximumf %parallel_loop3A_1385, %parallel_loop3A_1424 : vector<16xf32>
          %parallel_loop3A_1427 = arith.constant 96 : i32
          %parallel_loop3A_1428 = arith.addi %parallel_loop3A_1390, %parallel_loop3A_1427 : i32
          %parallel_loop3A_1429 = arith.index_cast %parallel_loop3A_1428 : i32 to index
          %parallel_loop3A_1430 = tpu.vector_load %arg15[%parallel_loop3A_1429] {strides = array<i32>} : memref<32768xf32, #tpu.memory_space<vmem>>, vector<16xf32>,
          %parallel_loop3A_1431 = arith.addf %parallel_loop3A_1378, %parallel_loop3A_1430 : vector<16xf32>
          %parallel_loop3A_1432 = arith.maximumf %parallel_loop3A_1386, %parallel_loop3A_1430 : vector<16xf32>
          %parallel_loop3A_1433 = arith.constant 112 : i32
          %parallel_loop3A_1434 = arith.addi %parallel_loop3A_1390, %parallel_loop3A_1433 : i32
          %parallel_loop3A_1435 = arith.index_cast %parallel_loop3A_1434 : i32 to index
          %parallel_loop3A_1436 = tpu.vector_load %arg15[%parallel_loop3A_1435] {strides = array<i32>} : memref<32768xf32, #tpu.memory_space<vmem>>, vector<16xf32>,
          %parallel_loop3A_1437 = arith.addf %parallel_loop3A_1379, %parallel_loop3A_1436 : vector<16xf32>
          %parallel_loop3A_1438 = arith.maximumf %parallel_loop3A_1387, %parallel_loop3A_1436 : vector<16xf32>
          scf.yield %parallel_loop3A_1395, %parallel_loop3A_1401, %parallel_loop3A_1407, %parallel_loop3A_1413, %parallel_loop3A_1419, %parallel_loop3A_1425, %parallel_loop3A_1431, %parallel_loop3A_1437, %parallel_loop3A_1396, %parallel_loop3A_1402, %parallel_loop3A_1408, %parallel_loop3A_1414, %parallel_loop3A_1420, %parallel_loop3A_1426, %parallel_loop3A_1432, %parallel_loop3A_1438 : vector<16xf32>, vector<16xf32>, vector<16xf32>, vector<16xf32>, vector<16xf32>, vector<16xf32>, vector<16xf32>, vector<16xf32>, vector<16xf32>, vector<16xf32>, vector<16xf32>, vector<16xf32>, vector<16xf32>, vector<16xf32>, vector<16xf32>, vector<16xf32>
        } {sc.loop_unroll_factor = 4 : i64, sc.parallel_access}
        scf.yield %while3A_1369#0, %parallel_loop3A_1370#0, %parallel_loop3A_1370#1, %parallel_loop3A_1370#2, %parallel_loop3A_1370#3, %parallel_loop3A_1370#4, %parallel_loop3A_1370#5, %parallel_loop3A_1370#6, %parallel_loop3A_1370#7, %parallel_loop3A_1370#8, %parallel_loop3A_1370#9, %parallel_loop3A_1370#10, %parallel_loop3A_1370#11, %parallel_loop3A_1370#12, %parallel_loop3A_1370#13, %parallel_loop3A_1370#14, %parallel_loop3A_1370#15 : i32, vector<16xf32>, vector<16xf32>, vector<16xf32>, vector<16xf32>, vector<16xf32>, vector<16xf32>, vector<16xf32>, vector<16xf32>, vector<16xf32>, vector<16xf32>, vector<16xf32>, vector<16xf32>, vector<16xf32>, vector<16xf32>, vector<16xf32>, vector<16xf32>
      } else {
        scf.yield %cond3A_1341#0, %cond3A_1341#1, %cond3A_1341#2, %cond3A_1341#3, %cond3A_1341#4, %cond3A_1341#5, %cond3A_1341#6, %cond3A_1341#7, %cond3A_1341#8, %cond3A_1341#9, %cond3A_1341#10, %cond3A_1341#11, %cond3A_1341#12, %cond3A_1341#13, %cond3A_1341#14, %cond3A_1341#15, %cond3A_1341#16 : i32, vector<16xf32>, vector<16xf32>, vector<16xf32>, vector<16xf32>, vector<16xf32>, vector<16xf32>, vector<16xf32>, vector<16xf32>, vector<16xf32>, vector<16xf32>, vector<16xf32>, vector<16xf32>, vector<16xf32>, vector<16xf32>, vector<16xf32>, vector<16xf32>
      }
      scf.yield %cond3A_1350#0, %cond3A_1350#1, %cond3A_1350#2, %cond3A_1350#3, %cond3A_1350#4, %cond3A_1350#5, %cond3A_1350#6, %cond3A_1350#7, %cond3A_1350#8, %cond3A_1350#9, %cond3A_1350#10, %cond3A_1350#11, %cond3A_1350#12, %cond3A_1350#13, %cond3A_1350#14, %cond3A_1350#15, %cond3A_1350#16 : i32, vector<16xf32>, vector<16xf32>, vector<16xf32>, vector<16xf32>, vector<16xf32>, vector<16xf32>, vector<16xf32>, vector<16xf32>, vector<16xf32>, vector<16xf32>, vector<16xf32>, vector<16xf32>, vector<16xf32>, vector<16xf32>, vector<16xf32>, vector<16xf32>
    }
    %while3A_1308 = arith.constant 1 : i32
    %while3A_1309:17 = scf.for %while3A_1315 = %while3A_1305 to %while3A_1301 step %while3A_1308 iter_args(%while3A_1316 = %while3A_1307#0, %while3A_1317 = %while3A_1307#1, %while3A_1318 = %while3A_1307#2, %while3A_1319 = %while3A_1307#3, %while3A_1320 = %while3A_1307#4, %while3A_1321 = %while3A_1307#5, %while3A_1322 = %while3A_1307#6, %while3A_1323 = %while3A_1307#7, %while3A_1324 = %while3A_1307#8, %while3A_1325 = %while3A_1307#9, %while3A_1326 = %while3A_1307#10, %while3A_1327 = %while3A_1307#11, %while3A_1328 = %while3A_1307#12, %while3A_1329 = %while3A_1307#13, %while3A_1330 = %while3A_1307#14, %while3A_1331 = %while3A_1307#15, %while3A_1332 = %while3A_1307#16) -> (i32, vector<16xf32>, vector<16xf32>, vector<16xf32>, vector<16xf32>, vector<16xf32>, vector<16xf32>, vector<16xf32>, vector<16xf32>, vector<16xf32>, vector<16xf32>, vector<16xf32>, vector<16xf32>, vector<16xf32>, vector<16xf32>, vector<16xf32>, vector<16xf32>)  : i32 {
      %mul3A_1333 = arith.constant 2 : i32
      %mul3A_1334 = arith.muli %mul3A_1333, %while3A_1315 : i32
      %add3A_1335 = arith.constant 0 : i32
      %add3A_1336 = arith.addi %mul3A_1334, %add3A_1335 : i32
      %lt3A_1337 = arith.cmpi slt, %add3A_1336, %select_n3A_1231 : i32
      %convert_element_type3A_1338 = arith.extui %lt3A_1337 : i1 to i32
      %cond3A_1339 = arith.constant 0 : i32
      %cond3A_1340 = arith.cmpi ne, %convert_element_type3A_1338, %cond3A_1339 : i32
      %cond3A_1341:17 = scf.if %cond3A_1340 -> (i32, vector<16xf32>, vector<16xf32>, vector<16xf32>, vector<16xf32>, vector<16xf32>, vector<16xf32>, vector<16xf32>, vector<16xf32>, vector<16xf32>, vector<16xf32>, vector<16xf32>, vector<16xf32>, vector<16xf32>, vector<16xf32>, vector<16xf32>, vector<16xf32>) {
        %dma_wait3A_1351 = arith.constant 0 : i32
        %dma_wait3A_1352 = tpu.memref_slice %arg2[%dma_wait3A_1351] : memref<12800000xf32, #tpu.memory_space<hbm>> -> memref<32768xf32, #tpu.memory_space<hbm>>
        %dma_wait3A_1353 = arith.constant 0 : i32
        %dma_wait3A_1354 = tpu.memref_slice %arg2[%dma_wait3A_1353] : memref<12800000xf32, #tpu.memory_space<hbm>> -> memref<32768xf32, #tpu.memory_space<hbm>>
        tpu.wait_dma2 semaphore(%arg18 : memref<!tpu.dma_semaphore, #tpu.memory_space<semaphore_mem>>) src(%dma_wait3A_1354 : memref<32768xf32, #tpu.memory_space<hbm>>) dst(%arg14 : memref<32768xf32, #tpu.memory_space<vmem>>)
        %add3A_1355 = arith.constant 2 : i32
        %add3A_1356 = arith.addi %add3A_1336, %add3A_1355 : i32
        %lt3A_1357 = arith.cmpi slt, %add3A_1356, %select_n3A_1231 : i32
        %convert_element_type3A_1358 = arith.extui %lt3A_1357 : i1 to i32
        %cond3A_1359 = arith.constant 0 : i32
        %cond3A_1360 = arith.cmpi ne, %convert_element_type3A_1358, %cond3A_1359 : i32
        scf.if %cond3A_1360 {
          %add3A_1371 = arith.constant 2 : i32
          %add3A_1372 = arith.addi %add3A_1336, %add3A_1371 : i32
          %mul3A_1373 = arith.constant 256 : i32
          %mul3A_1374 = arith.muli %add3A_1372, %mul3A_1373 : i32
          %add3A_1375 = arith.addi %reduce_sum3A_1195, %mul3A_1374 : i32
          %min3A_1376 = arith.constant 99744 : i32
          %min3A_1377 = arith.minsi %add3A_1375, %min3A_1376 : i32
          %mul3A_1378 = arith.constant 128 : i32
          %mul3A_1379 = arith.muli %min3A_1377, %mul3A_1378 : i32
          %dma_start3A_1380 = tpu.memref_slice %arg2[%mul3A_1379] : memref<12800000xf32, #tpu.memory_space<hbm>> -> memref<32768xf32, #tpu.memory_space<hbm>>
          %dma_start3A_1381 = tpu.memref_slice %arg2[%mul3A_1379] : memref<12800000xf32, #tpu.memory_space<hbm>> -> memref<32768xf32, #tpu.memory_space<hbm>>
          tpu.enqueue_dma source(%dma_start3A_1381 : memref<32768xf32, #tpu.memory_space<hbm>>) target(%arg14 : memref<32768xf32, #tpu.memory_space<vmem>>) target_semaphore(%arg18 : memref<!tpu.dma_semaphore, #tpu.memory_space<semaphore_mem>>)
        } else {
        }
        %mul3A_1361 = arith.constant 256 : i32
        %mul3A_1362 = arith.muli %add3A_1336, %mul3A_1361 : i32
        %add3A_1363 = arith.addi %reduce_sum3A_1195, %mul3A_1362 : i32
        %min3A_1364 = arith.constant 99744 : i32
        %min3A_1365 = arith.minsi %add3A_1363, %min3A_1364 : i32
        %add3A_1366 = arith.constant 256 : i32
        %add3A_1367 = arith.addi %add3A_1363, %add3A_1366 : i32
        %min3A_1368 = arith.minsi %add3A_1367, %reduce_sum3A_1208 : i32
        %while3A_1369:18 = scf.while (%while3A_1371 = %while3A_1316, %while3A_1372 = %add3A_1363, %while3A_1373 = %while3A_1317, %while3A_1374 = %while3A_1318, %while3A_1375 = %while3A_1319, %while3A_1376 = %while3A_1320, %while3A_1377 = %while3A_1321, %while3A_1378 = %while3A_1322, %while3A_1379 = %while3A_1323, %while3A_1380 = %while3A_1324, %while3A_1381 = %while3A_1325, %while3A_1382 = %while3A_1326, %while3A_1383 = %while3A_1327, %while3A_1384 = %while3A_1328, %while3A_1385 = %while3A_1329, %while3A_1386 = %while3A_1330, %while3A_1387 = %while3A_1331, %while3A_1388 = %while3A_1332) : (i32, i32, vector<16xf32>, vector<16xf32>, vector<16xf32>, vector<16xf32>, vector<16xf32>, vector<16xf32>, vector<16xf32>, vector<16xf32>, vector<16xf32>, vector<16xf32>, vector<16xf32>, vector<16xf32>, vector<16xf32>, vector<16xf32>, vector<16xf32>, vector<16xf32>) -> (i32, i32, vector<16xf32>, vector<16xf32>, vector<16xf32>, vector<16xf32>, vector<16xf32>, vector<16xf32>, vector<16xf32>, vector<16xf32>, vector<16xf32>, vector<16xf32>, vector<16xf32>, vector<16xf32>, vector<16xf32>, vector<16xf32>, vector<16xf32>, vector<16xf32>) {
          %lt3A_1389 = arith.constant 32 : i32
          %lt3A_1390 = arith.cmpi slt, %while3A_1371, %lt3A_1389 : i32
          %add3A_1391 = arith.constant 1 : i32
          %add3A_1392 = arith.addi %while3A_1371, %add3A_1391 : i32
          %jit3A_1393 = arith.constant 16 : i32
          %div3A_1394 = arith.divsi %add3A_1392, %jit3A_1393 : i32
          %sign3A_1395 = arith.constant 0 : i32
          %sign3A_1396 = arith.cmpi sgt, %add3A_1392, %sign3A_1395 : i32
          %sign3A_1397 = arith.extui %sign3A_1396 : i1 to i32
          %sign3A_1398 = arith.constant 0 : i32
          %sign3A_1399 = arith.cmpi slt, %add3A_1392, %sign3A_1398 : i32
          %sign3A_1400 = arith.extui %sign3A_1399 : i1 to i32
          %sign3A_1401 = arith.subi %sign3A_1397, %sign3A_1400 : i32
          %sign3A_1402 = arith.constant 0 : i32
          %sign3A_1403 = arith.cmpi sgt, %jit3A_1393, %sign3A_1402 : i32
          %sign3A_1404 = arith.extui %sign3A_1403 : i1 to i32
          %sign3A_1405 = arith.constant 0 : i32
          %sign3A_1406 = arith.cmpi slt, %jit3A_1393, %sign3A_1405 : i32
          %sign3A_1407 = arith.extui %sign3A_1406 : i1 to i32
          %sign3A_1408 = arith.subi %sign3A_1404, %sign3A_1407 : i32
          %ne3A_1409 = arith.cmpi ne, %sign3A_1401, %sign3A_1408 : i32
          %rem3A_1410 = arith.remsi %add3A_1392, %jit3A_1393 : i32
          %ne3A_1411 = arith.constant 0 : i32
          %ne3A_1412 = arith.cmpi ne, %rem3A_1410, %ne3A_1411 : i32
          %and3A_1413 = arith.andi %ne3A_1409, %ne3A_1412 : i1
          %sub3A_1414 = arith.constant 1 : i32
          %sub3A_1415 = arith.subi %div3A_1394, %sub3A_1414 : i32
          %select_n3A_1416 = arith.select %and3A_1413, %sub3A_1415, %div3A_1394 : i32
          %mul3A_1417 = arith.constant 16 : i32
          %mul3A_1418 = arith.muli %select_n3A_1416, %mul3A_1417 : i32
          %get3A_1419 = arith.index_cast %mul3A_1418 : i32 to index
          %get3A_1420 = tpu.vector_load %arg7[%get3A_1419] {strides = array<i32>} : memref<48xi32, #tpu.memory_space<vmem>>, vector<16xi32>,
          %iota3A_1421 = tpu.iota {dimensions = array<i32: 0>} : vector<16xi32>
          %sub3A_1422 = arith.subi %add3A_1392, %mul3A_1418 : i32
          %eq3A_1423 = vector.broadcast %sub3A_1422 : i32 to vector<16xi32>
          %eq3A_1424 = arith.cmpi eq, %iota3A_1421, %eq3A_1423 : vector<16xi32>
          %jit3A_1425 = arith.constant 0 : i32
          %broadcast_in_dim3A_1426 = vector.broadcast %jit3A_1425 : i32 to vector<16xi32>
          %select_n3A_1427 = arith.select %eq3A_1424, %get3A_1420, %broadcast_in_dim3A_1426 : vector<16xi1>, vector<16xi32>
          %reduce_sum3A_1428 = arith.constant true
          %reduce_sum3A_1429 = vector.broadcast %reduce_sum3A_1428 : i1 to vector<16xi1>
          %reduce_sum3A_1430 = tpu.scan <sum>, %select_n3A_1427 masked %reduce_sum3A_1429 : vector<16xi32>, vector<16xi1> -> vector<16xi32>
          %reduce_sum3A_1431 = vector.extract %reduce_sum3A_1430[15] : i32 from vector<16xi32>
          %le3A = arith.cmpi sle, %reduce_sum3A_1431, %min3A_1368 : i32
          %and3A_1432 = arith.andi %lt3A_1390, %le3A : i1
          scf.condition(%and3A_1432) %while3A_1371, %while3A_1372, %while3A_1373, %while3A_1374, %while3A_1375, %while3A_1376, %while3A_1377, %while3A_1378, %while3A_1379, %while3A_1380, %while3A_1381, %while3A_1382, %while3A_1383, %while3A_1384, %while3A_1385, %while3A_1386, %while3A_1387, %while3A_1388 : i32, i32, vector<16xf32>, vector<16xf32>, vector<16xf32>, vector<16xf32>, vector<16xf32>, vector<16xf32>, vector<16xf32>, vector<16xf32>, vector<16xf32>, vector<16xf32>, vector<16xf32>, vector<16xf32>, vector<16xf32>, vector<16xf32>, vector<16xf32>, vector<16xf32>
        } do {
        ^bb0(%while3A_1371: i32, %while3A_1372: i32, %while3A_1373: vector<16xf32>, %while3A_1374: vector<16xf32>, %while3A_1375: vector<16xf32>, %while3A_1376: vector<16xf32>, %while3A_1377: vector<16xf32>, %while3A_1378: vector<16xf32>, %while3A_1379: vector<16xf32>, %while3A_1380: vector<16xf32>, %while3A_1381: vector<16xf32>, %while3A_1382: vector<16xf32>, %while3A_1383: vector<16xf32>, %while3A_1384: vector<16xf32>, %while3A_1385: vector<16xf32>, %while3A_1386: vector<16xf32>, %while3A_1387: vector<16xf32>, %while3A_1388: vector<16xf32>):
          %add3A_1389 = arith.constant 1 : i32
          %add3A_1390 = arith.addi %while3A_1371, %add3A_1389 : i32
          %jit3A_1391 = arith.constant 16 : i32
          %div3A_1392 = arith.divsi %add3A_1390, %jit3A_1391 : i32
          %sign3A_1393 = arith.constant 0 : i32
          %sign3A_1394 = arith.cmpi sgt, %add3A_1390, %sign3A_1393 : i32
          %sign3A_1395 = arith.extui %sign3A_1394 : i1 to i32
          %sign3A_1396 = arith.constant 0 : i32
          %sign3A_1397 = arith.cmpi slt, %add3A_1390, %sign3A_1396 : i32
          %sign3A_1398 = arith.extui %sign3A_1397 : i1 to i32
          %sign3A_1399 = arith.subi %sign3A_1395, %sign3A_1398 : i32
          %sign3A_1400 = arith.constant 0 : i32
          %sign3A_1401 = arith.cmpi sgt, %jit3A_1391, %sign3A_1400 : i32
          %sign3A_1402 = arith.extui %sign3A_1401 : i1 to i32
          %sign3A_1403 = arith.constant 0 : i32
          %sign3A_1404 = arith.cmpi slt, %jit3A_1391, %sign3A_1403 : i32
          %sign3A_1405 = arith.extui %sign3A_1404 : i1 to i32
          %sign3A_1406 = arith.subi %sign3A_1402, %sign3A_1405 : i32
          %ne3A_1407 = arith.cmpi ne, %sign3A_1399, %sign3A_1406 : i32
          %rem3A_1408 = arith.remsi %add3A_1390, %jit3A_1391 : i32
          %ne3A_1409 = arith.constant 0 : i32
          %ne3A_1410 = arith.cmpi ne, %rem3A_1408, %ne3A_1409 : i32
          %and3A_1411 = arith.andi %ne3A_1407, %ne3A_1410 : i1
          %sub3A_1412 = arith.constant 1 : i32
          %sub3A_1413 = arith.subi %div3A_1392, %sub3A_1412 : i32
          %select_n3A_1414 = arith.select %and3A_1411, %sub3A_1413, %div3A_1392 : i32
          %mul3A_1415 = arith.constant 16 : i32
          %mul3A_1416 = arith.muli %select_n3A_1414, %mul3A_1415 : i32
          %get3A_1417 = arith.index_cast %mul3A_1416 : i32 to index
          %get3A_1418 = tpu.vector_load %arg7[%get3A_1417] {strides = array<i32>} : memref<48xi32, #tpu.memory_space<vmem>>, vector<16xi32>,
          %iota3A_1419 = tpu.iota {dimensions = array<i32: 0>} : vector<16xi32>
          %sub3A_1420 = arith.subi %add3A_1390, %mul3A_1416 : i32
          %eq3A_1421 = vector.broadcast %sub3A_1420 : i32 to vector<16xi32>
          %eq3A_1422 = arith.cmpi eq, %iota3A_1419, %eq3A_1421 : vector<16xi32>
          %jit3A_1423 = arith.constant 0 : i32
          %broadcast_in_dim3A_1424 = vector.broadcast %jit3A_1423 : i32 to vector<16xi32>
          %select_n3A_1425 = arith.select %eq3A_1422, %get3A_1418, %broadcast_in_dim3A_1424 : vector<16xi1>, vector<16xi32>
          %reduce_sum3A_1426 = arith.constant true
          %reduce_sum3A_1427 = vector.broadcast %reduce_sum3A_1426 : i1 to vector<16xi1>
          %reduce_sum3A_1428 = tpu.scan <sum>, %select_n3A_1425 masked %reduce_sum3A_1427 : vector<16xi32>, vector<16xi1> -> vector<16xi32>
          %reduce_sum3A_1429 = vector.extract %reduce_sum3A_1428[15] : i32 from vector<16xi32>
          %parallel_loop3A_1430 = arith.constant 1 : i32
          %parallel_loop3A_1431:16 = scf.for %parallel_loop3A_1530 = %while3A_1372 to %reduce_sum3A_1429 step %parallel_loop3A_1430 iter_args(%parallel_loop3A_1531 = %while3A_1373, %parallel_loop3A_1532 = %while3A_1374, %parallel_loop3A_1533 = %while3A_1375, %parallel_loop3A_1534 = %while3A_1376, %parallel_loop3A_1535 = %while3A_1377, %parallel_loop3A_1536 = %while3A_1378, %parallel_loop3A_1537 = %while3A_1379, %parallel_loop3A_1538 = %while3A_1380, %parallel_loop3A_1539 = %while3A_1381, %parallel_loop3A_1540 = %while3A_1382, %parallel_loop3A_1541 = %while3A_1383, %parallel_loop3A_1542 = %while3A_1384, %parallel_loop3A_1543 = %while3A_1385, %parallel_loop3A_1544 = %while3A_1386, %parallel_loop3A_1545 = %while3A_1387, %parallel_loop3A_1546 = %while3A_1388) -> (vector<16xf32>, vector<16xf32>, vector<16xf32>, vector<16xf32>, vector<16xf32>, vector<16xf32>, vector<16xf32>, vector<16xf32>, vector<16xf32>, vector<16xf32>, vector<16xf32>, vector<16xf32>, vector<16xf32>, vector<16xf32>, vector<16xf32>, vector<16xf32>)  : i32 {
            %parallel_loop3A_1547 = arith.subi %parallel_loop3A_1530, %min3A_1365 : i32
            %parallel_loop3A_1548 = arith.constant 128 : i32
            %parallel_loop3A_1549 = arith.muli %parallel_loop3A_1547, %parallel_loop3A_1548 : i32
            %parallel_loop3A_1550 = arith.constant 0 : i32
            %parallel_loop3A_1551 = arith.addi %parallel_loop3A_1549, %parallel_loop3A_1550 : i32
            %parallel_loop3A_1552 = arith.index_cast %parallel_loop3A_1551 : i32 to index
            %parallel_loop3A_1553 = tpu.vector_load %arg14[%parallel_loop3A_1552] {strides = array<i32>} : memref<32768xf32, #tpu.memory_space<vmem>>, vector<16xf32>,
            %parallel_loop3A_1554 = arith.addf %parallel_loop3A_1531, %parallel_loop3A_1553 : vector<16xf32>
            %parallel_loop3A_1555 = arith.maximumf %parallel_loop3A_1539, %parallel_loop3A_1553 : vector<16xf32>
            %parallel_loop3A_1556 = arith.constant 16 : i32
            %parallel_loop3A_1557 = arith.addi %parallel_loop3A_1549, %parallel_loop3A_1556 : i32
            %parallel_loop3A_1558 = arith.index_cast %parallel_loop3A_1557 : i32 to index
            %parallel_loop3A_1559 = tpu.vector_load %arg14[%parallel_loop3A_1558] {strides = array<i32>} : memref<32768xf32, #tpu.memory_space<vmem>>, vector<16xf32>,
            %parallel_loop3A_1560 = arith.addf %parallel_loop3A_1532, %parallel_loop3A_1559 : vector<16xf32>
            %parallel_loop3A_1561 = arith.maximumf %parallel_loop3A_1540, %parallel_loop3A_1559 : vector<16xf32>
            %parallel_loop3A_1562 = arith.constant 32 : i32
            %parallel_loop3A_1563 = arith.addi %parallel_loop3A_1549, %parallel_loop3A_1562 : i32
            %parallel_loop3A_1564 = arith.index_cast %parallel_loop3A_1563 : i32 to index
            %parallel_loop3A_1565 = tpu.vector_load %arg14[%parallel_loop3A_1564] {strides = array<i32>} : memref<32768xf32, #tpu.memory_space<vmem>>, vector<16xf32>,
            %parallel_loop3A_1566 = arith.addf %parallel_loop3A_1533, %parallel_loop3A_1565 : vector<16xf32>
            %parallel_loop3A_1567 = arith.maximumf %parallel_loop3A_1541, %parallel_loop3A_1565 : vector<16xf32>
            %parallel_loop3A_1568 = arith.constant 48 : i32
            %parallel_loop3A_1569 = arith.addi %parallel_loop3A_1549, %parallel_loop3A_1568 : i32
            %parallel_loop3A_1570 = arith.index_cast %parallel_loop3A_1569 : i32 to index
            %parallel_loop3A_1571 = tpu.vector_load %arg14[%parallel_loop3A_1570] {strides = array<i32>} : memref<32768xf32, #tpu.memory_space<vmem>>, vector<16xf32>,
            %parallel_loop3A_1572 = arith.addf %parallel_loop3A_1534, %parallel_loop3A_1571 : vector<16xf32>
            %parallel_loop3A_1573 = arith.maximumf %parallel_loop3A_1542, %parallel_loop3A_1571 : vector<16xf32>
            %parallel_loop3A_1574 = arith.constant 64 : i32
            %parallel_loop3A_1575 = arith.addi %parallel_loop3A_1549, %parallel_loop3A_1574 : i32
            %parallel_loop3A_1576 = arith.index_cast %parallel_loop3A_1575 : i32 to index
            %parallel_loop3A_1577 = tpu.vector_load %arg14[%parallel_loop3A_1576] {strides = array<i32>} : memref<32768xf32, #tpu.memory_space<vmem>>, vector<16xf32>,
            %parallel_loop3A_1578 = arith.addf %parallel_loop3A_1535, %parallel_loop3A_1577 : vector<16xf32>
            %parallel_loop3A_1579 = arith.maximumf %parallel_loop3A_1543, %parallel_loop3A_1577 : vector<16xf32>
            %parallel_loop3A_1580 = arith.constant 80 : i32
            %parallel_loop3A_1581 = arith.addi %parallel_loop3A_1549, %parallel_loop3A_1580 : i32
            %parallel_loop3A_1582 = arith.index_cast %parallel_loop3A_1581 : i32 to index
            %parallel_loop3A_1583 = tpu.vector_load %arg14[%parallel_loop3A_1582] {strides = array<i32>} : memref<32768xf32, #tpu.memory_space<vmem>>, vector<16xf32>,
            %parallel_loop3A_1584 = arith.addf %parallel_loop3A_1536, %parallel_loop3A_1583 : vector<16xf32>
            %parallel_loop3A_1585 = arith.maximumf %parallel_loop3A_1544, %parallel_loop3A_1583 : vector<16xf32>
            %parallel_loop3A_1586 = arith.constant 96 : i32
            %parallel_loop3A_1587 = arith.addi %parallel_loop3A_1549, %parallel_loop3A_1586 : i32
            %parallel_loop3A_1588 = arith.index_cast %parallel_loop3A_1587 : i32 to index
            %parallel_loop3A_1589 = tpu.vector_load %arg14[%parallel_loop3A_1588] {strides = array<i32>} : memref<32768xf32, #tpu.memory_space<vmem>>, vector<16xf32>,
            %parallel_loop3A_1590 = arith.addf %parallel_loop3A_1537, %parallel_loop3A_1589 : vector<16xf32>
            %parallel_loop3A_1591 = arith.maximumf %parallel_loop3A_1545, %parallel_loop3A_1589 : vector<16xf32>
            %parallel_loop3A_1592 = arith.constant 112 : i32
            %parallel_loop3A_1593 = arith.addi %parallel_loop3A_1549, %parallel_loop3A_1592 : i32
            %parallel_loop3A_1594 = arith.index_cast %parallel_loop3A_1593 : i32 to index
            %parallel_loop3A_1595 = tpu.vector_load %arg14[%parallel_loop3A_1594] {strides = array<i32>} : memref<32768xf32, #tpu.memory_space<vmem>>, vector<16xf32>,
            %parallel_loop3A_1596 = arith.addf %parallel_loop3A_1538, %parallel_loop3A_1595 : vector<16xf32>
            %parallel_loop3A_1597 = arith.maximumf %parallel_loop3A_1546, %parallel_loop3A_1595 : vector<16xf32>
            scf.yield %parallel_loop3A_1554, %parallel_loop3A_1560, %parallel_loop3A_1566, %parallel_loop3A_1572, %parallel_loop3A_1578, %parallel_loop3A_1584, %parallel_loop3A_1590, %parallel_loop3A_1596, %parallel_loop3A_1555, %parallel_loop3A_1561, %parallel_loop3A_1567, %parallel_loop3A_1573, %parallel_loop3A_1579, %parallel_loop3A_1585, %parallel_loop3A_1591, %parallel_loop3A_1597 : vector<16xf32>, vector<16xf32>, vector<16xf32>, vector<16xf32>, vector<16xf32>, vector<16xf32>, vector<16xf32>, vector<16xf32>, vector<16xf32>, vector<16xf32>, vector<16xf32>, vector<16xf32>, vector<16xf32>, vector<16xf32>, vector<16xf32>, vector<16xf32>
          } {sc.loop_unroll_factor = 4 : i64, sc.parallel_access}
          %mul3A_1432 = arith.constant 128 : i32
          %mul3A_1433 = arith.muli %while3A_1371, %mul3A_1432 : i32
          %add3A_1434 = arith.constant 0 : i32
          %add3A_1435 = arith.addi %mul3A_1433, %add3A_1434 : i32
          %swap3A_1436 = arith.index_cast %add3A_1435 : i32 to index
          %swap3A_1437 = tpu.vector_load %arg16[%swap3A_1436] {strides = array<i32>} : memref<4096xf32, #tpu.memory_space<vmem>>, vector<16xf32>,
          tpu.vector_store %arg16[%swap3A_1436], %parallel_loop3A_1431#0 {strides = array<i32>} : memref<4096xf32, #tpu.memory_space<vmem>>, vector<16xf32>,
          %mul3A_1438 = arith.constant 128 : i32
          %mul3A_1439 = arith.muli %while3A_1371, %mul3A_1438 : i32
          %add3A_1440 = arith.constant 0 : i32
          %add3A_1441 = arith.addi %mul3A_1439, %add3A_1440 : i32
          %swap3A_1442 = arith.index_cast %add3A_1441 : i32 to index
          %swap3A_1443 = tpu.vector_load %arg17[%swap3A_1442] {strides = array<i32>} : memref<4096xf32, #tpu.memory_space<vmem>>, vector<16xf32>,
          tpu.vector_store %arg17[%swap3A_1442], %parallel_loop3A_1431#8 {strides = array<i32>} : memref<4096xf32, #tpu.memory_space<vmem>>, vector<16xf32>,
          %mul3A_1444 = arith.constant 128 : i32
          %mul3A_1445 = arith.muli %while3A_1371, %mul3A_1444 : i32
          %add3A_1446 = arith.constant 16 : i32
          %add3A_1447 = arith.addi %mul3A_1445, %add3A_1446 : i32
          %swap3A_1448 = arith.index_cast %add3A_1447 : i32 to index
          %swap3A_1449 = tpu.vector_load %arg16[%swap3A_1448] {strides = array<i32>} : memref<4096xf32, #tpu.memory_space<vmem>>, vector<16xf32>,
          tpu.vector_store %arg16[%swap3A_1448], %parallel_loop3A_1431#1 {strides = array<i32>} : memref<4096xf32, #tpu.memory_space<vmem>>, vector<16xf32>,
          %mul3A_1450 = arith.constant 128 : i32
          %mul3A_1451 = arith.muli %while3A_1371, %mul3A_1450 : i32
          %add3A_1452 = arith.constant 16 : i32
          %add3A_1453 = arith.addi %mul3A_1451, %add3A_1452 : i32
          %swap3A_1454 = arith.index_cast %add3A_1453 : i32 to index
          %swap3A_1455 = tpu.vector_load %arg17[%swap3A_1454] {strides = array<i32>} : memref<4096xf32, #tpu.memory_space<vmem>>, vector<16xf32>,
          tpu.vector_store %arg17[%swap3A_1454], %parallel_loop3A_1431#9 {strides = array<i32>} : memref<4096xf32, #tpu.memory_space<vmem>>, vector<16xf32>,
          %mul3A_1456 = arith.constant 128 : i32
          %mul3A_1457 = arith.muli %while3A_1371, %mul3A_1456 : i32
          %add3A_1458 = arith.constant 32 : i32
          %add3A_1459 = arith.addi %mul3A_1457, %add3A_1458 : i32
          %swap3A_1460 = arith.index_cast %add3A_1459 : i32 to index
          %swap3A_1461 = tpu.vector_load %arg16[%swap3A_1460] {strides = array<i32>} : memref<4096xf32, #tpu.memory_space<vmem>>, vector<16xf32>,
          tpu.vector_store %arg16[%swap3A_1460], %parallel_loop3A_1431#2 {strides = array<i32>} : memref<4096xf32, #tpu.memory_space<vmem>>, vector<16xf32>,
          %mul3A_1462 = arith.constant 128 : i32
          %mul3A_1463 = arith.muli %while3A_1371, %mul3A_1462 : i32
          %add3A_1464 = arith.constant 32 : i32
          %add3A_1465 = arith.addi %mul3A_1463, %add3A_1464 : i32
          %swap3A_1466 = arith.index_cast %add3A_1465 : i32 to index
          %swap3A_1467 = tpu.vector_load %arg17[%swap3A_1466] {strides = array<i32>} : memref<4096xf32, #tpu.memory_space<vmem>>, vector<16xf32>,
          tpu.vector_store %arg17[%swap3A_1466], %parallel_loop3A_1431#10 {strides = array<i32>} : memref<4096xf32, #tpu.memory_space<vmem>>, vector<16xf32>,
          %mul3A_1468 = arith.constant 128 : i32
          %mul3A_1469 = arith.muli %while3A_1371, %mul3A_1468 : i32
          %add3A_1470 = arith.constant 48 : i32
          %add3A_1471 = arith.addi %mul3A_1469, %add3A_1470 : i32
          %swap3A_1472 = arith.index_cast %add3A_1471 : i32 to index
          %swap3A_1473 = tpu.vector_load %arg16[%swap3A_1472] {strides = array<i32>} : memref<4096xf32, #tpu.memory_space<vmem>>, vector<16xf32>,
          tpu.vector_store %arg16[%swap3A_1472], %parallel_loop3A_1431#3 {strides = array<i32>} : memref<4096xf32, #tpu.memory_space<vmem>>, vector<16xf32>,
          %mul3A_1474 = arith.constant 128 : i32
          %mul3A_1475 = arith.muli %while3A_1371, %mul3A_1474 : i32
          %add3A_1476 = arith.constant 48 : i32
          %add3A_1477 = arith.addi %mul3A_1475, %add3A_1476 : i32
          %swap3A_1478 = arith.index_cast %add3A_1477 : i32 to index
          %swap3A_1479 = tpu.vector_load %arg17[%swap3A_1478] {strides = array<i32>} : memref<4096xf32, #tpu.memory_space<vmem>>, vector<16xf32>,
          tpu.vector_store %arg17[%swap3A_1478], %parallel_loop3A_1431#11 {strides = array<i32>} : memref<4096xf32, #tpu.memory_space<vmem>>, vector<16xf32>,
          %mul3A_1480 = arith.constant 128 : i32
          %mul3A_1481 = arith.muli %while3A_1371, %mul3A_1480 : i32
          %add3A_1482 = arith.constant 64 : i32
          %add3A_1483 = arith.addi %mul3A_1481, %add3A_1482 : i32
          %swap3A_1484 = arith.index_cast %add3A_1483 : i32 to index
          %swap3A_1485 = tpu.vector_load %arg16[%swap3A_1484] {strides = array<i32>} : memref<4096xf32, #tpu.memory_space<vmem>>, vector<16xf32>,
          tpu.vector_store %arg16[%swap3A_1484], %parallel_loop3A_1431#4 {strides = array<i32>} : memref<4096xf32, #tpu.memory_space<vmem>>, vector<16xf32>,
          %mul3A_1486 = arith.constant 128 : i32
          %mul3A_1487 = arith.muli %while3A_1371, %mul3A_1486 : i32
          %add3A_1488 = arith.constant 64 : i32
          %add3A_1489 = arith.addi %mul3A_1487, %add3A_1488 : i32
          %swap3A_1490 = arith.index_cast %add3A_1489 : i32 to index
          %swap3A_1491 = tpu.vector_load %arg17[%swap3A_1490] {strides = array<i32>} : memref<4096xf32, #tpu.memory_space<vmem>>, vector<16xf32>,
          tpu.vector_store %arg17[%swap3A_1490], %parallel_loop3A_1431#12 {strides = array<i32>} : memref<4096xf32, #tpu.memory_space<vmem>>, vector<16xf32>,
          %mul3A_1492 = arith.constant 128 : i32
          %mul3A_1493 = arith.muli %while3A_1371, %mul3A_1492 : i32
          %add3A_1494 = arith.constant 80 : i32
          %add3A_1495 = arith.addi %mul3A_1493, %add3A_1494 : i32
          %swap3A_1496 = arith.index_cast %add3A_1495 : i32 to index
          %swap3A_1497 = tpu.vector_load %arg16[%swap3A_1496] {strides = array<i32>} : memref<4096xf32, #tpu.memory_space<vmem>>, vector<16xf32>,
          tpu.vector_store %arg16[%swap3A_1496], %parallel_loop3A_1431#5 {strides = array<i32>} : memref<4096xf32, #tpu.memory_space<vmem>>, vector<16xf32>,
          %mul3A_1498 = arith.constant 128 : i32
          %mul3A_1499 = arith.muli %while3A_1371, %mul3A_1498 : i32
          %add3A_1500 = arith.constant 80 : i32
          %add3A_1501 = arith.addi %mul3A_1499, %add3A_1500 : i32
          %swap3A_1502 = arith.index_cast %add3A_1501 : i32 to index
          %swap3A_1503 = tpu.vector_load %arg17[%swap3A_1502] {strides = array<i32>} : memref<4096xf32, #tpu.memory_space<vmem>>, vector<16xf32>,
          tpu.vector_store %arg17[%swap3A_1502], %parallel_loop3A_1431#13 {strides = array<i32>} : memref<4096xf32, #tpu.memory_space<vmem>>, vector<16xf32>,
          %mul3A_1504 = arith.constant 128 : i32
          %mul3A_1505 = arith.muli %while3A_1371, %mul3A_1504 : i32
          %add3A_1506 = arith.constant 96 : i32
          %add3A_1507 = arith.addi %mul3A_1505, %add3A_1506 : i32
          %swap3A_1508 = arith.index_cast %add3A_1507 : i32 to index
          %swap3A_1509 = tpu.vector_load %arg16[%swap3A_1508] {strides = array<i32>} : memref<4096xf32, #tpu.memory_space<vmem>>, vector<16xf32>,
          tpu.vector_store %arg16[%swap3A_1508], %parallel_loop3A_1431#6 {strides = array<i32>} : memref<4096xf32, #tpu.memory_space<vmem>>, vector<16xf32>,
          %mul3A_1510 = arith.constant 128 : i32
          %mul3A_1511 = arith.muli %while3A_1371, %mul3A_1510 : i32
          %add3A_1512 = arith.constant 96 : i32
          %add3A_1513 = arith.addi %mul3A_1511, %add3A_1512 : i32
          %swap3A_1514 = arith.index_cast %add3A_1513 : i32 to index
          %swap3A_1515 = tpu.vector_load %arg17[%swap3A_1514] {strides = array<i32>} : memref<4096xf32, #tpu.memory_space<vmem>>, vector<16xf32>,
          tpu.vector_store %arg17[%swap3A_1514], %parallel_loop3A_1431#14 {strides = array<i32>} : memref<4096xf32, #tpu.memory_space<vmem>>, vector<16xf32>,
          %mul3A_1516 = arith.constant 128 : i32
          %mul3A_1517 = arith.muli %while3A_1371, %mul3A_1516 : i32
          %add3A_1518 = arith.constant 112 : i32
          %add3A_1519 = arith.addi %mul3A_1517, %add3A_1518 : i32
          %swap3A_1520 = arith.index_cast %add3A_1519 : i32 to index
          %swap3A_1521 = tpu.vector_load %arg16[%swap3A_1520] {strides = array<i32>} : memref<4096xf32, #tpu.memory_space<vmem>>, vector<16xf32>,
          tpu.vector_store %arg16[%swap3A_1520], %parallel_loop3A_1431#7 {strides = array<i32>} : memref<4096xf32, #tpu.memory_space<vmem>>, vector<16xf32>,
          %mul3A_1522 = arith.constant 128 : i32
          %mul3A_1523 = arith.muli %while3A_1371, %mul3A_1522 : i32
          %add3A_1524 = arith.constant 112 : i32
          %add3A_1525 = arith.addi %mul3A_1523, %add3A_1524 : i32
          %swap3A_1526 = arith.index_cast %add3A_1525 : i32 to index
          %swap3A_1527 = tpu.vector_load %arg17[%swap3A_1526] {strides = array<i32>} : memref<4096xf32, #tpu.memory_space<vmem>>, vector<16xf32>,
          tpu.vector_store %arg17[%swap3A_1526], %parallel_loop3A_1431#15 {strides = array<i32>} : memref<4096xf32, #tpu.memory_space<vmem>>, vector<16xf32>,
          %add3A_1528 = arith.constant 1 : i32
          %add3A_1529 = arith.addi %while3A_1371, %add3A_1528 : i32
          scf.yield %add3A_1529, %reduce_sum3A_1429, %broadcast_in_dim3A_1242, %broadcast_in_dim3A_1244, %broadcast_in_dim3A_1246, %broadcast_in_dim3A_1248, %broadcast_in_dim3A_1250, %broadcast_in_dim3A_1252, %broadcast_in_dim3A_1254, %broadcast_in_dim3A_1256, %broadcast_in_dim3A_1258, %broadcast_in_dim3A_1260, %broadcast_in_dim3A_1262, %broadcast_in_dim3A_1264, %broadcast_in_dim3A_1266, %broadcast_in_dim3A_1268, %broadcast_in_dim3A_1270, %broadcast_in_dim3A_1272 : i32, i32, vector<16xf32>, vector<16xf32>, vector<16xf32>, vector<16xf32>, vector<16xf32>, vector<16xf32>, vector<16xf32>, vector<16xf32>, vector<16xf32>, vector<16xf32>, vector<16xf32>, vector<16xf32>, vector<16xf32>, vector<16xf32>, vector<16xf32>, vector<16xf32>
        }
        %parallel_loop3A = arith.constant 1 : i32
        %parallel_loop3A_1370:16 = scf.for %parallel_loop3A_1371 = %while3A_1369#1 to %min3A_1368 step %parallel_loop3A iter_args(%parallel_loop3A_1372 = %while3A_1369#2, %parallel_loop3A_1373 = %while3A_1369#3, %parallel_loop3A_1374 = %while3A_1369#4, %parallel_loop3A_1375 = %while3A_1369#5, %parallel_loop3A_1376 = %while3A_1369#6, %parallel_loop3A_1377 = %while3A_1369#7, %parallel_loop3A_1378 = %while3A_1369#8, %parallel_loop3A_1379 = %while3A_1369#9, %parallel_loop3A_1380 = %while3A_1369#10, %parallel_loop3A_1381 = %while3A_1369#11, %parallel_loop3A_1382 = %while3A_1369#12, %parallel_loop3A_1383 = %while3A_1369#13, %parallel_loop3A_1384 = %while3A_1369#14, %parallel_loop3A_1385 = %while3A_1369#15, %parallel_loop3A_1386 = %while3A_1369#16, %parallel_loop3A_1387 = %while3A_1369#17) -> (vector<16xf32>, vector<16xf32>, vector<16xf32>, vector<16xf32>, vector<16xf32>, vector<16xf32>, vector<16xf32>, vector<16xf32>, vector<16xf32>, vector<16xf32>, vector<16xf32>, vector<16xf32>, vector<16xf32>, vector<16xf32>, vector<16xf32>, vector<16xf32>)  : i32 {
          %parallel_loop3A_1388 = arith.subi %parallel_loop3A_1371, %min3A_1365 : i32
          %parallel_loop3A_1389 = arith.constant 128 : i32
          %parallel_loop3A_1390 = arith.muli %parallel_loop3A_1388, %parallel_loop3A_1389 : i32
          %parallel_loop3A_1391 = arith.constant 0 : i32
          %parallel_loop3A_1392 = arith.addi %parallel_loop3A_1390, %parallel_loop3A_1391 : i32
          %parallel_loop3A_1393 = arith.index_cast %parallel_loop3A_1392 : i32 to index
          %parallel_loop3A_1394 = tpu.vector_load %arg14[%parallel_loop3A_1393] {strides = array<i32>} : memref<32768xf32, #tpu.memory_space<vmem>>, vector<16xf32>,
          %parallel_loop3A_1395 = arith.addf %parallel_loop3A_1372, %parallel_loop3A_1394 : vector<16xf32>
          %parallel_loop3A_1396 = arith.maximumf %parallel_loop3A_1380, %parallel_loop3A_1394 : vector<16xf32>
          %parallel_loop3A_1397 = arith.constant 16 : i32
          %parallel_loop3A_1398 = arith.addi %parallel_loop3A_1390, %parallel_loop3A_1397 : i32
          %parallel_loop3A_1399 = arith.index_cast %parallel_loop3A_1398 : i32 to index
          %parallel_loop3A_1400 = tpu.vector_load %arg14[%parallel_loop3A_1399] {strides = array<i32>} : memref<32768xf32, #tpu.memory_space<vmem>>, vector<16xf32>,
          %parallel_loop3A_1401 = arith.addf %parallel_loop3A_1373, %parallel_loop3A_1400 : vector<16xf32>
          %parallel_loop3A_1402 = arith.maximumf %parallel_loop3A_1381, %parallel_loop3A_1400 : vector<16xf32>
          %parallel_loop3A_1403 = arith.constant 32 : i32
          %parallel_loop3A_1404 = arith.addi %parallel_loop3A_1390, %parallel_loop3A_1403 : i32
          %parallel_loop3A_1405 = arith.index_cast %parallel_loop3A_1404 : i32 to index
          %parallel_loop3A_1406 = tpu.vector_load %arg14[%parallel_loop3A_1405] {strides = array<i32>} : memref<32768xf32, #tpu.memory_space<vmem>>, vector<16xf32>,
          %parallel_loop3A_1407 = arith.addf %parallel_loop3A_1374, %parallel_loop3A_1406 : vector<16xf32>
          %parallel_loop3A_1408 = arith.maximumf %parallel_loop3A_1382, %parallel_loop3A_1406 : vector<16xf32>
          %parallel_loop3A_1409 = arith.constant 48 : i32
          %parallel_loop3A_1410 = arith.addi %parallel_loop3A_1390, %parallel_loop3A_1409 : i32
          %parallel_loop3A_1411 = arith.index_cast %parallel_loop3A_1410 : i32 to index
          %parallel_loop3A_1412 = tpu.vector_load %arg14[%parallel_loop3A_1411] {strides = array<i32>} : memref<32768xf32, #tpu.memory_space<vmem>>, vector<16xf32>,
          %parallel_loop3A_1413 = arith.addf %parallel_loop3A_1375, %parallel_loop3A_1412 : vector<16xf32>
          %parallel_loop3A_1414 = arith.maximumf %parallel_loop3A_1383, %parallel_loop3A_1412 : vector<16xf32>
          %parallel_loop3A_1415 = arith.constant 64 : i32
          %parallel_loop3A_1416 = arith.addi %parallel_loop3A_1390, %parallel_loop3A_1415 : i32
          %parallel_loop3A_1417 = arith.index_cast %parallel_loop3A_1416 : i32 to index
          %parallel_loop3A_1418 = tpu.vector_load %arg14[%parallel_loop3A_1417] {strides = array<i32>} : memref<32768xf32, #tpu.memory_space<vmem>>, vector<16xf32>,
          %parallel_loop3A_1419 = arith.addf %parallel_loop3A_1376, %parallel_loop3A_1418 : vector<16xf32>
          %parallel_loop3A_1420 = arith.maximumf %parallel_loop3A_1384, %parallel_loop3A_1418 : vector<16xf32>
          %parallel_loop3A_1421 = arith.constant 80 : i32
          %parallel_loop3A_1422 = arith.addi %parallel_loop3A_1390, %parallel_loop3A_1421 : i32
          %parallel_loop3A_1423 = arith.index_cast %parallel_loop3A_1422 : i32 to index
          %parallel_loop3A_1424 = tpu.vector_load %arg14[%parallel_loop3A_1423] {strides = array<i32>} : memref<32768xf32, #tpu.memory_space<vmem>>, vector<16xf32>,
          %parallel_loop3A_1425 = arith.addf %parallel_loop3A_1377, %parallel_loop3A_1424 : vector<16xf32>
          %parallel_loop3A_1426 = arith.maximumf %parallel_loop3A_1385, %parallel_loop3A_1424 : vector<16xf32>
          %parallel_loop3A_1427 = arith.constant 96 : i32
          %parallel_loop3A_1428 = arith.addi %parallel_loop3A_1390, %parallel_loop3A_1427 : i32
          %parallel_loop3A_1429 = arith.index_cast %parallel_loop3A_1428 : i32 to index
          %parallel_loop3A_1430 = tpu.vector_load %arg14[%parallel_loop3A_1429] {strides = array<i32>} : memref<32768xf32, #tpu.memory_space<vmem>>, vector<16xf32>,
          %parallel_loop3A_1431 = arith.addf %parallel_loop3A_1378, %parallel_loop3A_1430 : vector<16xf32>
          %parallel_loop3A_1432 = arith.maximumf %parallel_loop3A_1386, %parallel_loop3A_1430 : vector<16xf32>
          %parallel_loop3A_1433 = arith.constant 112 : i32
          %parallel_loop3A_1434 = arith.addi %parallel_loop3A_1390, %parallel_loop3A_1433 : i32
          %parallel_loop3A_1435 = arith.index_cast %parallel_loop3A_1434 : i32 to index
          %parallel_loop3A_1436 = tpu.vector_load %arg14[%parallel_loop3A_1435] {strides = array<i32>} : memref<32768xf32, #tpu.memory_space<vmem>>, vector<16xf32>,
          %parallel_loop3A_1437 = arith.addf %parallel_loop3A_1379, %parallel_loop3A_1436 : vector<16xf32>
          %parallel_loop3A_1438 = arith.maximumf %parallel_loop3A_1387, %parallel_loop3A_1436 : vector<16xf32>
          scf.yield %parallel_loop3A_1395, %parallel_loop3A_1401, %parallel_loop3A_1407, %parallel_loop3A_1413, %parallel_loop3A_1419, %parallel_loop3A_1425, %parallel_loop3A_1431, %parallel_loop3A_1437, %parallel_loop3A_1396, %parallel_loop3A_1402, %parallel_loop3A_1408, %parallel_loop3A_1414, %parallel_loop3A_1420, %parallel_loop3A_1426, %parallel_loop3A_1432, %parallel_loop3A_1438 : vector<16xf32>, vector<16xf32>, vector<16xf32>, vector<16xf32>, vector<16xf32>, vector<16xf32>, vector<16xf32>, vector<16xf32>, vector<16xf32>, vector<16xf32>, vector<16xf32>, vector<16xf32>, vector<16xf32>, vector<16xf32>, vector<16xf32>, vector<16xf32>
        } {sc.loop_unroll_factor = 4 : i64, sc.parallel_access}
        scf.yield %while3A_1369#0, %parallel_loop3A_1370#0, %parallel_loop3A_1370#1, %parallel_loop3A_1370#2, %parallel_loop3A_1370#3, %parallel_loop3A_1370#4, %parallel_loop3A_1370#5, %parallel_loop3A_1370#6, %parallel_loop3A_1370#7, %parallel_loop3A_1370#8, %parallel_loop3A_1370#9, %parallel_loop3A_1370#10, %parallel_loop3A_1370#11, %parallel_loop3A_1370#12, %parallel_loop3A_1370#13, %parallel_loop3A_1370#14, %parallel_loop3A_1370#15 : i32, vector<16xf32>, vector<16xf32>, vector<16xf32>, vector<16xf32>, vector<16xf32>, vector<16xf32>, vector<16xf32>, vector<16xf32>, vector<16xf32>, vector<16xf32>, vector<16xf32>, vector<16xf32>, vector<16xf32>, vector<16xf32>, vector<16xf32>, vector<16xf32>
      } else {
        scf.yield %while3A_1316, %while3A_1317, %while3A_1318, %while3A_1319, %while3A_1320, %while3A_1321, %while3A_1322, %while3A_1323, %while3A_1324, %while3A_1325, %while3A_1326, %while3A_1327, %while3A_1328, %while3A_1329, %while3A_1330, %while3A_1331, %while3A_1332 : i32, vector<16xf32>, vector<16xf32>, vector<16xf32>, vector<16xf32>, vector<16xf32>, vector<16xf32>, vector<16xf32>, vector<16xf32>, vector<16xf32>, vector<16xf32>, vector<16xf32>, vector<16xf32>, vector<16xf32>, vector<16xf32>, vector<16xf32>, vector<16xf32>
      }
      %mul3A_1342 = arith.constant 2 : i32
      %mul3A_1343 = arith.muli %mul3A_1342, %while3A_1315 : i32
      %add3A_1344 = arith.constant 1 : i32
      %add3A_1345 = arith.addi %mul3A_1343, %add3A_1344 : i32
      %lt3A_1346 = arith.cmpi slt, %add3A_1345, %select_n3A_1231 : i32
      %convert_element_type3A_1347 = arith.extui %lt3A_1346 : i1 to i32
      %cond3A_1348 = arith.constant 0 : i32
      %cond3A_1349 = arith.cmpi ne, %convert_element_type3A_1347, %cond3A_1348 : i32
      %cond3A_1350:17 = scf.if %cond3A_1349 -> (i32, vector<16xf32>, vector<16xf32>, vector<16xf32>, vector<16xf32>, vector<16xf32>, vector<16xf32>, vector<16xf32>, vector<16xf32>, vector<16xf32>, vector<16xf32>, vector<16xf32>, vector<16xf32>, vector<16xf32>, vector<16xf32>, vector<16xf32>, vector<16xf32>) {
        %dma_wait3A_1351 = arith.constant 0 : i32
        %dma_wait3A_1352 = tpu.memref_slice %arg2[%dma_wait3A_1351] : memref<12800000xf32, #tpu.memory_space<hbm>> -> memref<32768xf32, #tpu.memory_space<hbm>>
        %dma_wait3A_1353 = arith.constant 0 : i32
        %dma_wait3A_1354 = tpu.memref_slice %arg2[%dma_wait3A_1353] : memref<12800000xf32, #tpu.memory_space<hbm>> -> memref<32768xf32, #tpu.memory_space<hbm>>
        tpu.wait_dma2 semaphore(%arg19 : memref<!tpu.dma_semaphore, #tpu.memory_space<semaphore_mem>>) src(%dma_wait3A_1354 : memref<32768xf32, #tpu.memory_space<hbm>>) dst(%arg15 : memref<32768xf32, #tpu.memory_space<vmem>>)
        %add3A_1355 = arith.constant 2 : i32
        %add3A_1356 = arith.addi %add3A_1345, %add3A_1355 : i32
        %lt3A_1357 = arith.cmpi slt, %add3A_1356, %select_n3A_1231 : i32
        %convert_element_type3A_1358 = arith.extui %lt3A_1357 : i1 to i32
        %cond3A_1359 = arith.constant 0 : i32
        %cond3A_1360 = arith.cmpi ne, %convert_element_type3A_1358, %cond3A_1359 : i32
        scf.if %cond3A_1360 {
          %add3A_1371 = arith.constant 2 : i32
          %add3A_1372 = arith.addi %add3A_1345, %add3A_1371 : i32
          %mul3A_1373 = arith.constant 256 : i32
          %mul3A_1374 = arith.muli %add3A_1372, %mul3A_1373 : i32
          %add3A_1375 = arith.addi %reduce_sum3A_1195, %mul3A_1374 : i32
          %min3A_1376 = arith.constant 99744 : i32
          %min3A_1377 = arith.minsi %add3A_1375, %min3A_1376 : i32
          %mul3A_1378 = arith.constant 128 : i32
          %mul3A_1379 = arith.muli %min3A_1377, %mul3A_1378 : i32
          %dma_start3A_1380 = tpu.memref_slice %arg2[%mul3A_1379] : memref<12800000xf32, #tpu.memory_space<hbm>> -> memref<32768xf32, #tpu.memory_space<hbm>>
          %dma_start3A_1381 = tpu.memref_slice %arg2[%mul3A_1379] : memref<12800000xf32, #tpu.memory_space<hbm>> -> memref<32768xf32, #tpu.memory_space<hbm>>
          tpu.enqueue_dma source(%dma_start3A_1381 : memref<32768xf32, #tpu.memory_space<hbm>>) target(%arg15 : memref<32768xf32, #tpu.memory_space<vmem>>) target_semaphore(%arg19 : memref<!tpu.dma_semaphore, #tpu.memory_space<semaphore_mem>>)
        } else {
        }
        %mul3A_1361 = arith.constant 256 : i32
        %mul3A_1362 = arith.muli %add3A_1345, %mul3A_1361 : i32
        %add3A_1363 = arith.addi %reduce_sum3A_1195, %mul3A_1362 : i32
        %min3A_1364 = arith.constant 99744 : i32
        %min3A_1365 = arith.minsi %add3A_1363, %min3A_1364 : i32
        %add3A_1366 = arith.constant 256 : i32
        %add3A_1367 = arith.addi %add3A_1363, %add3A_1366 : i32
        %min3A_1368 = arith.minsi %add3A_1367, %reduce_sum3A_1208 : i32
        %while3A_1369:18 = scf.while (%while3A_1371 = %cond3A_1341#0, %while3A_1372 = %add3A_1363, %while3A_1373 = %cond3A_1341#1, %while3A_1374 = %cond3A_1341#2, %while3A_1375 = %cond3A_1341#3, %while3A_1376 = %cond3A_1341#4, %while3A_1377 = %cond3A_1341#5, %while3A_1378 = %cond3A_1341#6, %while3A_1379 = %cond3A_1341#7, %while3A_1380 = %cond3A_1341#8, %while3A_1381 = %cond3A_1341#9, %while3A_1382 = %cond3A_1341#10, %while3A_1383 = %cond3A_1341#11, %while3A_1384 = %cond3A_1341#12, %while3A_1385 = %cond3A_1341#13, %while3A_1386 = %cond3A_1341#14, %while3A_1387 = %cond3A_1341#15, %while3A_1388 = %cond3A_1341#16) : (i32, i32, vector<16xf32>, vector<16xf32>, vector<16xf32>, vector<16xf32>, vector<16xf32>, vector<16xf32>, vector<16xf32>, vector<16xf32>, vector<16xf32>, vector<16xf32>, vector<16xf32>, vector<16xf32>, vector<16xf32>, vector<16xf32>, vector<16xf32>, vector<16xf32>) -> (i32, i32, vector<16xf32>, vector<16xf32>, vector<16xf32>, vector<16xf32>, vector<16xf32>, vector<16xf32>, vector<16xf32>, vector<16xf32>, vector<16xf32>, vector<16xf32>, vector<16xf32>, vector<16xf32>, vector<16xf32>, vector<16xf32>, vector<16xf32>, vector<16xf32>) {
          %lt3A_1389 = arith.constant 32 : i32
          %lt3A_1390 = arith.cmpi slt, %while3A_1371, %lt3A_1389 : i32
          %add3A_1391 = arith.constant 1 : i32
          %add3A_1392 = arith.addi %while3A_1371, %add3A_1391 : i32
          %jit3A_1393 = arith.constant 16 : i32
          %div3A_1394 = arith.divsi %add3A_1392, %jit3A_1393 : i32
          %sign3A_1395 = arith.constant 0 : i32
          %sign3A_1396 = arith.cmpi sgt, %add3A_1392, %sign3A_1395 : i32
          %sign3A_1397 = arith.extui %sign3A_1396 : i1 to i32
          %sign3A_1398 = arith.constant 0 : i32
          %sign3A_1399 = arith.cmpi slt, %add3A_1392, %sign3A_1398 : i32
          %sign3A_1400 = arith.extui %sign3A_1399 : i1 to i32
          %sign3A_1401 = arith.subi %sign3A_1397, %sign3A_1400 : i32
          %sign3A_1402 = arith.constant 0 : i32
          %sign3A_1403 = arith.cmpi sgt, %jit3A_1393, %sign3A_1402 : i32
          %sign3A_1404 = arith.extui %sign3A_1403 : i1 to i32
          %sign3A_1405 = arith.constant 0 : i32
          %sign3A_1406 = arith.cmpi slt, %jit3A_1393, %sign3A_1405 : i32
          %sign3A_1407 = arith.extui %sign3A_1406 : i1 to i32
          %sign3A_1408 = arith.subi %sign3A_1404, %sign3A_1407 : i32
          %ne3A_1409 = arith.cmpi ne, %sign3A_1401, %sign3A_1408 : i32
          %rem3A_1410 = arith.remsi %add3A_1392, %jit3A_1393 : i32
          %ne3A_1411 = arith.constant 0 : i32
          %ne3A_1412 = arith.cmpi ne, %rem3A_1410, %ne3A_1411 : i32
          %and3A_1413 = arith.andi %ne3A_1409, %ne3A_1412 : i1
          %sub3A_1414 = arith.constant 1 : i32
          %sub3A_1415 = arith.subi %div3A_1394, %sub3A_1414 : i32
          %select_n3A_1416 = arith.select %and3A_1413, %sub3A_1415, %div3A_1394 : i32
          %mul3A_1417 = arith.constant 16 : i32
          %mul3A_1418 = arith.muli %select_n3A_1416, %mul3A_1417 : i32
          %get3A_1419 = arith.index_cast %mul3A_1418 : i32 to index
          %get3A_1420 = tpu.vector_load %arg7[%get3A_1419] {strides = array<i32>} : memref<48xi32, #tpu.memory_space<vmem>>, vector<16xi32>,
          %iota3A_1421 = tpu.iota {dimensions = array<i32: 0>} : vector<16xi32>
          %sub3A_1422 = arith.subi %add3A_1392, %mul3A_1418 : i32
          %eq3A_1423 = vector.broadcast %sub3A_1422 : i32 to vector<16xi32>
          %eq3A_1424 = arith.cmpi eq, %iota3A_1421, %eq3A_1423 : vector<16xi32>
          %jit3A_1425 = arith.constant 0 : i32
          %broadcast_in_dim3A_1426 = vector.broadcast %jit3A_1425 : i32 to vector<16xi32>
          %select_n3A_1427 = arith.select %eq3A_1424, %get3A_1420, %broadcast_in_dim3A_1426 : vector<16xi1>, vector<16xi32>
          %reduce_sum3A_1428 = arith.constant true
          %reduce_sum3A_1429 = vector.broadcast %reduce_sum3A_1428 : i1 to vector<16xi1>
          %reduce_sum3A_1430 = tpu.scan <sum>, %select_n3A_1427 masked %reduce_sum3A_1429 : vector<16xi32>, vector<16xi1> -> vector<16xi32>
          %reduce_sum3A_1431 = vector.extract %reduce_sum3A_1430[15] : i32 from vector<16xi32>
          %le3A = arith.cmpi sle, %reduce_sum3A_1431, %min3A_1368 : i32
          %and3A_1432 = arith.andi %lt3A_1390, %le3A : i1
          scf.condition(%and3A_1432) %while3A_1371, %while3A_1372, %while3A_1373, %while3A_1374, %while3A_1375, %while3A_1376, %while3A_1377, %while3A_1378, %while3A_1379, %while3A_1380, %while3A_1381, %while3A_1382, %while3A_1383, %while3A_1384, %while3A_1385, %while3A_1386, %while3A_1387, %while3A_1388 : i32, i32, vector<16xf32>, vector<16xf32>, vector<16xf32>, vector<16xf32>, vector<16xf32>, vector<16xf32>, vector<16xf32>, vector<16xf32>, vector<16xf32>, vector<16xf32>, vector<16xf32>, vector<16xf32>, vector<16xf32>, vector<16xf32>, vector<16xf32>, vector<16xf32>
        } do {
        ^bb0(%while3A_1371: i32, %while3A_1372: i32, %while3A_1373: vector<16xf32>, %while3A_1374: vector<16xf32>, %while3A_1375: vector<16xf32>, %while3A_1376: vector<16xf32>, %while3A_1377: vector<16xf32>, %while3A_1378: vector<16xf32>, %while3A_1379: vector<16xf32>, %while3A_1380: vector<16xf32>, %while3A_1381: vector<16xf32>, %while3A_1382: vector<16xf32>, %while3A_1383: vector<16xf32>, %while3A_1384: vector<16xf32>, %while3A_1385: vector<16xf32>, %while3A_1386: vector<16xf32>, %while3A_1387: vector<16xf32>, %while3A_1388: vector<16xf32>):
          %add3A_1389 = arith.constant 1 : i32
          %add3A_1390 = arith.addi %while3A_1371, %add3A_1389 : i32
          %jit3A_1391 = arith.constant 16 : i32
          %div3A_1392 = arith.divsi %add3A_1390, %jit3A_1391 : i32
          %sign3A_1393 = arith.constant 0 : i32
          %sign3A_1394 = arith.cmpi sgt, %add3A_1390, %sign3A_1393 : i32
          %sign3A_1395 = arith.extui %sign3A_1394 : i1 to i32
          %sign3A_1396 = arith.constant 0 : i32
          %sign3A_1397 = arith.cmpi slt, %add3A_1390, %sign3A_1396 : i32
          %sign3A_1398 = arith.extui %sign3A_1397 : i1 to i32
          %sign3A_1399 = arith.subi %sign3A_1395, %sign3A_1398 : i32
          %sign3A_1400 = arith.constant 0 : i32
          %sign3A_1401 = arith.cmpi sgt, %jit3A_1391, %sign3A_1400 : i32
          %sign3A_1402 = arith.extui %sign3A_1401 : i1 to i32
          %sign3A_1403 = arith.constant 0 : i32
          %sign3A_1404 = arith.cmpi slt, %jit3A_1391, %sign3A_1403 : i32
          %sign3A_1405 = arith.extui %sign3A_1404 : i1 to i32
          %sign3A_1406 = arith.subi %sign3A_1402, %sign3A_1405 : i32
          %ne3A_1407 = arith.cmpi ne, %sign3A_1399, %sign3A_1406 : i32
          %rem3A_1408 = arith.remsi %add3A_1390, %jit3A_1391 : i32
          %ne3A_1409 = arith.constant 0 : i32
          %ne3A_1410 = arith.cmpi ne, %rem3A_1408, %ne3A_1409 : i32
          %and3A_1411 = arith.andi %ne3A_1407, %ne3A_1410 : i1
          %sub3A_1412 = arith.constant 1 : i32
          %sub3A_1413 = arith.subi %div3A_1392, %sub3A_1412 : i32
          %select_n3A_1414 = arith.select %and3A_1411, %sub3A_1413, %div3A_1392 : i32
          %mul3A_1415 = arith.constant 16 : i32
          %mul3A_1416 = arith.muli %select_n3A_1414, %mul3A_1415 : i32
          %get3A_1417 = arith.index_cast %mul3A_1416 : i32 to index
          %get3A_1418 = tpu.vector_load %arg7[%get3A_1417] {strides = array<i32>} : memref<48xi32, #tpu.memory_space<vmem>>, vector<16xi32>,
          %iota3A_1419 = tpu.iota {dimensions = array<i32: 0>} : vector<16xi32>
          %sub3A_1420 = arith.subi %add3A_1390, %mul3A_1416 : i32
          %eq3A_1421 = vector.broadcast %sub3A_1420 : i32 to vector<16xi32>
          %eq3A_1422 = arith.cmpi eq, %iota3A_1419, %eq3A_1421 : vector<16xi32>
          %jit3A_1423 = arith.constant 0 : i32
          %broadcast_in_dim3A_1424 = vector.broadcast %jit3A_1423 : i32 to vector<16xi32>
          %select_n3A_1425 = arith.select %eq3A_1422, %get3A_1418, %broadcast_in_dim3A_1424 : vector<16xi1>, vector<16xi32>
          %reduce_sum3A_1426 = arith.constant true
          %reduce_sum3A_1427 = vector.broadcast %reduce_sum3A_1426 : i1 to vector<16xi1>
          %reduce_sum3A_1428 = tpu.scan <sum>, %select_n3A_1425 masked %reduce_sum3A_1427 : vector<16xi32>, vector<16xi1> -> vector<16xi32>
          %reduce_sum3A_1429 = vector.extract %reduce_sum3A_1428[15] : i32 from vector<16xi32>
          %parallel_loop3A_1430 = arith.constant 1 : i32
          %parallel_loop3A_1431:16 = scf.for %parallel_loop3A_1530 = %while3A_1372 to %reduce_sum3A_1429 step %parallel_loop3A_1430 iter_args(%parallel_loop3A_1531 = %while3A_1373, %parallel_loop3A_1532 = %while3A_1374, %parallel_loop3A_1533 = %while3A_1375, %parallel_loop3A_1534 = %while3A_1376, %parallel_loop3A_1535 = %while3A_1377, %parallel_loop3A_1536 = %while3A_1378, %parallel_loop3A_1537 = %while3A_1379, %parallel_loop3A_1538 = %while3A_1380, %parallel_loop3A_1539 = %while3A_1381, %parallel_loop3A_1540 = %while3A_1382, %parallel_loop3A_1541 = %while3A_1383, %parallel_loop3A_1542 = %while3A_1384, %parallel_loop3A_1543 = %while3A_1385, %parallel_loop3A_1544 = %while3A_1386, %parallel_loop3A_1545 = %while3A_1387, %parallel_loop3A_1546 = %while3A_1388) -> (vector<16xf32>, vector<16xf32>, vector<16xf32>, vector<16xf32>, vector<16xf32>, vector<16xf32>, vector<16xf32>, vector<16xf32>, vector<16xf32>, vector<16xf32>, vector<16xf32>, vector<16xf32>, vector<16xf32>, vector<16xf32>, vector<16xf32>, vector<16xf32>)  : i32 {
            %parallel_loop3A_1547 = arith.subi %parallel_loop3A_1530, %min3A_1365 : i32
            %parallel_loop3A_1548 = arith.constant 128 : i32
            %parallel_loop3A_1549 = arith.muli %parallel_loop3A_1547, %parallel_loop3A_1548 : i32
            %parallel_loop3A_1550 = arith.constant 0 : i32
            %parallel_loop3A_1551 = arith.addi %parallel_loop3A_1549, %parallel_loop3A_1550 : i32
            %parallel_loop3A_1552 = arith.index_cast %parallel_loop3A_1551 : i32 to index
            %parallel_loop3A_1553 = tpu.vector_load %arg15[%parallel_loop3A_1552] {strides = array<i32>} : memref<32768xf32, #tpu.memory_space<vmem>>, vector<16xf32>,
            %parallel_loop3A_1554 = arith.addf %parallel_loop3A_1531, %parallel_loop3A_1553 : vector<16xf32>
            %parallel_loop3A_1555 = arith.maximumf %parallel_loop3A_1539, %parallel_loop3A_1553 : vector<16xf32>
            %parallel_loop3A_1556 = arith.constant 16 : i32
            %parallel_loop3A_1557 = arith.addi %parallel_loop3A_1549, %parallel_loop3A_1556 : i32
            %parallel_loop3A_1558 = arith.index_cast %parallel_loop3A_1557 : i32 to index
            %parallel_loop3A_1559 = tpu.vector_load %arg15[%parallel_loop3A_1558] {strides = array<i32>} : memref<32768xf32, #tpu.memory_space<vmem>>, vector<16xf32>,
            %parallel_loop3A_1560 = arith.addf %parallel_loop3A_1532, %parallel_loop3A_1559 : vector<16xf32>
            %parallel_loop3A_1561 = arith.maximumf %parallel_loop3A_1540, %parallel_loop3A_1559 : vector<16xf32>
            %parallel_loop3A_1562 = arith.constant 32 : i32
            %parallel_loop3A_1563 = arith.addi %parallel_loop3A_1549, %parallel_loop3A_1562 : i32
            %parallel_loop3A_1564 = arith.index_cast %parallel_loop3A_1563 : i32 to index
            %parallel_loop3A_1565 = tpu.vector_load %arg15[%parallel_loop3A_1564] {strides = array<i32>} : memref<32768xf32, #tpu.memory_space<vmem>>, vector<16xf32>,
            %parallel_loop3A_1566 = arith.addf %parallel_loop3A_1533, %parallel_loop3A_1565 : vector<16xf32>
            %parallel_loop3A_1567 = arith.maximumf %parallel_loop3A_1541, %parallel_loop3A_1565 : vector<16xf32>
            %parallel_loop3A_1568 = arith.constant 48 : i32
            %parallel_loop3A_1569 = arith.addi %parallel_loop3A_1549, %parallel_loop3A_1568 : i32
            %parallel_loop3A_1570 = arith.index_cast %parallel_loop3A_1569 : i32 to index
            %parallel_loop3A_1571 = tpu.vector_load %arg15[%parallel_loop3A_1570] {strides = array<i32>} : memref<32768xf32, #tpu.memory_space<vmem>>, vector<16xf32>,
            %parallel_loop3A_1572 = arith.addf %parallel_loop3A_1534, %parallel_loop3A_1571 : vector<16xf32>
            %parallel_loop3A_1573 = arith.maximumf %parallel_loop3A_1542, %parallel_loop3A_1571 : vector<16xf32>
            %parallel_loop3A_1574 = arith.constant 64 : i32
            %parallel_loop3A_1575 = arith.addi %parallel_loop3A_1549, %parallel_loop3A_1574 : i32
            %parallel_loop3A_1576 = arith.index_cast %parallel_loop3A_1575 : i32 to index
            %parallel_loop3A_1577 = tpu.vector_load %arg15[%parallel_loop3A_1576] {strides = array<i32>} : memref<32768xf32, #tpu.memory_space<vmem>>, vector<16xf32>,
            %parallel_loop3A_1578 = arith.addf %parallel_loop3A_1535, %parallel_loop3A_1577 : vector<16xf32>
            %parallel_loop3A_1579 = arith.maximumf %parallel_loop3A_1543, %parallel_loop3A_1577 : vector<16xf32>
            %parallel_loop3A_1580 = arith.constant 80 : i32
            %parallel_loop3A_1581 = arith.addi %parallel_loop3A_1549, %parallel_loop3A_1580 : i32
            %parallel_loop3A_1582 = arith.index_cast %parallel_loop3A_1581 : i32 to index
            %parallel_loop3A_1583 = tpu.vector_load %arg15[%parallel_loop3A_1582] {strides = array<i32>} : memref<32768xf32, #tpu.memory_space<vmem>>, vector<16xf32>,
            %parallel_loop3A_1584 = arith.addf %parallel_loop3A_1536, %parallel_loop3A_1583 : vector<16xf32>
            %parallel_loop3A_1585 = arith.maximumf %parallel_loop3A_1544, %parallel_loop3A_1583 : vector<16xf32>
            %parallel_loop3A_1586 = arith.constant 96 : i32
            %parallel_loop3A_1587 = arith.addi %parallel_loop3A_1549, %parallel_loop3A_1586 : i32
            %parallel_loop3A_1588 = arith.index_cast %parallel_loop3A_1587 : i32 to index
            %parallel_loop3A_1589 = tpu.vector_load %arg15[%parallel_loop3A_1588] {strides = array<i32>} : memref<32768xf32, #tpu.memory_space<vmem>>, vector<16xf32>,
            %parallel_loop3A_1590 = arith.addf %parallel_loop3A_1537, %parallel_loop3A_1589 : vector<16xf32>
            %parallel_loop3A_1591 = arith.maximumf %parallel_loop3A_1545, %parallel_loop3A_1589 : vector<16xf32>
            %parallel_loop3A_1592 = arith.constant 112 : i32
            %parallel_loop3A_1593 = arith.addi %parallel_loop3A_1549, %parallel_loop3A_1592 : i32
            %parallel_loop3A_1594 = arith.index_cast %parallel_loop3A_1593 : i32 to index
            %parallel_loop3A_1595 = tpu.vector_load %arg15[%parallel_loop3A_1594] {strides = array<i32>} : memref<32768xf32, #tpu.memory_space<vmem>>, vector<16xf32>,
            %parallel_loop3A_1596 = arith.addf %parallel_loop3A_1538, %parallel_loop3A_1595 : vector<16xf32>
            %parallel_loop3A_1597 = arith.maximumf %parallel_loop3A_1546, %parallel_loop3A_1595 : vector<16xf32>
            scf.yield %parallel_loop3A_1554, %parallel_loop3A_1560, %parallel_loop3A_1566, %parallel_loop3A_1572, %parallel_loop3A_1578, %parallel_loop3A_1584, %parallel_loop3A_1590, %parallel_loop3A_1596, %parallel_loop3A_1555, %parallel_loop3A_1561, %parallel_loop3A_1567, %parallel_loop3A_1573, %parallel_loop3A_1579, %parallel_loop3A_1585, %parallel_loop3A_1591, %parallel_loop3A_1597 : vector<16xf32>, vector<16xf32>, vector<16xf32>, vector<16xf32>, vector<16xf32>, vector<16xf32>, vector<16xf32>, vector<16xf32>, vector<16xf32>, vector<16xf32>, vector<16xf32>, vector<16xf32>, vector<16xf32>, vector<16xf32>, vector<16xf32>, vector<16xf32>
          } {sc.loop_unroll_factor = 4 : i64, sc.parallel_access}
          %mul3A_1432 = arith.constant 128 : i32
          %mul3A_1433 = arith.muli %while3A_1371, %mul3A_1432 : i32
          %add3A_1434 = arith.constant 0 : i32
          %add3A_1435 = arith.addi %mul3A_1433, %add3A_1434 : i32
          %swap3A_1436 = arith.index_cast %add3A_1435 : i32 to index
          %swap3A_1437 = tpu.vector_load %arg16[%swap3A_1436] {strides = array<i32>} : memref<4096xf32, #tpu.memory_space<vmem>>, vector<16xf32>,
          tpu.vector_store %arg16[%swap3A_1436], %parallel_loop3A_1431#0 {strides = array<i32>} : memref<4096xf32, #tpu.memory_space<vmem>>, vector<16xf32>,
          %mul3A_1438 = arith.constant 128 : i32
          %mul3A_1439 = arith.muli %while3A_1371, %mul3A_1438 : i32
          %add3A_1440 = arith.constant 0 : i32
          %add3A_1441 = arith.addi %mul3A_1439, %add3A_1440 : i32
          %swap3A_1442 = arith.index_cast %add3A_1441 : i32 to index
          %swap3A_1443 = tpu.vector_load %arg17[%swap3A_1442] {strides = array<i32>} : memref<4096xf32, #tpu.memory_space<vmem>>, vector<16xf32>,
          tpu.vector_store %arg17[%swap3A_1442], %parallel_loop3A_1431#8 {strides = array<i32>} : memref<4096xf32, #tpu.memory_space<vmem>>, vector<16xf32>,
          %mul3A_1444 = arith.constant 128 : i32
          %mul3A_1445 = arith.muli %while3A_1371, %mul3A_1444 : i32
          %add3A_1446 = arith.constant 16 : i32
          %add3A_1447 = arith.addi %mul3A_1445, %add3A_1446 : i32
          %swap3A_1448 = arith.index_cast %add3A_1447 : i32 to index
          %swap3A_1449 = tpu.vector_load %arg16[%swap3A_1448] {strides = array<i32>} : memref<4096xf32, #tpu.memory_space<vmem>>, vector<16xf32>,
          tpu.vector_store %arg16[%swap3A_1448], %parallel_loop3A_1431#1 {strides = array<i32>} : memref<4096xf32, #tpu.memory_space<vmem>>, vector<16xf32>,
          %mul3A_1450 = arith.constant 128 : i32
          %mul3A_1451 = arith.muli %while3A_1371, %mul3A_1450 : i32
          %add3A_1452 = arith.constant 16 : i32
          %add3A_1453 = arith.addi %mul3A_1451, %add3A_1452 : i32
          %swap3A_1454 = arith.index_cast %add3A_1453 : i32 to index
          %swap3A_1455 = tpu.vector_load %arg17[%swap3A_1454] {strides = array<i32>} : memref<4096xf32, #tpu.memory_space<vmem>>, vector<16xf32>,
          tpu.vector_store %arg17[%swap3A_1454], %parallel_loop3A_1431#9 {strides = array<i32>} : memref<4096xf32, #tpu.memory_space<vmem>>, vector<16xf32>,
          %mul3A_1456 = arith.constant 128 : i32
          %mul3A_1457 = arith.muli %while3A_1371, %mul3A_1456 : i32
          %add3A_1458 = arith.constant 32 : i32
          %add3A_1459 = arith.addi %mul3A_1457, %add3A_1458 : i32
          %swap3A_1460 = arith.index_cast %add3A_1459 : i32 to index
          %swap3A_1461 = tpu.vector_load %arg16[%swap3A_1460] {strides = array<i32>} : memref<4096xf32, #tpu.memory_space<vmem>>, vector<16xf32>,
          tpu.vector_store %arg16[%swap3A_1460], %parallel_loop3A_1431#2 {strides = array<i32>} : memref<4096xf32, #tpu.memory_space<vmem>>, vector<16xf32>,
          %mul3A_1462 = arith.constant 128 : i32
          %mul3A_1463 = arith.muli %while3A_1371, %mul3A_1462 : i32
          %add3A_1464 = arith.constant 32 : i32
          %add3A_1465 = arith.addi %mul3A_1463, %add3A_1464 : i32
          %swap3A_1466 = arith.index_cast %add3A_1465 : i32 to index
          %swap3A_1467 = tpu.vector_load %arg17[%swap3A_1466] {strides = array<i32>} : memref<4096xf32, #tpu.memory_space<vmem>>, vector<16xf32>,
          tpu.vector_store %arg17[%swap3A_1466], %parallel_loop3A_1431#10 {strides = array<i32>} : memref<4096xf32, #tpu.memory_space<vmem>>, vector<16xf32>,
          %mul3A_1468 = arith.constant 128 : i32
          %mul3A_1469 = arith.muli %while3A_1371, %mul3A_1468 : i32
          %add3A_1470 = arith.constant 48 : i32
          %add3A_1471 = arith.addi %mul3A_1469, %add3A_1470 : i32
          %swap3A_1472 = arith.index_cast %add3A_1471 : i32 to index
          %swap3A_1473 = tpu.vector_load %arg16[%swap3A_1472] {strides = array<i32>} : memref<4096xf32, #tpu.memory_space<vmem>>, vector<16xf32>,
          tpu.vector_store %arg16[%swap3A_1472], %parallel_loop3A_1431#3 {strides = array<i32>} : memref<4096xf32, #tpu.memory_space<vmem>>, vector<16xf32>,
          %mul3A_1474 = arith.constant 128 : i32
          %mul3A_1475 = arith.muli %while3A_1371, %mul3A_1474 : i32
          %add3A_1476 = arith.constant 48 : i32
          %add3A_1477 = arith.addi %mul3A_1475, %add3A_1476 : i32
          %swap3A_1478 = arith.index_cast %add3A_1477 : i32 to index
          %swap3A_1479 = tpu.vector_load %arg17[%swap3A_1478] {strides = array<i32>} : memref<4096xf32, #tpu.memory_space<vmem>>, vector<16xf32>,
          tpu.vector_store %arg17[%swap3A_1478], %parallel_loop3A_1431#11 {strides = array<i32>} : memref<4096xf32, #tpu.memory_space<vmem>>, vector<16xf32>,
          %mul3A_1480 = arith.constant 128 : i32
          %mul3A_1481 = arith.muli %while3A_1371, %mul3A_1480 : i32
          %add3A_1482 = arith.constant 64 : i32
          %add3A_1483 = arith.addi %mul3A_1481, %add3A_1482 : i32
          %swap3A_1484 = arith.index_cast %add3A_1483 : i32 to index
          %swap3A_1485 = tpu.vector_load %arg16[%swap3A_1484] {strides = array<i32>} : memref<4096xf32, #tpu.memory_space<vmem>>, vector<16xf32>,
          tpu.vector_store %arg16[%swap3A_1484], %parallel_loop3A_1431#4 {strides = array<i32>} : memref<4096xf32, #tpu.memory_space<vmem>>, vector<16xf32>,
          %mul3A_1486 = arith.constant 128 : i32
          %mul3A_1487 = arith.muli %while3A_1371, %mul3A_1486 : i32
          %add3A_1488 = arith.constant 64 : i32
          %add3A_1489 = arith.addi %mul3A_1487, %add3A_1488 : i32
          %swap3A_1490 = arith.index_cast %add3A_1489 : i32 to index
          %swap3A_1491 = tpu.vector_load %arg17[%swap3A_1490] {strides = array<i32>} : memref<4096xf32, #tpu.memory_space<vmem>>, vector<16xf32>,
          tpu.vector_store %arg17[%swap3A_1490], %parallel_loop3A_1431#12 {strides = array<i32>} : memref<4096xf32, #tpu.memory_space<vmem>>, vector<16xf32>,
          %mul3A_1492 = arith.constant 128 : i32
          %mul3A_1493 = arith.muli %while3A_1371, %mul3A_1492 : i32
          %add3A_1494 = arith.constant 80 : i32
          %add3A_1495 = arith.addi %mul3A_1493, %add3A_1494 : i32
          %swap3A_1496 = arith.index_cast %add3A_1495 : i32 to index
          %swap3A_1497 = tpu.vector_load %arg16[%swap3A_1496] {strides = array<i32>} : memref<4096xf32, #tpu.memory_space<vmem>>, vector<16xf32>,
          tpu.vector_store %arg16[%swap3A_1496], %parallel_loop3A_1431#5 {strides = array<i32>} : memref<4096xf32, #tpu.memory_space<vmem>>, vector<16xf32>,
          %mul3A_1498 = arith.constant 128 : i32
          %mul3A_1499 = arith.muli %while3A_1371, %mul3A_1498 : i32
          %add3A_1500 = arith.constant 80 : i32
          %add3A_1501 = arith.addi %mul3A_1499, %add3A_1500 : i32
          %swap3A_1502 = arith.index_cast %add3A_1501 : i32 to index
          %swap3A_1503 = tpu.vector_load %arg17[%swap3A_1502] {strides = array<i32>} : memref<4096xf32, #tpu.memory_space<vmem>>, vector<16xf32>,
          tpu.vector_store %arg17[%swap3A_1502], %parallel_loop3A_1431#13 {strides = array<i32>} : memref<4096xf32, #tpu.memory_space<vmem>>, vector<16xf32>,
          %mul3A_1504 = arith.constant 128 : i32
          %mul3A_1505 = arith.muli %while3A_1371, %mul3A_1504 : i32
          %add3A_1506 = arith.constant 96 : i32
          %add3A_1507 = arith.addi %mul3A_1505, %add3A_1506 : i32
          %swap3A_1508 = arith.index_cast %add3A_1507 : i32 to index
          %swap3A_1509 = tpu.vector_load %arg16[%swap3A_1508] {strides = array<i32>} : memref<4096xf32, #tpu.memory_space<vmem>>, vector<16xf32>,
          tpu.vector_store %arg16[%swap3A_1508], %parallel_loop3A_1431#6 {strides = array<i32>} : memref<4096xf32, #tpu.memory_space<vmem>>, vector<16xf32>,
          %mul3A_1510 = arith.constant 128 : i32
          %mul3A_1511 = arith.muli %while3A_1371, %mul3A_1510 : i32
          %add3A_1512 = arith.constant 96 : i32
          %add3A_1513 = arith.addi %mul3A_1511, %add3A_1512 : i32
          %swap3A_1514 = arith.index_cast %add3A_1513 : i32 to index
          %swap3A_1515 = tpu.vector_load %arg17[%swap3A_1514] {strides = array<i32>} : memref<4096xf32, #tpu.memory_space<vmem>>, vector<16xf32>,
          tpu.vector_store %arg17[%swap3A_1514], %parallel_loop3A_1431#14 {strides = array<i32>} : memref<4096xf32, #tpu.memory_space<vmem>>, vector<16xf32>,
          %mul3A_1516 = arith.constant 128 : i32
          %mul3A_1517 = arith.muli %while3A_1371, %mul3A_1516 : i32
          %add3A_1518 = arith.constant 112 : i32
          %add3A_1519 = arith.addi %mul3A_1517, %add3A_1518 : i32
          %swap3A_1520 = arith.index_cast %add3A_1519 : i32 to index
          %swap3A_1521 = tpu.vector_load %arg16[%swap3A_1520] {strides = array<i32>} : memref<4096xf32, #tpu.memory_space<vmem>>, vector<16xf32>,
          tpu.vector_store %arg16[%swap3A_1520], %parallel_loop3A_1431#7 {strides = array<i32>} : memref<4096xf32, #tpu.memory_space<vmem>>, vector<16xf32>,
          %mul3A_1522 = arith.constant 128 : i32
          %mul3A_1523 = arith.muli %while3A_1371, %mul3A_1522 : i32
          %add3A_1524 = arith.constant 112 : i32
          %add3A_1525 = arith.addi %mul3A_1523, %add3A_1524 : i32
          %swap3A_1526 = arith.index_cast %add3A_1525 : i32 to index
          %swap3A_1527 = tpu.vector_load %arg17[%swap3A_1526] {strides = array<i32>} : memref<4096xf32, #tpu.memory_space<vmem>>, vector<16xf32>,
          tpu.vector_store %arg17[%swap3A_1526], %parallel_loop3A_1431#15 {strides = array<i32>} : memref<4096xf32, #tpu.memory_space<vmem>>, vector<16xf32>,
          %add3A_1528 = arith.constant 1 : i32
          %add3A_1529 = arith.addi %while3A_1371, %add3A_1528 : i32
          scf.yield %add3A_1529, %reduce_sum3A_1429, %broadcast_in_dim3A_1242, %broadcast_in_dim3A_1244, %broadcast_in_dim3A_1246, %broadcast_in_dim3A_1248, %broadcast_in_dim3A_1250, %broadcast_in_dim3A_1252, %broadcast_in_dim3A_1254, %broadcast_in_dim3A_1256, %broadcast_in_dim3A_1258, %broadcast_in_dim3A_1260, %broadcast_in_dim3A_1262, %broadcast_in_dim3A_1264, %broadcast_in_dim3A_1266, %broadcast_in_dim3A_1268, %broadcast_in_dim3A_1270, %broadcast_in_dim3A_1272 : i32, i32, vector<16xf32>, vector<16xf32>, vector<16xf32>, vector<16xf32>, vector<16xf32>, vector<16xf32>, vector<16xf32>, vector<16xf32>, vector<16xf32>, vector<16xf32>, vector<16xf32>, vector<16xf32>, vector<16xf32>, vector<16xf32>, vector<16xf32>, vector<16xf32>
        }
        %parallel_loop3A = arith.constant 1 : i32
        %parallel_loop3A_1370:16 = scf.for %parallel_loop3A_1371 = %while3A_1369#1 to %min3A_1368 step %parallel_loop3A iter_args(%parallel_loop3A_1372 = %while3A_1369#2, %parallel_loop3A_1373 = %while3A_1369#3, %parallel_loop3A_1374 = %while3A_1369#4, %parallel_loop3A_1375 = %while3A_1369#5, %parallel_loop3A_1376 = %while3A_1369#6, %parallel_loop3A_1377 = %while3A_1369#7, %parallel_loop3A_1378 = %while3A_1369#8, %parallel_loop3A_1379 = %while3A_1369#9, %parallel_loop3A_1380 = %while3A_1369#10, %parallel_loop3A_1381 = %while3A_1369#11, %parallel_loop3A_1382 = %while3A_1369#12, %parallel_loop3A_1383 = %while3A_1369#13, %parallel_loop3A_1384 = %while3A_1369#14, %parallel_loop3A_1385 = %while3A_1369#15, %parallel_loop3A_1386 = %while3A_1369#16, %parallel_loop3A_1387 = %while3A_1369#17) -> (vector<16xf32>, vector<16xf32>, vector<16xf32>, vector<16xf32>, vector<16xf32>, vector<16xf32>, vector<16xf32>, vector<16xf32>, vector<16xf32>, vector<16xf32>, vector<16xf32>, vector<16xf32>, vector<16xf32>, vector<16xf32>, vector<16xf32>, vector<16xf32>)  : i32 {
          %parallel_loop3A_1388 = arith.subi %parallel_loop3A_1371, %min3A_1365 : i32
          %parallel_loop3A_1389 = arith.constant 128 : i32
          %parallel_loop3A_1390 = arith.muli %parallel_loop3A_1388, %parallel_loop3A_1389 : i32
          %parallel_loop3A_1391 = arith.constant 0 : i32
          %parallel_loop3A_1392 = arith.addi %parallel_loop3A_1390, %parallel_loop3A_1391 : i32
          %parallel_loop3A_1393 = arith.index_cast %parallel_loop3A_1392 : i32 to index
          %parallel_loop3A_1394 = tpu.vector_load %arg15[%parallel_loop3A_1393] {strides = array<i32>} : memref<32768xf32, #tpu.memory_space<vmem>>, vector<16xf32>,
          %parallel_loop3A_1395 = arith.addf %parallel_loop3A_1372, %parallel_loop3A_1394 : vector<16xf32>
          %parallel_loop3A_1396 = arith.maximumf %parallel_loop3A_1380, %parallel_loop3A_1394 : vector<16xf32>
          %parallel_loop3A_1397 = arith.constant 16 : i32
          %parallel_loop3A_1398 = arith.addi %parallel_loop3A_1390, %parallel_loop3A_1397 : i32
          %parallel_loop3A_1399 = arith.index_cast %parallel_loop3A_1398 : i32 to index
          %parallel_loop3A_1400 = tpu.vector_load %arg15[%parallel_loop3A_1399] {strides = array<i32>} : memref<32768xf32, #tpu.memory_space<vmem>>, vector<16xf32>,
          %parallel_loop3A_1401 = arith.addf %parallel_loop3A_1373, %parallel_loop3A_1400 : vector<16xf32>
          %parallel_loop3A_1402 = arith.maximumf %parallel_loop3A_1381, %parallel_loop3A_1400 : vector<16xf32>
          %parallel_loop3A_1403 = arith.constant 32 : i32
          %parallel_loop3A_1404 = arith.addi %parallel_loop3A_1390, %parallel_loop3A_1403 : i32
          %parallel_loop3A_1405 = arith.index_cast %parallel_loop3A_1404 : i32 to index
          %parallel_loop3A_1406 = tpu.vector_load %arg15[%parallel_loop3A_1405] {strides = array<i32>} : memref<32768xf32, #tpu.memory_space<vmem>>, vector<16xf32>,
          %parallel_loop3A_1407 = arith.addf %parallel_loop3A_1374, %parallel_loop3A_1406 : vector<16xf32>
          %parallel_loop3A_1408 = arith.maximumf %parallel_loop3A_1382, %parallel_loop3A_1406 : vector<16xf32>
          %parallel_loop3A_1409 = arith.constant 48 : i32
          %parallel_loop3A_1410 = arith.addi %parallel_loop3A_1390, %parallel_loop3A_1409 : i32
          %parallel_loop3A_1411 = arith.index_cast %parallel_loop3A_1410 : i32 to index
          %parallel_loop3A_1412 = tpu.vector_load %arg15[%parallel_loop3A_1411] {strides = array<i32>} : memref<32768xf32, #tpu.memory_space<vmem>>, vector<16xf32>,
          %parallel_loop3A_1413 = arith.addf %parallel_loop3A_1375, %parallel_loop3A_1412 : vector<16xf32>
          %parallel_loop3A_1414 = arith.maximumf %parallel_loop3A_1383, %parallel_loop3A_1412 : vector<16xf32>
          %parallel_loop3A_1415 = arith.constant 64 : i32
          %parallel_loop3A_1416 = arith.addi %parallel_loop3A_1390, %parallel_loop3A_1415 : i32
          %parallel_loop3A_1417 = arith.index_cast %parallel_loop3A_1416 : i32 to index
          %parallel_loop3A_1418 = tpu.vector_load %arg15[%parallel_loop3A_1417] {strides = array<i32>} : memref<32768xf32, #tpu.memory_space<vmem>>, vector<16xf32>,
          %parallel_loop3A_1419 = arith.addf %parallel_loop3A_1376, %parallel_loop3A_1418 : vector<16xf32>
          %parallel_loop3A_1420 = arith.maximumf %parallel_loop3A_1384, %parallel_loop3A_1418 : vector<16xf32>
          %parallel_loop3A_1421 = arith.constant 80 : i32
          %parallel_loop3A_1422 = arith.addi %parallel_loop3A_1390, %parallel_loop3A_1421 : i32
          %parallel_loop3A_1423 = arith.index_cast %parallel_loop3A_1422 : i32 to index
          %parallel_loop3A_1424 = tpu.vector_load %arg15[%parallel_loop3A_1423] {strides = array<i32>} : memref<32768xf32, #tpu.memory_space<vmem>>, vector<16xf32>,
          %parallel_loop3A_1425 = arith.addf %parallel_loop3A_1377, %parallel_loop3A_1424 : vector<16xf32>
          %parallel_loop3A_1426 = arith.maximumf %parallel_loop3A_1385, %parallel_loop3A_1424 : vector<16xf32>
          %parallel_loop3A_1427 = arith.constant 96 : i32
          %parallel_loop3A_1428 = arith.addi %parallel_loop3A_1390, %parallel_loop3A_1427 : i32
          %parallel_loop3A_1429 = arith.index_cast %parallel_loop3A_1428 : i32 to index
          %parallel_loop3A_1430 = tpu.vector_load %arg15[%parallel_loop3A_1429] {strides = array<i32>} : memref<32768xf32, #tpu.memory_space<vmem>>, vector<16xf32>,
          %parallel_loop3A_1431 = arith.addf %parallel_loop3A_1378, %parallel_loop3A_1430 : vector<16xf32>
          %parallel_loop3A_1432 = arith.maximumf %parallel_loop3A_1386, %parallel_loop3A_1430 : vector<16xf32>
          %parallel_loop3A_1433 = arith.constant 112 : i32
          %parallel_loop3A_1434 = arith.addi %parallel_loop3A_1390, %parallel_loop3A_1433 : i32
          %parallel_loop3A_1435 = arith.index_cast %parallel_loop3A_1434 : i32 to index
          %parallel_loop3A_1436 = tpu.vector_load %arg15[%parallel_loop3A_1435] {strides = array<i32>} : memref<32768xf32, #tpu.memory_space<vmem>>, vector<16xf32>,
          %parallel_loop3A_1437 = arith.addf %parallel_loop3A_1379, %parallel_loop3A_1436 : vector<16xf32>
          %parallel_loop3A_1438 = arith.maximumf %parallel_loop3A_1387, %parallel_loop3A_1436 : vector<16xf32>
          scf.yield %parallel_loop3A_1395, %parallel_loop3A_1401, %parallel_loop3A_1407, %parallel_loop3A_1413, %parallel_loop3A_1419, %parallel_loop3A_1425, %parallel_loop3A_1431, %parallel_loop3A_1437, %parallel_loop3A_1396, %parallel_loop3A_1402, %parallel_loop3A_1408, %parallel_loop3A_1414, %parallel_loop3A_1420, %parallel_loop3A_1426, %parallel_loop3A_1432, %parallel_loop3A_1438 : vector<16xf32>, vector<16xf32>, vector<16xf32>, vector<16xf32>, vector<16xf32>, vector<16xf32>, vector<16xf32>, vector<16xf32>, vector<16xf32>, vector<16xf32>, vector<16xf32>, vector<16xf32>, vector<16xf32>, vector<16xf32>, vector<16xf32>, vector<16xf32>
        } {sc.loop_unroll_factor = 4 : i64, sc.parallel_access}
        scf.yield %while3A_1369#0, %parallel_loop3A_1370#0, %parallel_loop3A_1370#1, %parallel_loop3A_1370#2, %parallel_loop3A_1370#3, %parallel_loop3A_1370#4, %parallel_loop3A_1370#5, %parallel_loop3A_1370#6, %parallel_loop3A_1370#7, %parallel_loop3A_1370#8, %parallel_loop3A_1370#9, %parallel_loop3A_1370#10, %parallel_loop3A_1370#11, %parallel_loop3A_1370#12, %parallel_loop3A_1370#13, %parallel_loop3A_1370#14, %parallel_loop3A_1370#15 : i32, vector<16xf32>, vector<16xf32>, vector<16xf32>, vector<16xf32>, vector<16xf32>, vector<16xf32>, vector<16xf32>, vector<16xf32>, vector<16xf32>, vector<16xf32>, vector<16xf32>, vector<16xf32>, vector<16xf32>, vector<16xf32>, vector<16xf32>, vector<16xf32>
      } else {
        scf.yield %cond3A_1341#0, %cond3A_1341#1, %cond3A_1341#2, %cond3A_1341#3, %cond3A_1341#4, %cond3A_1341#5, %cond3A_1341#6, %cond3A_1341#7, %cond3A_1341#8, %cond3A_1341#9, %cond3A_1341#10, %cond3A_1341#11, %cond3A_1341#12, %cond3A_1341#13, %cond3A_1341#14, %cond3A_1341#15, %cond3A_1341#16 : i32, vector<16xf32>, vector<16xf32>, vector<16xf32>, vector<16xf32>, vector<16xf32>, vector<16xf32>, vector<16xf32>, vector<16xf32>, vector<16xf32>, vector<16xf32>, vector<16xf32>, vector<16xf32>, vector<16xf32>, vector<16xf32>, vector<16xf32>, vector<16xf32>
      }
      scf.yield %cond3A_1350#0, %cond3A_1350#1, %cond3A_1350#2, %cond3A_1350#3, %cond3A_1350#4, %cond3A_1350#5, %cond3A_1350#6, %cond3A_1350#7, %cond3A_1350#8, %cond3A_1350#9, %cond3A_1350#10, %cond3A_1350#11, %cond3A_1350#12, %cond3A_1350#13, %cond3A_1350#14, %cond3A_1350#15, %cond3A_1350#16 : i32, vector<16xf32>, vector<16xf32>, vector<16xf32>, vector<16xf32>, vector<16xf32>, vector<16xf32>, vector<16xf32>, vector<16xf32>, vector<16xf32>, vector<16xf32>, vector<16xf32>, vector<16xf32>, vector<16xf32>, vector<16xf32>, vector<16xf32>, vector<16xf32>
    }
    %while3A_1310 = scf.while (%while3A_1315 = %while3A_1309#0) : (i32) -> i32 {
      %lt3A_1316 = arith.constant 32 : i32
      %lt3A_1317 = arith.cmpi slt, %while3A_1315, %lt3A_1316 : i32
      scf.condition(%lt3A_1317) %while3A_1315 : i32
    } do {
    ^bb0(%while3A_1315: i32):
      %mul3A_1316 = arith.constant 128 : i32
      %mul3A_1317 = arith.muli %while3A_1315, %mul3A_1316 : i32
      %add3A_1318 = arith.constant 0 : i32
      %add3A_1319 = arith.addi %mul3A_1317, %add3A_1318 : i32
      %swap3A_1320 = arith.index_cast %add3A_1319 : i32 to index
      %swap3A_1321 = tpu.vector_load %arg16[%swap3A_1320] {strides = array<i32>} : memref<4096xf32, #tpu.memory_space<vmem>>, vector<16xf32>,
      tpu.vector_store %arg16[%swap3A_1320], %broadcast_in_dim3A_1242 {strides = array<i32>} : memref<4096xf32, #tpu.memory_space<vmem>>, vector<16xf32>,
      %mul3A_1322 = arith.constant 128 : i32
      %mul3A_1323 = arith.muli %while3A_1315, %mul3A_1322 : i32
      %add3A_1324 = arith.constant 0 : i32
      %add3A_1325 = arith.addi %mul3A_1323, %add3A_1324 : i32
      %swap3A_1326 = arith.index_cast %add3A_1325 : i32 to index
      %swap3A_1327 = tpu.vector_load %arg17[%swap3A_1326] {strides = array<i32>} : memref<4096xf32, #tpu.memory_space<vmem>>, vector<16xf32>,
      tpu.vector_store %arg17[%swap3A_1326], %broadcast_in_dim3A_1258 {strides = array<i32>} : memref<4096xf32, #tpu.memory_space<vmem>>, vector<16xf32>,
      %mul3A_1328 = arith.constant 128 : i32
      %mul3A_1329 = arith.muli %while3A_1315, %mul3A_1328 : i32
      %add3A_1330 = arith.constant 16 : i32
      %add3A_1331 = arith.addi %mul3A_1329, %add3A_1330 : i32
      %swap3A_1332 = arith.index_cast %add3A_1331 : i32 to index
      %swap3A_1333 = tpu.vector_load %arg16[%swap3A_1332] {strides = array<i32>} : memref<4096xf32, #tpu.memory_space<vmem>>, vector<16xf32>,
      tpu.vector_store %arg16[%swap3A_1332], %broadcast_in_dim3A_1244 {strides = array<i32>} : memref<4096xf32, #tpu.memory_space<vmem>>, vector<16xf32>,
      %mul3A_1334 = arith.constant 128 : i32
      %mul3A_1335 = arith.muli %while3A_1315, %mul3A_1334 : i32
      %add3A_1336 = arith.constant 16 : i32
      %add3A_1337 = arith.addi %mul3A_1335, %add3A_1336 : i32
      %swap3A_1338 = arith.index_cast %add3A_1337 : i32 to index
      %swap3A_1339 = tpu.vector_load %arg17[%swap3A_1338] {strides = array<i32>} : memref<4096xf32, #tpu.memory_space<vmem>>, vector<16xf32>,
      tpu.vector_store %arg17[%swap3A_1338], %broadcast_in_dim3A_1260 {strides = array<i32>} : memref<4096xf32, #tpu.memory_space<vmem>>, vector<16xf32>,
      %mul3A_1340 = arith.constant 128 : i32
      %mul3A_1341 = arith.muli %while3A_1315, %mul3A_1340 : i32
      %add3A_1342 = arith.constant 32 : i32
      %add3A_1343 = arith.addi %mul3A_1341, %add3A_1342 : i32
      %swap3A_1344 = arith.index_cast %add3A_1343 : i32 to index
      %swap3A_1345 = tpu.vector_load %arg16[%swap3A_1344] {strides = array<i32>} : memref<4096xf32, #tpu.memory_space<vmem>>, vector<16xf32>,
      tpu.vector_store %arg16[%swap3A_1344], %broadcast_in_dim3A_1246 {strides = array<i32>} : memref<4096xf32, #tpu.memory_space<vmem>>, vector<16xf32>,
      %mul3A_1346 = arith.constant 128 : i32
      %mul3A_1347 = arith.muli %while3A_1315, %mul3A_1346 : i32
      %add3A_1348 = arith.constant 32 : i32
      %add3A_1349 = arith.addi %mul3A_1347, %add3A_1348 : i32
      %swap3A_1350 = arith.index_cast %add3A_1349 : i32 to index
      %swap3A_1351 = tpu.vector_load %arg17[%swap3A_1350] {strides = array<i32>} : memref<4096xf32, #tpu.memory_space<vmem>>, vector<16xf32>,
      tpu.vector_store %arg17[%swap3A_1350], %broadcast_in_dim3A_1262 {strides = array<i32>} : memref<4096xf32, #tpu.memory_space<vmem>>, vector<16xf32>,
      %mul3A_1352 = arith.constant 128 : i32
      %mul3A_1353 = arith.muli %while3A_1315, %mul3A_1352 : i32
      %add3A_1354 = arith.constant 48 : i32
      %add3A_1355 = arith.addi %mul3A_1353, %add3A_1354 : i32
      %swap3A_1356 = arith.index_cast %add3A_1355 : i32 to index
      %swap3A_1357 = tpu.vector_load %arg16[%swap3A_1356] {strides = array<i32>} : memref<4096xf32, #tpu.memory_space<vmem>>, vector<16xf32>,
      tpu.vector_store %arg16[%swap3A_1356], %broadcast_in_dim3A_1248 {strides = array<i32>} : memref<4096xf32, #tpu.memory_space<vmem>>, vector<16xf32>,
      %mul3A_1358 = arith.constant 128 : i32
      %mul3A_1359 = arith.muli %while3A_1315, %mul3A_1358 : i32
      %add3A_1360 = arith.constant 48 : i32
      %add3A_1361 = arith.addi %mul3A_1359, %add3A_1360 : i32
      %swap3A_1362 = arith.index_cast %add3A_1361 : i32 to index
      %swap3A_1363 = tpu.vector_load %arg17[%swap3A_1362] {strides = array<i32>} : memref<4096xf32, #tpu.memory_space<vmem>>, vector<16xf32>,
      tpu.vector_store %arg17[%swap3A_1362], %broadcast_in_dim3A_1264 {strides = array<i32>} : memref<4096xf32, #tpu.memory_space<vmem>>, vector<16xf32>,
      %mul3A_1364 = arith.constant 128 : i32
      %mul3A_1365 = arith.muli %while3A_1315, %mul3A_1364 : i32
      %add3A_1366 = arith.constant 64 : i32
      %add3A_1367 = arith.addi %mul3A_1365, %add3A_1366 : i32
      %swap3A_1368 = arith.index_cast %add3A_1367 : i32 to index
      %swap3A_1369 = tpu.vector_load %arg16[%swap3A_1368] {strides = array<i32>} : memref<4096xf32, #tpu.memory_space<vmem>>, vector<16xf32>,
      tpu.vector_store %arg16[%swap3A_1368], %broadcast_in_dim3A_1250 {strides = array<i32>} : memref<4096xf32, #tpu.memory_space<vmem>>, vector<16xf32>,
      %mul3A_1370 = arith.constant 128 : i32
      %mul3A_1371 = arith.muli %while3A_1315, %mul3A_1370 : i32
      %add3A_1372 = arith.constant 64 : i32
      %add3A_1373 = arith.addi %mul3A_1371, %add3A_1372 : i32
      %swap3A_1374 = arith.index_cast %add3A_1373 : i32 to index
      %swap3A_1375 = tpu.vector_load %arg17[%swap3A_1374] {strides = array<i32>} : memref<4096xf32, #tpu.memory_space<vmem>>, vector<16xf32>,
      tpu.vector_store %arg17[%swap3A_1374], %broadcast_in_dim3A_1266 {strides = array<i32>} : memref<4096xf32, #tpu.memory_space<vmem>>, vector<16xf32>,
      %mul3A_1376 = arith.constant 128 : i32
      %mul3A_1377 = arith.muli %while3A_1315, %mul3A_1376 : i32
      %add3A_1378 = arith.constant 80 : i32
      %add3A_1379 = arith.addi %mul3A_1377, %add3A_1378 : i32
      %swap3A_1380 = arith.index_cast %add3A_1379 : i32 to index
      %swap3A_1381 = tpu.vector_load %arg16[%swap3A_1380] {strides = array<i32>} : memref<4096xf32, #tpu.memory_space<vmem>>, vector<16xf32>,
      tpu.vector_store %arg16[%swap3A_1380], %broadcast_in_dim3A_1252 {strides = array<i32>} : memref<4096xf32, #tpu.memory_space<vmem>>, vector<16xf32>,
      %mul3A_1382 = arith.constant 128 : i32
      %mul3A_1383 = arith.muli %while3A_1315, %mul3A_1382 : i32
      %add3A_1384 = arith.constant 80 : i32
      %add3A_1385 = arith.addi %mul3A_1383, %add3A_1384 : i32
      %swap3A_1386 = arith.index_cast %add3A_1385 : i32 to index
      %swap3A_1387 = tpu.vector_load %arg17[%swap3A_1386] {strides = array<i32>} : memref<4096xf32, #tpu.memory_space<vmem>>, vector<16xf32>,
      tpu.vector_store %arg17[%swap3A_1386], %broadcast_in_dim3A_1268 {strides = array<i32>} : memref<4096xf32, #tpu.memory_space<vmem>>, vector<16xf32>,
      %mul3A_1388 = arith.constant 128 : i32
      %mul3A_1389 = arith.muli %while3A_1315, %mul3A_1388 : i32
      %add3A_1390 = arith.constant 96 : i32
      %add3A_1391 = arith.addi %mul3A_1389, %add3A_1390 : i32
      %swap3A_1392 = arith.index_cast %add3A_1391 : i32 to index
      %swap3A_1393 = tpu.vector_load %arg16[%swap3A_1392] {strides = array<i32>} : memref<4096xf32, #tpu.memory_space<vmem>>, vector<16xf32>,
      tpu.vector_store %arg16[%swap3A_1392], %broadcast_in_dim3A_1254 {strides = array<i32>} : memref<4096xf32, #tpu.memory_space<vmem>>, vector<16xf32>,
      %mul3A_1394 = arith.constant 128 : i32
      %mul3A_1395 = arith.muli %while3A_1315, %mul3A_1394 : i32
      %add3A_1396 = arith.constant 96 : i32
      %add3A_1397 = arith.addi %mul3A_1395, %add3A_1396 : i32
      %swap3A_1398 = arith.index_cast %add3A_1397 : i32 to index
      %swap3A_1399 = tpu.vector_load %arg17[%swap3A_1398] {strides = array<i32>} : memref<4096xf32, #tpu.memory_space<vmem>>, vector<16xf32>,
      tpu.vector_store %arg17[%swap3A_1398], %broadcast_in_dim3A_1270 {strides = array<i32>} : memref<4096xf32, #tpu.memory_space<vmem>>, vector<16xf32>,
      %mul3A_1400 = arith.constant 128 : i32
      %mul3A_1401 = arith.muli %while3A_1315, %mul3A_1400 : i32
      %add3A_1402 = arith.constant 112 : i32
      %add3A_1403 = arith.addi %mul3A_1401, %add3A_1402 : i32
      %swap3A_1404 = arith.index_cast %add3A_1403 : i32 to index
      %swap3A_1405 = tpu.vector_load %arg16[%swap3A_1404] {strides = array<i32>} : memref<4096xf32, #tpu.memory_space<vmem>>, vector<16xf32>,
      tpu.vector_store %arg16[%swap3A_1404], %broadcast_in_dim3A_1256 {strides = array<i32>} : memref<4096xf32, #tpu.memory_space<vmem>>, vector<16xf32>,
      %mul3A_1406 = arith.constant 128 : i32
      %mul3A_1407 = arith.muli %while3A_1315, %mul3A_1406 : i32
      %add3A_1408 = arith.constant 112 : i32
      %add3A_1409 = arith.addi %mul3A_1407, %add3A_1408 : i32
      %swap3A_1410 = arith.index_cast %add3A_1409 : i32 to index
      %swap3A_1411 = tpu.vector_load %arg17[%swap3A_1410] {strides = array<i32>} : memref<4096xf32, #tpu.memory_space<vmem>>, vector<16xf32>,
      tpu.vector_store %arg17[%swap3A_1410], %broadcast_in_dim3A_1272 {strides = array<i32>} : memref<4096xf32, #tpu.memory_space<vmem>>, vector<16xf32>,
      %add3A_1412 = arith.constant 1 : i32
      %add3A_1413 = arith.addi %while3A_1315, %add3A_1412 : i32
      scf.yield %add3A_1413 : i32
    }
    %mul3A_1311 = arith.constant 128 : i32
    %mul3A_1312 = arith.muli %mul3A_2, %mul3A_1311 : i32
    "tpu.region"() ({
      %run_scoped3A = tpu.sem_alloc : memref<!tpu.dma_semaphore, #tpu.memory_space<semaphore_mem>>
      %dma_start3A_1315 = tpu.memref_slice %arg5[%mul3A_1312] : memref<131072xf32, #tpu.memory_space<hbm>> -> memref<4096xf32, #tpu.memory_space<hbm>>
      %dma_start3A_1316 = tpu.memref_slice %arg5[%mul3A_1312] : memref<131072xf32, #tpu.memory_space<hbm>> -> memref<4096xf32, #tpu.memory_space<hbm>>
      tpu.enqueue_dma source(%arg16 : memref<4096xf32, #tpu.memory_space<vmem>>) target(%dma_start3A_1316 : memref<4096xf32, #tpu.memory_space<hbm>>) target_semaphore(%run_scoped3A : memref<!tpu.dma_semaphore, #tpu.memory_space<semaphore_mem>>)
      %dma_wait3A_1317 = tpu.memref_slice %arg5[%mul3A_1312] : memref<131072xf32, #tpu.memory_space<hbm>> -> memref<4096xf32, #tpu.memory_space<hbm>>
      %dma_wait3A_1318 = tpu.memref_slice %arg5[%mul3A_1312] : memref<131072xf32, #tpu.memory_space<hbm>> -> memref<4096xf32, #tpu.memory_space<hbm>>
      tpu.wait_dma2 semaphore(%run_scoped3A : memref<!tpu.dma_semaphore, #tpu.memory_space<semaphore_mem>>) src(%arg16 : memref<4096xf32, #tpu.memory_space<vmem>>) dst(%dma_wait3A_1318 : memref<4096xf32, #tpu.memory_space<hbm>>)
      tpu.yield
    }) : () -> ()
    %mul3A_1313 = arith.constant 128 : i32
    %mul3A_1314 = arith.muli %mul3A_2, %mul3A_1313 : i32
    "tpu.region"() ({
      %run_scoped3A = tpu.sem_alloc : memref<!tpu.dma_semaphore, #tpu.memory_space<semaphore_mem>>
      %dma_start3A_1315 = tpu.memref_slice %arg6[%mul3A_1314] : memref<131072xf32, #tpu.memory_space<hbm>> -> memref<4096xf32, #tpu.memory_space<hbm>>
      %dma_start3A_1316 = tpu.memref_slice %arg6[%mul3A_1314] : memref<131072xf32, #tpu.memory_space<hbm>> -> memref<4096xf32, #tpu.memory_space<hbm>>
      tpu.enqueue_dma source(%arg17 : memref<4096xf32, #tpu.memory_space<vmem>>) target(%dma_start3A_1316 : memref<4096xf32, #tpu.memory_space<hbm>>) target_semaphore(%run_scoped3A : memref<!tpu.dma_semaphore, #tpu.memory_space<semaphore_mem>>)
      %dma_wait3A_1317 = tpu.memref_slice %arg6[%mul3A_1314] : memref<131072xf32, #tpu.memory_space<hbm>> -> memref<4096xf32, #tpu.memory_space<hbm>>
      %dma_wait3A_1318 = tpu.memref_slice %arg6[%mul3A_1314] : memref<131072xf32, #tpu.memory_space<hbm>> -> memref<4096xf32, #tpu.memory_space<hbm>>
      tpu.wait_dma2 semaphore(%run_scoped3A : memref<!tpu.dma_semaphore, #tpu.memory_space<semaphore_mem>>) src(%arg17 : memref<4096xf32, #tpu.memory_space<vmem>>) dst(%dma_wait3A_1318 : memref<4096xf32, #tpu.memory_space<hbm>>)
      tpu.yield
    }) : () -> ()
    return
  }
}

module attributes {stable_mosaic.version = 14 : i64} {
  func.func @_mlp_body(%arg0: memref<1x1xf32, #tpu.memory_space<vmem>>, %arg1: memref<1024x128xf32, #tpu.memory_space<vmem>>, %arg2: memref<1024x128xf32, #tpu.memory_space<vmem>>, %arg3: memref<128x128xf32, #tpu.memory_space<vmem>>, %arg4: memref<1x128xf32, #tpu.memory_space<vmem>>, %arg5: memref<128x128xf32, #tpu.memory_space<vmem>>, %arg6: memref<1x128xf32, #tpu.memory_space<vmem>>, %arg7: memref<128x128xf32, #tpu.memory_space<vmem>>, %arg8: memref<1x128xf32, #tpu.memory_space<vmem>>, %arg9: memref<128x128xf32, #tpu.memory_space<vmem>>, %arg10: memref<1x128xf32, #tpu.memory_space<vmem>>, %arg11: memref<1024x128xf32, #tpu.memory_space<vmem>>) attributes {dimension_semantics = [], scalar_prefetch = 0 : i64, scratch_operands = 0 : i64, tpu.core_type = #tpu.core_type<tc>} {
    %get3A = arith.constant 0 : index
    %get3A_0 = arith.constant 0 : index
    %get3A_1 = vector.load %arg0[%get3A, %get3A_0] : memref<1x1xf32, #tpu.memory_space<vmem>>, vector<1x1xf32>
    %get3A_2 = vector.extract %get3A_1[0, 0] : f32 from vector<1x1xf32>
    %logistic3A = arith.negf %get3A_2 : f32
    %logistic3A_3 = math.exp %logistic3A : f32
    %logistic3A_4 = arith.constant 1.000000e+00 : f32
    %logistic3A_5 = arith.addf %logistic3A_4, %logistic3A_3 : f32
    %logistic3A_6 = arith.divf %logistic3A_4, %logistic3A_5 : f32
    %get3A_7 = arith.constant 0 : index
    %get3A_8 = arith.constant 0 : index
    %get3A_9 = vector.load %arg1[%get3A_7, %get3A_8] : memref<1024x128xf32, #tpu.memory_space<vmem>>, vector<1024x128xf32>
    %mul3A = vector.broadcast %logistic3A_6 : f32 to vector<1024x128xf32>
    %mul3A_10 = arith.mulf %mul3A, %get3A_9 : vector<1024x128xf32>
    %sub3A = arith.constant 1.000000e+00 : f32
    %sub3A_11 = arith.subf %sub3A, %logistic3A_6 : f32
    %get3A_12 = arith.constant 0 : index
    %get3A_13 = arith.constant 0 : index
    %get3A_14 = vector.load %arg2[%get3A_12, %get3A_13] : memref<1024x128xf32, #tpu.memory_space<vmem>>, vector<1024x128xf32>
    %mul3A_15 = vector.broadcast %sub3A_11 : f32 to vector<1024x128xf32>
    %mul3A_16 = arith.mulf %mul3A_15, %get3A_14 : vector<1024x128xf32>
    %add3A = arith.addf %mul3A_10, %mul3A_16 : vector<1024x128xf32>
    %get3A_17 = arith.constant 0 : index
    %get3A_18 = arith.constant 0 : index
    %get3A_19 = vector.load %arg3[%get3A_17, %get3A_18] : memref<128x128xf32, #tpu.memory_space<vmem>>, vector<128x128xf32>
    %dot_general3A = arith.constant dense<0.000000e+00> : vector<1024x128xf32>
    %dot_general3A_20 = tpu.matmul %add3A, %get3A_19, %dot_general3A {dimension_numbers = #tpu.dot_dimension_numbers<[1], [0], [0], [1], [0, 0, 1, 1], [], []>, transpose_lhs_hint = false} : vector<1024x128xf32>, vector<128x128xf32>, vector<1024x128xf32> -> vector<1024x128xf32>
    %get3A_21 = arith.constant 0 : index
    %get3A_22 = arith.constant 0 : index
    %get3A_23 = vector.load %arg4[%get3A_21, %get3A_22] : memref<1x128xf32, #tpu.memory_space<vmem>>, vector<1x128xf32>
    %add3A_24 = vector.broadcast %get3A_23 : vector<1x128xf32> to vector<1024x128xf32>
    %add3A_25 = arith.addf %dot_general3A_20, %add3A_24 : vector<1024x128xf32>
    %gt3A = arith.constant 0.000000e+00 : f32
    %gt3A_26 = vector.broadcast %gt3A : f32 to vector<1024x128xf32>
    %gt3A_27 = arith.cmpf ogt, %add3A_25, %gt3A_26 : vector<1024x128xf32>
    %exp3A = math.exp %add3A_25 : vector<1024x128xf32>
    %sub3A_28 = arith.constant 1.000000e+00 : f32
    %sub3A_29 = vector.broadcast %sub3A_28 : f32 to vector<1024x128xf32>
    %sub3A_30 = arith.subf %exp3A, %sub3A_29 : vector<1024x128xf32>
    %select_n3A = arith.select %gt3A_27, %add3A_25, %sub3A_30 : vector<1024x128xi1>, vector<1024x128xf32>
    %get3A_31 = arith.constant 0 : index
    %get3A_32 = arith.constant 0 : index
    %get3A_33 = vector.load %arg5[%get3A_31, %get3A_32] : memref<128x128xf32, #tpu.memory_space<vmem>>, vector<128x128xf32>
    %dot_general3A_34 = arith.constant dense<0.000000e+00> : vector<1024x128xf32>
    %dot_general3A_35 = tpu.matmul %select_n3A, %get3A_33, %dot_general3A_34 {dimension_numbers = #tpu.dot_dimension_numbers<[1], [0], [0], [1], [0, 0, 1, 1], [], []>, transpose_lhs_hint = false} : vector<1024x128xf32>, vector<128x128xf32>, vector<1024x128xf32> -> vector<1024x128xf32>
    %get3A_36 = arith.constant 0 : index
    %get3A_37 = arith.constant 0 : index
    %get3A_38 = vector.load %arg6[%get3A_36, %get3A_37] : memref<1x128xf32, #tpu.memory_space<vmem>>, vector<1x128xf32>
    %add3A_39 = vector.broadcast %get3A_38 : vector<1x128xf32> to vector<1024x128xf32>
    %add3A_40 = arith.addf %dot_general3A_35, %add3A_39 : vector<1024x128xf32>
    %gt3A_41 = arith.constant 0.000000e+00 : f32
    %gt3A_42 = vector.broadcast %gt3A_41 : f32 to vector<1024x128xf32>
    %gt3A_43 = arith.cmpf ogt, %add3A_40, %gt3A_42 : vector<1024x128xf32>
    %exp3A_44 = math.exp %add3A_40 : vector<1024x128xf32>
    %sub3A_45 = arith.constant 1.000000e+00 : f32
    %sub3A_46 = vector.broadcast %sub3A_45 : f32 to vector<1024x128xf32>
    %sub3A_47 = arith.subf %exp3A_44, %sub3A_46 : vector<1024x128xf32>
    %select_n3A_48 = arith.select %gt3A_43, %add3A_40, %sub3A_47 : vector<1024x128xi1>, vector<1024x128xf32>
    %get3A_49 = arith.constant 0 : index
    %get3A_50 = arith.constant 0 : index
    %get3A_51 = vector.load %arg7[%get3A_49, %get3A_50] : memref<128x128xf32, #tpu.memory_space<vmem>>, vector<128x128xf32>
    %dot_general3A_52 = arith.constant dense<0.000000e+00> : vector<1024x128xf32>
    %dot_general3A_53 = tpu.matmul %select_n3A_48, %get3A_51, %dot_general3A_52 {dimension_numbers = #tpu.dot_dimension_numbers<[1], [0], [0], [1], [0, 0, 1, 1], [], []>, transpose_lhs_hint = false} : vector<1024x128xf32>, vector<128x128xf32>, vector<1024x128xf32> -> vector<1024x128xf32>
    %get3A_54 = arith.constant 0 : index
    %get3A_55 = arith.constant 0 : index
    %get3A_56 = vector.load %arg8[%get3A_54, %get3A_55] : memref<1x128xf32, #tpu.memory_space<vmem>>, vector<1x128xf32>
    %add3A_57 = vector.broadcast %get3A_56 : vector<1x128xf32> to vector<1024x128xf32>
    %add3A_58 = arith.addf %dot_general3A_53, %add3A_57 : vector<1024x128xf32>
    %gt3A_59 = arith.constant 0.000000e+00 : f32
    %gt3A_60 = vector.broadcast %gt3A_59 : f32 to vector<1024x128xf32>
    %gt3A_61 = arith.cmpf ogt, %add3A_58, %gt3A_60 : vector<1024x128xf32>
    %exp3A_62 = math.exp %add3A_58 : vector<1024x128xf32>
    %sub3A_63 = arith.constant 1.000000e+00 : f32
    %sub3A_64 = vector.broadcast %sub3A_63 : f32 to vector<1024x128xf32>
    %sub3A_65 = arith.subf %exp3A_62, %sub3A_64 : vector<1024x128xf32>
    %select_n3A_66 = arith.select %gt3A_61, %add3A_58, %sub3A_65 : vector<1024x128xi1>, vector<1024x128xf32>
    %get3A_67 = arith.constant 0 : index
    %get3A_68 = arith.constant 0 : index
    %get3A_69 = vector.load %arg9[%get3A_67, %get3A_68] : memref<128x128xf32, #tpu.memory_space<vmem>>, vector<128x128xf32>
    %dot_general3A_70 = arith.constant dense<0.000000e+00> : vector<1024x128xf32>
    %dot_general3A_71 = tpu.matmul %select_n3A_66, %get3A_69, %dot_general3A_70 {dimension_numbers = #tpu.dot_dimension_numbers<[1], [0], [0], [1], [0, 0, 1, 1], [], []>, transpose_lhs_hint = false} : vector<1024x128xf32>, vector<128x128xf32>, vector<1024x128xf32> -> vector<1024x128xf32>
    %get3A_72 = arith.constant 0 : index
    %get3A_73 = arith.constant 0 : index
    %get3A_74 = vector.load %arg10[%get3A_72, %get3A_73] : memref<1x128xf32, #tpu.memory_space<vmem>>, vector<1x128xf32>
    %add3A_75 = vector.broadcast %get3A_74 : vector<1x128xf32> to vector<1024x128xf32>
    %add3A_76 = arith.addf %dot_general3A_71, %add3A_75 : vector<1024x128xf32>
    %swap3A = arith.constant 0 : index
    %swap3A_77 = arith.constant 0 : index
    %swap3A_78 = vector.load %arg11[%swap3A, %swap3A_77] : memref<1024x128xf32, #tpu.memory_space<vmem>>, vector<1024x128xf32>
    tpu.vector_store %arg11[%swap3A, %swap3A_77], %add3A_76 {strides = array<i32>} : memref<1024x128xf32, #tpu.memory_space<vmem>>, vector<1024x128xf32>,
    return
  }
}

</mosaic_0001>

<sc_bundles>
// kernel: kernel.4.cloned.1.call-start
scs
__scs_entry_jumppad:
0x0: {  	(pc) =	sbr.rel $0x88, $3  }
0x1: {  	(tag) =	ssettag $0x0;
	lr =	simm.s32 $0x1  }
0x2: {  	[smem:$0x3F96] =	sst lr;
	_ =	strace $0xD0000000  }
0x3: {  	_ = 	snop  }
0x4: {  	_ = 	snop  }
0x5: {  	_ = 	snop  }
0x6: {  	_ = 	snop  }
0x7: {  	_ = 	snop  }
__scs_overlays_trampoline_lowered:
0x8: {  	[smem:$0x3FA5] =	sst s0  }
0x9: {  	[smem:$0x3FA6] =	sst s1  }
0xa: {  	[smem:$0x3FA7] =	sst s2  }
0xb: {  	[smem:$0x3FA8] =	sst s3  }
0xc: {  	[smem:$0x3FA9] =	sst s4  }
0xd: {  	[smem:$0x3FAA] =	sst s5  }
0xe: {  	[smem:$0x3FAB] =	sst s6  }
0xf: {  	[smem:$0x3FAC] =	sst s7  }
0x10: {  	[smem:$0x3FAD] =	sst s8  }
0x11: {  	[smem:$0x3FAE] =	sst s9;
	s0 =	simm.s32 @!p0 $0x0  }
0x12: {  	s1 =	sld [smem:$0x3F94];
	s0 =	simm.s32 @p0 $0x1  }
0x13: {  	[smem:$0x3FAF] =	sst s0;
	s0 =	simm.s32 @!p1 $0x0  }
0x14: {  	s2 =	sld [smem:$0x3F93];
	s0 =	simm.s32 @p1 $0x1  }
0x15: {  	[smem:$0x3FB0] =	sst s0;
	s0 =	simm.s32 @!p2 $0x0  }
0x16: {  	s3 =	sld [smem:$0x3FDB];
	s0 =	simm.s32 @p2 $0x1  }
0x17: {  	s4 =	simm.s32 $0x1BF5;
	[smem:$0x3FB2] =	sst s0  }
0x18: {  	s0 =	sld [smem:$0x3F95];
	_ =	swait.ge [sflag:s4], $0x0  }
0x19: {  	s7 =	sld [smem:$0x3F96]  }
0x1a: {  	s8 =	sadd.s32 $0xFFFFE003, lr  }
0x1b: {  	s9 =	sadd.s32 $0xFFFFFEF7, lr;
	s5 =	simm.s32 $0xFFFFFFFF;
	p2 =	slt.u32 s8, $0xFFFFF086  }
0x1c: {  	p1 =	slt.u32 s9, $0xF7A;
	s5 =	simm.s32 @!p2 $0x0  }
0x1d: {  	s5 =	simm.s32 @p1 $0x1;
	p0 =	seq.s32 s7, s2  }
0x1e: {  	s7 =	smul.u32 @!p0 $0xF7A, s2;
	p2 =	seq.s32 @!p0 s5, $0x0  }
0x1f: {  	s9 =	smul.u32 $0xF7A, s1;
	s8 =	simm.s32 @!p0 $0x1BF5;
	p2 =	por !p2, p0  }
0x20: {  	[sflag:s8] =	ssyncset.s32 @!p0 $0xFFFFF086;
	s6 =	sadd.s32 @!p0 s3, s7;
	s7 =	simm.s32 @!p0 $0x108  }
0x21: {  	s3 =	sadd.s32 s3, s9;
	s6 =	sadd.s32 @!p0 $0x88, s6;
	s7 =	simm.s32 @p2 $0x1082  }
0x22: {  	[simem:s7], [sflag:s8] =	dma.local @!p0 [hbm:s6], $0xF7A  }
0x23: {  	s9 =	sor.u32 $0xD0000000, s2;
	s6 =	simm.s32 $0x108;
	_ =	swait.ge @!p0 [sflag:s8], $0x0  }
0x24: {  	s3 =	sadd.s32 $0x88, s3;
	s6 =	simm.s32 @!p1 $0x1082;
	[sflag:s4] =	ssyncset.s32 $0xFFFFF086  }
0x25: {  	[simem:s6], [sflag:s4] =	dma.local [hbm:s3], $0xF7A  }
0x26: {  	[smem:$0x3F96] =	sst s1;
	(tag) =	ssettag s2;
	_ =	strace s9  }
0x27: {  	s1 =	sld [smem:$0x3FA6]  }
0x28: {  	s2 =	sld [smem:$0x3FA7]  }
0x29: {  	s4 =	sld [smem:$0x3FA9]  }
0x2a: {  	p0 =	seq.s32 s5, $0x0;
	s5 =	sld [smem:$0x3FAA]  }
0x2b: {  	s6 =	sld [smem:$0x3FAB]  }
0x2c: {  	s7 =	sld [smem:$0x3FAC]  }
0x2d: {  	s3 =	simm.s32 $0x108;
	s8 =	sld [smem:$0x3FAD]  }
0x2e: {  	s3 =	simm.s32 @!p0 $0x1082;
	s9 =	sld [smem:$0x3FAE]  }
0x2f: {  	lr =	sadd.s32 s0, s3;
	s0 =	sld [smem:$0x3FA5]  }
0x30: {  	s3 =	sld [smem:$0x3FA8]  }
0x31: {  	[smem:$0x3FB1] =	sst s10  }
0x32: {  	s10 =	sld [smem:$0x3FAF];
	_ =	sdelay $0x3  }
0x33: {  	p0 =	seq.s32 s10, $0x1;
	s10 =	sld [smem:$0x3FB1];
	_ =	sdelay $0x3  }
0x34: {  	[smem:$0x3FB1] =	sst s10  }
0x35: {  	s10 =	sld [smem:$0x3FB0];
	_ =	sdelay $0x3  }
0x36: {  	p1 =	seq.s32 s10, $0x1;
	s10 =	sld [smem:$0x3FB1];
	_ =	sdelay $0x3  }
0x37: {  	[smem:$0x3FB1] =	sst s10  }
0x38: {  	s10 =	sld [smem:$0x3FB2]  }
0x39: {  	_ = 	snop;
	(pc) =	sbr.ind lr, $3  }
0x3a: {  	_ = 	snop  }
0x3b: {  	_ = 	snop  }
0x3c: {  	p2 =	seq.s32 s10, $0x1;
	s10 =	sld [smem:$0x3FB1]  }
0x3d: {  	_ =	shalt  }
0x3e: {  	_ =	shalt  }
0x3f: {  	_ =	shalt  }
0x40: {  	_ =	shalt  }
0x41: {  	_ =	shalt  }
0x42: {  	_ =	shalt  }
0x43: {  	_ =	shalt  }
0x44: {  	_ =	shalt  }
0x45: {  	_ =	shalt  }
0x46: {  	_ =	shalt  }
0x47: {  	_ =	shalt  }
0x48: {  	_ =	shalt  }
0x49: {  	_ =	shalt  }
0x4a: {  	_ =	shalt  }
0x4b: {  	_ =	shalt  }
0x4c: {  	_ =	shalt  }
0x4d: {  	_ =	shalt  }
0x4e: {  	_ =	shalt  }
0x4f: {  	_ =	shalt  }
0x50: {  	_ =	shalt  }
0x51: {  	_ =	shalt  }
0x52: {  	_ =	shalt  }
0x53: {  	_ =	shalt  }
0x54: {  	_ =	shalt  }
0x55: {  	_ =	shalt  }
0x56: {  	_ =	shalt  }
0x57: {  	_ =	shalt  }
0x58: {  	_ =	shalt  }
0x59: {  	_ =	shalt  }
0x5a: {  	_ =	shalt  }
0x5b: {  	_ =	shalt  }
0x5c: {  	_ =	shalt  }
0x5d: {  	_ =	shalt  }
0x5e: {  	_ =	shalt  }
0x5f: {  	_ =	shalt  }
0x60: {  	_ =	shalt  }
0x61: {  	_ =	shalt  }
0x62: {  	_ =	shalt  }
0x63: {  	_ =	shalt  }
0x64: {  	_ =	shalt  }
0x65: {  	_ =	shalt  }
0x66: {  	_ =	shalt  }
0x67: {  	_ =	shalt  }
0x68: {  	_ =	shalt  }
0x69: {  	_ =	shalt  }
0x6a: {  	_ =	shalt  }
0x6b: {  	_ =	shalt  }
0x6c: {  	_ =	shalt  }
0x6d: {  	_ =	shalt  }
0x6e: {  	_ =	shalt  }
0x6f: {  	_ =	shalt  }
0x70: {  	_ =	shalt  }
0x71: {  	_ =	shalt  }
0x72: {  	_ =	shalt  }
0x73: {  	_ =	shalt  }
0x74: {  	_ =	shalt  }
0x75: {  	_ =	shalt  }
0x76: {  	_ =	shalt  }
0x77: {  	_ =	shalt  }
0x78: {  	_ =	shalt  }
0x79: {  	_ =	shalt  }
0x7a: {  	_ =	shalt  }
0x7b: {  	_ =	shalt  }
0x7c: {  	_ =	shalt  }
0x7d: {  	_ =	shalt  }
0x7e: {  	_ =	shalt  }
0x7f: {  	_ =	shalt  }
0x80: {  	_ =	shalt  }
0x81: {  	_ =	shalt  }
0x82: {  	_ =	shalt  }
0x83: {  	_ =	shalt  }
0x84: {  	_ =	shalt  }
0x85: {  	_ =	shalt  }
0x86: {  	_ =	shalt  }
0x87: {  	_ =	shalt  }
.Lfunc_end0:
.L_simem_size_0:
called_computation_lowered:
.L_overlay_start_0:
0x88: {  	s2 =	sld [smem:$0x3FD9]  }
0x89: {  	s3 =	sld [smem:$0x3FFE];
	_ =	sdelay $0x1  }
0x8a: {  	s1 =	srdreg.scid  }
0x8b: {  	s0 =	sand.u32 $0x1, s1  }
0x8c: {  	s17 =	sshll.u32 s0, $0xA;
	s2 =	sadd.s32 s3, s2  }
0x8d: {  	s2 =	sadd.s32 s2, s17  }
0x8e: {  	[smem:$0x3FBD] =	sst s2  }
0x8f: {  	_ = 	snop  }
0x90: {  	s2 =	sld [smem:$0x3FC9]  }
0x91: {  	s18 =	sld [smem:$0x3FD0];
	(tm) =	ssettm $0x1  }
0x92: {  	s4 =	sld [smem:$0x3FFB];
	_ =	sdelay $0x3  }
0x93: {  	_ =	strace s4  }
0x94: {  	s4 =	sld [smem:$0x3FFC];
	_ =	sdelay $0x3  }
0x95: {  	_ =	strace s4  }
0x96: {  	s4 =	sld [smem:$0x3FFD];
	_ =	sdelay $0x3  }
0x97: {  	_ =	strace s4  }
0x98: {  	_ =	strace $0x8FFFFFFF  }
0x99: {  	s19 =	sld [smem:$0x3FDB];
	_ =	sdelay $0x1  }
0x9a: {  	s5 =	simm.s32 $_scs_section_size  }
0x9b: {  	s6 =	simm.s32 $_size__tile_overlayer_lowered;
	s7 =	simm.s32 $_tile_overlayer_lowered  }
0x9c: {  	s22 =	simm.s32 $0x1BFF;
	s21 =	sshll.u32 s7, $0x1;
	s4 =	sadd.s32 s5, s19  }
0x9d: {  	s8 =	simm.s32 $0x0;
	s20 =	sshll.u32 s6, $0x1;
	s6 =	sadd.s32 s21, s4  }
0x9e: {  	[timem:s8], [sflag:s22] =	dma.local [hbm:s6], s20  }
0x9f: {  	_ =	swait.ge [sflag:s22], s20  }
0xa0: {  	s5 =	ssub.s32 $0x0, s20;
	[sflag:s22] =	ssyncset.done $0x0  }
0xa1: {  	[sflag:s22] =	ssyncadd.s32 s5;
	_ =	sdelay $0x1  }
0xa2: {  	s23 =	simm.s32 $0x1B8B  }
0xa3: {  	_ =	swait.ge [sflag:s23], $0x1  }
0xa4: {  	[sflag:s23] =	ssyncset.done $0x0  }
0xa5: {  	s25 =	simm.s32 $0x1B8E;
	s24 =	sld [smem:$0x3FFE];
	[sflag:s23] =	ssyncadd.s32 $0xFFFFFFFF  }
0xa6: {  	s26 =	simm.s32 $execute0_lowered;
	[smem:$0x3FD2] =	sst s25  }
0xa7: {  	s6 =	sshll.u32 s26, $0x1;
	_ =	strace $0x80000046;
	[dreg:$0x1] =	wrdreg $0xFFFFFFFF  }
0xa8: {  	s28 =	simm.s32 $_size_execute0_lowered;
	s4 =	sadd.s32 s4, s6;
	[dreg:$0x0] =	wrdreg $0x0  }
0xa9: {  	s6 =	sshll.u32 s28, $0x1;
	[dreg:$0x2] =	wrdreg s4  }
0xaa: {  	[dreg:$0x3] =	wrdreg s6  }
0xab: {  	[dreg:$0x4] =	wrdreg $0xC0  }
0xac: {  	_ =	task [dreg:s8], $0x5FFFF  }
0xad: {  	[dreg:$0x1] =	wrdreg $0xFFFFFFFF  }
0xae: {  	[dreg:$0x0] =	wrdreg $0x60  }
0xaf: {  	[dreg:$0x2] =	wrdreg s2  }
0xb0: {  	[dreg:$0x3] =	wrdreg s24  }
0xb1: {  	[dreg:$0x4] =	wrdreg s18  }
0xb2: {  	[dreg:$0x5] =	wrdreg $0x24800  }
0xb3: {  	[dreg:$0x6] =	wrdreg $0x9  }
0xb4: {  	_ =	task.clear_ibuf [dreg:s8], $0x7FFFF;
	_ =	strace $0x90000046  }
0xb5: {  	s29 =	simm.s32 $0x9;
	_ =	strace $0x80000048  }
0xb6: {  	_ =	swait.ge [sflag:s29], $0x1  }
0xb7: {  	[sflag:s29] =	ssyncadd.s32 $0xFFFFFFFF  }
0xb8: {  	_ =	strace $0x90000048  }
0xb9: {  	_ =	sfence  }
0xba: {  	s30 =	sld [smem:$0x0];
	_ =	sdelay $0x2  }
0xbb: {  	s31 =	sshll.u32 s1, $0xD;
	s1 =	sshrl.u32 s1, $0x2  }
0xbc: {  	s3 =	sand.u32 $0x4000, s31;
	s1 =	sadd.s32 s1, s30  }
0xbd: {  	s0 =	sor.u32 s3, s0;
	s1 =	sshll.u32 s1, $0x11  }
0xbe: {  	s0 =	sor.u32 s1, s0  }
0xbf: {  	s0 =	sadd.s32 $0x8F2B, s0  }
0xc0: {  	[sflag:s0] =	ssyncadd.remote.s32 $0x1  }
0xc1: {  	_ =	sfence.sel $0xFFFF  }
0xc2: {  	[dreg:$0x0] =	wrdreg $0xFFFFFFFF;
	(pc) =	sbr.abs _section_cstart, $3  }
0xc3: {  	[dreg:$0x1] =	wrdreg $0xFFFFFFFF  }
0xc4: {  	_ =	task.clear_ibuf [dreg:s8], $0x2FFFF;
	_ =	strace $0x9FFFFFFF  }
0xc5: {  	(tm) =	ssettm $0x7FFFFFFF  }
tec
execute0_lowered:
.L_overlay_start_1:
0x0: {  	(tag) =	ssettag $0x1  }
0x1: {  	s1 =	rddreg [dreg:$0x0]  }
0x2: {  	s0 =	rddreg [dreg:$0x1]  }
0x3: {  	s2 =	rddreg [dreg:$0x2]  }
0x4: {  	s10 =	rddreg [dreg:$0x3]  }
0x5: {  	s3 =	srdreg.scid;
	s14 =	simm.s32 $0x0;
	s11 =	stileid.u32  }
0x6: {  	s13 =	simm.s32 $0x3;
	s15 =	simm.s32 $0x2100;
	s18 =	simm.s32 $0x2538  }
0x7: {  	s19 =	simm.s32 $0x1;
	s20 =	simm.s32 $0x2;
	s23 =	simm.s32 $0x0  }
0x8: {  	s3 =	sand.u32 $0x1, s3;
	[smem:$0x7FF] =	sst s14;
	s6 =	smul.u32 $0x300, s11  }
0x9: {  	s12 =	sadd.s32 $0x1E00, s0;
	s8 =	smul.u32 $0xC0, s11;
	s30 =	sadd.s32 $0x300, s10  }
0xa: {  	s4 =	sshll.u32 s3, $0x4;
	_ =	strace $0x80000047;
	[dreg:$0x5] =	wrdreg s12  }
0xb: {  	s3 =	ssub.s32 $0x2, s3;
	[dreg:$0x8] =	wrdreg s30;
	s4 =	sor.u32 s11, s4  }
0xc: {  	s7 =	sshrl.u32 s3, $0x1;
	s6 =	sadd.s32 s12, s6;
	s29 =	sshrl.u32 s8, $0x2  }
0xd: {  	s5 =	sshll.u32 s4, $0x9;
	s4 =	sshll.u32 s4, $0x5;
	s3 =	ssub.s32 s3, s7  }
.Ltmp0:
0xe: {  	v0 =	vlaneseq.u32;
	v8 =	vimm.s32 $0x188;
	[dreg:$0x6] =	wrdreg s6;
	s6 =	sadd.s32 s29, s10;
	(pc) =	sbr.rel .LBB2_1-.Ltmp0, $4  }
0xf: {  	v9 =	vimm.s32 $0x0;
	v10 =	vimm.s32 $0xC4;
	v1 =	vmul.u32 $0x80, v0;
	s0 =	sadd.s32 s5, s0;
	[dreg:$0x7] =	wrdreg s6;
	s2 =	sadd.s32 s2, s5  }
0x10: {  	vm0 =	vmmov $0x1;
	v11 =	vimm.f32 $0.0e+00;
	v12 =	vimm.f32 $-Inf;
	s28 =	sor.u32 $0x10, s4;
	s31 =	smax.u32 s3, $0x1;
	[dreg:$0x9] =	wrdreg s2  }
0x11: {  	v5 =	vor.u32 $0x800, v1;
	v6 =	vor.u32 $0x1000, v1;
	v7 =	vor.u32 $0x1800, v1;
	s9 =	sadd.s32 $0x20, s4;
	s0 =	sadd.s32 $0x8200, s0;
	[dreg:$0xb] =	wrdreg s31  }
0x12: {  	p0 =	sne.s32 s11, $0xF;
	s12 =	simm.s32 $0x80;
	v2 =	vor.u32 s4, v0;
	v3 =	vor.u32 s28, v0;
	v4 =	vor.u32 s9, v0;
	[dreg:$0xa] =	wrdreg s0  }
.LBB2_17:
0x13: {  	s0 =	rddreg [dreg:$0x9];
	s2 =	simm.s32 $0x13D38  }
0x14: {  	[hbm4b:s0+s14] =	stream.linear.scatter [tilespmem:s2], [sflag:$0x3], $0x1000, $0x38;
	[tilespmem:$0x15D38] =	vst v63  }
0x15: {  	_ =	swait.ge [sflag:s13], $0x1000  }
0x16: {  	[sflag:s13] =	ssyncset.done $0x0  }
0x17: {  	s30 =	simm.s32 $0x14D38;
	s29 =	rddreg [dreg:$0xa];
	[sflag:s13] =	ssyncadd.s32 $0xFFFFF000  }
0x18: {  	[hbm4b:s29+s14] =	stream.linear.scatter [tilespmem:s30], [sflag:$0x3], $0x1000, $0x38;
	[tilespmem:$0x15D38] =	vst v63  }
0x19: {  	_ =	swait.ge [sflag:s13], $0x1000  }
0x1a: {  	s23 =	sadd.s32 $0x1, s23;
	s31 =	rddreg [dreg:$0xb]  }
0x1b: {  	p1 =	sne.s32 s23, s31  }
.Ltmp1:
0x1c: {  	_ = 	snop;
	(pc) =	sbr.rel @!p1 .LBB2_18-.Ltmp1, $3  }
0x1d: {  	_ =	sdelay $0x1  }
0x1e: {  	[sflag:s13] =	ssyncset.done $0x0  }
0x1f: {  	[sflag:s13] =	ssyncadd.s32 $0xFFFFF000  }
.LBB2_1:
0x20: {  	s0 =	rddreg [dreg:$0x6]  }
0x21: {  	[tilespmem:s12], [sflag:$0x3] =	stream.linear.gather [hbm4b:s0+s14], $0x2000, $0x38;
	[tilespmem:$0x15D38] =	vst v63  }
0x22: {  	_ =	swait.ge [sflag:s13], $0x2000  }
0x23: {  	[sflag:s13] =	ssyncset.done $0x0  }
0x24: {  	[sflag:s13] =	ssyncadd.s32 $0xFFFFE000  }
0x25: {  	v13 =	vld.idx.msk [tilespmem:v1+s12+$0x0], $0xffff;
	_ =	sdelay $0x4  }
0x26: {  	[tilespmem:$0x2080] =	vst v13  }
0x27: {  	v13 =	vld.idx.msk [tilespmem:v5+s12+$0x0], $0xffff;
	_ =	sdelay $0x4  }
0x28: {  	[tilespmem:$0x2090] =	vst v13  }
0x29: {  	v13 =	vld.idx.msk [tilespmem:v6+s12+$0x0], $0xffff;
	_ =	sdelay $0x4  }
0x2a: {  	[tilespmem:$0x20A0] =	vst v13  }
0x2b: {  	v13 =	vld.idx.msk [tilespmem:v7+s12+$0x0], $0xffff;
	_ =	sdelay $0x4  }
0x2c: {  	s2 =	simm.s32 $0x2080;
	s9 =	rddreg [dreg:$0x7];
	[tilespmem:$0x20B0] =	vst v13  }
0x2d: {  	[spmem:s9] =	stream.linear.scatter [tilespmem:s2], [sflag:$0x3], $0x30, $0x38;
	[tilespmem:$0x15D38] =	vst v63  }
0x2e: {  	_ =	swait.ge [sflag:s13], $0x30  }
0x2f: {  	[sflag:s13] =	ssyncset.done $0x0  }
0x30: {  	s0 =	simm.s32 @!p0 $0x20B0;
	s2 =	rddreg [dreg:$0x8];
	[sflag:s13] =	ssyncadd.s32 $0xFFFFFFD0  }
0x31: {  	[spmem:s2] =	stream.linear.scatter @!p0 [tilespmem:s0], [sflag:$0x3], $0x10, $0x38;
	[tilespmem:$0x15D38] =	vst v63  }
0x32: {  	s0 =	simm.s32 @!p0 $0x3  }
0x33: {  	_ =	swait.ge @!p0 [sflag:s0], $0x10  }
0x34: {  	[sflag:s0] =	ssyncset.done @!p0 $0x0  }
0x35: {  	[sflag:s0] =	ssyncadd.s32 @!p0 $0xFFFFFFF0  }
0x36: {  	[bflag:$0x0] =	sbarrier.arrive $0xFFFF  }
0x37: {  	s10 =	rddreg [dreg:$0x3]  }
0x38: {  	[tilespmem:s15], [sflag:$0x3] =	stream.linear.gather [spmem:s10], $0x380, $0x38;
	[tilespmem:$0x15D38] =	vst v63  }
0x39: {  	_ =	swait.ge [sflag:s13], $0x380  }
0x3a: {  	[sflag:s13] =	ssyncset.done $0x0  }
0x3b: {  	[sflag:s13] =	ssyncadd.s32 $0xFFFFFC80  }
0x3c: {  	v13 =	vld.idx.msk [tilespmem:v8+s15+$0x0], $0xffff;
	_ =	sdelay $0x4  }
0x3d: {  	vm1 =	vlt.s32 v13, v2  }
0x3e: {  	vm2 =	vlt.s32 v13, v3;
	v14 =	vsel vm1, $0x24C, v10  }
0x3f: {  	v15 =	vsel vm2, $0x24C, v10  }
0x40: {  	vm3 =	vlt.s32 v13, v4  }
0x41: {  	v16 =	vsel vm3, $0x24C, v10;
	_ =	sdelay $0x1  }
0x42: {  	v13 =	vld.idx.msk [tilespmem:v14+s15+$0x0], $0xffff  }
0x43: {  	v17 =	vld.idx.msk [tilespmem:v15+s15+$0x0], $0xffff;
	_ =	sdelay $0x1  }
0x44: {  	v18 =	vsel vm1, $0x189, v9;
	v19 =	vsel vm1, $0x310, v8;
	v20 =	vsel vm2, $0x189, v9;
	v22 =	vld.idx.msk [tilespmem:v16+s15+$0x0], $0xffff  }
0x45: {  	v21 =	vsel vm2, $0x310, v8;
	v23 =	vsel vm3, $0x189, v9;
	v27 =	vsel vm3, $0x310, v8  }
0x46: {  	v26 =	vor.u32 $0x1, v15;
	vm1 =	vlt.s32 v13, v2;
	v13 =	vor.u32 $0x1, v14  }
0x47: {  	v13 =	vsel vm1, v13, v18;
	v14 =	vsel vm1, v19, v14;
	vm1 =	vlt.s32 v17, v3  }
0x48: {  	v28 =	vor.u32 $0x1, v16;
	v18 =	vsub.s32 v14, v13;
	v17 =	vsel vm1, v26, v20  }
0x49: {  	v15 =	vsel vm1, v21, v15;
	vm1 =	vlt.s32 v22, v4;
	v18 =	vshra.s32 v18, $0x1  }
0x4a: {  	v20 =	vsub.s32 v15, v17;
	v21 =	vsel vm1, v28, v23;
	v18 =	vadd.s32 v13, v18  }
0x4b: {  	v16 =	vsel vm1, v27, v16;
	v20 =	vshra.s32 v20, $0x1;
	vm2 =	vlt.s32 v18, $0x30F  }
0x4c: {  	v23 =	vsub.s32 v16, v21;
	v20 =	vadd.s32 v17, v20;
	v29 =	vnsel vm2, $0x30F, v18  }
0x4d: {  	v23 =	vshra.s32 v23, $0x1;
	vm1 =	vlt.s32 v20, $0x30F  }
0x4e: {  	v23 =	vadd.s32 v21, v23;
	v30 =	vnsel vm1, $0x30F, v20  }
0x4f: {  	vm1 =	vlt.s32 v23, $0x30F  }
0x50: {  	v24 =	vnsel vm1, $0x30F, v23  }
0x51: {  	v22 =	vld.idx.msk [tilespmem:v29+s15+$0x0], $0xffff;
	_ =	sdelay $0x1  }
0x52: {  	v19 =	vld.idx.msk [tilespmem:v30+s15+$0x0], $0xffff;
	_ =	sdelay $0x1  }
0x53: {  	v31 =	vld.idx.msk [tilespmem:v24+s15+$0x0], $0xffff  }
0x54: {  	vm3 =	vgt.u32 v15, v17;
	vm1 =	vgt.u32 v14, v13;
	vm2 =	vlt.s32 v22, v2  }
0x55: {  	v32 =	vadd.s32 $0x1, v18;
	v33 =	vadd.s32 $0x1, v20;
	vm2 =	vmand vm1, vm2  }
0x56: {  	v36 =	vadd.s32 $0x1, v23;
	vm4 =	vlt.s32 v19, v3;
	vm1 =	vmxor vm1, vm2  }
0x57: {  	v13 =	vsel vm2, v32, v13;
	vm2 =	vmand vm3, vm4;
	v14 =	vsel vm1, v18, v14  }
0x58: {  	vm1 =	vmxor vm3, vm2;
	v17 =	vsel vm2, v33, v17;
	vm2 =	vlt.s32 v31, v4  }
0x59: {  	v15 =	vsel vm1, v20, v15;
	v34 =	vsub.s32 v14, v13;
	vm1 =	vgt.u32 v16, v21  }
0x5a: {  	v18 =	vshra.s32 v34, $0x1;
	vm2 =	vmand vm1, vm2;
	v35 =	vsub.s32 v15, v17  }
0x5b: {  	v18 =	vadd.s32 v13, v18;
	v19 =	vshra.s32 v35, $0x1;
	vm1 =	vmxor vm1, vm2  }
0x5c: {  	v20 =	vsel vm2, v36, v21;
	vm3 =	vlt.s32 v18, $0x30F;
	v19 =	vadd.s32 v17, v19  }
0x5d: {  	v16 =	vsel vm1, v23, v16;
	v37 =	vnsel vm3, $0x30F, v18;
	vm1 =	vlt.s32 v19, $0x30F  }
0x5e: {  	v23 =	vsub.s32 v16, v20;
	v38 =	vnsel vm1, $0x30F, v19  }
0x5f: {  	v23 =	vshra.s32 v23, $0x1  }
0x60: {  	v23 =	vadd.s32 v20, v23  }
0x61: {  	vm1 =	vlt.s32 v23, $0x30F  }
0x62: {  	v39 =	vnsel vm1, $0x30F, v23;
	v22 =	vld.idx.msk [tilespmem:v37+s15+$0x0], $0xffff  }
0x63: {  	v21 =	vld.idx.msk [tilespmem:v38+s15+$0x0], $0xffff;
	_ =	sdelay $0x3  }
0x64: {  	v41 =	vadd.s32 $0x1, v18;
	vm1 =	vgt.s32 v14, v13;
	v40 =	vld.idx.msk [tilespmem:v39+s15+$0x0], $0xffff;
	vm2 =	vlt.s32 v22, v2  }
0x65: {  	vm3 =	vgt.s32 v15, v17;
	vm2 =	vmand vm2, vm1;
	vm8 =	vlt.s32 v21, v3  }
0x66: {  	v13 =	vsel vm2, v41, v13;
	vm1 =	vmxor vm1, vm2;
	vm2 =	vmand vm8, vm3  }
0x67: {  	v42 =	vadd.s32 $0x1, v19;
	v14 =	vsel vm1, v18, v14;
	vm1 =	vmxor vm3, vm2  }
0x68: {  	v44 =	vadd.s32 $0x1, v23;
	v17 =	vsel vm2, v42, v17;
	v15 =	vsel vm1, v19, v15  }
0x69: {  	v43 =	vsub.s32 v14, v13;
	vm1 =	vgt.s32 v16, v20;
	vm2 =	vlt.s32 v40, v4  }
0x6a: {  	v18 =	vshra.s32 v43, $0x1;
	vm2 =	vmand vm2, vm1;
	v19 =	vsub.s32 v15, v17  }
0x6b: {  	v18 =	vadd.s32 v13, v18;
	v19 =	vshra.s32 v19, $0x1;
	vm1 =	vmxor vm1, vm2  }
0x6c: {  	v20 =	vsel vm2, v44, v20;
	vm3 =	vlt.s32 v18, $0x30F;
	v19 =	vadd.s32 v17, v19  }
0x6d: {  	v16 =	vsel vm1, v23, v16;
	v45 =	vnsel vm3, $0x30F, v18;
	vm1 =	vlt.s32 v19, $0x30F  }
0x6e: {  	v23 =	vsub.s32 v16, v20;
	v46 =	vnsel vm1, $0x30F, v19  }
0x6f: {  	v23 =	vshra.s32 v23, $0x1  }
0x70: {  	v23 =	vadd.s32 v20, v23  }
0x71: {  	vm1 =	vlt.s32 v23, $0x30F  }
0x72: {  	v47 =	vnsel vm1, $0x30F, v23;
	v22 =	vld.idx.msk [tilespmem:v45+s15+$0x0], $0xffff  }
0x73: {  	v21 =	vld.idx.msk [tilespmem:v46+s15+$0x0], $0xffff;
	_ =	sdelay $0x3  }
0x74: {  	v49 =	vadd.s32 $0x1, v18;
	vm1 =	vgt.s32 v14, v13;
	v48 =	vld.idx.msk [tilespmem:v47+s15+$0x0], $0xffff;
	vm2 =	vlt.s32 v22, v2  }
0x75: {  	vm3 =	vgt.s32 v15, v17;
	vm2 =	vmand vm2, vm1;
	vm9 =	vlt.s32 v21, v3  }
0x76: {  	v13 =	vsel vm2, v49, v13;
	vm1 =	vmxor vm1, vm2;
	vm2 =	vmand vm9, vm3  }
0x77: {  	v50 =	vadd.s32 $0x1, v19;
	v14 =	vsel vm1, v18, v14;
	vm1 =	vmxor vm3, vm2  }
0x78: {  	v52 =	vadd.s32 $0x1, v23;
	v17 =	vsel vm2, v50, v17;
	v15 =	vsel vm1, v19, v15  }
0x79: {  	v51 =	vsub.s32 v14, v13;
	vm1 =	vgt.s32 v16, v20;
	vm2 =	vlt.s32 v48, v4  }
0x7a: {  	v18 =	vshra.s32 v51, $0x1;
	vm2 =	vmand vm2, vm1;
	v19 =	vsub.s32 v15, v17  }
0x7b: {  	v18 =	vadd.s32 v13, v18;
	v19 =	vshra.s32 v19, $0x1;
	vm1 =	vmxor vm1, vm2  }
0x7c: {  	v20 =	vsel vm2, v52, v20;
	vm3 =	vlt.s32 v18, $0x30F;
	v19 =	vadd.s32 v17, v19  }
0x7d: {  	v16 =	vsel vm1, v23, v16;
	v53 =	vnsel vm3, $0x30F, v18;
	vm1 =	vlt.s32 v19, $0x30F  }
0x7e: {  	v23 =	vsub.s32 v16, v20;
	v54 =	vnsel vm1, $0x30F, v19  }
0x7f: {  	v23 =	vshra.s32 v23, $0x1  }
0x80: {  	v23 =	vadd.s32 v20, v23  }
0x81: {  	vm1 =	vlt.s32 v23, $0x30F  }
0x82: {  	v55 =	vnsel vm1, $0x30F, v23;
	v22 =	vld.idx.msk [tilespmem:v53+s15+$0x0], $0xffff  }
0x83: {  	v21 =	vld.idx.msk [tilespmem:v54+s15+$0x0], $0xffff;
	_ =	sdelay $0x2  }
0x84: {  	v57 =	vadd.s32 $0x1, v18  }
0x85: {  	vm3 =	vgt.s32 v15, v17;
	vm1 =	vgt.s32 v14, v13;
	v56 =	vld.idx.msk [tilespmem:v55+s15+$0x0], $0xffff;
	vm2 =	vlt.s32 v22, v2  }
0x86: {  	v58 =	vadd.s32 $0x1, v19;
	vm2 =	vmand vm2, vm1;
	vm10 =	vlt.s32 v21, v3  }
0x87: {  	v13 =	vsel vm2, v57, v13;
	vm1 =	vmxor vm1, vm2;
	vm2 =	vmand vm10, vm3  }
0x88: {  	v60 =	vadd.s32 $0x1, v23;
	v14 =	vsel vm1, v18, v14;
	vm1 =	vmxor vm3, vm2  }
0x89: {  	v17 =	vsel vm2, v58, v17;
	v15 =	vsel vm1, v19, v15;
	v59 =	vsub.s32 v14, v13  }
0x8a: {  	vm1 =	vgt.s32 v16, v20;
	vm2 =	vlt.s32 v56, v4;
	v18 =	vshra.s32 v59, $0x1  }
0x8b: {  	vm2 =	vmand vm2, vm1;
	v19 =	vsub.s32 v15, v17;
	v18 =	vadd.s32 v13, v18  }
0x8c: {  	v19 =	vshra.s32 v19, $0x1;
	vm1 =	vmxor vm1, vm2;
	v20 =	vsel vm2, v60, v20  }
0x8d: {  	vm3 =	vlt.s32 v18, $0x30F;
	v19 =	vadd.s32 v17, v19;
	v16 =	vsel vm1, v23, v16  }
0x8e: {  	v61 =	vnsel vm3, $0x30F, v18;
	vm1 =	vlt.s32 v19, $0x30F;
	v23 =	vsub.s32 v16, v20  }
0x8f: {  	v62 =	vnsel vm1, $0x30F, v19;
	v23 =	vshra.s32 v23, $0x1  }
0x90: {  	v23 =	vadd.s32 v20, v23  }
0x91: {  	vm1 =	vlt.s32 v23, $0x30F  }
0x92: {  	v63 =	vnsel vm1, $0x30F, v23  }
0x93: {  	v22 =	vld.idx.msk [tilespmem:v61+s15+$0x0], $0xffff  }
0x94: {  	v21 =	vld.idx.msk [tilespmem:v62+s15+$0x0], $0xffff;
	_ =	sdelay $0x2  }
0x95: {  	v29 =	vadd.s32 $0x1, v18;
	vm3 =	vgt.s32 v15, v17;
	v28 =	vld.idx.msk [tilespmem:v63+s15+$0x0], $0xffff  }
0x96: {  	v30 =	vadd.s32 $0x1, v19;
	vm1 =	vgt.s32 v14, v13;
	vm2 =	vlt.s32 v22, v2  }
0x97: {  	v31 =	vadd.s32 $0x1, v23;
	vm2 =	vmand vm2, vm1;
	vm11 =	vlt.s32 v21, v3  }
0x98: {  	v13 =	vsel vm2, v29, v13;
	vm4 =	vmand vm11, vm3;
	vm1 =	vmxor vm1, vm2  }
0x99: {  	vm2 =	vmxor vm3, vm4;
	v14 =	vsel vm1, v18, v14;
	vm1 =	vgt.s32 v16, v20  }
0x9a: {  	v15 =	vsel vm2, v19, v15;
	vm2 =	vlt.s32 v28, v4;
	v18 =	vsub.s32 v14, v13  }
0x9b: {  	v17 =	vsel vm4, v30, v17;
	vm2 =	vmand vm2, vm1;
	v18 =	vshra.s32 v18, $0x1  }
0x9c: {  	v32 =	vsub.s32 v15, v17;
	v19 =	vsel vm2, v31, v20;
	v18 =	vadd.s32 v13, v18  }
0x9d: {  	vm1 =	vmxor vm1, vm2;
	v20 =	vshra.s32 v32, $0x1;
	vm2 =	vlt.s32 v18, $0x30F  }
0x9e: {  	v16 =	vsel vm1, v23, v16;
	v20 =	vadd.s32 v17, v20;
	v33 =	vnsel vm2, $0x30F, v18  }
0x9f: {  	vm1 =	vlt.s32 v20, $0x30F;
	v34 =	vsub.s32 v16, v19  }
0xa0: {  	v35 =	vnsel vm1, $0x30F, v20;
	v22 =	vshra.s32 v34, $0x1  }
0xa1: {  	v22 =	vadd.s32 v19, v22  }
0xa2: {  	vm1 =	vlt.s32 v22, $0x30F  }
0xa3: {  	v36 =	vnsel vm1, $0x30F, v22;
	v21 =	vld.idx.msk [tilespmem:v33+s15+$0x0], $0xffff;
	_ =	sdelay $0x1  }
0xa4: {  	v23 =	vld.idx.msk [tilespmem:v35+s15+$0x0], $0xffff;
	_ =	sdelay $0x2  }
0xa5: {  	vm3 =	vgt.s32 v15, v17;
	vm1 =	vgt.s32 v14, v13;
	v37 =	vld.idx.msk [tilespmem:v36+s15+$0x0], $0xffff;
	vm2 =	vlt.s32 v21, v2  }
0xa6: {  	v38 =	vadd.s32 $0x1, v18;
	v39 =	vadd.s32 $0x1, v20;
	vm2 =	vmand vm2, vm1  }
0xa7: {  	v40 =	vadd.s32 $0x1, v22;
	vm12 =	vlt.s32 v23, v3;
	vm1 =	vmxor vm1, vm2  }
0xa8: {  	v13 =	vsel vm2, v38, v13;
	vm2 =	vmand vm12, vm3;
	v14 =	vsel vm1, v18, v14  }
0xa9: {  	v17 =	vsel vm2, v39, v17;
	vm1 =	vmxor vm3, vm2;
	vm2 =	vgt.s32 v16, v19  }
0xaa: {  	vm3 =	vlt.s32 v37, v4;
	v18 =	vsub.s32 v14, v13;
	v15 =	vsel vm1, v20, v15  }
0xab: {  	vm3 =	vmand vm3, vm2;
	v18 =	vshra.s32 v18, $0x1;
	v20 =	vsub.s32 v15, v17  }
0xac: {  	v19 =	vsel vm3, v40, v19;
	v18 =	vadd.s32 v13, v18;
	vm1 =	vmxor vm2, vm3  }
0xad: {  	v20 =	vshra.s32 v20, $0x1;
	vm2 =	vlt.s32 v18, $0x30F;
	v16 =	vsel vm1, v22, v16  }
0xae: {  	v20 =	vadd.s32 v17, v20;
	v41 =	vnsel vm2, $0x30F, v18;
	v22 =	vsub.s32 v16, v19  }
0xaf: {  	vm1 =	vlt.s32 v20, $0x30F;
	v22 =	vshra.s32 v22, $0x1  }
0xb0: {  	v42 =	vnsel vm1, $0x30F, v20;
	v22 =	vadd.s32 v19, v22  }
0xb1: {  	vm1 =	vlt.s32 v22, $0x30F  }
0xb2: {  	v43 =	vnsel vm1, $0x30F, v22  }
0xb3: {  	v21 =	vld.idx.msk [tilespmem:v41+s15+$0x0], $0xffff;
	_ =	sdelay $0x1  }
0xb4: {  	v23 =	vld.idx.msk [tilespmem:v42+s15+$0x0], $0xffff;
	_ =	sdelay $0x1  }
0xb5: {  	v44 =	vld.idx.msk [tilespmem:v43+s15+$0x0], $0xffff  }
0xb6: {  	vm1 =	vgt.s32 v14, v13;
	vm2 =	vlt.s32 v21, v2  }
0xb7: {  	v45 =	vadd.s32 $0x1, v18;
	v46 =	vadd.s32 $0x1, v20;
	vm2 =	vmand vm2, vm1  }
0xb8: {  	v47 =	vadd.s32 $0x1, v22;
	vm3 =	vlt.s32 v23, v3;
	vm1 =	vmxor vm1, vm2  }
0xb9: {  	v13 =	vsel vm2, v45, v13;
	vm2 =	vgt.s32 v15, v17;
	v14 =	vsel vm1, v18, v14  }
0xba: {  	vm1 =	vmand vm3, vm2;
	vm3 =	vgt.s32 v16, v19;
	vm13 =	vlt.s32 v44, v4  }
0xbb: {  	v17 =	vsel vm1, v46, v17;
	vm1 =	vmxor vm2, vm1;
	vm2 =	vmand vm13, vm3  }
0xbc: {  	v48 =	vsub.s32 v14, v13;
	v15 =	vsel vm1, v20, v15;
	v18 =	vsel vm2, v47, v19  }
0xbd: {  	vm1 =	vmxor vm3, vm2;
	v19 =	vshra.s32 v48, $0x1;
	v20 =	vsub.s32 v15, v17  }
0xbe: {  	v16 =	vsel vm1, v22, v16;
	v19 =	vadd.s32 v13, v19;
	v20 =	vshra.s32 v20, $0x1  }
0xbf: {  	vm1 =	vlt.s32 v19, $0x30F;
	v20 =	vadd.s32 v17, v20;
	v49 =	vsub.s32 v16, v18  }
0xc0: {  	v50 =	vnsel vm1, $0x30F, v19;
	vm1 =	vlt.s32 v20, $0x30F;
	v21 =	vshra.s32 v49, $0x1  }
0xc1: {  	v51 =	vnsel vm1, $0x30F, v20;
	v21 =	vadd.s32 v18, v21  }
0xc2: {  	vm1 =	vlt.s32 v21, $0x30F  }
0xc3: {  	v52 =	vnsel vm1, $0x30F, v21;
	_ =	sdelay $0x1  }
0xc4: {  	v22 =	vld.idx.msk [tilespmem:v50+s15+$0x0], $0xffff  }
0xc5: {  	v23 =	vld.idx.msk [tilespmem:v51+s15+$0x0], $0xffff;
	_ =	sdelay $0x1  }
0xc6: {  	v24 =	vld.idx.msk [tilespmem:v52+s15+$0x0], $0xffff;
	_ =	sdelay $0x1  }
0xc7: {  	vm3 =	vgt.s32 v15, v17;
	vm1 =	vgt.s32 v14, v13;
	vm2 =	vlt.s32 v22, v2  }
0xc8: {  	v14 =	vadd.s32 $0x1, v19;
	vm1 =	vmand vm2, vm1;
	vm2 =	vlt.s32 v23, v3  }
0xc9: {  	v19 =	vsel vm1, v14, v13;
	vm1 =	vmand vm2, vm3;
	v13 =	vadd.s32 $0x1, v20  }
0xca: {  	v17 =	vsel vm1, v13, v17;
	vm1 =	vgt.s32 v16, v18;
	vm2 =	vlt.s32 v24, v4  }
0xcb: {  	v13 =	vadd.s32 $0x1, v21;
	v53 =	vadd.s32 $0xFFFFFFFF, v19;
	vm1 =	vmand vm2, vm1  }
0xcc: {  	v14 =	vadd.s32 $0xFFFFFFFF, v17;
	v15 =	vsel vm1, v13, v18;
	vm1 =	vgt.s32 v53, $0x0  }
0xcd: {  	v54 =	vnsel vm1, $0x0, v53;
	vm1 =	vgt.s32 v14, $0x0;
	v13 =	vadd.s32 $0xFFFFFFFF, v15  }
0xce: {  	vm2 =	vne.s32 v19, $0x0;
	[tilespmem:$0x24B8] =	vst v54;
	v55 =	vnsel vm1, $0x0, v14;
	vm1 =	vgt.s32 v13, $0x0  }
0xcf: {  	v19 =	vsel vm2, $0x40, v9;
	[tilespmem:$0x24C8] =	vst v55;
	v56 =	vnsel vm1, $0x0, v13  }
0xd0: {  	s16 =	simm.s32 $0x30;
	s3 =	simm.s32 $0x24B8;
	s11 =	rddreg [dreg:$0x5];
	v57 =	vor.u32 v1, v19;
	[tilespmem:$0x24D8] =	vst v56  }
0xd1: {  	[tilespmem:s18], [sflag:$0x1] =	stream.indirect.gather [hbm4b:s11+s16], $0x80, s3, s16, $0xb8;
	[tilespmem:$0x15D38] =	vst v63  }
0xd2: {  	_ =	swait.ge [sflag:s19], $0x1800  }
0xd3: {  	[sflag:s19] =	ssyncset.done $0x0  }
0xd4: {  	[sflag:s19] =	ssyncadd.s32 $0xFFFFE800  }
0xd5: {  	v18 =	vld.idx.msk [tilespmem:v57+s18+$0x0], $0xffff;
	_ =	sdelay $0x4  }
0xd6: {  	vm1 =	vlt.s32 v18, v2  }
0xd7: {  	v58 =	vsel vm2, $0x1, v9;
	vm1 =	vmand vm1, vm2  }
0xd8: {  	v59 =	vsel vm2, $0x80, v9;
	v60 =	vor.u32 $0x1, v19;
	vm3 =	vmxor vm2, vm1  }
0xd9: {  	v18 =	vsel vm1, v60, v58;
	v19 =	vsel vm3, v19, v59  }
0xda: {  	v20 =	vsub.s32 v19, v18  }
0xdb: {  	v20 =	vshra.s32 v20, $0x1  }
0xdc: {  	v20 =	vadd.s32 v18, v20  }
0xdd: {  	vm1 =	vlt.s32 v20, $0x7F  }
0xde: {  	v61 =	vnsel vm1, $0x7F, v20  }
0xdf: {  	v21 =	vadd.s32 v1, v61;
	_ =	sdelay $0x4  }
0xe0: {  	v21 =	vld.idx.msk [tilespmem:v21+s18+$0x0], $0xffff;
	_ =	sdelay $0x4  }
0xe1: {  	vm1 =	vgt.u32 v19, v18;
	vm3 =	vlt.s32 v21, v2  }
0xe2: {  	vm3 =	vmand vm3, vm1  }
0xe3: {  	v62 =	vadd.s32 $0x1, v20;
	vm1 =	vmxor vm1, vm3  }
0xe4: {  	v18 =	vsel vm3, v62, v18;
	v19 =	vsel vm1, v20, v19  }
0xe5: {  	v20 =	vsub.s32 v19, v18  }
0xe6: {  	v20 =	vshra.s32 v20, $0x1  }
0xe7: {  	v20 =	vadd.s32 v18, v20  }
0xe8: {  	vm1 =	vlt.s32 v20, $0x7F  }
0xe9: {  	v63 =	vnsel vm1, $0x7F, v20  }
0xea: {  	v21 =	vadd.s32 v1, v63;
	_ =	sdelay $0x4  }
0xeb: {  	v21 =	vld.idx.msk [tilespmem:v21+s18+$0x0], $0xffff;
	_ =	sdelay $0x4  }
0xec: {  	vm1 =	vgt.s32 v19, v18;
	vm3 =	vlt.s32 v21, v2  }
0xed: {  	vm3 =	vmand vm3, vm1  }
0xee: {  	v24 =	vadd.s32 $0x1, v20;
	vm1 =	vmxor vm1, vm3  }
0xef: {  	v18 =	vsel vm3, v24, v18;
	v19 =	vsel vm1, v20, v19  }
0xf0: {  	v20 =	vsub.s32 v19, v18  }
0xf1: {  	v20 =	vshra.s32 v20, $0x1  }
0xf2: {  	v20 =	vadd.s32 v18, v20  }
0xf3: {  	vm1 =	vlt.s32 v20, $0x7F  }
0xf4: {  	v25 =	vnsel vm1, $0x7F, v20  }
0xf5: {  	v21 =	vadd.s32 v1, v25;
	_ =	sdelay $0x4  }
0xf6: {  	v21 =	vld.idx.msk [tilespmem:v21+s18+$0x0], $0xffff;
	_ =	sdelay $0x4  }
0xf7: {  	vm1 =	vgt.s32 v19, v18;
	vm3 =	vlt.s32 v21, v2  }
0xf8: {  	vm3 =	vmand vm3, vm1  }
0xf9: {  	v26 =	vadd.s32 $0x1, v20;
	vm1 =	vmxor vm1, vm3  }
0xfa: {  	v18 =	vsel vm3, v26, v18;
	v19 =	vsel vm1, v20, v19  }
0xfb: {  	v20 =	vsub.s32 v19, v18  }
0xfc: {  	v20 =	vshra.s32 v20, $0x1  }
0xfd: {  	v20 =	vadd.s32 v18, v20  }
0xfe: {  	vm1 =	vlt.s32 v20, $0x7F  }
0xff: {  	v27 =	vnsel vm1, $0x7F, v20  }
0x100: {  	v21 =	vadd.s32 v1, v27;
	_ =	sdelay $0x4  }
0x101: {  	v21 =	vld.idx.msk [tilespmem:v21+s18+$0x0], $0xffff;
	_ =	sdelay $0x4  }
0x102: {  	vm1 =	vgt.s32 v19, v18;
	vm3 =	vlt.s32 v21, v2  }
0x103: {  	vm3 =	vmand vm3, vm1  }
0x104: {  	v28 =	vadd.s32 $0x1, v20;
	vm1 =	vmxor vm1, vm3  }
0x105: {  	v18 =	vsel vm3, v28, v18;
	v19 =	vsel vm1, v20, v19  }
0x106: {  	v20 =	vsub.s32 v19, v18  }
0x107: {  	v20 =	vshra.s32 v20, $0x1  }
0x108: {  	v20 =	vadd.s32 v18, v20  }
0x109: {  	vm1 =	vlt.s32 v20, $0x7F  }
0x10a: {  	v29 =	vnsel vm1, $0x7F, v20  }
0x10b: {  	v21 =	vadd.s32 v1, v29;
	_ =	sdelay $0x4  }
0x10c: {  	v21 =	vld.idx.msk [tilespmem:v21+s18+$0x0], $0xffff;
	_ =	sdelay $0x4  }
0x10d: {  	vm1 =	vgt.s32 v19, v18;
	vm3 =	vlt.s32 v21, v2  }
0x10e: {  	vm3 =	vmand vm3, vm1  }
0x10f: {  	v30 =	vadd.s32 $0x1, v20;
	vm1 =	vmxor vm1, vm3  }
0x110: {  	v18 =	vsel vm3, v30, v18;
	v19 =	vsel vm1, v20, v19  }
0x111: {  	v20 =	vsub.s32 v19, v18  }
0x112: {  	v20 =	vshra.s32 v20, $0x1  }
0x113: {  	v20 =	vadd.s32 v18, v20  }
0x114: {  	vm1 =	vlt.s32 v20, $0x7F  }
0x115: {  	v31 =	vnsel vm1, $0x7F, v20  }
0x116: {  	v21 =	vadd.s32 v1, v31;
	_ =	sdelay $0x4  }
0x117: {  	v21 =	vld.idx.msk [tilespmem:v21+s18+$0x0], $0xffff;
	_ =	sdelay $0x3  }
0x118: {  	vm1 =	vne.s32 v17, $0x0  }
0x119: {  	vm3 =	vgt.s32 v19, v18;
	v17 =	vsel vm1, $0x40, v9;
	vm14 =	vlt.s32 v21, v2  }
0x11a: {  	v32 =	vadd.s32 $0x1, v20;
	v33 =	vor.u32 v5, v17;
	vm3 =	vmand vm14, vm3  }
0x11b: {  	v16 =	vshll.u32 v53, $0x7;
	v18 =	vsel vm3, v32, v18  }
0x11c: {  	v16 =	vadd.s32 v16, v18  }
0x11d: {  	v16 =	vnsel vm2, $0x0, v16  }
0x11e: {  	[tilespmem:$0x0] =	vst v16  }
0x11f: {  	v34 =	vld.idx.msk [tilespmem:v33+s18+$0x0], $0xffff;
	_ =	sdelay $0x4  }
0x120: {  	vm2 =	vlt.s32 v34, v3  }
0x121: {  	v35 =	vsel vm1, $0x1, v9;
	vm2 =	vmand vm2, vm1  }
0x122: {  	v36 =	vsel vm1, $0x80, v9;
	v37 =	vor.u32 $0x1, v17;
	vm3 =	vmxor vm1, vm2  }
0x123: {  	v18 =	vsel vm2, v37, v35;
	v17 =	vsel vm3, v17, v36  }
0x124: {  	v19 =	vsub.s32 v17, v18  }
0x125: {  	v19 =	vshra.s32 v19, $0x1  }
0x126: {  	v19 =	vadd.s32 v18, v19  }
0x127: {  	vm2 =	vlt.s32 v19, $0x7F  }
0x128: {  	v38 =	vnsel vm2, $0x7F, v19  }
0x129: {  	v20 =	vadd.s32 v5, v38;
	_ =	sdelay $0x4  }
0x12a: {  	v20 =	vld.idx.msk [tilespmem:v20+s18+$0x0], $0xffff;
	_ =	sdelay $0x4  }
0x12b: {  	vm2 =	vgt.u32 v17, v18;
	vm3 =	vlt.s32 v20, v3  }
0x12c: {  	vm3 =	vmand vm3, vm2  }
0x12d: {  	v39 =	vadd.s32 $0x1, v19;
	vm2 =	vmxor vm2, vm3  }
0x12e: {  	v18 =	vsel vm3, v39, v18;
	v17 =	vsel vm2, v19, v17  }
0x12f: {  	v19 =	vsub.s32 v17, v18  }
0x130: {  	v19 =	vshra.s32 v19, $0x1  }
0x131: {  	v19 =	vadd.s32 v18, v19  }
0x132: {  	vm2 =	vlt.s32 v19, $0x7F  }
0x133: {  	v40 =	vnsel vm2, $0x7F, v19  }
0x134: {  	v20 =	vadd.s32 v5, v40;
	_ =	sdelay $0x4  }
0x135: {  	v20 =	vld.idx.msk [tilespmem:v20+s18+$0x0], $0xffff;
	_ =	sdelay $0x4  }
0x136: {  	vm2 =	vgt.s32 v17, v18;
	vm3 =	vlt.s32 v20, v3  }
0x137: {  	vm3 =	vmand vm3, vm2  }
0x138: {  	v41 =	vadd.s32 $0x1, v19;
	vm2 =	vmxor vm2, vm3  }
0x139: {  	v18 =	vsel vm3, v41, v18;
	v17 =	vsel vm2, v19, v17  }
0x13a: {  	v19 =	vsub.s32 v17, v18  }
0x13b: {  	v19 =	vshra.s32 v19, $0x1  }
0x13c: {  	v19 =	vadd.s32 v18, v19  }
0x13d: {  	vm2 =	vlt.s32 v19, $0x7F  }
0x13e: {  	v42 =	vnsel vm2, $0x7F, v19  }
0x13f: {  	v20 =	vadd.s32 v5, v42;
	_ =	sdelay $0x4  }
0x140: {  	v20 =	vld.idx.msk [tilespmem:v20+s18+$0x0], $0xffff;
	_ =	sdelay $0x4  }
0x141: {  	vm2 =	vgt.s32 v17, v18;
	vm3 =	vlt.s32 v20, v3  }
0x142: {  	vm3 =	vmand vm3, vm2  }
0x143: {  	v43 =	vadd.s32 $0x1, v19;
	vm2 =	vmxor vm2, vm3  }
0x144: {  	v18 =	vsel vm3, v43, v18;
	v17 =	vsel vm2, v19, v17  }
0x145: {  	v19 =	vsub.s32 v17, v18  }
0x146: {  	v19 =	vshra.s32 v19, $0x1  }
0x147: {  	v19 =	vadd.s32 v18, v19  }
0x148: {  	vm2 =	vlt.s32 v19, $0x7F  }
0x149: {  	v44 =	vnsel vm2, $0x7F, v19  }
0x14a: {  	v20 =	vadd.s32 v5, v44;
	_ =	sdelay $0x4  }
0x14b: {  	v20 =	vld.idx.msk [tilespmem:v20+s18+$0x0], $0xffff;
	_ =	sdelay $0x4  }
0x14c: {  	vm2 =	vgt.s32 v17, v18;
	vm3 =	vlt.s32 v20, v3  }
0x14d: {  	vm3 =	vmand vm3, vm2  }
0x14e: {  	v45 =	vadd.s32 $0x1, v19;
	vm2 =	vmxor vm2, vm3  }
0x14f: {  	v18 =	vsel vm3, v45, v18;
	v17 =	vsel vm2, v19, v17  }
0x150: {  	v19 =	vsub.s32 v17, v18  }
0x151: {  	v19 =	vshra.s32 v19, $0x1  }
0x152: {  	v19 =	vadd.s32 v18, v19  }
0x153: {  	vm2 =	vlt.s32 v19, $0x7F  }
0x154: {  	v46 =	vnsel vm2, $0x7F, v19  }
0x155: {  	v20 =	vadd.s32 v5, v46;
	_ =	sdelay $0x4  }
0x156: {  	v20 =	vld.idx.msk [tilespmem:v20+s18+$0x0], $0xffff;
	_ =	sdelay $0x4  }
0x157: {  	vm2 =	vgt.s32 v17, v18;
	vm3 =	vlt.s32 v20, v3  }
0x158: {  	vm3 =	vmand vm3, vm2  }
0x159: {  	v47 =	vadd.s32 $0x1, v19;
	vm2 =	vmxor vm2, vm3  }
0x15a: {  	v18 =	vsel vm3, v47, v18;
	v17 =	vsel vm2, v19, v17  }
0x15b: {  	v19 =	vsub.s32 v17, v18  }
0x15c: {  	v19 =	vshra.s32 v19, $0x1  }
0x15d: {  	v19 =	vadd.s32 v18, v19  }
0x15e: {  	vm2 =	vlt.s32 v19, $0x7F  }
0x15f: {  	v48 =	vnsel vm2, $0x7F, v19  }
0x160: {  	v20 =	vadd.s32 v5, v48;
	_ =	sdelay $0x4  }
0x161: {  	v20 =	vld.idx.msk [tilespmem:v20+s18+$0x0], $0xffff;
	_ =	sdelay $0x3  }
0x162: {  	vm2 =	vne.s32 v15, $0x0  }
0x163: {  	vm3 =	vgt.s32 v17, v18;
	v15 =	vsel vm2, $0x40, v9;
	vm15 =	vlt.s32 v20, v3  }
0x164: {  	v49 =	vadd.s32 $0x1, v19;
	v50 =	vor.u32 v6, v15;
	vm3 =	vmand vm15, vm3  }
0x165: {  	v14 =	vshll.u32 v14, $0x7;
	v17 =	vsel vm3, v49, v18  }
0x166: {  	v14 =	vadd.s32 v14, v17  }
0x167: {  	v14 =	vnsel vm1, $0x0, v14  }
0x168: {  	[tilespmem:$0x10] =	vst v14  }
0x169: {  	v14 =	vld.idx.msk [tilespmem:v50+s18+$0x0], $0xffff;
	_ =	sdelay $0x4  }
0x16a: {  	vm1 =	vlt.s32 v14, v4  }
0x16b: {  	v51 =	vsel vm2, $0x80, v9;
	vm1 =	vmand vm2, vm1  }
0x16c: {  	v52 =	vor.u32 $0x1, v15;
	v14 =	vsel vm2, $0x1, v9;
	vm3 =	vmxor vm2, vm1  }
0x16d: {  	v14 =	vsel vm1, v52, v14;
	v15 =	vsel vm3, v15, v51  }
0x16e: {  	v17 =	vsub.s32 v15, v14  }
0x16f: {  	v17 =	vshra.s32 v17, $0x1  }
0x170: {  	v17 =	vadd.s32 v14, v17  }
0x171: {  	vm1 =	vlt.s32 v17, $0x7F  }
0x172: {  	v53 =	vnsel vm1, $0x7F, v17  }
0x173: {  	v18 =	vadd.s32 v6, v53;
	_ =	sdelay $0x4  }
0x174: {  	v18 =	vld.idx.msk [tilespmem:v18+s18+$0x0], $0xffff;
	_ =	sdelay $0x4  }
0x175: {  	vm1 =	vgt.u32 v15, v14;
	vm3 =	vlt.s32 v18, v4  }
0x176: {  	vm3 =	vmand vm3, vm1  }
0x177: {  	v54 =	vadd.s32 $0x1, v17;
	vm1 =	vmxor vm1, vm3  }
0x178: {  	v14 =	vsel vm3, v54, v14;
	v15 =	vsel vm1, v17, v15  }
0x179: {  	v17 =	vsub.s32 v15, v14  }
0x17a: {  	v17 =	vshra.s32 v17, $0x1  }
0x17b: {  	v17 =	vadd.s32 v14, v17  }
0x17c: {  	vm1 =	vlt.s32 v17, $0x7F  }
0x17d: {  	v55 =	vnsel vm1, $0x7F, v17  }
0x17e: {  	v18 =	vadd.s32 v6, v55;
	_ =	sdelay $0x4  }
0x17f: {  	v18 =	vld.idx.msk [tilespmem:v18+s18+$0x0], $0xffff;
	_ =	sdelay $0x4  }
0x180: {  	vm1 =	vgt.s32 v15, v14;
	vm3 =	vlt.s32 v18, v4  }
0x181: {  	vm3 =	vmand vm3, vm1  }
0x182: {  	v56 =	vadd.s32 $0x1, v17;
	vm1 =	vmxor vm1, vm3  }
0x183: {  	v14 =	vsel vm3, v56, v14;
	v15 =	vsel vm1, v17, v15  }
0x184: {  	v17 =	vsub.s32 v15, v14  }
0x185: {  	v17 =	vshra.s32 v17, $0x1  }
0x186: {  	v17 =	vadd.s32 v14, v17  }
0x187: {  	vm1 =	vlt.s32 v17, $0x7F  }
0x188: {  	v57 =	vnsel vm1, $0x7F, v17  }
0x189: {  	v18 =	vadd.s32 v6, v57;
	_ =	sdelay $0x4  }
0x18a: {  	v18 =	vld.idx.msk [tilespmem:v18+s18+$0x0], $0xffff;
	_ =	sdelay $0x4  }
0x18b: {  	vm1 =	vgt.s32 v15, v14;
	vm3 =	vlt.s32 v18, v4  }
0x18c: {  	vm3 =	vmand vm3, vm1  }
0x18d: {  	v58 =	vadd.s32 $0x1, v17;
	vm1 =	vmxor vm1, vm3  }
0x18e: {  	v14 =	vsel vm3, v58, v14;
	v15 =	vsel vm1, v17, v15  }
0x18f: {  	v17 =	vsub.s32 v15, v14  }
0x190: {  	v17 =	vshra.s32 v17, $0x1  }
0x191: {  	v17 =	vadd.s32 v14, v17  }
0x192: {  	vm1 =	vlt.s32 v17, $0x7F  }
0x193: {  	v59 =	vnsel vm1, $0x7F, v17  }
0x194: {  	v18 =	vadd.s32 v6, v59;
	_ =	sdelay $0x4  }
0x195: {  	v18 =	vld.idx.msk [tilespmem:v18+s18+$0x0], $0xffff;
	_ =	sdelay $0x4  }
0x196: {  	vm1 =	vgt.s32 v15, v14;
	vm3 =	vlt.s32 v18, v4  }
0x197: {  	vm3 =	vmand vm3, vm1  }
0x198: {  	v60 =	vadd.s32 $0x1, v17;
	vm1 =	vmxor vm1, vm3  }
0x199: {  	v14 =	vsel vm3, v60, v14;
	v15 =	vsel vm1, v17, v15  }
0x19a: {  	v17 =	vsub.s32 v15, v14  }
0x19b: {  	v17 =	vshra.s32 v17, $0x1  }
0x19c: {  	v17 =	vadd.s32 v14, v17  }
0x19d: {  	vm1 =	vlt.s32 v17, $0x7F  }
0x19e: {  	v61 =	vnsel vm1, $0x7F, v17  }
0x19f: {  	v18 =	vadd.s32 v6, v61;
	_ =	sdelay $0x4  }
0x1a0: {  	v18 =	vld.idx.msk [tilespmem:v18+s18+$0x0], $0xffff;
	_ =	sdelay $0x4  }
0x1a1: {  	vm1 =	vgt.s32 v15, v14;
	vm3 =	vlt.s32 v18, v4  }
0x1a2: {  	vm3 =	vmand vm3, vm1  }
0x1a3: {  	v62 =	vadd.s32 $0x1, v17;
	vm1 =	vmxor vm1, vm3  }
0x1a4: {  	v14 =	vsel vm3, v62, v14;
	v15 =	vsel vm1, v17, v15  }
0x1a5: {  	v17 =	vsub.s32 v15, v14  }
0x1a6: {  	v17 =	vshra.s32 v17, $0x1  }
0x1a7: {  	v17 =	vadd.s32 v14, v17  }
0x1a8: {  	vm1 =	vlt.s32 v17, $0x7F  }
0x1a9: {  	v63 =	vnsel vm1, $0x7F, v17  }
0x1aa: {  	v18 =	vadd.s32 v6, v63;
	_ =	sdelay $0x4  }
0x1ab: {  	v18 =	vld.idx.msk [tilespmem:v18+s18+$0x0], $0xffff;
	_ =	sdelay $0x4  }
0x1ac: {  	vm1 =	vgt.s32 v15, v14;
	vm3 =	vlt.s32 v18, v4  }
0x1ad: {  	v15 =	vadd.s32 $0x1, v17;
	vm1 =	vmand vm3, vm1  }
0x1ae: {  	v13 =	vshll.u32 v13, $0x7;
	v14 =	vsel vm1, v15, v14  }
0x1af: {  	v13 =	vadd.s32 v13, v14  }
0x1b0: {  	v14 =	vnsel vm0, $0x0, v16;
	v13 =	vnsel vm2, $0x0, v13  }
0x1b1: {  	(xrf0) =	vadd.scan.msk.s32 $0xffff, v14;
	v14 =	vnsel vm0, $0x0, v13  }
0x1b2: {  	(xrf0) =	vadd.scan.msk.s32 $0xffff, v14;
	_ =	sdelay $0x4  }
0x1b3: {  	v14, _, _ =	vpop (xrf0)  }
0x1b4: {  	(v2sf) =	vpush v14, $0xF;
	v14, _, _ =	vpop (xrf0)  }
0x1b5: {  	(v2sf) =	vpush v14, $0xF;
	_ =	sdelay $0xd  }
0x1b6: {  	s24 =	spop (v2sf)  }
0x1b7: {  	s21 =	spop (v2sf)  }
0x1b8: {  	s17 =	ssub.s32 s21, s24  }
0x1b9: {  	s0 =	sadd.s32 $0xFF, s17  }
0x1ba: {  	s22 =	sand.u32 $0xFF, s0  }
0x1bb: {  	s25 =	sshra.s32 s0, $0x1F;
	p1 =	slt.s32 s0, $0x1;
	p2 =	sne.s32 s22, $0x0  }
0x1bc: {  	s26 =	sshrl.u32 s25, $0x18;
	p1 =	por !p1, !p2  }
0x1bd: {  	s2 =	simm.s32 $0x1;
	s0 =	sadd.s32 s26, s0;
	p1 =	por !p1, !p1  }
0x1be: {  	s0 =	sshra.s32 s0, $0x8;
	s2 =	simm.s32 @!p1 $0x0  }
0x1bf: {  	s26 =	ssub.s32 s0, s2  }
0x1c0: {  	p1 =	slt.s32 s26, $0x1  }
0x1c1: {  	p2 =	slt.s32 @!p1 s24, $0x185A0  }
0x1c2: {  	s0 =	smov.u32 s24;
	p2 =	por !p2, p1  }
0x1c3: {  	s0 =	simm.s32 @p2 $0x185A0  }
0x1c4: {  	s0 =	sshll.u32 @!p1 s0, $0x4  }
0x1c5: {  	s2 =	simm.s32 @!p1 $0x0;
	p2 =	seq.s32 @!p1 s26, $0x1;
	s0 =	sand.u32 @!p1 $0x1FFFFFF0, s0  }
0x1c6: {  	[tilespmem:$0x20] =	vst v13;
	s3 =	simm.s32 @!p1 $0x3D38;
	p3 =	por p2, p1;
	s0 =	sadd.s32 @!p1 s1, s0  }
0x1c7: {  	[tilespmem:s3], [sflag:$0x1] =	stream.linear.gather @!p1 [hbm4b:s0+s2], $0x8000, $0x38;
	[tilespmem:$0x15D38] =	vst v63  }
0x1c8: {  	s0 =	sadd.s32 @!p3 $0x100, s24  }
0x1c9: {  	p4 =	slt.s32 @!p3 s0, $0x185A0  }
0x1ca: {  	p2 =	por @!p1 !p4, p2  }
0x1cb: {  	p1 =	por !p2, p1  }
0x1cc: {  	s29 =	sadd.s32 $0x1, s26;
	p5 =	slt.s32 s26, $0x0;
	s0 =	simm.s32 @!p1 $0x185A0  }
0x1cd: {  	s30 =	sand.u32 $0x1, s29;
	s31 =	sshrl.u32 s29, $0x1F;
	s0 =	sshll.u32 @!p3 s0, $0x4  }
0x1ce: {  	p6 =	seq.s32 s30, $0x1;
	s2 =	simm.s32 @!p3 $0x0;
	s0 =	sand.u32 @!p3 $0x1FFFFFF0, s0  }
0x1cf: {  	s3 =	simm.s32 @!p3 $0xBD38;
	p1 =	por !p5, !p6;
	s0 =	sadd.s32 @!p3 s1, s0  }
0x1d0: {  	[tilespmem:s3], [sflag:$0x2] =	stream.linear.gather @!p3 [hbm4b:s0+s2], $0x8000, $0x38;
	[tilespmem:$0x15D38] =	vst v63  }
0x1d1: {  	p1 =	por !p1, !p1;
	s0 =	sadd.s32 s31, s29;
	s2 =	simm.s32 $0x1  }
0x1d2: {  	s0 =	sshra.s32 s0, $0x1;
	s2 =	simm.s32 @!p1 $0x0  }
0x1d3: {  	s28 =	ssub.s32 s0, s2  }
0x1d4: {  	p1 =	slt.s32 s28, $0x1  }
.Ltmp2:
0x1d5: {  	_ = 	snop;
	(pc) =	sbr.rel @p1 .LBB2_15-.Ltmp2, $2  }
0x1d6: {  	_ =	sdelay $0x2  }
0x1d7: {  	s7 =	simm.s32 $0x0  }
0x1d8: {  	v25 =	vimm.f32 $0.0e+00  }
.Ltmp3:
0x1d9: {  	v14 =	vimm.f32 $-Inf;
	v13 =	vimm.f32 $-Inf;
	v26 =	vimm.f32 $-Inf;
	(pc) =	sbr.rel .LBB2_3-.Ltmp3, $4  }
0x1da: {  	v20 =	vimm.f32 $-Inf;
	v18 =	vimm.f32 $-Inf;
	v16 =	vimm.f32 $-Inf  }
0x1db: {  	v17 =	vimm.f32 $-Inf;
	v15 =	vimm.f32 $-Inf;
	v27 =	vimm.f32 $0.0e+00  }
0x1dc: {  	s29 =	sadd.s32 $0x100, s24;
	v28 =	vimm.f32 $0.0e+00;
	v23 =	vimm.f32 $0.0e+00;
	v24 =	vimm.f32 $0.0e+00;
	s30 =	sadd.s32 $0x200, s24  }
0x1dd: {  	s7 =	simm.s32 $0x0;
	s31 =	smov.u32 s24;
	v22 =	vimm.f32 $0.0e+00;
	v21 =	vimm.f32 $0.0e+00;
	v19 =	vimm.f32 $0.0e+00;
	s0 =	simm.s32 $0x0  }
.LBB2_44:
0x1de: {  	s0 =	sadd.s32 $0x1, s0  }
0x1df: {  	p1 =	seq.s32 s0, s28  }
.Ltmp4:
0x1e0: {  	_ = 	snop;
	(pc) =	sbr.rel @p1 .LBB2_14-.Ltmp4, $2  }
0x1e1: {  	_ =	sdelay $0x2  }
0x1e2: {  	s31 =	sadd.s32 $0x200, s31;
	s29 =	sadd.s32 $0x200, s29;
	s30 =	sadd.s32 $0x200, s30  }
.LBB2_3:
0x1e3: {  	s14 =	sshll.u32 s0, $0x1  }
0x1e4: {  	p1 =	sge.s32 s14, s26  }
.Ltmp5:
0x1e5: {  	_ = 	snop;
	(pc) =	sbr.rel @p1 .LBB2_26-.Ltmp5, $1  }
0x1e6: {  	_ =	sdelay $0x3  }
0x1e7: {  	s2 =	sadd.s32 $0x2, s14  }
0x1e8: {  	p1 =	sge.s32 s2, s26  }
0x1e9: {  	s2 =	sshll.u32 @!p1 s2, $0x8  }
0x1ea: {  	_ =	swait.ge [sflag:s19], $0x8000;
	s16 =	smov.u32 s31;
	s2 =	sadd.s32 @!p1 s24, s2  }
0x1eb: {  	s10 =	sshll.u32 s0, $0x9;
	s17 =	smov.u32 s29;
	p2 =	slt.s32 @!p1 s2, $0x185A0  }
0x1ec: {  	s25 =	smov.u32 s21;
	[sflag:s19] =	ssyncset.done $0x0;
	p2 =	por !p2, p1  }
0x1ed: {  	s5 =	sadd.s32 s24, s10;
	[sflag:s19] =	ssyncadd.s32 $0xFFFF8000;
	s2 =	simm.s32 @p2 $0x185A0  }
0x1ee: {  	s3 =	simm.s32 @!p1 $0x0;
	p2 =	slt.s32 s31, $0x185A0;
	s2 =	sshll.u32 @!p1 s2, $0x4  }
0x1ef: {  	s4 =	simm.s32 @!p1 $0x3D38;
	s16 =	simm.s32 @!p2 $0x185A0;
	s2 =	sand.u32 @!p1 $0x1FFFFFF0, s2  }
.Ltmp6:
0x1f0: {  	s11 =	sshll.u32 s16, $0x9;
	s2 =	sadd.s32 @!p1 s1, s2;
	(pc) =	sbr.rel .LBB2_5-.Ltmp6, $4  }
0x1f1: {  	[tilespmem:s4], [sflag:$0x1] =	stream.linear.gather @!p1 [hbm4b:s2+s3], $0x8000, $0x38;
	[tilespmem:$0x15D38] =	vst v63  }
0x1f2: {  	s22 =	ssub.s32 $0x0, s11;
	p1 =	slt.s32 s21, s29;
	s3 =	sadd.s32 $0x100, s5  }
0x1f3: {  	s22 =	sshra.s32 s22, $0x2;
	s17 =	smov.u32 @p1 s21;
	p1 =	slt.s32 s3, s21  }
0x1f4: {  	s2 =	ssub.s32 $0x0, s16;
	s6 =	sadd.s32 $0x3E38, s22;
	s25 =	smov.u32 @p1 s3  }
.LBB2_13:
0x1f5: {  	s4 =	sshll.u32 s7, $0x7  }
0x1f6: {  	[tilespmem:s4+$0x13D38] =	vst v19  }
0x1f7: {  	[tilespmem:s4+$0x14D38] =	vst v15  }
0x1f8: {  	[tilespmem:s4+$0x13D48] =	vst v21  }
0x1f9: {  	[tilespmem:s4+$0x14D48] =	vst v17  }
0x1fa: {  	[tilespmem:s4+$0x13D58] =	vst v22  }
0x1fb: {  	[tilespmem:s4+$0x14D58] =	vst v16  }
0x1fc: {  	[tilespmem:s4+$0x13D68] =	vst v24  }
0x1fd: {  	[tilespmem:s4+$0x14D68] =	vst v18  }
0x1fe: {  	[tilespmem:s4+$0x13D78] =	vst v23  }
0x1ff: {  	[tilespmem:s4+$0x14D78] =	vst v20  }
0x200: {  	[tilespmem:s4+$0x13D88] =	vst v28;
	v15 =	vimm.f32 $-Inf  }
0x201: {  	[tilespmem:s4+$0x14D88] =	vst v26;
	v19 =	vimm.f32 $0.0e+00;
	v21 =	vimm.f32 $0.0e+00;
	v22 =	vimm.f32 $0.0e+00  }
0x202: {  	[tilespmem:s4+$0x13D98] =	vst v27;
	v24 =	vimm.f32 $0.0e+00;
	v23 =	vimm.f32 $0.0e+00;
	v28 =	vimm.f32 $0.0e+00  }
0x203: {  	[tilespmem:s4+$0x13DA8] =	vst v25;
	v27 =	vimm.f32 $0.0e+00;
	v25 =	vimm.f32 $0.0e+00;
	v17 =	vimm.f32 $-Inf  }
0x204: {  	[tilespmem:s4+$0x14D98] =	vst v13;
	v16 =	vimm.f32 $-Inf;
	v18 =	vimm.f32 $-Inf;
	v20 =	vimm.f32 $-Inf  }
0x205: {  	s7 =	smov.u32 s3;
	s5 =	smov.u32 s8;
	[tilespmem:s4+$0x14DA8] =	vst v14;
	v26 =	vimm.f32 $-Inf;
	v13 =	vimm.f32 $-Inf;
	v14 =	vimm.f32 $-Inf  }
.LBB2_5:
0x206: {  	s3 =	sadd.s32 $0x1, s7;
	p1 =	slt.u32 s7, $0x7FFFFFFF;
	s4 =	simm.s32 $0x1  }
0x207: {  	s8 =	sshra.s32 s3, $0x1F;
	s4 =	simm.s32 @!p1 $0x0  }
0x208: {  	s9 =	sand.u32 $0xF, s3;
	s4 =	sadd.s32 s4, s8  }
0x209: {  	p2 =	sne.s32 s9, $0x0;
	p6 =	sne.s32 s4, $0x1  }
0x20a: {  	s11 =	sshrl.u32 s8, $0x1C;
	p1 =	por !p2, !p6  }
0x20b: {  	s8 =	simm.s32 $0x1;
	s4 =	sadd.s32 s11, s3;
	p1 =	por !p1, !p1  }
0x20c: {  	s4 =	sshrl.u32 s4, $0x4;
	s8 =	simm.s32 @!p1 $0x0  }
0x20d: {  	s4 =	ssub.s32 s4, s8  }
0x20e: {  	s4 =	sshll.u32 s4, $0x4  }
0x20f: {  	v29 =	vld [tilespmem:s4+$0x0];
	_ =	sdelay $0x1  }
0x210: {  	s4 =	ssub.s32 s3, s4  }
0x211: {  	v30 =	vmov s4  }
0x212: {  	vm1 =	veq.s32 v30, v0  }
0x213: {  	v29 =	vnsel vm1, $0x0, v29  }
0x214: {  	(xrf0) =	vadd.scan.msk.s32 $0xffff, v29;
	_ =	sdelay $0x5  }
0x215: {  	v29, _, _ =	vpop (xrf0)  }
0x216: {  	(v2sf) =	vpush v29, $0xF;
	_ =	sdelay $0xe  }
0x217: {  	p1 =	sgt.s32 s7, $0x1F;
	s8 =	spop (v2sf)  }
0x218: {  	p2 =	sgt.s32 @!p1 s8, s25  }
0x219: {  	p1 =	por p1, p2  }
.Ltmp7:
0x21a: {  	_ = 	snop;
	(pc) =	sbr.rel @p1 .LBB2_19-.Ltmp7, $1  }
0x21b: {  	_ =	sdelay $0x3  }
0x21c: {  	s9 =	ssub.s32 s8, s5  }
0x21d: {  	s4 =	sshra.s32 s9, $0x1F  }
0x21e: {  	s4 =	sshrl.u32 s4, $0x1E  }
0x21f: {  	s4 =	sadd.s32 s4, s9  }
0x220: {  	s10 =	sand.u32 $0xFFFFFFFC, s4  }
0x221: {  	s11 =	sadd.s32 s5, s10  }
0x222: {  	p1 =	sge.s32 s5, s11  }
.Ltmp8:
0x223: {  	_ = 	snop;
	(pc) =	sbr.rel @p1 .LBB2_10-.Ltmp8, $1  }
0x224: {  	_ =	sdelay $0x3  }
0x225: {  	s4 =	sshll.u32 s5, $0x9  }
0x226: {  	s4 =	sshra.s32 s4, $0x2  }
0x227: {  	s4 =	sadd.s32 s4, s6  }
0x228: {  	v30 =	vld [tilespmem:s4+$0x80]  }
0x229: {  	v31 =	vld [tilespmem:s4+$0x90]  }
0x22a: {  	v32 =	vld [tilespmem:s4+$0xA0]  }
0x22b: {  	v34 =	vld [tilespmem:s4+$0xB0]  }
0x22c: {  	v35 =	vld [tilespmem:s4+$0xC0]  }
0x22d: {  	v29 =	vld [tilespmem:s4+$0xD0]  }
0x22e: {  	v36 =	vld [tilespmem:s4+$0xFFFFFF00]  }
0x22f: {  	v37 =	vld [tilespmem:s4+$0xFFFFFF80]  }
0x230: {  	v38 =	vld [tilespmem:s4+$0xFFFFFF10]  }
0x231: {  	v40 =	vld [tilespmem:s4+$0xFFFFFF90]  }
0x232: {  	v41 =	vld [tilespmem:s4+$0xFFFFFF20]  }
0x233: {  	v45 =	vld [tilespmem:s4+$0xFFFFFF30]  }
0x234: {  	v55 =	vld [tilespmem:s4+$0xFFFFFF40]  }
0x235: {  	v46 =	vld [tilespmem:s4+$0xFFFFFF50]  }
0x236: {  	v43 =	vld [tilespmem:s4+$0xFFFFFFA0]  }
0x237: {  	v56 =	vld [tilespmem:s4+$0xFFFFFFB0];
	v19 =	vadd.f32 v36, v19  }
0x238: {  	v57 =	vld [tilespmem:s4+$0xFFFFFFC0];
	v21 =	vadd.f32 v38, v21;
	v15 =	vmax.f32 v15, v36;
	v22 =	vadd.f32 v41, v22  }
0x239: {  	v33 =	vld [tilespmem:s4+$0x0];
	v17 =	vmax.f32 v17, v38;
	v24 =	vadd.f32 v45, v24;
	v16 =	vmax.f32 v16, v41  }
0x23a: {  	v39 =	vld [tilespmem:s4+$0x10];
	v23 =	vadd.f32 v55, v23;
	v18 =	vmax.f32 v18, v45;
	v28 =	vadd.f32 v46, v28  }
0x23b: {  	v42 =	vld [tilespmem:s4+$0x20];
	v20 =	vmax.f32 v20, v55;
	v61 =	vmax.f32 v26, v46;
	v15 =	vmax.f32 v15, v37  }
0x23c: {  	v44 =	vld [tilespmem:s4+$0x30];
	v17 =	vmax.f32 v17, v40;
	v16 =	vmax.f32 v16, v43;
	v19 =	vadd.f32 v37, v19  }
0x23d: {  	v58 =	vld [tilespmem:s4+$0x40];
	v18 =	vmax.f32 v18, v56;
	v20 =	vmax.f32 v20, v57;
	v21 =	vadd.f32 v40, v21  }
0x23e: {  	v60 =	vld [tilespmem:s4+$0xFFFFFFD0];
	v22 =	vadd.f32 v43, v22;
	v15 =	vmax.f32 v15, v33;
	v19 =	vadd.f32 v33, v19  }
0x23f: {  	v59 =	vld [tilespmem:s4+$0x50];
	v17 =	vmax.f32 v17, v39;
	v24 =	vadd.f32 v56, v24;
	v21 =	vadd.f32 v39, v21  }
0x240: {  	v15 =	vmax.f32 v15, v30;
	v22 =	vadd.f32 v42, v22;
	v19 =	vadd.f32 v30, v19;
	v30 =	vld [tilespmem:s4+$0xFFFFFF60]  }
0x241: {  	s5 =	sadd.s32 $0x4, s5;
	v16 =	vmax.f32 v16, v42;
	v17 =	vmax.f32 v17, v31;
	v21 =	vadd.f32 v31, v21;
	v31 =	vld [tilespmem:s4+$0xFFFFFF70]  }
0x242: {  	p1 =	slt.s32 s5, s11;
	v16 =	vmax.f32 v16, v32;
	v24 =	vadd.f32 v44, v24;
	v22 =	vadd.f32 v32, v22;
	v32 =	vld [tilespmem:s4+$0xFFFFFFE0]  }
.Ltmp9:
0x243: {  	v63 =	vmax.f32 v61, v60;
	v23 =	vadd.f32 v57, v23;
	v18 =	vmax.f32 v18, v44;
	v33 =	vld [tilespmem:s4+$0xFFFFFFF0];
	(pc) =	sbr.rel @!p1 .LBB2_9-.Ltmp9, $4  }
0x244: {  	v28 =	vadd.f32 v60, v28;
	v18 =	vmax.f32 v18, v34;
	v24 =	vadd.f32 v34, v24;
	v34 =	vld [tilespmem:s4+$0x60]  }
0x245: {  	v20 =	vmax.f32 v20, v58;
	v23 =	vadd.f32 v58, v23;
	v62 =	vadd.f32 v30, v27;
	v27 =	vld [tilespmem:s4+$0x70]  }
0x246: {  	v37 =	vmax.f32 v63, v59;
	v28 =	vadd.f32 v59, v28;
	v26 =	vadd.f32 v31, v25;
	v25 =	vld [tilespmem:s4+$0xE0]  }
0x247: {  	v20 =	vmax.f32 v20, v35;
	v23 =	vadd.f32 v35, v23;
	v35 =	vld [tilespmem:s4+$0xF0];
	s4 =	sadd.s32 $0x200, s4;
	v36 =	vadd.f32 v32, v62  }
.LBB2_8:
0x248: {  	v38 =	vld [tilespmem:s4+$0x80];
	v26 =	vadd.f32 v33, v26;
	v28 =	vadd.f32 v29, v28;
	v37 =	vmax.f32 v37, v29  }
0x249: {  	v13 =	vmax.f32 v13, v30;
	v14 =	vmax.f32 v14, v31;
	v39 =	vld [tilespmem:s4+$0x90];
	v29 =	vadd.f32 v34, v36  }
0x24a: {  	v13 =	vmax.f32 v13, v32;
	v14 =	vmax.f32 v14, v33;
	v36 =	vld [tilespmem:s4+$0xA0];
	v26 =	vadd.f32 v27, v26  }
0x24b: {  	v13 =	vmax.f32 v13, v34;
	v14 =	vmax.f32 v14, v27;
	v40 =	vld [tilespmem:s4+$0xB0];
	v27 =	vadd.f32 v25, v29  }
0x24c: {  	v13 =	vmax.f32 v13, v25;
	v41 =	vld [tilespmem:s4+$0xC0];
	v25 =	vadd.f32 v35, v26;
	v14 =	vmax.f32 v14, v35  }
0x24d: {  	v29 =	vld [tilespmem:s4+$0xD0]  }
0x24e: {  	v26 =	vld [tilespmem:s4+$0x0]  }
0x24f: {  	v30 =	vld [tilespmem:s4+$0xFFFFFF00]  }
0x250: {  	v31 =	vld [tilespmem:s4+$0xFFFFFF80]  }
0x251: {  	v32 =	vld [tilespmem:s4+$0xFFFFFF10]  }
0x252: {  	v33 =	vld [tilespmem:s4+$0x10]  }
0x253: {  	v34 =	vld [tilespmem:s4+$0xFFFFFF90]  }
0x254: {  	v19 =	vadd.f32 v30, v19;
	v35 =	vld [tilespmem:s4+$0xFFFFFF20]  }
0x255: {  	v42 =	vld [tilespmem:s4+$0x20]  }
0x256: {  	v21 =	vadd.f32 v32, v21;
	v19 =	vadd.f32 v31, v19;
	v43 =	vld [tilespmem:s4+$0xFFFFFFA0]  }
0x257: {  	v44 =	vld [tilespmem:s4+$0x30]  }
0x258: {  	v45 =	vld [tilespmem:s4+$0xFFFFFF30];
	v21 =	vadd.f32 v34, v21;
	v19 =	vadd.f32 v26, v19  }
0x259: {  	v15 =	vmax.f32 v15, v30;
	v22 =	vadd.f32 v35, v22;
	v46 =	vld [tilespmem:s4+$0xFFFFFF40]  }
0x25a: {  	v15 =	vmax.f32 v15, v31;
	v47 =	vld [tilespmem:s4+$0xFFFFFFB0];
	v21 =	vadd.f32 v33, v21;
	v19 =	vadd.f32 v38, v19  }
0x25b: {  	v17 =	vmax.f32 v17, v32;
	v15 =	vmax.f32 v15, v26;
	v22 =	vadd.f32 v43, v22;
	v48 =	vld [tilespmem:s4+$0xFFFFFFC0]  }
0x25c: {  	v15 =	vmax.f32 v15, v38;
	v17 =	vmax.f32 v17, v34;
	v26 =	vld [tilespmem:s4+$0x40];
	v21 =	vadd.f32 v39, v21  }
0x25d: {  	v17 =	vmax.f32 v17, v33;
	v24 =	vadd.f32 v45, v24;
	v38 =	vld [tilespmem:s4+$0xFFFFFF50];
	v22 =	vadd.f32 v42, v22  }
0x25e: {  	v16 =	vmax.f32 v16, v35;
	v17 =	vmax.f32 v17, v39;
	v23 =	vadd.f32 v46, v23;
	v35 =	vld [tilespmem:s4+$0x50]  }
0x25f: {  	v16 =	vmax.f32 v16, v43;
	v24 =	vadd.f32 v47, v24;
	v39 =	vld [tilespmem:s4+$0xFFFFFFD0];
	v22 =	vadd.f32 v36, v22  }
0x260: {  	v16 =	vmax.f32 v16, v42;
	v18 =	vmax.f32 v18, v45;
	v30 =	vld [tilespmem:s4+$0xFFFFFF60];
	v23 =	vadd.f32 v48, v23  }
0x261: {  	s5 =	sadd.s32 $0x4, s5;
	v16 =	vmax.f32 v16, v36;
	v18 =	vmax.f32 v18, v47;
	v31 =	vld [tilespmem:s4+$0xFFFFFF70];
	v24 =	vadd.f32 v44, v24  }
0x262: {  	p1 =	slt.s32 s5, s11;
	v18 =	vmax.f32 v18, v44;
	v28 =	vadd.f32 v38, v28;
	v32 =	vld [tilespmem:s4+$0xFFFFFFE0];
	v23 =	vadd.f32 v26, v23  }
.Ltmp10:
0x263: {  	v20 =	vmax.f32 v20, v46;
	v18 =	vmax.f32 v18, v40;
	v33 =	vld [tilespmem:s4+$0xFFFFFFF0];
	v24 =	vadd.f32 v40, v24;
	(pc) =	sbr.rel @p1 .LBB2_8-.Ltmp10, $4  }
0x264: {  	v20 =	vmax.f32 v20, v48;
	v28 =	vadd.f32 v39, v28;
	v34 =	vld [tilespmem:s4+$0x60];
	v23 =	vadd.f32 v41, v23  }
0x265: {  	v20 =	vmax.f32 v20, v26;
	v36 =	vmax.f32 v37, v38;
	v37 =	vadd.f32 v30, v27;
	v27 =	vld [tilespmem:s4+$0x70]  }
0x266: {  	v38 =	vmax.f32 v36, v39;
	v26 =	vadd.f32 v31, v25;
	v28 =	vadd.f32 v35, v28;
	v25 =	vld [tilespmem:s4+$0xE0]  }
0x267: {  	v20 =	vmax.f32 v20, v41;
	v36 =	vadd.f32 v32, v37;
	v37 =	vmax.f32 v38, v35;
	v35 =	vld [tilespmem:s4+$0xF0];
	s4 =	sadd.s32 $0x200, s4  }
.LBB2_9:
0x268: {  	v38 =	vadd.f32 v33, v26;
	v28 =	vadd.f32 v29, v28;
	v26 =	vmax.f32 v37, v29  }
0x269: {  	v13 =	vmax.f32 v13, v30;
	v14 =	vmax.f32 v14, v31;
	v29 =	vadd.f32 v34, v36  }
0x26a: {  	v13 =	vmax.f32 v13, v32;
	v14 =	vmax.f32 v14, v33;
	v30 =	vadd.f32 v27, v38  }
0x26b: {  	v13 =	vmax.f32 v13, v34;
	v14 =	vmax.f32 v14, v27;
	v27 =	vadd.f32 v25, v29  }
0x26c: {  	v13 =	vmax.f32 v13, v25;
	v25 =	vadd.f32 v35, v30;
	v14 =	vmax.f32 v14, v35  }
.LBB2_10:
0x26d: {  	p1 =	sge.s32 s11, s8  }
.Ltmp11:
0x26e: {  	_ = 	snop;
	(pc) =	sbr.rel @p1 .LBB2_13-.Ltmp11, $1  }
0x26f: {  	_ =	sdelay $0x3  }
0x270: {  	s4 =	ssub.s32 s9, s10;
	s5 =	sadd.s32 s8, s2  }
0x271: {  	s5 =	ssub.s32 s5, s4  }
0x272: {  	s5 =	sshll.u32 s5, $0x9  }
0x273: {  	s5 =	sshra.s32 s5, $0x2  }
0x274: {  	s5 =	sadd.s32 $0x3D78, s5  }
.LBB2_12:
0x275: {  	v29 =	vld [tilespmem:s5+$0xFFFFFFC0]  }
0x276: {  	v30 =	vld [tilespmem:s5+$0xFFFFFFD0]  }
0x277: {  	v31 =	vld [tilespmem:s5+$0xFFFFFFE0]  }
0x278: {  	v32 =	vld [tilespmem:s5+$0xFFFFFFF0]  }
0x279: {  	v33 =	vld [tilespmem:s5+$0x0]  }
0x27a: {  	v34 =	vld [tilespmem:s5+$0x10]  }
0x27b: {  	v35 =	vld [tilespmem:s5+$0x20]  }
0x27c: {  	v36 =	vld [tilespmem:s5+$0x30];
	p1 =	sne.s32 s4, $0x1;
	v19 =	vadd.f32 v29, v19  }
.Ltmp12:
0x27d: {  	v15 =	vmax.f32 v15, v29;
	v21 =	vadd.f32 v30, v21;
	v17 =	vmax.f32 v17, v30;
	(pc) =	sbr.rel @p1 .LBB2_12-.Ltmp12, $4  }
0x27e: {  	v22 =	vadd.f32 v31, v22;
	v16 =	vmax.f32 v16, v31;
	v24 =	vadd.f32 v32, v24  }
0x27f: {  	v18 =	vmax.f32 v18, v32;
	v23 =	vadd.f32 v33, v23;
	v20 =	vmax.f32 v20, v33  }
0x280: {  	v28 =	vadd.f32 v34, v28;
	v26 =	vmax.f32 v26, v34;
	v27 =	vadd.f32 v35, v27  }
0x281: {  	s5 =	sadd.s32 $0x80, s5;
	s4 =	sadd.s32 $0xFFFFFFFF, s4;
	v13 =	vmax.f32 v13, v35;
	v25 =	vadd.f32 v36, v25;
	v14 =	vmax.f32 v14, v36  }
.Ltmp13:
0x282: {  	_ = 	snop;
	(pc) =	sbr.rel .LBB2_13-.Ltmp13, $1  }
0x283: {  	_ =	sdelay $0x3  }
.LBB2_19:
0x284: {  	s2 =	ssub.s32 s25, s5  }
0x285: {  	s3 =	sshra.s32 s2, $0x1F  }
0x286: {  	s3 =	sshrl.u32 s3, $0x1E  }
0x287: {  	s3 =	sadd.s32 s3, s2  }
0x288: {  	s3 =	sand.u32 $0xFFFFFFFC, s3  }
0x289: {  	s6 =	sadd.s32 s5, s3  }
0x28a: {  	p1 =	sge.s32 s5, s6  }
.Ltmp14:
0x28b: {  	_ = 	snop;
	(pc) =	sbr.rel @p1 .LBB2_23-.Ltmp14, $1  }
0x28c: {  	_ =	sdelay $0x3  }
0x28d: {  	s4 =	sshll.u32 s5, $0x9  }
0x28e: {  	s4 =	sshra.s32 s4, $0x2  }
0x28f: {  	s4 =	sadd.s32 s4, s22  }
0x290: {  	s4 =	sadd.s32 $0x3E38, s4  }
0x291: {  	v30 =	vld [tilespmem:s4+$0x80]  }
0x292: {  	v31 =	vld [tilespmem:s4+$0x90]  }
0x293: {  	v32 =	vld [tilespmem:s4+$0xA0]  }
0x294: {  	v34 =	vld [tilespmem:s4+$0xB0]  }
0x295: {  	v35 =	vld [tilespmem:s4+$0xC0]  }
0x296: {  	v29 =	vld [tilespmem:s4+$0xD0]  }
0x297: {  	v36 =	vld [tilespmem:s4+$0xFFFFFF00]  }
0x298: {  	v37 =	vld [tilespmem:s4+$0xFFFFFF80]  }
0x299: {  	v38 =	vld [tilespmem:s4+$0xFFFFFF10]  }
0x29a: {  	v40 =	vld [tilespmem:s4+$0xFFFFFF90]  }
0x29b: {  	v41 =	vld [tilespmem:s4+$0xFFFFFF20]  }
0x29c: {  	v45 =	vld [tilespmem:s4+$0xFFFFFF30]  }
0x29d: {  	v55 =	vld [tilespmem:s4+$0xFFFFFF40]  }
0x29e: {  	v46 =	vld [tilespmem:s4+$0xFFFFFF50]  }
0x29f: {  	v43 =	vld [tilespmem:s4+$0xFFFFFFA0]  }
0x2a0: {  	v56 =	vld [tilespmem:s4+$0xFFFFFFB0];
	v19 =	vadd.f32 v36, v19  }
0x2a1: {  	v57 =	vld [tilespmem:s4+$0xFFFFFFC0];
	v21 =	vadd.f32 v38, v21;
	v15 =	vmax.f32 v15, v36;
	v22 =	vadd.f32 v41, v22  }
0x2a2: {  	v33 =	vld [tilespmem:s4+$0x0];
	v17 =	vmax.f32 v17, v38;
	v24 =	vadd.f32 v45, v24;
	v16 =	vmax.f32 v16, v41  }
0x2a3: {  	v39 =	vld [tilespmem:s4+$0x10];
	v23 =	vadd.f32 v55, v23;
	v18 =	vmax.f32 v18, v45;
	v28 =	vadd.f32 v46, v28  }
0x2a4: {  	v42 =	vld [tilespmem:s4+$0x20];
	v20 =	vmax.f32 v20, v55;
	v61 =	vmax.f32 v26, v46;
	v15 =	vmax.f32 v15, v37  }
0x2a5: {  	v44 =	vld [tilespmem:s4+$0x30];
	v17 =	vmax.f32 v17, v40;
	v16 =	vmax.f32 v16, v43;
	v19 =	vadd.f32 v37, v19  }
0x2a6: {  	v58 =	vld [tilespmem:s4+$0x40];
	v18 =	vmax.f32 v18, v56;
	v20 =	vmax.f32 v20, v57;
	v21 =	vadd.f32 v40, v21  }
0x2a7: {  	v60 =	vld [tilespmem:s4+$0xFFFFFFD0];
	v22 =	vadd.f32 v43, v22;
	v15 =	vmax.f32 v15, v33;
	v19 =	vadd.f32 v33, v19  }
0x2a8: {  	v59 =	vld [tilespmem:s4+$0x50];
	v17 =	vmax.f32 v17, v39;
	v24 =	vadd.f32 v56, v24;
	v21 =	vadd.f32 v39, v21  }
0x2a9: {  	v15 =	vmax.f32 v15, v30;
	v22 =	vadd.f32 v42, v22;
	v19 =	vadd.f32 v30, v19;
	v30 =	vld [tilespmem:s4+$0xFFFFFF60]  }
0x2aa: {  	s5 =	sadd.s32 $0x4, s5;
	v16 =	vmax.f32 v16, v42;
	v17 =	vmax.f32 v17, v31;
	v21 =	vadd.f32 v31, v21;
	v31 =	vld [tilespmem:s4+$0xFFFFFF70]  }
0x2ab: {  	p1 =	slt.s32 s5, s6;
	v16 =	vmax.f32 v16, v32;
	v24 =	vadd.f32 v44, v24;
	v22 =	vadd.f32 v32, v22;
	v32 =	vld [tilespmem:s4+$0xFFFFFFE0]  }
.Ltmp15:
0x2ac: {  	v63 =	vmax.f32 v61, v60;
	v23 =	vadd.f32 v57, v23;
	v18 =	vmax.f32 v18, v44;
	v33 =	vld [tilespmem:s4+$0xFFFFFFF0];
	(pc) =	sbr.rel @!p1 .LBB2_22-.Ltmp15, $4  }
0x2ad: {  	v28 =	vadd.f32 v60, v28;
	v18 =	vmax.f32 v18, v34;
	v24 =	vadd.f32 v34, v24;
	v34 =	vld [tilespmem:s4+$0x60]  }
0x2ae: {  	v20 =	vmax.f32 v20, v58;
	v23 =	vadd.f32 v58, v23;
	v62 =	vadd.f32 v30, v27;
	v27 =	vld [tilespmem:s4+$0x70]  }
0x2af: {  	v37 =	vmax.f32 v63, v59;
	v28 =	vadd.f32 v59, v28;
	v26 =	vadd.f32 v31, v25;
	v25 =	vld [tilespmem:s4+$0xE0]  }
0x2b0: {  	v20 =	vmax.f32 v20, v35;
	v23 =	vadd.f32 v35, v23;
	v35 =	vld [tilespmem:s4+$0xF0];
	s4 =	sadd.s32 $0x200, s4;
	v36 =	vadd.f32 v32, v62  }
.LBB2_21:
0x2b1: {  	v38 =	vld [tilespmem:s4+$0x80];
	v26 =	vadd.f32 v33, v26;
	v28 =	vadd.f32 v29, v28;
	v37 =	vmax.f32 v37, v29  }
0x2b2: {  	v13 =	vmax.f32 v13, v30;
	v14 =	vmax.f32 v14, v31;
	v39 =	vld [tilespmem:s4+$0x90];
	v29 =	vadd.f32 v34, v36  }
0x2b3: {  	v13 =	vmax.f32 v13, v32;
	v14 =	vmax.f32 v14, v33;
	v36 =	vld [tilespmem:s4+$0xA0];
	v26 =	vadd.f32 v27, v26  }
0x2b4: {  	v13 =	vmax.f32 v13, v34;
	v14 =	vmax.f32 v14, v27;
	v40 =	vld [tilespmem:s4+$0xB0];
	v27 =	vadd.f32 v25, v29  }
0x2b5: {  	v13 =	vmax.f32 v13, v25;
	v41 =	vld [tilespmem:s4+$0xC0];
	v25 =	vadd.f32 v35, v26;
	v14 =	vmax.f32 v14, v35  }
0x2b6: {  	v29 =	vld [tilespmem:s4+$0xD0]  }
0x2b7: {  	v26 =	vld [tilespmem:s4+$0x0]  }
0x2b8: {  	v30 =	vld [tilespmem:s4+$0xFFFFFF00]  }
0x2b9: {  	v31 =	vld [tilespmem:s4+$0xFFFFFF80]  }
0x2ba: {  	v32 =	vld [tilespmem:s4+$0xFFFFFF10]  }
0x2bb: {  	v33 =	vld [tilespmem:s4+$0x10]  }
0x2bc: {  	v34 =	vld [tilespmem:s4+$0xFFFFFF90]  }
0x2bd: {  	v19 =	vadd.f32 v30, v19;
	v35 =	vld [tilespmem:s4+$0xFFFFFF20]  }
0x2be: {  	v42 =	vld [tilespmem:s4+$0x20]  }
0x2bf: {  	v21 =	vadd.f32 v32, v21;
	v19 =	vadd.f32 v31, v19;
	v43 =	vld [tilespmem:s4+$0xFFFFFFA0]  }
0x2c0: {  	v44 =	vld [tilespmem:s4+$0x30]  }
0x2c1: {  	v45 =	vld [tilespmem:s4+$0xFFFFFF30];
	v21 =	vadd.f32 v34, v21;
	v19 =	vadd.f32 v26, v19  }
0x2c2: {  	v15 =	vmax.f32 v15, v30;
	v22 =	vadd.f32 v35, v22;
	v46 =	vld [tilespmem:s4+$0xFFFFFF40]  }
0x2c3: {  	v15 =	vmax.f32 v15, v31;
	v47 =	vld [tilespmem:s4+$0xFFFFFFB0];
	v21 =	vadd.f32 v33, v21;
	v19 =	vadd.f32 v38, v19  }
0x2c4: {  	v17 =	vmax.f32 v17, v32;
	v15 =	vmax.f32 v15, v26;
	v22 =	vadd.f32 v43, v22;
	v48 =	vld [tilespmem:s4+$0xFFFFFFC0]  }
0x2c5: {  	v15 =	vmax.f32 v15, v38;
	v17 =	vmax.f32 v17, v34;
	v26 =	vld [tilespmem:s4+$0x40];
	v21 =	vadd.f32 v39, v21  }
0x2c6: {  	v17 =	vmax.f32 v17, v33;
	v24 =	vadd.f32 v45, v24;
	v38 =	vld [tilespmem:s4+$0xFFFFFF50];
	v22 =	vadd.f32 v42, v22  }
0x2c7: {  	v16 =	vmax.f32 v16, v35;
	v17 =	vmax.f32 v17, v39;
	v23 =	vadd.f32 v46, v23;
	v35 =	vld [tilespmem:s4+$0x50]  }
0x2c8: {  	v16 =	vmax.f32 v16, v43;
	v24 =	vadd.f32 v47, v24;
	v39 =	vld [tilespmem:s4+$0xFFFFFFD0];
	v22 =	vadd.f32 v36, v22  }
0x2c9: {  	v16 =	vmax.f32 v16, v42;
	v18 =	vmax.f32 v18, v45;
	v30 =	vld [tilespmem:s4+$0xFFFFFF60];
	v23 =	vadd.f32 v48, v23  }
0x2ca: {  	s5 =	sadd.s32 $0x4, s5;
	v16 =	vmax.f32 v16, v36;
	v18 =	vmax.f32 v18, v47;
	v31 =	vld [tilespmem:s4+$0xFFFFFF70];
	v24 =	vadd.f32 v44, v24  }
0x2cb: {  	p1 =	slt.s32 s5, s6;
	v18 =	vmax.f32 v18, v44;
	v28 =	vadd.f32 v38, v28;
	v32 =	vld [tilespmem:s4+$0xFFFFFFE0];
	v23 =	vadd.f32 v26, v23  }
.Ltmp16:
0x2cc: {  	v20 =	vmax.f32 v20, v46;
	v18 =	vmax.f32 v18, v40;
	v33 =	vld [tilespmem:s4+$0xFFFFFFF0];
	v24 =	vadd.f32 v40, v24;
	(pc) =	sbr.rel @p1 .LBB2_21-.Ltmp16, $4  }
0x2cd: {  	v20 =	vmax.f32 v20, v48;
	v28 =	vadd.f32 v39, v28;
	v34 =	vld [tilespmem:s4+$0x60];
	v23 =	vadd.f32 v41, v23  }
0x2ce: {  	v20 =	vmax.f32 v20, v26;
	v36 =	vmax.f32 v37, v38;
	v37 =	vadd.f32 v30, v27;
	v27 =	vld [tilespmem:s4+$0x70]  }
0x2cf: {  	v38 =	vmax.f32 v36, v39;
	v26 =	vadd.f32 v31, v25;
	v28 =	vadd.f32 v35, v28;
	v25 =	vld [tilespmem:s4+$0xE0]  }
0x2d0: {  	v20 =	vmax.f32 v20, v41;
	v36 =	vadd.f32 v32, v37;
	v37 =	vmax.f32 v38, v35;
	v35 =	vld [tilespmem:s4+$0xF0];
	s4 =	sadd.s32 $0x200, s4  }
.LBB2_22:
0x2d1: {  	v38 =	vadd.f32 v33, v26;
	v28 =	vadd.f32 v29, v28;
	v26 =	vmax.f32 v37, v29  }
0x2d2: {  	v13 =	vmax.f32 v13, v30;
	v14 =	vmax.f32 v14, v31;
	v29 =	vadd.f32 v34, v36  }
0x2d3: {  	v13 =	vmax.f32 v13, v32;
	v14 =	vmax.f32 v14, v33;
	v30 =	vadd.f32 v27, v38  }
0x2d4: {  	v13 =	vmax.f32 v13, v34;
	v14 =	vmax.f32 v14, v27;
	v27 =	vadd.f32 v25, v29  }
0x2d5: {  	v13 =	vmax.f32 v13, v25;
	v25 =	vadd.f32 v35, v30;
	v14 =	vmax.f32 v14, v35  }
.LBB2_23:
0x2d6: {  	p1 =	sge.s32 s6, s25  }
.Ltmp17:
0x2d7: {  	_ = 	snop;
	(pc) =	sbr.rel @p1 .LBB2_26-.Ltmp17, $1  }
0x2d8: {  	_ =	sdelay $0x3  }
0x2d9: {  	s2 =	ssub.s32 s2, s3  }
0x2da: {  	s3 =	ssub.s32 s17, s2  }
0x2db: {  	s3 =	ssub.s32 s3, s16  }
0x2dc: {  	s3 =	sshll.u32 s3, $0x9  }
0x2dd: {  	s3 =	sshra.s32 s3, $0x2  }
0x2de: {  	s3 =	sadd.s32 $0x3D78, s3  }
.LBB2_25:
0x2df: {  	v29 =	vld [tilespmem:s3+$0xFFFFFFC0]  }
0x2e0: {  	v30 =	vld [tilespmem:s3+$0xFFFFFFD0]  }
0x2e1: {  	v31 =	vld [tilespmem:s3+$0xFFFFFFE0]  }
0x2e2: {  	v32 =	vld [tilespmem:s3+$0xFFFFFFF0]  }
0x2e3: {  	v33 =	vld [tilespmem:s3+$0x0]  }
0x2e4: {  	v34 =	vld [tilespmem:s3+$0x10]  }
0x2e5: {  	v35 =	vld [tilespmem:s3+$0x20]  }
0x2e6: {  	v36 =	vld [tilespmem:s3+$0x30];
	p1 =	sne.s32 s2, $0x1;
	v19 =	vadd.f32 v29, v19  }
.Ltmp18:
0x2e7: {  	v15 =	vmax.f32 v15, v29;
	v21 =	vadd.f32 v30, v21;
	v17 =	vmax.f32 v17, v30;
	(pc) =	sbr.rel @p1 .LBB2_25-.Ltmp18, $4  }
0x2e8: {  	v22 =	vadd.f32 v31, v22;
	v16 =	vmax.f32 v16, v31;
	v24 =	vadd.f32 v32, v24  }
0x2e9: {  	v18 =	vmax.f32 v18, v32;
	v23 =	vadd.f32 v33, v23;
	v20 =	vmax.f32 v20, v33  }
0x2ea: {  	v28 =	vadd.f32 v34, v28;
	v26 =	vmax.f32 v26, v34;
	v27 =	vadd.f32 v35, v27  }
0x2eb: {  	s3 =	sadd.s32 $0x80, s3;
	s2 =	sadd.s32 $0xFFFFFFFF, s2;
	v13 =	vmax.f32 v13, v35;
	v25 =	vadd.f32 v36, v25;
	v14 =	vmax.f32 v14, v36  }
.LBB2_26:
0x2ec: {  	s2 =	sor.u32 $0x1, s14  }
0x2ed: {  	p1 =	sge.s32 s2, s26  }
.Ltmp19:
0x2ee: {  	_ = 	snop;
	(pc) =	sbr.rel @p1 .LBB2_44-.Ltmp19, $1  }
0x2ef: {  	_ =	sdelay $0x3  }
0x2f0: {  	s3 =	sadd.s32 $0x3, s14  }
0x2f1: {  	p1 =	sge.s32 s3, s26  }
0x2f2: {  	s3 =	sshll.u32 @!p1 s3, $0x8  }
0x2f3: {  	s3 =	sadd.s32 @!p1 s24, s3  }
0x2f4: {  	p2 =	slt.s32 @!p1 s3, $0x185A0  }
0x2f5: {  	p2 =	por !p2, p1  }
0x2f6: {  	_ =	swait.ge [sflag:s20], $0x8000;
	s14 =	smov.u32 s29;
	s3 =	simm.s32 @p2 $0x185A0  }
0x2f7: {  	s2 =	sshll.u32 s2, $0x8;
	[sflag:s20] =	ssyncset.done $0x0;
	s3 =	sshll.u32 @!p1 s3, $0x4  }
0x2f8: {  	[sflag:s20] =	ssyncadd.s32 $0xFFFF8000;
	s4 =	simm.s32 @!p1 $0x0;
	s3 =	sand.u32 @!p1 $0x1FFFFFF0, s3  }
0x2f9: {  	s5 =	simm.s32 @!p1 $0xBD38;
	p2 =	slt.s32 s29, $0x185A0;
	s3 =	sadd.s32 @!p1 s1, s3  }
0x2fa: {  	[tilespmem:s5], [sflag:$0x2] =	stream.linear.gather @!p1 [hbm4b:s3+s4], $0x8000, $0x38;
	[tilespmem:$0x15D38] =	vst v63  }
.Ltmp20:
0x2fb: {  	s16 =	smov.u32 s30;
	s14 =	simm.s32 @!p2 $0x185A0;
	(pc) =	sbr.rel .LBB2_28-.Ltmp20, $4  }
0x2fc: {  	s17 =	smov.u32 s21;
	s22 =	sshll.u32 s14, $0x9;
	s5 =	sadd.s32 s24, s2  }
0x2fd: {  	s25 =	ssub.s32 $0x0, s22;
	p1 =	slt.s32 s21, s30;
	s3 =	sadd.s32 $0x100, s5  }
0x2fe: {  	s22 =	sshra.s32 s25, $0x2;
	s16 =	smov.u32 @p1 s21;
	p1 =	slt.s32 s3, s21  }
0x2ff: {  	s25 =	ssub.s32 $0x0, s14;
	s2 =	sadd.s32 $0xBE38, s22;
	s17 =	smov.u32 @p1 s3  }
.LBB2_36:
0x300: {  	s4 =	sshll.u32 s7, $0x7  }
0x301: {  	[tilespmem:s4+$0x13D38] =	vst v19  }
0x302: {  	[tilespmem:s4+$0x14D38] =	vst v15  }
0x303: {  	[tilespmem:s4+$0x13D48] =	vst v21  }
0x304: {  	[tilespmem:s4+$0x14D48] =	vst v17  }
0x305: {  	[tilespmem:s4+$0x13D58] =	vst v22  }
0x306: {  	[tilespmem:s4+$0x14D58] =	vst v16  }
0x307: {  	[tilespmem:s4+$0x13D68] =	vst v24  }
0x308: {  	[tilespmem:s4+$0x14D68] =	vst v18  }
0x309: {  	[tilespmem:s4+$0x13D78] =	vst v23  }
0x30a: {  	[tilespmem:s4+$0x14D78] =	vst v20  }
0x30b: {  	[tilespmem:s4+$0x13D88] =	vst v28;
	v15 =	vimm.f32 $-Inf  }
0x30c: {  	[tilespmem:s4+$0x14D88] =	vst v26;
	v19 =	vimm.f32 $0.0e+00;
	v21 =	vimm.f32 $0.0e+00;
	v22 =	vimm.f32 $0.0e+00  }
0x30d: {  	[tilespmem:s4+$0x13D98] =	vst v27;
	v24 =	vimm.f32 $0.0e+00;
	v23 =	vimm.f32 $0.0e+00;
	v28 =	vimm.f32 $0.0e+00  }
0x30e: {  	[tilespmem:s4+$0x13DA8] =	vst v25;
	v27 =	vimm.f32 $0.0e+00;
	v25 =	vimm.f32 $0.0e+00;
	v17 =	vimm.f32 $-Inf  }
0x30f: {  	[tilespmem:s4+$0x14D98] =	vst v13;
	v16 =	vimm.f32 $-Inf;
	v18 =	vimm.f32 $-Inf;
	v20 =	vimm.f32 $-Inf  }
0x310: {  	s7 =	smov.u32 s3;
	s5 =	smov.u32 s6;
	[tilespmem:s4+$0x14DA8] =	vst v14;
	v26 =	vimm.f32 $-Inf;
	v13 =	vimm.f32 $-Inf;
	v14 =	vimm.f32 $-Inf  }
.LBB2_28:
0x311: {  	s3 =	sadd.s32 $0x1, s7;
	p1 =	slt.u32 s7, $0x7FFFFFFF;
	s4 =	simm.s32 $0x1  }
0x312: {  	s6 =	sshra.s32 s3, $0x1F;
	s4 =	simm.s32 @!p1 $0x0  }
0x313: {  	s8 =	sand.u32 $0xF, s3;
	s4 =	sadd.s32 s4, s6  }
0x314: {  	p2 =	sne.s32 s8, $0x0;
	p6 =	sne.s32 s4, $0x1  }
0x315: {  	s11 =	sshrl.u32 s6, $0x1C;
	p1 =	por !p2, !p6  }
0x316: {  	s6 =	simm.s32 $0x1;
	s4 =	sadd.s32 s11, s3;
	p1 =	por !p1, !p1  }
0x317: {  	s4 =	sshrl.u32 s4, $0x4;
	s6 =	simm.s32 @!p1 $0x0  }
0x318: {  	s4 =	ssub.s32 s4, s6  }
0x319: {  	s4 =	sshll.u32 s4, $0x4  }
0x31a: {  	v29 =	vld [tilespmem:s4+$0x0];
	_ =	sdelay $0x1  }
0x31b: {  	s4 =	ssub.s32 s3, s4  }
0x31c: {  	v30 =	vmov s4  }
0x31d: {  	vm1 =	veq.s32 v30, v0  }
0x31e: {  	v29 =	vnsel vm1, $0x0, v29  }
0x31f: {  	(xrf0) =	vadd.scan.msk.s32 $0xffff, v29;
	_ =	sdelay $0x5  }
0x320: {  	v29, _, _ =	vpop (xrf0)  }
0x321: {  	(v2sf) =	vpush v29, $0xF;
	_ =	sdelay $0xe  }
0x322: {  	p1 =	sgt.s32 s7, $0x1F;
	s6 =	spop (v2sf)  }
0x323: {  	p2 =	sgt.s32 @!p1 s6, s17  }
0x324: {  	p1 =	por p1, p2  }
.Ltmp21:
0x325: {  	_ = 	snop;
	(pc) =	sbr.rel @p1 .LBB2_37-.Ltmp21, $1  }
0x326: {  	_ =	sdelay $0x3  }
0x327: {  	s8 =	ssub.s32 s6, s5  }
0x328: {  	s4 =	sshra.s32 s8, $0x1F  }
0x329: {  	s4 =	sshrl.u32 s4, $0x1E  }
0x32a: {  	s4 =	sadd.s32 s4, s8  }
0x32b: {  	s9 =	sand.u32 $0xFFFFFFFC, s4  }
0x32c: {  	s10 =	sadd.s32 s5, s9  }
0x32d: {  	p1 =	sge.s32 s5, s10  }
.Ltmp22:
0x32e: {  	_ = 	snop;
	(pc) =	sbr.rel @p1 .LBB2_33-.Ltmp22, $1  }
0x32f: {  	_ =	sdelay $0x3  }
0x330: {  	s4 =	sshll.u32 s5, $0x9  }
0x331: {  	s4 =	sshra.s32 s4, $0x2  }
0x332: {  	s4 =	sadd.s32 s4, s2  }
0x333: {  	v30 =	vld [tilespmem:s4+$0x80]  }
0x334: {  	v31 =	vld [tilespmem:s4+$0x90]  }
0x335: {  	v32 =	vld [tilespmem:s4+$0xA0]  }
0x336: {  	v34 =	vld [tilespmem:s4+$0xB0]  }
0x337: {  	v35 =	vld [tilespmem:s4+$0xC0]  }
0x338: {  	v29 =	vld [tilespmem:s4+$0xD0]  }
0x339: {  	v36 =	vld [tilespmem:s4+$0xFFFFFF00]  }
0x33a: {  	v37 =	vld [tilespmem:s4+$0xFFFFFF80]  }
0x33b: {  	v38 =	vld [tilespmem:s4+$0xFFFFFF10]  }
0x33c: {  	v40 =	vld [tilespmem:s4+$0xFFFFFF90]  }
0x33d: {  	v41 =	vld [tilespmem:s4+$0xFFFFFF20]  }
0x33e: {  	v45 =	vld [tilespmem:s4+$0xFFFFFF30]  }
0x33f: {  	v55 =	vld [tilespmem:s4+$0xFFFFFF40]  }
0x340: {  	v46 =	vld [tilespmem:s4+$0xFFFFFF50]  }
0x341: {  	v43 =	vld [tilespmem:s4+$0xFFFFFFA0]  }
0x342: {  	v56 =	vld [tilespmem:s4+$0xFFFFFFB0];
	v19 =	vadd.f32 v36, v19  }
0x343: {  	v57 =	vld [tilespmem:s4+$0xFFFFFFC0];
	v21 =	vadd.f32 v38, v21;
	v15 =	vmax.f32 v15, v36;
	v22 =	vadd.f32 v41, v22  }
0x344: {  	v33 =	vld [tilespmem:s4+$0x0];
	v17 =	vmax.f32 v17, v38;
	v24 =	vadd.f32 v45, v24;
	v16 =	vmax.f32 v16, v41  }
0x345: {  	v39 =	vld [tilespmem:s4+$0x10];
	v23 =	vadd.f32 v55, v23;
	v18 =	vmax.f32 v18, v45;
	v28 =	vadd.f32 v46, v28  }
0x346: {  	v42 =	vld [tilespmem:s4+$0x20];
	v20 =	vmax.f32 v20, v55;
	v61 =	vmax.f32 v26, v46;
	v15 =	vmax.f32 v15, v37  }
0x347: {  	v44 =	vld [tilespmem:s4+$0x30];
	v17 =	vmax.f32 v17, v40;
	v16 =	vmax.f32 v16, v43;
	v19 =	vadd.f32 v37, v19  }
0x348: {  	v58 =	vld [tilespmem:s4+$0x40];
	v18 =	vmax.f32 v18, v56;
	v20 =	vmax.f32 v20, v57;
	v21 =	vadd.f32 v40, v21  }
0x349: {  	v60 =	vld [tilespmem:s4+$0xFFFFFFD0];
	v22 =	vadd.f32 v43, v22;
	v15 =	vmax.f32 v15, v33;
	v19 =	vadd.f32 v33, v19  }
0x34a: {  	v59 =	vld [tilespmem:s4+$0x50];
	v17 =	vmax.f32 v17, v39;
	v24 =	vadd.f32 v56, v24;
	v21 =	vadd.f32 v39, v21  }
0x34b: {  	v15 =	vmax.f32 v15, v30;
	v22 =	vadd.f32 v42, v22;
	v19 =	vadd.f32 v30, v19;
	v30 =	vld [tilespmem:s4+$0xFFFFFF60]  }
0x34c: {  	s5 =	sadd.s32 $0x4, s5;
	v16 =	vmax.f32 v16, v42;
	v17 =	vmax.f32 v17, v31;
	v21 =	vadd.f32 v31, v21;
	v31 =	vld [tilespmem:s4+$0xFFFFFF70]  }
0x34d: {  	p1 =	slt.s32 s5, s10;
	v16 =	vmax.f32 v16, v32;
	v24 =	vadd.f32 v44, v24;
	v22 =	vadd.f32 v32, v22;
	v32 =	vld [tilespmem:s4+$0xFFFFFFE0]  }
.Ltmp23:
0x34e: {  	v63 =	vmax.f32 v61, v60;
	v23 =	vadd.f32 v57, v23;
	v18 =	vmax.f32 v18, v44;
	v33 =	vld [tilespmem:s4+$0xFFFFFFF0];
	(pc) =	sbr.rel @!p1 .LBB2_32-.Ltmp23, $4  }
0x34f: {  	v28 =	vadd.f32 v60, v28;
	v18 =	vmax.f32 v18, v34;
	v24 =	vadd.f32 v34, v24;
	v34 =	vld [tilespmem:s4+$0x60]  }
0x350: {  	v20 =	vmax.f32 v20, v58;
	v23 =	vadd.f32 v58, v23;
	v62 =	vadd.f32 v30, v27;
	v27 =	vld [tilespmem:s4+$0x70]  }
0x351: {  	v37 =	vmax.f32 v63, v59;
	v28 =	vadd.f32 v59, v28;
	v26 =	vadd.f32 v31, v25;
	v25 =	vld [tilespmem:s4+$0xE0]  }
0x352: {  	v20 =	vmax.f32 v20, v35;
	v23 =	vadd.f32 v35, v23;
	v35 =	vld [tilespmem:s4+$0xF0];
	s4 =	sadd.s32 $0x200, s4;
	v36 =	vadd.f32 v32, v62  }
.LBB2_31:
0x353: {  	v38 =	vld [tilespmem:s4+$0x80];
	v26 =	vadd.f32 v33, v26;
	v28 =	vadd.f32 v29, v28;
	v37 =	vmax.f32 v37, v29  }
0x354: {  	v13 =	vmax.f32 v13, v30;
	v14 =	vmax.f32 v14, v31;
	v39 =	vld [tilespmem:s4+$0x90];
	v29 =	vadd.f32 v34, v36  }
0x355: {  	v13 =	vmax.f32 v13, v32;
	v14 =	vmax.f32 v14, v33;
	v36 =	vld [tilespmem:s4+$0xA0];
	v26 =	vadd.f32 v27, v26  }
0x356: {  	v13 =	vmax.f32 v13, v34;
	v14 =	vmax.f32 v14, v27;
	v40 =	vld [tilespmem:s4+$0xB0];
	v27 =	vadd.f32 v25, v29  }
0x357: {  	v13 =	vmax.f32 v13, v25;
	v41 =	vld [tilespmem:s4+$0xC0];
	v25 =	vadd.f32 v35, v26;
	v14 =	vmax.f32 v14, v35  }
0x358: {  	v29 =	vld [tilespmem:s4+$0xD0]  }
0x359: {  	v26 =	vld [tilespmem:s4+$0x0]  }
0x35a: {  	v30 =	vld [tilespmem:s4+$0xFFFFFF00]  }
0x35b: {  	v31 =	vld [tilespmem:s4+$0xFFFFFF80]  }
0x35c: {  	v32 =	vld [tilespmem:s4+$0xFFFFFF10]  }
0x35d: {  	v33 =	vld [tilespmem:s4+$0x10]  }
0x35e: {  	v34 =	vld [tilespmem:s4+$0xFFFFFF90]  }
0x35f: {  	v19 =	vadd.f32 v30, v19;
	v35 =	vld [tilespmem:s4+$0xFFFFFF20]  }
0x360: {  	v42 =	vld [tilespmem:s4+$0x20]  }
0x361: {  	v21 =	vadd.f32 v32, v21;
	v19 =	vadd.f32 v31, v19;
	v43 =	vld [tilespmem:s4+$0xFFFFFFA0]  }
0x362: {  	v44 =	vld [tilespmem:s4+$0x30]  }
0x363: {  	v45 =	vld [tilespmem:s4+$0xFFFFFF30];
	v21 =	vadd.f32 v34, v21;
	v19 =	vadd.f32 v26, v19  }
0x364: {  	v15 =	vmax.f32 v15, v30;
	v22 =	vadd.f32 v35, v22;
	v46 =	vld [tilespmem:s4+$0xFFFFFF40]  }
0x365: {  	v15 =	vmax.f32 v15, v31;
	v47 =	vld [tilespmem:s4+$0xFFFFFFB0];
	v21 =	vadd.f32 v33, v21;
	v19 =	vadd.f32 v38, v19  }
0x366: {  	v17 =	vmax.f32 v17, v32;
	v15 =	vmax.f32 v15, v26;
	v22 =	vadd.f32 v43, v22;
	v48 =	vld [tilespmem:s4+$0xFFFFFFC0]  }
0x367: {  	v15 =	vmax.f32 v15, v38;
	v17 =	vmax.f32 v17, v34;
	v26 =	vld [tilespmem:s4+$0x40];
	v21 =	vadd.f32 v39, v21  }
0x368: {  	v17 =	vmax.f32 v17, v33;
	v24 =	vadd.f32 v45, v24;
	v38 =	vld [tilespmem:s4+$0xFFFFFF50];
	v22 =	vadd.f32 v42, v22  }
0x369: {  	v16 =	vmax.f32 v16, v35;
	v17 =	vmax.f32 v17, v39;
	v23 =	vadd.f32 v46, v23;
	v35 =	vld [tilespmem:s4+$0x50]  }
0x36a: {  	v16 =	vmax.f32 v16, v43;
	v24 =	vadd.f32 v47, v24;
	v39 =	vld [tilespmem:s4+$0xFFFFFFD0];
	v22 =	vadd.f32 v36, v22  }
0x36b: {  	v16 =	vmax.f32 v16, v42;
	v18 =	vmax.f32 v18, v45;
	v30 =	vld [tilespmem:s4+$0xFFFFFF60];
	v23 =	vadd.f32 v48, v23  }
0x36c: {  	s5 =	sadd.s32 $0x4, s5;
	v16 =	vmax.f32 v16, v36;
	v18 =	vmax.f32 v18, v47;
	v31 =	vld [tilespmem:s4+$0xFFFFFF70];
	v24 =	vadd.f32 v44, v24  }
0x36d: {  	p1 =	slt.s32 s5, s10;
	v18 =	vmax.f32 v18, v44;
	v28 =	vadd.f32 v38, v28;
	v32 =	vld [tilespmem:s4+$0xFFFFFFE0];
	v23 =	vadd.f32 v26, v23  }
.Ltmp24:
0x36e: {  	v20 =	vmax.f32 v20, v46;
	v18 =	vmax.f32 v18, v40;
	v33 =	vld [tilespmem:s4+$0xFFFFFFF0];
	v24 =	vadd.f32 v40, v24;
	(pc) =	sbr.rel @p1 .LBB2_31-.Ltmp24, $4  }
0x36f: {  	v20 =	vmax.f32 v20, v48;
	v28 =	vadd.f32 v39, v28;
	v34 =	vld [tilespmem:s4+$0x60];
	v23 =	vadd.f32 v41, v23  }
0x370: {  	v20 =	vmax.f32 v20, v26;
	v36 =	vmax.f32 v37, v38;
	v37 =	vadd.f32 v30, v27;
	v27 =	vld [tilespmem:s4+$0x70]  }
0x371: {  	v38 =	vmax.f32 v36, v39;
	v26 =	vadd.f32 v31, v25;
	v28 =	vadd.f32 v35, v28;
	v25 =	vld [tilespmem:s4+$0xE0]  }
0x372: {  	v20 =	vmax.f32 v20, v41;
	v36 =	vadd.f32 v32, v37;
	v37 =	vmax.f32 v38, v35;
	v35 =	vld [tilespmem:s4+$0xF0];
	s4 =	sadd.s32 $0x200, s4  }
.LBB2_32:
0x373: {  	v38 =	vadd.f32 v33, v26;
	v28 =	vadd.f32 v29, v28;
	v26 =	vmax.f32 v37, v29  }
0x374: {  	v13 =	vmax.f32 v13, v30;
	v14 =	vmax.f32 v14, v31;
	v29 =	vadd.f32 v34, v36  }
0x375: {  	v13 =	vmax.f32 v13, v32;
	v14 =	vmax.f32 v14, v33;
	v30 =	vadd.f32 v27, v38  }
0x376: {  	v13 =	vmax.f32 v13, v34;
	v14 =	vmax.f32 v14, v27;
	v27 =	vadd.f32 v25, v29  }
0x377: {  	v13 =	vmax.f32 v13, v25;
	v25 =	vadd.f32 v35, v30;
	v14 =	vmax.f32 v14, v35  }
.LBB2_33:
0x378: {  	p1 =	sge.s32 s10, s6  }
.Ltmp25:
0x379: {  	_ = 	snop;
	(pc) =	sbr.rel @p1 .LBB2_36-.Ltmp25, $1  }
0x37a: {  	_ =	sdelay $0x3  }
0x37b: {  	s4 =	ssub.s32 s8, s9;
	s5 =	sadd.s32 s6, s25  }
0x37c: {  	s5 =	ssub.s32 s5, s4  }
0x37d: {  	s5 =	sshll.u32 s5, $0x9  }
0x37e: {  	s5 =	sshra.s32 s5, $0x2  }
0x37f: {  	s5 =	sadd.s32 $0xBD78, s5  }
.LBB2_35:
0x380: {  	v29 =	vld [tilespmem:s5+$0xFFFFFFC0]  }
0x381: {  	v30 =	vld [tilespmem:s5+$0xFFFFFFD0]  }
0x382: {  	v31 =	vld [tilespmem:s5+$0xFFFFFFE0]  }
0x383: {  	v32 =	vld [tilespmem:s5+$0xFFFFFFF0]  }
0x384: {  	v33 =	vld [tilespmem:s5+$0x0]  }
0x385: {  	v34 =	vld [tilespmem:s5+$0x10]  }
0x386: {  	v35 =	vld [tilespmem:s5+$0x20]  }
0x387: {  	v36 =	vld [tilespmem:s5+$0x30];
	p1 =	sne.s32 s4, $0x1;
	v19 =	vadd.f32 v29, v19  }
.Ltmp26:
0x388: {  	v15 =	vmax.f32 v15, v29;
	v21 =	vadd.f32 v30, v21;
	v17 =	vmax.f32 v17, v30;
	(pc) =	sbr.rel @p1 .LBB2_35-.Ltmp26, $4  }
0x389: {  	v22 =	vadd.f32 v31, v22;
	v16 =	vmax.f32 v16, v31;
	v24 =	vadd.f32 v32, v24  }
0x38a: {  	v18 =	vmax.f32 v18, v32;
	v23 =	vadd.f32 v33, v23;
	v20 =	vmax.f32 v20, v33  }
0x38b: {  	v28 =	vadd.f32 v34, v28;
	v26 =	vmax.f32 v26, v34;
	v27 =	vadd.f32 v35, v27  }
0x38c: {  	s5 =	sadd.s32 $0x80, s5;
	s4 =	sadd.s32 $0xFFFFFFFF, s4;
	v13 =	vmax.f32 v13, v35;
	v25 =	vadd.f32 v36, v25;
	v14 =	vmax.f32 v14, v36  }
.Ltmp27:
0x38d: {  	_ = 	snop;
	(pc) =	sbr.rel .LBB2_36-.Ltmp27, $1  }
0x38e: {  	_ =	sdelay $0x3  }
.LBB2_37:
0x38f: {  	s2 =	ssub.s32 s17, s5  }
0x390: {  	s3 =	sshra.s32 s2, $0x1F  }
0x391: {  	s3 =	sshrl.u32 s3, $0x1E  }
0x392: {  	s3 =	sadd.s32 s3, s2  }
0x393: {  	s3 =	sand.u32 $0xFFFFFFFC, s3  }
0x394: {  	s6 =	sadd.s32 s5, s3  }
0x395: {  	p1 =	sge.s32 s5, s6  }
.Ltmp28:
0x396: {  	_ = 	snop;
	(pc) =	sbr.rel @p1 .LBB2_41-.Ltmp28, $1  }
0x397: {  	_ =	sdelay $0x3  }
0x398: {  	s4 =	sshll.u32 s5, $0x9  }
0x399: {  	s4 =	sshra.s32 s4, $0x2  }
0x39a: {  	s4 =	sadd.s32 s4, s22  }
0x39b: {  	s4 =	sadd.s32 $0xBE38, s4  }
0x39c: {  	v30 =	vld [tilespmem:s4+$0x80]  }
0x39d: {  	v31 =	vld [tilespmem:s4+$0x90]  }
0x39e: {  	v32 =	vld [tilespmem:s4+$0xA0]  }
0x39f: {  	v34 =	vld [tilespmem:s4+$0xB0]  }
0x3a0: {  	v35 =	vld [tilespmem:s4+$0xC0]  }
0x3a1: {  	v29 =	vld [tilespmem:s4+$0xD0]  }
0x3a2: {  	v36 =	vld [tilespmem:s4+$0xFFFFFF00]  }
0x3a3: {  	v37 =	vld [tilespmem:s4+$0xFFFFFF80]  }
0x3a4: {  	v38 =	vld [tilespmem:s4+$0xFFFFFF10]  }
0x3a5: {  	v40 =	vld [tilespmem:s4+$0xFFFFFF90]  }
0x3a6: {  	v41 =	vld [tilespmem:s4+$0xFFFFFF20]  }
0x3a7: {  	v45 =	vld [tilespmem:s4+$0xFFFFFF30]  }
0x3a8: {  	v55 =	vld [tilespmem:s4+$0xFFFFFF40]  }
0x3a9: {  	v46 =	vld [tilespmem:s4+$0xFFFFFF50]  }
0x3aa: {  	v43 =	vld [tilespmem:s4+$0xFFFFFFA0]  }
0x3ab: {  	v56 =	vld [tilespmem:s4+$0xFFFFFFB0];
	v19 =	vadd.f32 v36, v19  }
0x3ac: {  	v57 =	vld [tilespmem:s4+$0xFFFFFFC0];
	v21 =	vadd.f32 v38, v21;
	v15 =	vmax.f32 v15, v36;
	v22 =	vadd.f32 v41, v22  }
0x3ad: {  	v33 =	vld [tilespmem:s4+$0x0];
	v17 =	vmax.f32 v17, v38;
	v24 =	vadd.f32 v45, v24;
	v16 =	vmax.f32 v16, v41  }
0x3ae: {  	v39 =	vld [tilespmem:s4+$0x10];
	v23 =	vadd.f32 v55, v23;
	v18 =	vmax.f32 v18, v45;
	v28 =	vadd.f32 v46, v28  }
0x3af: {  	v42 =	vld [tilespmem:s4+$0x20];
	v20 =	vmax.f32 v20, v55;
	v61 =	vmax.f32 v26, v46;
	v15 =	vmax.f32 v15, v37  }
0x3b0: {  	v44 =	vld [tilespmem:s4+$0x30];
	v17 =	vmax.f32 v17, v40;
	v16 =	vmax.f32 v16, v43;
	v19 =	vadd.f32 v37, v19  }
0x3b1: {  	v58 =	vld [tilespmem:s4+$0x40];
	v18 =	vmax.f32 v18, v56;
	v20 =	vmax.f32 v20, v57;
	v21 =	vadd.f32 v40, v21  }
0x3b2: {  	v60 =	vld [tilespmem:s4+$0xFFFFFFD0];
	v22 =	vadd.f32 v43, v22;
	v15 =	vmax.f32 v15, v33;
	v19 =	vadd.f32 v33, v19  }
0x3b3: {  	v59 =	vld [tilespmem:s4+$0x50];
	v17 =	vmax.f32 v17, v39;
	v24 =	vadd.f32 v56, v24;
	v21 =	vadd.f32 v39, v21  }
0x3b4: {  	v15 =	vmax.f32 v15, v30;
	v22 =	vadd.f32 v42, v22;
	v19 =	vadd.f32 v30, v19;
	v30 =	vld [tilespmem:s4+$0xFFFFFF60]  }
0x3b5: {  	s5 =	sadd.s32 $0x4, s5;
	v16 =	vmax.f32 v16, v42;
	v17 =	vmax.f32 v17, v31;
	v21 =	vadd.f32 v31, v21;
	v31 =	vld [tilespmem:s4+$0xFFFFFF70]  }
0x3b6: {  	p1 =	slt.s32 s5, s6;
	v16 =	vmax.f32 v16, v32;
	v24 =	vadd.f32 v44, v24;
	v22 =	vadd.f32 v32, v22;
	v32 =	vld [tilespmem:s4+$0xFFFFFFE0]  }
.Ltmp29:
0x3b7: {  	v63 =	vmax.f32 v61, v60;
	v23 =	vadd.f32 v57, v23;
	v18 =	vmax.f32 v18, v44;
	v33 =	vld [tilespmem:s4+$0xFFFFFFF0];
	(pc) =	sbr.rel @!p1 .LBB2_40-.Ltmp29, $4  }
0x3b8: {  	v28 =	vadd.f32 v60, v28;
	v18 =	vmax.f32 v18, v34;
	v24 =	vadd.f32 v34, v24;
	v34 =	vld [tilespmem:s4+$0x60]  }
0x3b9: {  	v20 =	vmax.f32 v20, v58;
	v23 =	vadd.f32 v58, v23;
	v62 =	vadd.f32 v30, v27;
	v27 =	vld [tilespmem:s4+$0x70]  }
0x3ba: {  	v37 =	vmax.f32 v63, v59;
	v28 =	vadd.f32 v59, v28;
	v26 =	vadd.f32 v31, v25;
	v25 =	vld [tilespmem:s4+$0xE0]  }
0x3bb: {  	v20 =	vmax.f32 v20, v35;
	v23 =	vadd.f32 v35, v23;
	v35 =	vld [tilespmem:s4+$0xF0];
	s4 =	sadd.s32 $0x200, s4;
	v36 =	vadd.f32 v32, v62  }
.LBB2_39:
0x3bc: {  	v38 =	vld [tilespmem:s4+$0x80];
	v26 =	vadd.f32 v33, v26;
	v28 =	vadd.f32 v29, v28;
	v37 =	vmax.f32 v37, v29  }
0x3bd: {  	v13 =	vmax.f32 v13, v30;
	v14 =	vmax.f32 v14, v31;
	v39 =	vld [tilespmem:s4+$0x90];
	v29 =	vadd.f32 v34, v36  }
0x3be: {  	v13 =	vmax.f32 v13, v32;
	v14 =	vmax.f32 v14, v33;
	v36 =	vld [tilespmem:s4+$0xA0];
	v26 =	vadd.f32 v27, v26  }
0x3bf: {  	v13 =	vmax.f32 v13, v34;
	v14 =	vmax.f32 v14, v27;
	v40 =	vld [tilespmem:s4+$0xB0];
	v27 =	vadd.f32 v25, v29  }
0x3c0: {  	v13 =	vmax.f32 v13, v25;
	v41 =	vld [tilespmem:s4+$0xC0];
	v25 =	vadd.f32 v35, v26;
	v14 =	vmax.f32 v14, v35  }
0x3c1: {  	v29 =	vld [tilespmem:s4+$0xD0]  }
0x3c2: {  	v26 =	vld [tilespmem:s4+$0x0]  }
0x3c3: {  	v30 =	vld [tilespmem:s4+$0xFFFFFF00]  }
0x3c4: {  	v31 =	vld [tilespmem:s4+$0xFFFFFF80]  }
0x3c5: {  	v32 =	vld [tilespmem:s4+$0xFFFFFF10]  }
0x3c6: {  	v33 =	vld [tilespmem:s4+$0x10]  }
0x3c7: {  	v34 =	vld [tilespmem:s4+$0xFFFFFF90]  }
0x3c8: {  	v19 =	vadd.f32 v30, v19;
	v35 =	vld [tilespmem:s4+$0xFFFFFF20]  }
0x3c9: {  	v42 =	vld [tilespmem:s4+$0x20]  }
0x3ca: {  	v21 =	vadd.f32 v32, v21;
	v19 =	vadd.f32 v31, v19;
	v43 =	vld [tilespmem:s4+$0xFFFFFFA0]  }
0x3cb: {  	v44 =	vld [tilespmem:s4+$0x30]  }
0x3cc: {  	v45 =	vld [tilespmem:s4+$0xFFFFFF30];
	v21 =	vadd.f32 v34, v21;
	v19 =	vadd.f32 v26, v19  }
0x3cd: {  	v15 =	vmax.f32 v15, v30;
	v22 =	vadd.f32 v35, v22;
	v46 =	vld [tilespmem:s4+$0xFFFFFF40]  }
0x3ce: {  	v15 =	vmax.f32 v15, v31;
	v47 =	vld [tilespmem:s4+$0xFFFFFFB0];
	v21 =	vadd.f32 v33, v21;
	v19 =	vadd.f32 v38, v19  }
0x3cf: {  	v17 =	vmax.f32 v17, v32;
	v15 =	vmax.f32 v15, v26;
	v22 =	vadd.f32 v43, v22;
	v48 =	vld [tilespmem:s4+$0xFFFFFFC0]  }
0x3d0: {  	v15 =	vmax.f32 v15, v38;
	v17 =	vmax.f32 v17, v34;
	v26 =	vld [tilespmem:s4+$0x40];
	v21 =	vadd.f32 v39, v21  }
0x3d1: {  	v17 =	vmax.f32 v17, v33;
	v24 =	vadd.f32 v45, v24;
	v38 =	vld [tilespmem:s4+$0xFFFFFF50];
	v22 =	vadd.f32 v42, v22  }
0x3d2: {  	v16 =	vmax.f32 v16, v35;
	v17 =	vmax.f32 v17, v39;
	v23 =	vadd.f32 v46, v23;
	v35 =	vld [tilespmem:s4+$0x50]  }
0x3d3: {  	v16 =	vmax.f32 v16, v43;
	v24 =	vadd.f32 v47, v24;
	v39 =	vld [tilespmem:s4+$0xFFFFFFD0];
	v22 =	vadd.f32 v36, v22  }
0x3d4: {  	v16 =	vmax.f32 v16, v42;
	v18 =	vmax.f32 v18, v45;
	v30 =	vld [tilespmem:s4+$0xFFFFFF60];
	v23 =	vadd.f32 v48, v23  }
0x3d5: {  	s5 =	sadd.s32 $0x4, s5;
	v16 =	vmax.f32 v16, v36;
	v18 =	vmax.f32 v18, v47;
	v31 =	vld [tilespmem:s4+$0xFFFFFF70];
	v24 =	vadd.f32 v44, v24  }
0x3d6: {  	p1 =	slt.s32 s5, s6;
	v18 =	vmax.f32 v18, v44;
	v28 =	vadd.f32 v38, v28;
	v32 =	vld [tilespmem:s4+$0xFFFFFFE0];
	v23 =	vadd.f32 v26, v23  }
.Ltmp30:
0x3d7: {  	v20 =	vmax.f32 v20, v46;
	v18 =	vmax.f32 v18, v40;
	v33 =	vld [tilespmem:s4+$0xFFFFFFF0];
	v24 =	vadd.f32 v40, v24;
	(pc) =	sbr.rel @p1 .LBB2_39-.Ltmp30, $4  }
0x3d8: {  	v20 =	vmax.f32 v20, v48;
	v28 =	vadd.f32 v39, v28;
	v34 =	vld [tilespmem:s4+$0x60];
	v23 =	vadd.f32 v41, v23  }
0x3d9: {  	v20 =	vmax.f32 v20, v26;
	v36 =	vmax.f32 v37, v38;
	v37 =	vadd.f32 v30, v27;
	v27 =	vld [tilespmem:s4+$0x70]  }
0x3da: {  	v38 =	vmax.f32 v36, v39;
	v26 =	vadd.f32 v31, v25;
	v28 =	vadd.f32 v35, v28;
	v25 =	vld [tilespmem:s4+$0xE0]  }
0x3db: {  	v20 =	vmax.f32 v20, v41;
	v36 =	vadd.f32 v32, v37;
	v37 =	vmax.f32 v38, v35;
	v35 =	vld [tilespmem:s4+$0xF0];
	s4 =	sadd.s32 $0x200, s4  }
.LBB2_40:
0x3dc: {  	v38 =	vadd.f32 v33, v26;
	v28 =	vadd.f32 v29, v28;
	v26 =	vmax.f32 v37, v29  }
0x3dd: {  	v13 =	vmax.f32 v13, v30;
	v14 =	vmax.f32 v14, v31;
	v29 =	vadd.f32 v34, v36  }
0x3de: {  	v13 =	vmax.f32 v13, v32;
	v14 =	vmax.f32 v14, v33;
	v30 =	vadd.f32 v27, v38  }
0x3df: {  	v13 =	vmax.f32 v13, v34;
	v14 =	vmax.f32 v14, v27;
	v27 =	vadd.f32 v25, v29  }
0x3e0: {  	v13 =	vmax.f32 v13, v25;
	v25 =	vadd.f32 v35, v30;
	v14 =	vmax.f32 v14, v35  }
.LBB2_41:
0x3e1: {  	p1 =	sge.s32 s6, s17  }
.Ltmp31:
0x3e2: {  	_ = 	snop;
	(pc) =	sbr.rel @p1 .LBB2_44-.Ltmp31, $1  }
0x3e3: {  	_ =	sdelay $0x3  }
0x3e4: {  	s2 =	ssub.s32 s2, s3  }
0x3e5: {  	s3 =	ssub.s32 s16, s2  }
0x3e6: {  	s3 =	ssub.s32 s3, s14  }
0x3e7: {  	s3 =	sshll.u32 s3, $0x9  }
0x3e8: {  	s3 =	sshra.s32 s3, $0x2  }
0x3e9: {  	s3 =	sadd.s32 $0xBD78, s3  }
.LBB2_43:
0x3ea: {  	v29 =	vld [tilespmem:s3+$0xFFFFFFC0]  }
0x3eb: {  	v30 =	vld [tilespmem:s3+$0xFFFFFFD0]  }
0x3ec: {  	v31 =	vld [tilespmem:s3+$0xFFFFFFE0]  }
0x3ed: {  	v32 =	vld [tilespmem:s3+$0xFFFFFFF0]  }
0x3ee: {  	v33 =	vld [tilespmem:s3+$0x0]  }
0x3ef: {  	v34 =	vld [tilespmem:s3+$0x10]  }
0x3f0: {  	v35 =	vld [tilespmem:s3+$0x20]  }
0x3f1: {  	v36 =	vld [tilespmem:s3+$0x30];
	p1 =	sne.s32 s2, $0x1;
	v19 =	vadd.f32 v29, v19  }
.Ltmp32:
0x3f2: {  	v15 =	vmax.f32 v15, v29;
	v21 =	vadd.f32 v30, v21;
	v17 =	vmax.f32 v17, v30;
	(pc) =	sbr.rel @p1 .LBB2_43-.Ltmp32, $4  }
0x3f3: {  	v22 =	vadd.f32 v31, v22;
	v16 =	vmax.f32 v16, v31;
	v24 =	vadd.f32 v32, v24  }
0x3f4: {  	v18 =	vmax.f32 v18, v32;
	v23 =	vadd.f32 v33, v23;
	v20 =	vmax.f32 v20, v33  }
0x3f5: {  	v28 =	vadd.f32 v34, v28;
	v26 =	vmax.f32 v26, v34;
	v27 =	vadd.f32 v35, v27  }
0x3f6: {  	s3 =	sadd.s32 $0x80, s3;
	s2 =	sadd.s32 $0xFFFFFFFF, s2;
	v13 =	vmax.f32 v13, v35;
	v25 =	vadd.f32 v36, v25;
	v14 =	vmax.f32 v14, v36  }
.Ltmp33:
0x3f7: {  	_ = 	snop;
	(pc) =	sbr.rel .LBB2_44-.Ltmp33, $1  }
0x3f8: {  	_ =	sdelay $0x3  }
.LBB2_14:
0x3f9: {  	p1 =	sgt.s32 s7, $0x1F  }
.Ltmp34:
0x3fa: {  	_ = 	snop;
	(pc) =	sbr.rel @p1 .LBB2_17-.Ltmp34, $2  }
0x3fb: {  	_ =	sdelay $0x2  }
0x3fc: {  	s14 =	simm.s32 $0x0  }
.LBB2_15:
0x3fd: {  	s0 =	sshll.u32 s7, $0x9  }
0x3fe: {  	s0 =	sshra.s32 s0, $0x2  }
0x3ff: {  	s2 =	sadd.s32 $0x13D78, s0  }
0x400: {  	s0 =	sadd.s32 $0x14D78, s0;
	[tilespmem:s2+$0xFFFFFFC0] =	vst v11  }
0x401: {  	[tilespmem:s0+$0xFFFFFFC0] =	vst v12  }
0x402: {  	[tilespmem:s2+$0xFFFFFFD0] =	vst v11  }
0x403: {  	[tilespmem:s0+$0xFFFFFFD0] =	vst v12  }
0x404: {  	[tilespmem:s2+$0xFFFFFFE0] =	vst v11  }
0x405: {  	[tilespmem:s0+$0xFFFFFFE0] =	vst v12  }
0x406: {  	[tilespmem:s2+$0xFFFFFFF0] =	vst v11  }
0x407: {  	[tilespmem:s0+$0xFFFFFFF0] =	vst v12  }
0x408: {  	[tilespmem:s2+$0x0] =	vst v11  }
0x409: {  	s3 =	ssub.s32 $0x20, s7;
	[tilespmem:s0+$0x0] =	vst v12  }
0x40a: {  	p1 =	sne.s32 s3, $0x1;
	[tilespmem:s2+$0x10] =	vst v11  }
.Ltmp35:
0x40b: {  	[tilespmem:s0+$0x10] =	vst v12;
	(pc) =	sbr.rel @!p1 .LBB2_17-.Ltmp35, $4  }
0x40c: {  	[tilespmem:s2+$0x20] =	vst v11  }
0x40d: {  	[tilespmem:s0+$0x20] =	vst v12  }
0x40e: {  	[tilespmem:s2+$0x30] =	vst v11  }
0x40f: {  	s3 =	sadd.s32 $0xFFFFFFFF, s3;
	s2 =	sadd.s32 $0x80, s2;
	[tilespmem:s0+$0x30] =	vst v12  }
.LBB2_16:
0x410: {  	[tilespmem:s2+$0xFFFFFFC0] =	vst v11;
	p1 =	sne.s32 s3, $0x1;
	s0 =	sadd.s32 $0x80, s0  }
0x411: {  	[tilespmem:s0+$0xFFFFFFC0] =	vst v12  }
0x412: {  	[tilespmem:s2+$0xFFFFFFD0] =	vst v11  }
0x413: {  	[tilespmem:s0+$0xFFFFFFD0] =	vst v12  }
0x414: {  	[tilespmem:s2+$0xFFFFFFE0] =	vst v11  }
0x415: {  	[tilespmem:s0+$0xFFFFFFE0] =	vst v12  }
0x416: {  	[tilespmem:s2+$0xFFFFFFF0] =	vst v11  }
0x417: {  	[tilespmem:s0+$0xFFFFFFF0] =	vst v12  }
0x418: {  	[tilespmem:s2+$0x0] =	vst v11  }
0x419: {  	[tilespmem:s0+$0x0] =	vst v12  }
0x41a: {  	[tilespmem:s2+$0x10] =	vst v11  }
.Ltmp36:
0x41b: {  	[tilespmem:s0+$0x10] =	vst v12;
	(pc) =	sbr.rel @p1 .LBB2_16-.Ltmp36, $4  }
0x41c: {  	[tilespmem:s2+$0x20] =	vst v11  }
0x41d: {  	[tilespmem:s0+$0x20] =	vst v12  }
0x41e: {  	[tilespmem:s2+$0x30] =	vst v11  }
0x41f: {  	s3 =	sadd.s32 $0xFFFFFFFF, s3;
	s2 =	sadd.s32 $0x80, s2;
	[tilespmem:s0+$0x30] =	vst v12  }
.Ltmp37:
0x420: {  	_ = 	snop;
	(pc) =	sbr.rel .LBB2_17-.Ltmp37, $1  }
0x421: {  	_ =	sdelay $0x3  }
.LBB2_18:
0x422: {  	_ =	sfence.sel $0x180000  }
0x423: {  	[bflag:$0x0] =	sbarrier.arrive $0xFFFF  }
0x424: {  	_ =	strace $0x90000047  }
0x425: {  	s0 =	stileid.u32;
	[bflag:$0x2] =	sbarrier.arrive $0xFFFF  }
0x426: {  	p0 =	sne.s32 s0, $0x0;
	s0 =	rddreg [dreg:$0x4]  }
0x427: {  	s0 =	sadd.s32 @!p0 $0x100000, s0  }
0x428: {  	[sflag:s0] =	ssyncadd.tile.s32 @!p0 $0x1;
	_ =	shalt  }
.Lfunc_end2:
_tile_overlayer_lowered:
.L_overlay_start_2:
0x429: {  	(tag) =	ssettag $0x2  }
0x42a: {  	s0 =	rddreg [dreg:$0x0];
	s2 =	stileid.u32  }
0x42b: {  	s1 =	rddreg [dreg:$0x1];
	p0 =	sne.s32 s2, $0x0  }
0x42c: {  	s3 =	rddreg [dreg:$0x2];
	[bflag:$0x3] =	sbarrier.arrive $0xFFFF;
	s2 =	simm.s32 @!p0 $0x1C03  }
0x42d: {  	[timem:s3], [sflag:s2] =	dma.local @!p0 [hbm:s0], s1  }
0x42e: {  	s0 =	simm.s32 @!p0 $0x3  }
0x42f: {  	_ =	swait.ge @!p0 [sflag:s0], s1  }
0x430: {  	s1 =	ssub.s32 @!p0 $0x0, s1;
	[sflag:s0] =	ssyncset.done @!p0 $0x0  }
0x431: {  	[sflag:s0] =	ssyncadd.s32 @!p0 s1  }
0x432: {  	[bflag:$0x3] =	sbarrier.arrive $0xFFFF  }
0x433: {  	_ =	shalt  }

</sc_bundles>
